<compile_context>
chip_gen: v7x
topology: tpu7x:2x2x1
jax: 0.10.2.dev20260603
libtpu: 0.0.44.dev20260713+nightly
codegen_flags: <defaults>
</compile_context>

<pallas_src>
import functools

import jax
import jax.numpy as jnp
from jax import lax
from jax.experimental import pallas as pl
from jax.experimental.pallas import tpu as pltpu
from jax.experimental.pallas import tpu_sc as plsc

V = 100
VP = 128
D = 128
B = 16384
VARIATIONAL_WEIGHT = 0.001

NC = 2
NS = 16
L = 16
NW = NC * NS
B_PER_W = B // NW
CHUNK = 128
N_CHUNKS = B_PER_W // CHUNK
R_PER_S = 8
NS_FULL = V // R_PER_S


def _sc_body(idx_hbm, eps_hbm, mean_hbm, lv_hbm, code_hbm, kld_hbm,
             sm_sh, g_sh,
             sm_t, g_v, idx_v, kld_v,
             eps_rv, code_rv,
             a_st, b_st, p_st, g_st,
             sem_i0, sem_i1, sem_o0, sem_o1, sem_x):
    sid = lax.axis_index("s")
    wid = sid * NC + lax.axis_index("c")
    lane = lax.iota(jnp.int32, L)
    wbase = wid * B_PER_W
    CD = CHUNK * D

    cp_idx = pltpu.async_copy(idx_hbm.at[pl.ds(wbase, B_PER_W)], idx_v, sem_x)
    cp_eps0 = pltpu.async_copy(eps_hbm.at[pl.ds(wbase * D, CD)],
                               eps_rv.at[pl.ds(0, CD)], sem_i0)

    def prelude(trow, nrows):
        cp_a = pltpu.async_copy(lv_hbm.at[pl.ds(trow * D, nrows * D)],
                                a_st.at[pl.ds(0, nrows * D)], sem_o0)
        cp_b = pltpu.async_copy(mean_hbm.at[pl.ds(trow * D, nrows * D)],
                                b_st.at[pl.ds(0, nrows * D)], sem_o1)
        cp_a.wait()
        cp_b.wait()

        def prow(r2, g_acc):
            acc = jnp.zeros((L,), jnp.float32)
            for j in range(D // L):
                sl = pl.ds(r2 * D + j * L, L)
                lv = a_st[sl]
                m = b_st[sl]
                s = jnp.exp(0.5 * lv)
                p_st[pl.ds(r2 * D + j * L, L)] = plsc.bitcast(
                    plsc.pack(s, m, format=plsc.PackFormat.INTERLEAVED),
                    jnp.int32)
                acc = acc + (1.0 + lv - m * m - s * s)
            for _ in range(4):
                acc = acc + lax.rev(acc, (0,))
            return jnp.where(lane == r2, acc * (-0.5 * VARIATIONAL_WEIGHT),
                             g_acc)

        g_st[...] = lax.fori_loop(0, nrows, prow,
                                  jnp.zeros((L,), jnp.float32))
        pltpu.sync_copy(p_st.at[pl.ds(0, nrows * D)],
                        sm_sh.at[pl.ds(trow * D, nrows * D)])
        pltpu.sync_copy(g_st.at[pl.ds(0, R_PER_S)],
                        g_sh.at[pl.ds(trow, R_PER_S)])

    @pl.when(sid < NS_FULL)
    def _():
        prelude(sid * R_PER_S, R_PER_S)

    @pl.when(sid == NS_FULL)
    def _():
        prelude(NS_FULL * R_PER_S, V - NS_FULL * R_PER_S)

    plsc.subcore_barrier()
    cp_sm = pltpu.async_copy(sm_sh, sm_t, sem_x)
    cp_g = pltpu.async_copy(g_sh, g_v, sem_x)
    cp_idx.wait()
    cp_sm.wait()
    cp_g.wait()

    def drain_in(sem):
        pltpu.make_async_copy(eps_hbm.at[pl.ds(0, CD)],
                              eps_rv.at[pl.ds(0, CD)], sem).wait()

    def drain_out(sem):
        pltpu.make_async_copy(code_rv.at[pl.ds(0, CD)],
                              code_hbm.at[pl.ds(0, CD)], sem).wait()

    def chunk_iter(c, carry):
        par = c & 1
        boff = par * CD
        cbase = c * CHUNK

        nxt = (wbase + cbase + CHUNK) * D
        nboff = (1 - par) * CD

        @pl.when((c + 1 < N_CHUNKS) & (par == 0))
        def _():
            pltpu.async_copy(eps_hbm.at[pl.ds(nxt, CD)],
                             eps_rv.at[pl.ds(nboff, CD)], sem_i1)

        @pl.when((c + 1 < N_CHUNKS) & (par == 1))
        def _():
            pltpu.async_copy(eps_hbm.at[pl.ds(nxt, CD)],
                             eps_rv.at[pl.ds(nboff, CD)], sem_i0)

        @pl.when(par == 0)
        def _():
            drain_in(sem_i0)

        @pl.when(par == 1)
        def _():
            drain_in(sem_i1)

        @pl.when((c >= 2) & (par == 0))
        def _():
            drain_out(sem_o0)

        @pl.when((c >= 2) & (par == 1))
        def _():
            drain_out(sem_o1)

        @plsc.parallel_loop(0, CHUNK // L)
        def group_body(g):
            gbase = cbase + g * L
            tbl_vec = idx_v[pl.ds(gbase, L)]
            kld_v[pl.ds(gbase, L)] = plsc.load_gather(g_v, [tbl_vec])
            for rr in range(L):
                toff = tbl_vec[rr] * D
                roff = boff + (g * L + rr) * D
                es = [eps_rv[pl.ds(roff + j * L, L)] for j in range(D // L)]
                sms = [sm_t[pl.ds(toff + j * L, L)] for j in range(D // L)]
                for j in range(D // L):
                    s, m = plsc.unpack(plsc.bitcast(sms[j], jnp.bfloat16),
                                       format=plsc.PackFormat.INTERLEAVED)
                    code_rv[pl.ds(roff + j * L, L)] = es[j] * s + m

        out = (wbase + cbase) * D

        @pl.when(par == 0)
        def _():
            pltpu.async_copy(code_rv.at[pl.ds(boff, CD)],
                             code_hbm.at[pl.ds(out, CD)], sem_o0)

        @pl.when(par == 1)
        def _():
            pltpu.async_copy(code_rv.at[pl.ds(boff, CD)],
                             code_hbm.at[pl.ds(out, CD)], sem_o1)

        return carry

    lax.fori_loop(0, N_CHUNKS, chunk_iter, 0)
    drain_out(sem_o0)
    drain_out(sem_o1)
    pltpu.sync_copy(kld_v, kld_hbm.at[pl.ds(wbase, B_PER_W)])


@jax.jit
def _run(indices, eps, mean_table, logvar_table):
    mesh = plsc.VectorSubcoreMesh(core_axis_name="c", subcore_axis_name="s")
    f = functools.partial(
        pl.kernel,
        out_type=(
            jax.ShapeDtypeStruct((B * D,), jnp.float32),
            jax.ShapeDtypeStruct((B,), jnp.float32),
        ),
        mesh=mesh,
        compiler_params=pltpu.CompilerParams(needs_layout_passes=False),
        scratch_types=[
            pltpu.VMEM_SHARED((VP * D,), jnp.int32),
            pltpu.VMEM_SHARED((VP,), jnp.float32),
            pltpu.VMEM((VP * D,), jnp.int32),
            pltpu.VMEM((VP,), jnp.float32),
            pltpu.VMEM((B_PER_W,), jnp.int32),
            pltpu.VMEM((B_PER_W,), jnp.float32),
            pltpu.VMEM((2 * CHUNK * D,), jnp.float32),
            pltpu.VMEM((2 * CHUNK * D,), jnp.float32),
            pltpu.VMEM((R_PER_S * D,), jnp.float32),
            pltpu.VMEM((R_PER_S * D,), jnp.float32),
            pltpu.VMEM((R_PER_S * D,), jnp.int32),
            pltpu.VMEM((L,), jnp.float32),
            pltpu.SemaphoreType.DMA,
            pltpu.SemaphoreType.DMA,
            pltpu.SemaphoreType.DMA,
            pltpu.SemaphoreType.DMA,
            pltpu.SemaphoreType.DMA,
        ],
    )(_sc_body)
    code_flat, kld = f(indices, eps.reshape(B * D),
                       mean_table.reshape(V * D),
                       logvar_table.reshape(V * D))
    return code_flat.reshape(B, D), kld


def kernel(indices, eps, mean_table, logvar_table):
    code, kld = _run(indices.astype(jnp.int32), eps, mean_table, logvar_table)
    return (code, kld)

# --- scband reference (transcript-rebuilt; emitter-appended) ---
"""Pipeline reference for scband-variational-code-dict-83219286327807 (READ-ONLY COPY).

The authoritative reference and input builder live on the scoring server;
editing this copy changes nothing except your own understanding.
"""

import jax, jax.numpy as jnp
import numpy as np

V = 100
D = 128
B = 16384
VARIATIONAL_WEIGHT = 0.001
LOGVAR_SCALE = -4.0


def setup_inputs(seed: int = 0) -> dict:
    key = jax.random.key(seed)
    k1, k2, k3 = jax.random.split(key, 3)
    indices = jax.random.randint(k1, (B,), 0, V, dtype=jnp.int64 if jax.config.read('jax_enable_x64') else jnp.int32)
    eps = jax.random.normal(k2, (B, D), dtype=jnp.float32)
    # learned parameters per __init__: mean params init to zeros (perturbed slightly for a
    # non-degenerate benchmark), logvar params init to logvar_scale * ones
    mean_table = jax.random.normal(k3, (V, D), dtype=jnp.float32) * 0.01
    logvar_table = jnp.full((V, D), LOGVAR_SCALE, dtype=jnp.float32)
    return {"indices": indices, "eps": eps, "mean_table": mean_table, "logvar_table": logvar_table}


def reference(indices, eps, mean_table, logvar_table):
    # get_stats: gather per-key (1, D) params and concat -> embedding lookup
    code_mean = jnp.take(mean_table, indices, axis=0)
    code_logvar = jnp.take(logvar_table, indices, axis=0)
    # training branch: reparameterization trick
    std = jnp.exp(0.5 * code_logvar)
    code = eps * std + code_mean
    # kld term
    kld = -0.5 * jnp.sum(1.0 + code_logvar - code_mean ** 2 - jnp.exp(code_logvar), axis=1) * VARIATIONAL_WEIGHT
    return (code, kld)

if __name__ == "__main__":
    import jax
    _d = setup_inputs()
    print(jax.jit(kernel)(*tuple(_d.values())))

</pallas_src>

<mosaic_0001>
#map = affine_map<(d0, d1) -> (0)>
module attributes {stable_mosaic.version = 14 : i64} {
  func.func @_sc_body(%arg0: i32, %arg1: i32, %arg2: memref<16384xi32, #tpu.memory_space<hbm>>, %arg3: memref<2097152xf32, #tpu.memory_space<hbm>>, %arg4: memref<12800xf32, #tpu.memory_space<hbm>>, %arg5: memref<12800xf32, #tpu.memory_space<hbm>>, %arg6: memref<2097152xf32, #tpu.memory_space<hbm>>, %arg7: memref<16384xf32, #tpu.memory_space<hbm>>, %arg8: memref<16384xi32, #tpu.memory_space<vmem_shared>>, %arg9: memref<128xf32, #tpu.memory_space<vmem_shared>>, %arg10: memref<16384xi32, #tpu.memory_space<vmem>>, %arg11: memref<128xf32, #tpu.memory_space<vmem>>, %arg12: memref<512xi32, #tpu.memory_space<vmem>>, %arg13: memref<512xf32, #tpu.memory_space<vmem>>, %arg14: memref<32768xf32, #tpu.memory_space<vmem>>, %arg15: memref<32768xf32, #tpu.memory_space<vmem>>, %arg16: memref<1024xf32, #tpu.memory_space<vmem>>, %arg17: memref<1024xf32, #tpu.memory_space<vmem>>, %arg18: memref<1024xi32, #tpu.memory_space<vmem>>, %arg19: memref<16xf32, #tpu.memory_space<vmem>>, %arg20: memref<!tpu.dma_semaphore, #tpu.memory_space<semaphore_mem>>, %arg21: memref<!tpu.dma_semaphore, #tpu.memory_space<semaphore_mem>>, %arg22: memref<!tpu.dma_semaphore, #tpu.memory_space<semaphore_mem>>, %arg23: memref<!tpu.dma_semaphore, #tpu.memory_space<semaphore_mem>>, %arg24: memref<!tpu.dma_semaphore, #tpu.memory_space<semaphore_mem>>) attributes {dimension_semantics = [#tpu.dimension_semantics<core_parallel>, #tpu.dimension_semantics<subcore_parallel>], iteration_bounds = array<i64: 2, 16>, scalar_prefetch = 0 : i64, scratch_operands = 17 : i64, tpu.core_type = #tpu.core_type<sc_vector_subcore>, window_params = [{transform_indices = #map}, {transform_indices = #map}, {transform_indices = #map}, {transform_indices = #map}, {transform_indices = #map}, {transform_indices = #map}]} {
    %mul3A = arith.constant 2 : i32
    %mul3A_0 = arith.muli %arg1, %mul3A : i32
    %add3A = arith.addi %mul3A_0, %arg0 : i32
    %iota3A = tpu.iota {dimensions = array<i32: 0>} : vector<16xi32>
    %mul3A_1 = arith.constant 512 : i32
    %mul3A_2 = arith.muli %add3A, %mul3A_1 : i32
    %dma_start3A = tpu.memref_slice %arg2[%mul3A_2] : memref<16384xi32, #tpu.memory_space<hbm>> -> memref<512xi32, #tpu.memory_space<hbm>>
    %dma_start3A_3 = tpu.memref_slice %arg2[%mul3A_2] : memref<16384xi32, #tpu.memory_space<hbm>> -> memref<512xi32, #tpu.memory_space<hbm>>
    tpu.enqueue_dma source(%dma_start3A_3 : memref<512xi32, #tpu.memory_space<hbm>>) target(%arg12 : memref<512xi32, #tpu.memory_space<vmem>>) target_semaphore(%arg24 : memref<!tpu.dma_semaphore, #tpu.memory_space<semaphore_mem>>)
    %mul3A_4 = arith.constant 128 : i32
    %mul3A_5 = arith.muli %mul3A_2, %mul3A_4 : i32
    %dma_start3A_6 = arith.constant 0 : i32
    %dma_start3A_7 = tpu.memref_slice %arg14[%dma_start3A_6] : memref<32768xf32, #tpu.memory_space<vmem>> -> memref<16384xf32, #tpu.memory_space<vmem>>
    %dma_start3A_8 = tpu.memref_slice %arg3[%mul3A_5] : memref<2097152xf32, #tpu.memory_space<hbm>> -> memref<16384xf32, #tpu.memory_space<hbm>>
    %dma_start3A_9 = arith.constant 0 : i32
    %dma_start3A_10 = tpu.memref_slice %arg14[%dma_start3A_9] : memref<32768xf32, #tpu.memory_space<vmem>> -> memref<16384xf32, #tpu.memory_space<vmem>>
    %dma_start3A_11 = tpu.memref_slice %arg3[%mul3A_5] : memref<2097152xf32, #tpu.memory_space<hbm>> -> memref<16384xf32, #tpu.memory_space<hbm>>
    tpu.enqueue_dma source(%dma_start3A_11 : memref<16384xf32, #tpu.memory_space<hbm>>) target(%dma_start3A_10 : memref<16384xf32, #tpu.memory_space<vmem>>) target_semaphore(%arg20 : memref<!tpu.dma_semaphore, #tpu.memory_space<semaphore_mem>>)
    %lt3A = arith.constant 12 : i32
    %lt3A_12 = arith.cmpi slt, %arg1, %lt3A : i32
    %convert_element_type3A = arith.extui %lt3A_12 : i1 to i32
    %cond3A = arith.constant 0 : i32
    %cond3A_13 = arith.cmpi ne, %convert_element_type3A, %cond3A : i32
    scf.if %cond3A_13 {
      %mul3A_40 = arith.constant 8 : i32
      %mul3A_41 = arith.muli %arg1, %mul3A_40 : i32
      %mul3A_42 = arith.constant 128 : i32
      %mul3A_43 = arith.muli %mul3A_41, %mul3A_42 : i32
      %dma_start3A_44 = arith.constant 0 : i32
      %dma_start3A_45 = tpu.memref_slice %arg16[%dma_start3A_44] : memref<1024xf32, #tpu.memory_space<vmem>> -> memref<1024xf32, #tpu.memory_space<vmem>>
      %dma_start3A_46 = tpu.memref_slice %arg5[%mul3A_43] : memref<12800xf32, #tpu.memory_space<hbm>> -> memref<1024xf32, #tpu.memory_space<hbm>>
      %dma_start3A_47 = arith.constant 0 : i32
      %dma_start3A_48 = tpu.memref_slice %arg16[%dma_start3A_47] : memref<1024xf32, #tpu.memory_space<vmem>> -> memref<1024xf32, #tpu.memory_space<vmem>>
      %dma_start3A_49 = tpu.memref_slice %arg5[%mul3A_43] : memref<12800xf32, #tpu.memory_space<hbm>> -> memref<1024xf32, #tpu.memory_space<hbm>>
      tpu.enqueue_dma source(%dma_start3A_49 : memref<1024xf32, #tpu.memory_space<hbm>>) target(%dma_start3A_48 : memref<1024xf32, #tpu.memory_space<vmem>>) target_semaphore(%arg22 : memref<!tpu.dma_semaphore, #tpu.memory_space<semaphore_mem>>)
      %mul3A_50 = arith.constant 128 : i32
      %mul3A_51 = arith.muli %mul3A_41, %mul3A_50 : i32
      %dma_start3A_52 = arith.constant 0 : i32
      %dma_start3A_53 = tpu.memref_slice %arg17[%dma_start3A_52] : memref<1024xf32, #tpu.memory_space<vmem>> -> memref<1024xf32, #tpu.memory_space<vmem>>
      %dma_start3A_54 = tpu.memref_slice %arg4[%mul3A_51] : memref<12800xf32, #tpu.memory_space<hbm>> -> memref<1024xf32, #tpu.memory_space<hbm>>
      %dma_start3A_55 = arith.constant 0 : i32
      %dma_start3A_56 = tpu.memref_slice %arg17[%dma_start3A_55] : memref<1024xf32, #tpu.memory_space<vmem>> -> memref<1024xf32, #tpu.memory_space<vmem>>
      %dma_start3A_57 = tpu.memref_slice %arg4[%mul3A_51] : memref<12800xf32, #tpu.memory_space<hbm>> -> memref<1024xf32, #tpu.memory_space<hbm>>
      tpu.enqueue_dma source(%dma_start3A_57 : memref<1024xf32, #tpu.memory_space<hbm>>) target(%dma_start3A_56 : memref<1024xf32, #tpu.memory_space<vmem>>) target_semaphore(%arg23 : memref<!tpu.dma_semaphore, #tpu.memory_space<semaphore_mem>>)
      %dma_wait3A_58 = arith.constant 0 : i32
      %dma_wait3A_59 = tpu.memref_slice %arg16[%dma_wait3A_58] : memref<1024xf32, #tpu.memory_space<vmem>> -> memref<1024xf32, #tpu.memory_space<vmem>>
      %dma_wait3A_60 = tpu.memref_slice %arg5[%mul3A_43] : memref<12800xf32, #tpu.memory_space<hbm>> -> memref<1024xf32, #tpu.memory_space<hbm>>
      %dma_wait3A_61 = arith.constant 0 : i32
      %dma_wait3A_62 = tpu.memref_slice %arg16[%dma_wait3A_61] : memref<1024xf32, #tpu.memory_space<vmem>> -> memref<1024xf32, #tpu.memory_space<vmem>>
      %dma_wait3A_63 = tpu.memref_slice %arg5[%mul3A_43] : memref<12800xf32, #tpu.memory_space<hbm>> -> memref<1024xf32, #tpu.memory_space<hbm>>
      tpu.wait_dma2 semaphore(%arg22 : memref<!tpu.dma_semaphore, #tpu.memory_space<semaphore_mem>>) src(%dma_wait3A_63 : memref<1024xf32, #tpu.memory_space<hbm>>) dst(%dma_wait3A_62 : memref<1024xf32, #tpu.memory_space<vmem>>)
      %dma_wait3A_64 = arith.constant 0 : i32
      %dma_wait3A_65 = tpu.memref_slice %arg17[%dma_wait3A_64] : memref<1024xf32, #tpu.memory_space<vmem>> -> memref<1024xf32, #tpu.memory_space<vmem>>
      %dma_wait3A_66 = tpu.memref_slice %arg4[%mul3A_51] : memref<12800xf32, #tpu.memory_space<hbm>> -> memref<1024xf32, #tpu.memory_space<hbm>>
      %dma_wait3A_67 = arith.constant 0 : i32
      %dma_wait3A_68 = tpu.memref_slice %arg17[%dma_wait3A_67] : memref<1024xf32, #tpu.memory_space<vmem>> -> memref<1024xf32, #tpu.memory_space<vmem>>
      %dma_wait3A_69 = tpu.memref_slice %arg4[%mul3A_51] : memref<12800xf32, #tpu.memory_space<hbm>> -> memref<1024xf32, #tpu.memory_space<hbm>>
      tpu.wait_dma2 semaphore(%arg23 : memref<!tpu.dma_semaphore, #tpu.memory_space<semaphore_mem>>) src(%dma_wait3A_69 : memref<1024xf32, #tpu.memory_space<hbm>>) dst(%dma_wait3A_68 : memref<1024xf32, #tpu.memory_space<vmem>>)
      %broadcast_in_dim3A = arith.constant 0.000000e+00 : f32
      %broadcast_in_dim3A_70 = vector.broadcast %broadcast_in_dim3A : f32 to vector<16xf32>
      %scan3A_71 = arith.constant 0 : i32
      %scan3A_72 = arith.constant 8 : i32
      %scan3A_73 = arith.addi %scan3A_71, %scan3A_72 : i32
      %scan3A_74 = arith.constant 1 : i32
      %scan3A_75 = scf.for %scan3A_80 = %scan3A_71 to %scan3A_73 step %scan3A_74 iter_args(%scan3A_81 = %broadcast_in_dim3A_70) -> (vector<16xf32>)  : i32 {
        %broadcast_in_dim3A_82 = arith.constant 0.000000e+00 : f32
        %broadcast_in_dim3A_83 = vector.broadcast %broadcast_in_dim3A_82 : f32 to vector<16xf32>
        %mul3A_84 = arith.constant 128 : i32
        %mul3A_85 = arith.muli %scan3A_80, %mul3A_84 : i32
        %add3A_86 = arith.constant 0 : i32
        %add3A_87 = arith.addi %mul3A_85, %add3A_86 : i32
        %get3A = arith.index_cast %add3A_87 : i32 to index
        %get3A_88 = tpu.vector_load %arg16[%get3A] {strides = array<i32>} : memref<1024xf32, #tpu.memory_space<vmem>>, vector<16xf32>,
        %get3A_89 = arith.index_cast %add3A_87 : i32 to index
        %get3A_90 = tpu.vector_load %arg17[%get3A_89] {strides = array<i32>} : memref<1024xf32, #tpu.memory_space<vmem>>, vector<16xf32>,
        %mul3A_91 = arith.constant 5.000000e-01 : f32
        %mul3A_92 = vector.broadcast %mul3A_91 : f32 to vector<16xf32>
        %mul3A_93 = arith.mulf %mul3A_92, %get3A_88 : vector<16xf32>
        %exp3A = math.exp %mul3A_93 : vector<16xf32>
        %pack3A = tpu.pack_subelements %exp3A, %get3A_90 {pack_format = #tpu.pack_format<interleaved>, positions = array<i32: 0, 1>} : vector<16xf32>, vector<16xf32> -> vector<32xbf16>
        %bitcast3A = vector.bitcast %pack3A : vector<32xbf16> to vector<16xi32>
        %mul3A_94 = arith.constant 128 : i32
        %mul3A_95 = arith.muli %scan3A_80, %mul3A_94 : i32
        %add3A_96 = arith.constant 0 : i32
        %add3A_97 = arith.addi %mul3A_95, %add3A_96 : i32
        %swap3A_98 = arith.index_cast %add3A_97 : i32 to index
        %swap3A_99 = tpu.vector_load %arg18[%swap3A_98] {strides = array<i32>} : memref<1024xi32, #tpu.memory_space<vmem>>, vector<16xi32>,
        tpu.vector_store %arg18[%swap3A_98], %bitcast3A {strides = array<i32>} : memref<1024xi32, #tpu.memory_space<vmem>>, vector<16xi32>,
        %add3A_100 = arith.constant 1.000000e+00 : f32
        %add3A_101 = vector.broadcast %add3A_100 : f32 to vector<16xf32>
        %add3A_102 = arith.addf %add3A_101, %get3A_88 : vector<16xf32>
        %mul3A_103 = arith.mulf %get3A_90, %get3A_90 : vector<16xf32>
        %sub3A = arith.subf %add3A_102, %mul3A_103 : vector<16xf32>
        %mul3A_104 = arith.mulf %exp3A, %exp3A : vector<16xf32>
        %sub3A_105 = arith.subf %sub3A, %mul3A_104 : vector<16xf32>
        %add3A_106 = arith.addf %broadcast_in_dim3A_83, %sub3A_105 : vector<16xf32>
        %mul3A_107 = arith.constant 128 : i32
        %mul3A_108 = arith.muli %scan3A_80, %mul3A_107 : i32
        %add3A_109 = arith.constant 16 : i32
        %add3A_110 = arith.addi %mul3A_108, %add3A_109 : i32
        %get3A_111 = arith.index_cast %add3A_110 : i32 to index
        %get3A_112 = tpu.vector_load %arg16[%get3A_111] {strides = array<i32>} : memref<1024xf32, #tpu.memory_space<vmem>>, vector<16xf32>,
        %get3A_113 = arith.index_cast %add3A_110 : i32 to index
        %get3A_114 = tpu.vector_load %arg17[%get3A_113] {strides = array<i32>} : memref<1024xf32, #tpu.memory_space<vmem>>, vector<16xf32>,
        %mul3A_115 = arith.constant 5.000000e-01 : f32
        %mul3A_116 = vector.broadcast %mul3A_115 : f32 to vector<16xf32>
        %mul3A_117 = arith.mulf %mul3A_116, %get3A_112 : vector<16xf32>
        %exp3A_118 = math.exp %mul3A_117 : vector<16xf32>
        %pack3A_119 = tpu.pack_subelements %exp3A_118, %get3A_114 {pack_format = #tpu.pack_format<interleaved>, positions = array<i32: 0, 1>} : vector<16xf32>, vector<16xf32> -> vector<32xbf16>
        %bitcast3A_120 = vector.bitcast %pack3A_119 : vector<32xbf16> to vector<16xi32>
        %mul3A_121 = arith.constant 128 : i32
        %mul3A_122 = arith.muli %scan3A_80, %mul3A_121 : i32
        %add3A_123 = arith.constant 16 : i32
        %add3A_124 = arith.addi %mul3A_122, %add3A_123 : i32
        %swap3A_125 = arith.index_cast %add3A_124 : i32 to index
        %swap3A_126 = tpu.vector_load %arg18[%swap3A_125] {strides = array<i32>} : memref<1024xi32, #tpu.memory_space<vmem>>, vector<16xi32>,
        tpu.vector_store %arg18[%swap3A_125], %bitcast3A_120 {strides = array<i32>} : memref<1024xi32, #tpu.memory_space<vmem>>, vector<16xi32>,
        %add3A_127 = arith.constant 1.000000e+00 : f32
        %add3A_128 = vector.broadcast %add3A_127 : f32 to vector<16xf32>
        %add3A_129 = arith.addf %add3A_128, %get3A_112 : vector<16xf32>
        %mul3A_130 = arith.mulf %get3A_114, %get3A_114 : vector<16xf32>
        %sub3A_131 = arith.subf %add3A_129, %mul3A_130 : vector<16xf32>
        %mul3A_132 = arith.mulf %exp3A_118, %exp3A_118 : vector<16xf32>
        %sub3A_133 = arith.subf %sub3A_131, %mul3A_132 : vector<16xf32>
        %add3A_134 = arith.addf %add3A_106, %sub3A_133 : vector<16xf32>
        %mul3A_135 = arith.constant 128 : i32
        %mul3A_136 = arith.muli %scan3A_80, %mul3A_135 : i32
        %add3A_137 = arith.constant 32 : i32
        %add3A_138 = arith.addi %mul3A_136, %add3A_137 : i32
        %get3A_139 = arith.index_cast %add3A_138 : i32 to index
        %get3A_140 = tpu.vector_load %arg16[%get3A_139] {strides = array<i32>} : memref<1024xf32, #tpu.memory_space<vmem>>, vector<16xf32>,
        %get3A_141 = arith.index_cast %add3A_138 : i32 to index
        %get3A_142 = tpu.vector_load %arg17[%get3A_141] {strides = array<i32>} : memref<1024xf32, #tpu.memory_space<vmem>>, vector<16xf32>,
        %mul3A_143 = arith.constant 5.000000e-01 : f32
        %mul3A_144 = vector.broadcast %mul3A_143 : f32 to vector<16xf32>
        %mul3A_145 = arith.mulf %mul3A_144, %get3A_140 : vector<16xf32>
        %exp3A_146 = math.exp %mul3A_145 : vector<16xf32>
        %pack3A_147 = tpu.pack_subelements %exp3A_146, %get3A_142 {pack_format = #tpu.pack_format<interleaved>, positions = array<i32: 0, 1>} : vector<16xf32>, vector<16xf32> -> vector<32xbf16>
        %bitcast3A_148 = vector.bitcast %pack3A_147 : vector<32xbf16> to vector<16xi32>
        %mul3A_149 = arith.constant 128 : i32
        %mul3A_150 = arith.muli %scan3A_80, %mul3A_149 : i32
        %add3A_151 = arith.constant 32 : i32
        %add3A_152 = arith.addi %mul3A_150, %add3A_151 : i32
        %swap3A_153 = arith.index_cast %add3A_152 : i32 to index
        %swap3A_154 = tpu.vector_load %arg18[%swap3A_153] {strides = array<i32>} : memref<1024xi32, #tpu.memory_space<vmem>>, vector<16xi32>,
        tpu.vector_store %arg18[%swap3A_153], %bitcast3A_148 {strides = array<i32>} : memref<1024xi32, #tpu.memory_space<vmem>>, vector<16xi32>,
        %add3A_155 = arith.constant 1.000000e+00 : f32
        %add3A_156 = vector.broadcast %add3A_155 : f32 to vector<16xf32>
        %add3A_157 = arith.addf %add3A_156, %get3A_140 : vector<16xf32>
        %mul3A_158 = arith.mulf %get3A_142, %get3A_142 : vector<16xf32>
        %sub3A_159 = arith.subf %add3A_157, %mul3A_158 : vector<16xf32>
        %mul3A_160 = arith.mulf %exp3A_146, %exp3A_146 : vector<16xf32>
        %sub3A_161 = arith.subf %sub3A_159, %mul3A_160 : vector<16xf32>
        %add3A_162 = arith.addf %add3A_134, %sub3A_161 : vector<16xf32>
        %mul3A_163 = arith.constant 128 : i32
        %mul3A_164 = arith.muli %scan3A_80, %mul3A_163 : i32
        %add3A_165 = arith.constant 48 : i32
        %add3A_166 = arith.addi %mul3A_164, %add3A_165 : i32
        %get3A_167 = arith.index_cast %add3A_166 : i32 to index
        %get3A_168 = tpu.vector_load %arg16[%get3A_167] {strides = array<i32>} : memref<1024xf32, #tpu.memory_space<vmem>>, vector<16xf32>,
        %get3A_169 = arith.index_cast %add3A_166 : i32 to index
        %get3A_170 = tpu.vector_load %arg17[%get3A_169] {strides = array<i32>} : memref<1024xf32, #tpu.memory_space<vmem>>, vector<16xf32>,
        %mul3A_171 = arith.constant 5.000000e-01 : f32
        %mul3A_172 = vector.broadcast %mul3A_171 : f32 to vector<16xf32>
        %mul3A_173 = arith.mulf %mul3A_172, %get3A_168 : vector<16xf32>
        %exp3A_174 = math.exp %mul3A_173 : vector<16xf32>
        %pack3A_175 = tpu.pack_subelements %exp3A_174, %get3A_170 {pack_format = #tpu.pack_format<interleaved>, positions = array<i32: 0, 1>} : vector<16xf32>, vector<16xf32> -> vector<32xbf16>
        %bitcast3A_176 = vector.bitcast %pack3A_175 : vector<32xbf16> to vector<16xi32>
        %mul3A_177 = arith.constant 128 : i32
        %mul3A_178 = arith.muli %scan3A_80, %mul3A_177 : i32
        %add3A_179 = arith.constant 48 : i32
        %add3A_180 = arith.addi %mul3A_178, %add3A_179 : i32
        %swap3A_181 = arith.index_cast %add3A_180 : i32 to index
        %swap3A_182 = tpu.vector_load %arg18[%swap3A_181] {strides = array<i32>} : memref<1024xi32, #tpu.memory_space<vmem>>, vector<16xi32>,
        tpu.vector_store %arg18[%swap3A_181], %bitcast3A_176 {strides = array<i32>} : memref<1024xi32, #tpu.memory_space<vmem>>, vector<16xi32>,
        %add3A_183 = arith.constant 1.000000e+00 : f32
        %add3A_184 = vector.broadcast %add3A_183 : f32 to vector<16xf32>
        %add3A_185 = arith.addf %add3A_184, %get3A_168 : vector<16xf32>
        %mul3A_186 = arith.mulf %get3A_170, %get3A_170 : vector<16xf32>
        %sub3A_187 = arith.subf %add3A_185, %mul3A_186 : vector<16xf32>
        %mul3A_188 = arith.mulf %exp3A_174, %exp3A_174 : vector<16xf32>
        %sub3A_189 = arith.subf %sub3A_187, %mul3A_188 : vector<16xf32>
        %add3A_190 = arith.addf %add3A_162, %sub3A_189 : vector<16xf32>
        %mul3A_191 = arith.constant 128 : i32
        %mul3A_192 = arith.muli %scan3A_80, %mul3A_191 : i32
        %add3A_193 = arith.constant 64 : i32
        %add3A_194 = arith.addi %mul3A_192, %add3A_193 : i32
        %get3A_195 = arith.index_cast %add3A_194 : i32 to index
        %get3A_196 = tpu.vector_load %arg16[%get3A_195] {strides = array<i32>} : memref<1024xf32, #tpu.memory_space<vmem>>, vector<16xf32>,
        %get3A_197 = arith.index_cast %add3A_194 : i32 to index
        %get3A_198 = tpu.vector_load %arg17[%get3A_197] {strides = array<i32>} : memref<1024xf32, #tpu.memory_space<vmem>>, vector<16xf32>,
        %mul3A_199 = arith.constant 5.000000e-01 : f32
        %mul3A_200 = vector.broadcast %mul3A_199 : f32 to vector<16xf32>
        %mul3A_201 = arith.mulf %mul3A_200, %get3A_196 : vector<16xf32>
        %exp3A_202 = math.exp %mul3A_201 : vector<16xf32>
        %pack3A_203 = tpu.pack_subelements %exp3A_202, %get3A_198 {pack_format = #tpu.pack_format<interleaved>, positions = array<i32: 0, 1>} : vector<16xf32>, vector<16xf32> -> vector<32xbf16>
        %bitcast3A_204 = vector.bitcast %pack3A_203 : vector<32xbf16> to vector<16xi32>
        %mul3A_205 = arith.constant 128 : i32
        %mul3A_206 = arith.muli %scan3A_80, %mul3A_205 : i32
        %add3A_207 = arith.constant 64 : i32
        %add3A_208 = arith.addi %mul3A_206, %add3A_207 : i32
        %swap3A_209 = arith.index_cast %add3A_208 : i32 to index
        %swap3A_210 = tpu.vector_load %arg18[%swap3A_209] {strides = array<i32>} : memref<1024xi32, #tpu.memory_space<vmem>>, vector<16xi32>,
        tpu.vector_store %arg18[%swap3A_209], %bitcast3A_204 {strides = array<i32>} : memref<1024xi32, #tpu.memory_space<vmem>>, vector<16xi32>,
        %add3A_211 = arith.constant 1.000000e+00 : f32
        %add3A_212 = vector.broadcast %add3A_211 : f32 to vector<16xf32>
        %add3A_213 = arith.addf %add3A_212, %get3A_196 : vector<16xf32>
        %mul3A_214 = arith.mulf %get3A_198, %get3A_198 : vector<16xf32>
        %sub3A_215 = arith.subf %add3A_213, %mul3A_214 : vector<16xf32>
        %mul3A_216 = arith.mulf %exp3A_202, %exp3A_202 : vector<16xf32>
        %sub3A_217 = arith.subf %sub3A_215, %mul3A_216 : vector<16xf32>
        %add3A_218 = arith.addf %add3A_190, %sub3A_217 : vector<16xf32>
        %mul3A_219 = arith.constant 128 : i32
        %mul3A_220 = arith.muli %scan3A_80, %mul3A_219 : i32
        %add3A_221 = arith.constant 80 : i32
        %add3A_222 = arith.addi %mul3A_220, %add3A_221 : i32
        %get3A_223 = arith.index_cast %add3A_222 : i32 to index
        %get3A_224 = tpu.vector_load %arg16[%get3A_223] {strides = array<i32>} : memref<1024xf32, #tpu.memory_space<vmem>>, vector<16xf32>,
        %get3A_225 = arith.index_cast %add3A_222 : i32 to index
        %get3A_226 = tpu.vector_load %arg17[%get3A_225] {strides = array<i32>} : memref<1024xf32, #tpu.memory_space<vmem>>, vector<16xf32>,
        %mul3A_227 = arith.constant 5.000000e-01 : f32
        %mul3A_228 = vector.broadcast %mul3A_227 : f32 to vector<16xf32>
        %mul3A_229 = arith.mulf %mul3A_228, %get3A_224 : vector<16xf32>
        %exp3A_230 = math.exp %mul3A_229 : vector<16xf32>
        %pack3A_231 = tpu.pack_subelements %exp3A_230, %get3A_226 {pack_format = #tpu.pack_format<interleaved>, positions = array<i32: 0, 1>} : vector<16xf32>, vector<16xf32> -> vector<32xbf16>
        %bitcast3A_232 = vector.bitcast %pack3A_231 : vector<32xbf16> to vector<16xi32>
        %mul3A_233 = arith.constant 128 : i32
        %mul3A_234 = arith.muli %scan3A_80, %mul3A_233 : i32
        %add3A_235 = arith.constant 80 : i32
        %add3A_236 = arith.addi %mul3A_234, %add3A_235 : i32
        %swap3A_237 = arith.index_cast %add3A_236 : i32 to index
        %swap3A_238 = tpu.vector_load %arg18[%swap3A_237] {strides = array<i32>} : memref<1024xi32, #tpu.memory_space<vmem>>, vector<16xi32>,
        tpu.vector_store %arg18[%swap3A_237], %bitcast3A_232 {strides = array<i32>} : memref<1024xi32, #tpu.memory_space<vmem>>, vector<16xi32>,
        %add3A_239 = arith.constant 1.000000e+00 : f32
        %add3A_240 = vector.broadcast %add3A_239 : f32 to vector<16xf32>
        %add3A_241 = arith.addf %add3A_240, %get3A_224 : vector<16xf32>
        %mul3A_242 = arith.mulf %get3A_226, %get3A_226 : vector<16xf32>
        %sub3A_243 = arith.subf %add3A_241, %mul3A_242 : vector<16xf32>
        %mul3A_244 = arith.mulf %exp3A_230, %exp3A_230 : vector<16xf32>
        %sub3A_245 = arith.subf %sub3A_243, %mul3A_244 : vector<16xf32>
        %add3A_246 = arith.addf %add3A_218, %sub3A_245 : vector<16xf32>
        %mul3A_247 = arith.constant 128 : i32
        %mul3A_248 = arith.muli %scan3A_80, %mul3A_247 : i32
        %add3A_249 = arith.constant 96 : i32
        %add3A_250 = arith.addi %mul3A_248, %add3A_249 : i32
        %get3A_251 = arith.index_cast %add3A_250 : i32 to index
        %get3A_252 = tpu.vector_load %arg16[%get3A_251] {strides = array<i32>} : memref<1024xf32, #tpu.memory_space<vmem>>, vector<16xf32>,
        %get3A_253 = arith.index_cast %add3A_250 : i32 to index
        %get3A_254 = tpu.vector_load %arg17[%get3A_253] {strides = array<i32>} : memref<1024xf32, #tpu.memory_space<vmem>>, vector<16xf32>,
        %mul3A_255 = arith.constant 5.000000e-01 : f32
        %mul3A_256 = vector.broadcast %mul3A_255 : f32 to vector<16xf32>
        %mul3A_257 = arith.mulf %mul3A_256, %get3A_252 : vector<16xf32>
        %exp3A_258 = math.exp %mul3A_257 : vector<16xf32>
        %pack3A_259 = tpu.pack_subelements %exp3A_258, %get3A_254 {pack_format = #tpu.pack_format<interleaved>, positions = array<i32: 0, 1>} : vector<16xf32>, vector<16xf32> -> vector<32xbf16>
        %bitcast3A_260 = vector.bitcast %pack3A_259 : vector<32xbf16> to vector<16xi32>
        %mul3A_261 = arith.constant 128 : i32
        %mul3A_262 = arith.muli %scan3A_80, %mul3A_261 : i32
        %add3A_263 = arith.constant 96 : i32
        %add3A_264 = arith.addi %mul3A_262, %add3A_263 : i32
        %swap3A_265 = arith.index_cast %add3A_264 : i32 to index
        %swap3A_266 = tpu.vector_load %arg18[%swap3A_265] {strides = array<i32>} : memref<1024xi32, #tpu.memory_space<vmem>>, vector<16xi32>,
        tpu.vector_store %arg18[%swap3A_265], %bitcast3A_260 {strides = array<i32>} : memref<1024xi32, #tpu.memory_space<vmem>>, vector<16xi32>,
        %add3A_267 = arith.constant 1.000000e+00 : f32
        %add3A_268 = vector.broadcast %add3A_267 : f32 to vector<16xf32>
        %add3A_269 = arith.addf %add3A_268, %get3A_252 : vector<16xf32>
        %mul3A_270 = arith.mulf %get3A_254, %get3A_254 : vector<16xf32>
        %sub3A_271 = arith.subf %add3A_269, %mul3A_270 : vector<16xf32>
        %mul3A_272 = arith.mulf %exp3A_258, %exp3A_258 : vector<16xf32>
        %sub3A_273 = arith.subf %sub3A_271, %mul3A_272 : vector<16xf32>
        %add3A_274 = arith.addf %add3A_246, %sub3A_273 : vector<16xf32>
        %mul3A_275 = arith.constant 128 : i32
        %mul3A_276 = arith.muli %scan3A_80, %mul3A_275 : i32
        %add3A_277 = arith.constant 112 : i32
        %add3A_278 = arith.addi %mul3A_276, %add3A_277 : i32
        %get3A_279 = arith.index_cast %add3A_278 : i32 to index
        %get3A_280 = tpu.vector_load %arg16[%get3A_279] {strides = array<i32>} : memref<1024xf32, #tpu.memory_space<vmem>>, vector<16xf32>,
        %get3A_281 = arith.index_cast %add3A_278 : i32 to index
        %get3A_282 = tpu.vector_load %arg17[%get3A_281] {strides = array<i32>} : memref<1024xf32, #tpu.memory_space<vmem>>, vector<16xf32>,
        %mul3A_283 = arith.constant 5.000000e-01 : f32
        %mul3A_284 = vector.broadcast %mul3A_283 : f32 to vector<16xf32>
        %mul3A_285 = arith.mulf %mul3A_284, %get3A_280 : vector<16xf32>
        %exp3A_286 = math.exp %mul3A_285 : vector<16xf32>
        %pack3A_287 = tpu.pack_subelements %exp3A_286, %get3A_282 {pack_format = #tpu.pack_format<interleaved>, positions = array<i32: 0, 1>} : vector<16xf32>, vector<16xf32> -> vector<32xbf16>
        %bitcast3A_288 = vector.bitcast %pack3A_287 : vector<32xbf16> to vector<16xi32>
        %mul3A_289 = arith.constant 128 : i32
        %mul3A_290 = arith.muli %scan3A_80, %mul3A_289 : i32
        %add3A_291 = arith.constant 112 : i32
        %add3A_292 = arith.addi %mul3A_290, %add3A_291 : i32
        %swap3A_293 = arith.index_cast %add3A_292 : i32 to index
        %swap3A_294 = tpu.vector_load %arg18[%swap3A_293] {strides = array<i32>} : memref<1024xi32, #tpu.memory_space<vmem>>, vector<16xi32>,
        tpu.vector_store %arg18[%swap3A_293], %bitcast3A_288 {strides = array<i32>} : memref<1024xi32, #tpu.memory_space<vmem>>, vector<16xi32>,
        %add3A_295 = arith.constant 1.000000e+00 : f32
        %add3A_296 = vector.broadcast %add3A_295 : f32 to vector<16xf32>
        %add3A_297 = arith.addf %add3A_296, %get3A_280 : vector<16xf32>
        %mul3A_298 = arith.mulf %get3A_282, %get3A_282 : vector<16xf32>
        %sub3A_299 = arith.subf %add3A_297, %mul3A_298 : vector<16xf32>
        %mul3A_300 = arith.mulf %exp3A_286, %exp3A_286 : vector<16xf32>
        %sub3A_301 = arith.subf %sub3A_299, %mul3A_300 : vector<16xf32>
        %add3A_302 = arith.addf %add3A_274, %sub3A_301 : vector<16xf32>
        %rev3A = arith.constant 15 : i32
        %rev3A_303 = vector.broadcast %rev3A : i32 to vector<16xi32>
        %rev3A_304 = tpu.iota {dimensions = array<i32: 0>} : vector<16xi32>
        %rev3A_305 = arith.subi %rev3A_303, %rev3A_304 : vector<16xi32>
        %rev3A_306 = tpu.dynamic_gather %add3A_302[%rev3A_305] in [0] : vector<16xf32>, vector<16xi32> -> vector<16xf32>
        %add3A_307 = arith.addf %add3A_302, %rev3A_306 : vector<16xf32>
        %rev3A_308 = arith.constant 15 : i32
        %rev3A_309 = vector.broadcast %rev3A_308 : i32 to vector<16xi32>
        %rev3A_310 = tpu.iota {dimensions = array<i32: 0>} : vector<16xi32>
        %rev3A_311 = arith.subi %rev3A_309, %rev3A_310 : vector<16xi32>
        %rev3A_312 = tpu.dynamic_gather %add3A_307[%rev3A_311] in [0] : vector<16xf32>, vector<16xi32> -> vector<16xf32>
        %add3A_313 = arith.addf %add3A_307, %rev3A_312 : vector<16xf32>
        %rev3A_314 = arith.constant 15 : i32
        %rev3A_315 = vector.broadcast %rev3A_314 : i32 to vector<16xi32>
        %rev3A_316 = tpu.iota {dimensions = array<i32: 0>} : vector<16xi32>
        %rev3A_317 = arith.subi %rev3A_315, %rev3A_316 : vector<16xi32>
        %rev3A_318 = tpu.dynamic_gather %add3A_313[%rev3A_317] in [0] : vector<16xf32>, vector<16xi32> -> vector<16xf32>
        %add3A_319 = arith.addf %add3A_313, %rev3A_318 : vector<16xf32>
        %rev3A_320 = arith.constant 15 : i32
        %rev3A_321 = vector.broadcast %rev3A_320 : i32 to vector<16xi32>
        %rev3A_322 = tpu.iota {dimensions = array<i32: 0>} : vector<16xi32>
        %rev3A_323 = arith.subi %rev3A_321, %rev3A_322 : vector<16xi32>
        %rev3A_324 = tpu.dynamic_gather %add3A_319[%rev3A_323] in [0] : vector<16xf32>, vector<16xi32> -> vector<16xf32>
        %add3A_325 = arith.addf %add3A_319, %rev3A_324 : vector<16xf32>
        %eq3A_326 = vector.broadcast %scan3A_80 : i32 to vector<16xi32>
        %eq3A_327 = arith.cmpi eq, %iota3A, %eq3A_326 : vector<16xi32>
        %mul3A_328 = arith.constant -5.000000e-04 : f32
        %mul3A_329 = vector.broadcast %mul3A_328 : f32 to vector<16xf32>
        %mul3A_330 = arith.mulf %add3A_325, %mul3A_329 : vector<16xf32>
        %select_n3A = arith.select %eq3A_327, %mul3A_330, %scan3A_81 : vector<16xi1>, vector<16xf32>
        scf.yield %select_n3A : vector<16xf32>
      }
      %scan3A_76 = arith.constant 8 : i32
      %swap3A = arith.constant 0 : index
      %swap3A_77 = tpu.vector_load %arg19[%swap3A] {strides = array<i32>} : memref<16xf32, #tpu.memory_space<vmem>>, vector<16xf32>,
      tpu.vector_store %arg19[%swap3A], %scan3A_75 {strides = array<i32>} : memref<16xf32, #tpu.memory_space<vmem>>, vector<16xf32>,
      %mul3A_78 = arith.constant 128 : i32
      %mul3A_79 = arith.muli %mul3A_41, %mul3A_78 : i32
      "tpu.region"() ({
        %run_scoped3A = tpu.sem_alloc : memref<!tpu.dma_semaphore, #tpu.memory_space<semaphore_mem>>
        %dma_start3A_80 = arith.constant 0 : i32
        %dma_start3A_81 = tpu.memref_slice %arg18[%dma_start3A_80] : memref<1024xi32, #tpu.memory_space<vmem>> -> memref<1024xi32, #tpu.memory_space<vmem>>
        %dma_start3A_82 = tpu.memref_slice %arg8[%mul3A_79] : memref<16384xi32, #tpu.memory_space<vmem_shared>> -> memref<1024xi32, #tpu.memory_space<vmem_shared>>
        %dma_start3A_83 = tpu.memref_slice %arg8[%mul3A_79] : memref<16384xi32, #tpu.memory_space<vmem_shared>> -> memref<1024xi32, #tpu.memory_space<vmem_shared>>
        %dma_start3A_84 = arith.constant 0 : i32
        %dma_start3A_85 = tpu.memref_slice %arg18[%dma_start3A_84] : memref<1024xi32, #tpu.memory_space<vmem>> -> memref<1024xi32, #tpu.memory_space<vmem>>
        tpu.enqueue_dma source(%dma_start3A_85 : memref<1024xi32, #tpu.memory_space<vmem>>) target(%dma_start3A_83 : memref<1024xi32, #tpu.memory_space<vmem_shared>>) target_semaphore(%run_scoped3A : memref<!tpu.dma_semaphore, #tpu.memory_space<semaphore_mem>>)
        %dma_wait3A_86 = arith.constant 0 : i32
        %dma_wait3A_87 = tpu.memref_slice %arg18[%dma_wait3A_86] : memref<1024xi32, #tpu.memory_space<vmem>> -> memref<1024xi32, #tpu.memory_space<vmem>>
        %dma_wait3A_88 = tpu.memref_slice %arg8[%mul3A_79] : memref<16384xi32, #tpu.memory_space<vmem_shared>> -> memref<1024xi32, #tpu.memory_space<vmem_shared>>
        %dma_wait3A_89 = tpu.memref_slice %arg8[%mul3A_79] : memref<16384xi32, #tpu.memory_space<vmem_shared>> -> memref<1024xi32, #tpu.memory_space<vmem_shared>>
        %dma_wait3A_90 = arith.constant 0 : i32
        %dma_wait3A_91 = tpu.memref_slice %arg18[%dma_wait3A_90] : memref<1024xi32, #tpu.memory_space<vmem>> -> memref<1024xi32, #tpu.memory_space<vmem>>
        tpu.wait_dma2 semaphore(%run_scoped3A : memref<!tpu.dma_semaphore, #tpu.memory_space<semaphore_mem>>) src(%dma_wait3A_91 : memref<1024xi32, #tpu.memory_space<vmem>>) dst(%dma_wait3A_89 : memref<1024xi32, #tpu.memory_space<vmem_shared>>)
        tpu.yield
      }) : () -> ()
      "tpu.region"() ({
        %run_scoped3A = tpu.sem_alloc : memref<!tpu.dma_semaphore, #tpu.memory_space<semaphore_mem>>
        %dma_start3A_80 = arith.constant 0 : i32
        %dma_start3A_81 = tpu.memref_slice %arg19[%dma_start3A_80] : memref<16xf32, #tpu.memory_space<vmem>> -> memref<8xf32, #tpu.memory_space<vmem>>
        %dma_start3A_82 = tpu.memref_slice %arg9[%mul3A_41] : memref<128xf32, #tpu.memory_space<vmem_shared>> -> memref<8xf32, #tpu.memory_space<vmem_shared>>
        %dma_start3A_83 = tpu.memref_slice %arg9[%mul3A_41] : memref<128xf32, #tpu.memory_space<vmem_shared>> -> memref<8xf32, #tpu.memory_space<vmem_shared>>
        %dma_start3A_84 = arith.constant 0 : i32
        %dma_start3A_85 = tpu.memref_slice %arg19[%dma_start3A_84] : memref<16xf32, #tpu.memory_space<vmem>> -> memref<8xf32, #tpu.memory_space<vmem>>
        tpu.enqueue_dma source(%dma_start3A_85 : memref<8xf32, #tpu.memory_space<vmem>>) target(%dma_start3A_83 : memref<8xf32, #tpu.memory_space<vmem_shared>>) target_semaphore(%run_scoped3A : memref<!tpu.dma_semaphore, #tpu.memory_space<semaphore_mem>>)
        %dma_wait3A_86 = arith.constant 0 : i32
        %dma_wait3A_87 = tpu.memref_slice %arg19[%dma_wait3A_86] : memref<16xf32, #tpu.memory_space<vmem>> -> memref<8xf32, #tpu.memory_space<vmem>>
        %dma_wait3A_88 = tpu.memref_slice %arg9[%mul3A_41] : memref<128xf32, #tpu.memory_space<vmem_shared>> -> memref<8xf32, #tpu.memory_space<vmem_shared>>
        %dma_wait3A_89 = tpu.memref_slice %arg9[%mul3A_41] : memref<128xf32, #tpu.memory_space<vmem_shared>> -> memref<8xf32, #tpu.memory_space<vmem_shared>>
        %dma_wait3A_90 = arith.constant 0 : i32
        %dma_wait3A_91 = tpu.memref_slice %arg19[%dma_wait3A_90] : memref<16xf32, #tpu.memory_space<vmem>> -> memref<8xf32, #tpu.memory_space<vmem>>
        tpu.wait_dma2 semaphore(%run_scoped3A : memref<!tpu.dma_semaphore, #tpu.memory_space<semaphore_mem>>) src(%dma_wait3A_91 : memref<8xf32, #tpu.memory_space<vmem>>) dst(%dma_wait3A_89 : memref<8xf32, #tpu.memory_space<vmem_shared>>)
        tpu.yield
      }) : () -> ()
    } else {
    }
    %eq3A = arith.constant 12 : i32
    %eq3A_14 = arith.cmpi eq, %arg1, %eq3A : i32
    %convert_element_type3A_15 = arith.extui %eq3A_14 : i1 to i32
    %cond3A_16 = arith.constant 0 : i32
    %cond3A_17 = arith.cmpi ne, %convert_element_type3A_15, %cond3A_16 : i32
    scf.if %cond3A_17 {
      %dma_start3A_40 = arith.constant 0 : i32
      %dma_start3A_41 = tpu.memref_slice %arg16[%dma_start3A_40] : memref<1024xf32, #tpu.memory_space<vmem>> -> memref<512xf32, #tpu.memory_space<vmem>>
      %dma_start3A_42 = arith.constant 12288 : i32
      %dma_start3A_43 = tpu.memref_slice %arg5[%dma_start3A_42] : memref<12800xf32, #tpu.memory_space<hbm>> -> memref<512xf32, #tpu.memory_space<hbm>>
      %dma_start3A_44 = arith.constant 0 : i32
      %dma_start3A_45 = tpu.memref_slice %arg16[%dma_start3A_44] : memref<1024xf32, #tpu.memory_space<vmem>> -> memref<512xf32, #tpu.memory_space<vmem>>
      %dma_start3A_46 = arith.constant 12288 : i32
      %dma_start3A_47 = tpu.memref_slice %arg5[%dma_start3A_46] : memref<12800xf32, #tpu.memory_space<hbm>> -> memref<512xf32, #tpu.memory_space<hbm>>
      tpu.enqueue_dma source(%dma_start3A_47 : memref<512xf32, #tpu.memory_space<hbm>>) target(%dma_start3A_45 : memref<512xf32, #tpu.memory_space<vmem>>) target_semaphore(%arg22 : memref<!tpu.dma_semaphore, #tpu.memory_space<semaphore_mem>>)
      %dma_start3A_48 = arith.constant 0 : i32
      %dma_start3A_49 = tpu.memref_slice %arg17[%dma_start3A_48] : memref<1024xf32, #tpu.memory_space<vmem>> -> memref<512xf32, #tpu.memory_space<vmem>>
      %dma_start3A_50 = arith.constant 12288 : i32
      %dma_start3A_51 = tpu.memref_slice %arg4[%dma_start3A_50] : memref<12800xf32, #tpu.memory_space<hbm>> -> memref<512xf32, #tpu.memory_space<hbm>>
      %dma_start3A_52 = arith.constant 0 : i32
      %dma_start3A_53 = tpu.memref_slice %arg17[%dma_start3A_52] : memref<1024xf32, #tpu.memory_space<vmem>> -> memref<512xf32, #tpu.memory_space<vmem>>
      %dma_start3A_54 = arith.constant 12288 : i32
      %dma_start3A_55 = tpu.memref_slice %arg4[%dma_start3A_54] : memref<12800xf32, #tpu.memory_space<hbm>> -> memref<512xf32, #tpu.memory_space<hbm>>
      tpu.enqueue_dma source(%dma_start3A_55 : memref<512xf32, #tpu.memory_space<hbm>>) target(%dma_start3A_53 : memref<512xf32, #tpu.memory_space<vmem>>) target_semaphore(%arg23 : memref<!tpu.dma_semaphore, #tpu.memory_space<semaphore_mem>>)
      %dma_wait3A_56 = arith.constant 0 : i32
      %dma_wait3A_57 = tpu.memref_slice %arg16[%dma_wait3A_56] : memref<1024xf32, #tpu.memory_space<vmem>> -> memref<512xf32, #tpu.memory_space<vmem>>
      %dma_wait3A_58 = arith.constant 12288 : i32
      %dma_wait3A_59 = tpu.memref_slice %arg5[%dma_wait3A_58] : memref<12800xf32, #tpu.memory_space<hbm>> -> memref<512xf32, #tpu.memory_space<hbm>>
      %dma_wait3A_60 = arith.constant 0 : i32
      %dma_wait3A_61 = tpu.memref_slice %arg16[%dma_wait3A_60] : memref<1024xf32, #tpu.memory_space<vmem>> -> memref<512xf32, #tpu.memory_space<vmem>>
      %dma_wait3A_62 = arith.constant 12288 : i32
      %dma_wait3A_63 = tpu.memref_slice %arg5[%dma_wait3A_62] : memref<12800xf32, #tpu.memory_space<hbm>> -> memref<512xf32, #tpu.memory_space<hbm>>
      tpu.wait_dma2 semaphore(%arg22 : memref<!tpu.dma_semaphore, #tpu.memory_space<semaphore_mem>>) src(%dma_wait3A_63 : memref<512xf32, #tpu.memory_space<hbm>>) dst(%dma_wait3A_61 : memref<512xf32, #tpu.memory_space<vmem>>)
      %dma_wait3A_64 = arith.constant 0 : i32
      %dma_wait3A_65 = tpu.memref_slice %arg17[%dma_wait3A_64] : memref<1024xf32, #tpu.memory_space<vmem>> -> memref<512xf32, #tpu.memory_space<vmem>>
      %dma_wait3A_66 = arith.constant 12288 : i32
      %dma_wait3A_67 = tpu.memref_slice %arg4[%dma_wait3A_66] : memref<12800xf32, #tpu.memory_space<hbm>> -> memref<512xf32, #tpu.memory_space<hbm>>
      %dma_wait3A_68 = arith.constant 0 : i32
      %dma_wait3A_69 = tpu.memref_slice %arg17[%dma_wait3A_68] : memref<1024xf32, #tpu.memory_space<vmem>> -> memref<512xf32, #tpu.memory_space<vmem>>
      %dma_wait3A_70 = arith.constant 12288 : i32
      %dma_wait3A_71 = tpu.memref_slice %arg4[%dma_wait3A_70] : memref<12800xf32, #tpu.memory_space<hbm>> -> memref<512xf32, #tpu.memory_space<hbm>>
      tpu.wait_dma2 semaphore(%arg23 : memref<!tpu.dma_semaphore, #tpu.memory_space<semaphore_mem>>) src(%dma_wait3A_71 : memref<512xf32, #tpu.memory_space<hbm>>) dst(%dma_wait3A_69 : memref<512xf32, #tpu.memory_space<vmem>>)
      %broadcast_in_dim3A = arith.constant 0.000000e+00 : f32
      %broadcast_in_dim3A_72 = vector.broadcast %broadcast_in_dim3A : f32 to vector<16xf32>
      %scan3A_73 = arith.constant 0 : i32
      %scan3A_74 = arith.constant 4 : i32
      %scan3A_75 = arith.addi %scan3A_73, %scan3A_74 : i32
      %scan3A_76 = arith.constant 1 : i32
      %scan3A_77 = scf.for %scan3A_80 = %scan3A_73 to %scan3A_75 step %scan3A_76 iter_args(%scan3A_81 = %broadcast_in_dim3A_72) -> (vector<16xf32>)  : i32 {
        %broadcast_in_dim3A_82 = arith.constant 0.000000e+00 : f32
        %broadcast_in_dim3A_83 = vector.broadcast %broadcast_in_dim3A_82 : f32 to vector<16xf32>
        %mul3A_84 = arith.constant 128 : i32
        %mul3A_85 = arith.muli %scan3A_80, %mul3A_84 : i32
        %add3A_86 = arith.constant 0 : i32
        %add3A_87 = arith.addi %mul3A_85, %add3A_86 : i32
        %get3A = arith.index_cast %add3A_87 : i32 to index
        %get3A_88 = tpu.vector_load %arg16[%get3A] {strides = array<i32>} : memref<1024xf32, #tpu.memory_space<vmem>>, vector<16xf32>,
        %get3A_89 = arith.index_cast %add3A_87 : i32 to index
        %get3A_90 = tpu.vector_load %arg17[%get3A_89] {strides = array<i32>} : memref<1024xf32, #tpu.memory_space<vmem>>, vector<16xf32>,
        %mul3A_91 = arith.constant 5.000000e-01 : f32
        %mul3A_92 = vector.broadcast %mul3A_91 : f32 to vector<16xf32>
        %mul3A_93 = arith.mulf %mul3A_92, %get3A_88 : vector<16xf32>
        %exp3A = math.exp %mul3A_93 : vector<16xf32>
        %pack3A = tpu.pack_subelements %exp3A, %get3A_90 {pack_format = #tpu.pack_format<interleaved>, positions = array<i32: 0, 1>} : vector<16xf32>, vector<16xf32> -> vector<32xbf16>
        %bitcast3A = vector.bitcast %pack3A : vector<32xbf16> to vector<16xi32>
        %mul3A_94 = arith.constant 128 : i32
        %mul3A_95 = arith.muli %scan3A_80, %mul3A_94 : i32
        %add3A_96 = arith.constant 0 : i32
        %add3A_97 = arith.addi %mul3A_95, %add3A_96 : i32
        %swap3A_98 = arith.index_cast %add3A_97 : i32 to index
        %swap3A_99 = tpu.vector_load %arg18[%swap3A_98] {strides = array<i32>} : memref<1024xi32, #tpu.memory_space<vmem>>, vector<16xi32>,
        tpu.vector_store %arg18[%swap3A_98], %bitcast3A {strides = array<i32>} : memref<1024xi32, #tpu.memory_space<vmem>>, vector<16xi32>,
        %add3A_100 = arith.constant 1.000000e+00 : f32
        %add3A_101 = vector.broadcast %add3A_100 : f32 to vector<16xf32>
        %add3A_102 = arith.addf %add3A_101, %get3A_88 : vector<16xf32>
        %mul3A_103 = arith.mulf %get3A_90, %get3A_90 : vector<16xf32>
        %sub3A = arith.subf %add3A_102, %mul3A_103 : vector<16xf32>
        %mul3A_104 = arith.mulf %exp3A, %exp3A : vector<16xf32>
        %sub3A_105 = arith.subf %sub3A, %mul3A_104 : vector<16xf32>
        %add3A_106 = arith.addf %broadcast_in_dim3A_83, %sub3A_105 : vector<16xf32>
        %mul3A_107 = arith.constant 128 : i32
        %mul3A_108 = arith.muli %scan3A_80, %mul3A_107 : i32
        %add3A_109 = arith.constant 16 : i32
        %add3A_110 = arith.addi %mul3A_108, %add3A_109 : i32
        %get3A_111 = arith.index_cast %add3A_110 : i32 to index
        %get3A_112 = tpu.vector_load %arg16[%get3A_111] {strides = array<i32>} : memref<1024xf32, #tpu.memory_space<vmem>>, vector<16xf32>,
        %get3A_113 = arith.index_cast %add3A_110 : i32 to index
        %get3A_114 = tpu.vector_load %arg17[%get3A_113] {strides = array<i32>} : memref<1024xf32, #tpu.memory_space<vmem>>, vector<16xf32>,
        %mul3A_115 = arith.constant 5.000000e-01 : f32
        %mul3A_116 = vector.broadcast %mul3A_115 : f32 to vector<16xf32>
        %mul3A_117 = arith.mulf %mul3A_116, %get3A_112 : vector<16xf32>
        %exp3A_118 = math.exp %mul3A_117 : vector<16xf32>
        %pack3A_119 = tpu.pack_subelements %exp3A_118, %get3A_114 {pack_format = #tpu.pack_format<interleaved>, positions = array<i32: 0, 1>} : vector<16xf32>, vector<16xf32> -> vector<32xbf16>
        %bitcast3A_120 = vector.bitcast %pack3A_119 : vector<32xbf16> to vector<16xi32>
        %mul3A_121 = arith.constant 128 : i32
        %mul3A_122 = arith.muli %scan3A_80, %mul3A_121 : i32
        %add3A_123 = arith.constant 16 : i32
        %add3A_124 = arith.addi %mul3A_122, %add3A_123 : i32
        %swap3A_125 = arith.index_cast %add3A_124 : i32 to index
        %swap3A_126 = tpu.vector_load %arg18[%swap3A_125] {strides = array<i32>} : memref<1024xi32, #tpu.memory_space<vmem>>, vector<16xi32>,
        tpu.vector_store %arg18[%swap3A_125], %bitcast3A_120 {strides = array<i32>} : memref<1024xi32, #tpu.memory_space<vmem>>, vector<16xi32>,
        %add3A_127 = arith.constant 1.000000e+00 : f32
        %add3A_128 = vector.broadcast %add3A_127 : f32 to vector<16xf32>
        %add3A_129 = arith.addf %add3A_128, %get3A_112 : vector<16xf32>
        %mul3A_130 = arith.mulf %get3A_114, %get3A_114 : vector<16xf32>
        %sub3A_131 = arith.subf %add3A_129, %mul3A_130 : vector<16xf32>
        %mul3A_132 = arith.mulf %exp3A_118, %exp3A_118 : vector<16xf32>
        %sub3A_133 = arith.subf %sub3A_131, %mul3A_132 : vector<16xf32>
        %add3A_134 = arith.addf %add3A_106, %sub3A_133 : vector<16xf32>
        %mul3A_135 = arith.constant 128 : i32
        %mul3A_136 = arith.muli %scan3A_80, %mul3A_135 : i32
        %add3A_137 = arith.constant 32 : i32
        %add3A_138 = arith.addi %mul3A_136, %add3A_137 : i32
        %get3A_139 = arith.index_cast %add3A_138 : i32 to index
        %get3A_140 = tpu.vector_load %arg16[%get3A_139] {strides = array<i32>} : memref<1024xf32, #tpu.memory_space<vmem>>, vector<16xf32>,
        %get3A_141 = arith.index_cast %add3A_138 : i32 to index
        %get3A_142 = tpu.vector_load %arg17[%get3A_141] {strides = array<i32>} : memref<1024xf32, #tpu.memory_space<vmem>>, vector<16xf32>,
        %mul3A_143 = arith.constant 5.000000e-01 : f32
        %mul3A_144 = vector.broadcast %mul3A_143 : f32 to vector<16xf32>
        %mul3A_145 = arith.mulf %mul3A_144, %get3A_140 : vector<16xf32>
        %exp3A_146 = math.exp %mul3A_145 : vector<16xf32>
        %pack3A_147 = tpu.pack_subelements %exp3A_146, %get3A_142 {pack_format = #tpu.pack_format<interleaved>, positions = array<i32: 0, 1>} : vector<16xf32>, vector<16xf32> -> vector<32xbf16>
        %bitcast3A_148 = vector.bitcast %pack3A_147 : vector<32xbf16> to vector<16xi32>
        %mul3A_149 = arith.constant 128 : i32
        %mul3A_150 = arith.muli %scan3A_80, %mul3A_149 : i32
        %add3A_151 = arith.constant 32 : i32
        %add3A_152 = arith.addi %mul3A_150, %add3A_151 : i32
        %swap3A_153 = arith.index_cast %add3A_152 : i32 to index
        %swap3A_154 = tpu.vector_load %arg18[%swap3A_153] {strides = array<i32>} : memref<1024xi32, #tpu.memory_space<vmem>>, vector<16xi32>,
        tpu.vector_store %arg18[%swap3A_153], %bitcast3A_148 {strides = array<i32>} : memref<1024xi32, #tpu.memory_space<vmem>>, vector<16xi32>,
        %add3A_155 = arith.constant 1.000000e+00 : f32
        %add3A_156 = vector.broadcast %add3A_155 : f32 to vector<16xf32>
        %add3A_157 = arith.addf %add3A_156, %get3A_140 : vector<16xf32>
        %mul3A_158 = arith.mulf %get3A_142, %get3A_142 : vector<16xf32>
        %sub3A_159 = arith.subf %add3A_157, %mul3A_158 : vector<16xf32>
        %mul3A_160 = arith.mulf %exp3A_146, %exp3A_146 : vector<16xf32>
        %sub3A_161 = arith.subf %sub3A_159, %mul3A_160 : vector<16xf32>
        %add3A_162 = arith.addf %add3A_134, %sub3A_161 : vector<16xf32>
        %mul3A_163 = arith.constant 128 : i32
        %mul3A_164 = arith.muli %scan3A_80, %mul3A_163 : i32
        %add3A_165 = arith.constant 48 : i32
        %add3A_166 = arith.addi %mul3A_164, %add3A_165 : i32
        %get3A_167 = arith.index_cast %add3A_166 : i32 to index
        %get3A_168 = tpu.vector_load %arg16[%get3A_167] {strides = array<i32>} : memref<1024xf32, #tpu.memory_space<vmem>>, vector<16xf32>,
        %get3A_169 = arith.index_cast %add3A_166 : i32 to index
        %get3A_170 = tpu.vector_load %arg17[%get3A_169] {strides = array<i32>} : memref<1024xf32, #tpu.memory_space<vmem>>, vector<16xf32>,
        %mul3A_171 = arith.constant 5.000000e-01 : f32
        %mul3A_172 = vector.broadcast %mul3A_171 : f32 to vector<16xf32>
        %mul3A_173 = arith.mulf %mul3A_172, %get3A_168 : vector<16xf32>
        %exp3A_174 = math.exp %mul3A_173 : vector<16xf32>
        %pack3A_175 = tpu.pack_subelements %exp3A_174, %get3A_170 {pack_format = #tpu.pack_format<interleaved>, positions = array<i32: 0, 1>} : vector<16xf32>, vector<16xf32> -> vector<32xbf16>
        %bitcast3A_176 = vector.bitcast %pack3A_175 : vector<32xbf16> to vector<16xi32>
        %mul3A_177 = arith.constant 128 : i32
        %mul3A_178 = arith.muli %scan3A_80, %mul3A_177 : i32
        %add3A_179 = arith.constant 48 : i32
        %add3A_180 = arith.addi %mul3A_178, %add3A_179 : i32
        %swap3A_181 = arith.index_cast %add3A_180 : i32 to index
        %swap3A_182 = tpu.vector_load %arg18[%swap3A_181] {strides = array<i32>} : memref<1024xi32, #tpu.memory_space<vmem>>, vector<16xi32>,
        tpu.vector_store %arg18[%swap3A_181], %bitcast3A_176 {strides = array<i32>} : memref<1024xi32, #tpu.memory_space<vmem>>, vector<16xi32>,
        %add3A_183 = arith.constant 1.000000e+00 : f32
        %add3A_184 = vector.broadcast %add3A_183 : f32 to vector<16xf32>
        %add3A_185 = arith.addf %add3A_184, %get3A_168 : vector<16xf32>
        %mul3A_186 = arith.mulf %get3A_170, %get3A_170 : vector<16xf32>
        %sub3A_187 = arith.subf %add3A_185, %mul3A_186 : vector<16xf32>
        %mul3A_188 = arith.mulf %exp3A_174, %exp3A_174 : vector<16xf32>
        %sub3A_189 = arith.subf %sub3A_187, %mul3A_188 : vector<16xf32>
        %add3A_190 = arith.addf %add3A_162, %sub3A_189 : vector<16xf32>
        %mul3A_191 = arith.constant 128 : i32
        %mul3A_192 = arith.muli %scan3A_80, %mul3A_191 : i32
        %add3A_193 = arith.constant 64 : i32
        %add3A_194 = arith.addi %mul3A_192, %add3A_193 : i32
        %get3A_195 = arith.index_cast %add3A_194 : i32 to index
        %get3A_196 = tpu.vector_load %arg16[%get3A_195] {strides = array<i32>} : memref<1024xf32, #tpu.memory_space<vmem>>, vector<16xf32>,
        %get3A_197 = arith.index_cast %add3A_194 : i32 to index
        %get3A_198 = tpu.vector_load %arg17[%get3A_197] {strides = array<i32>} : memref<1024xf32, #tpu.memory_space<vmem>>, vector<16xf32>,
        %mul3A_199 = arith.constant 5.000000e-01 : f32
        %mul3A_200 = vector.broadcast %mul3A_199 : f32 to vector<16xf32>
        %mul3A_201 = arith.mulf %mul3A_200, %get3A_196 : vector<16xf32>
        %exp3A_202 = math.exp %mul3A_201 : vector<16xf32>
        %pack3A_203 = tpu.pack_subelements %exp3A_202, %get3A_198 {pack_format = #tpu.pack_format<interleaved>, positions = array<i32: 0, 1>} : vector<16xf32>, vector<16xf32> -> vector<32xbf16>
        %bitcast3A_204 = vector.bitcast %pack3A_203 : vector<32xbf16> to vector<16xi32>
        %mul3A_205 = arith.constant 128 : i32
        %mul3A_206 = arith.muli %scan3A_80, %mul3A_205 : i32
        %add3A_207 = arith.constant 64 : i32
        %add3A_208 = arith.addi %mul3A_206, %add3A_207 : i32
        %swap3A_209 = arith.index_cast %add3A_208 : i32 to index
        %swap3A_210 = tpu.vector_load %arg18[%swap3A_209] {strides = array<i32>} : memref<1024xi32, #tpu.memory_space<vmem>>, vector<16xi32>,
        tpu.vector_store %arg18[%swap3A_209], %bitcast3A_204 {strides = array<i32>} : memref<1024xi32, #tpu.memory_space<vmem>>, vector<16xi32>,
        %add3A_211 = arith.constant 1.000000e+00 : f32
        %add3A_212 = vector.broadcast %add3A_211 : f32 to vector<16xf32>
        %add3A_213 = arith.addf %add3A_212, %get3A_196 : vector<16xf32>
        %mul3A_214 = arith.mulf %get3A_198, %get3A_198 : vector<16xf32>
        %sub3A_215 = arith.subf %add3A_213, %mul3A_214 : vector<16xf32>
        %mul3A_216 = arith.mulf %exp3A_202, %exp3A_202 : vector<16xf32>
        %sub3A_217 = arith.subf %sub3A_215, %mul3A_216 : vector<16xf32>
        %add3A_218 = arith.addf %add3A_190, %sub3A_217 : vector<16xf32>
        %mul3A_219 = arith.constant 128 : i32
        %mul3A_220 = arith.muli %scan3A_80, %mul3A_219 : i32
        %add3A_221 = arith.constant 80 : i32
        %add3A_222 = arith.addi %mul3A_220, %add3A_221 : i32
        %get3A_223 = arith.index_cast %add3A_222 : i32 to index
        %get3A_224 = tpu.vector_load %arg16[%get3A_223] {strides = array<i32>} : memref<1024xf32, #tpu.memory_space<vmem>>, vector<16xf32>,
        %get3A_225 = arith.index_cast %add3A_222 : i32 to index
        %get3A_226 = tpu.vector_load %arg17[%get3A_225] {strides = array<i32>} : memref<1024xf32, #tpu.memory_space<vmem>>, vector<16xf32>,
        %mul3A_227 = arith.constant 5.000000e-01 : f32
        %mul3A_228 = vector.broadcast %mul3A_227 : f32 to vector<16xf32>
        %mul3A_229 = arith.mulf %mul3A_228, %get3A_224 : vector<16xf32>
        %exp3A_230 = math.exp %mul3A_229 : vector<16xf32>
        %pack3A_231 = tpu.pack_subelements %exp3A_230, %get3A_226 {pack_format = #tpu.pack_format<interleaved>, positions = array<i32: 0, 1>} : vector<16xf32>, vector<16xf32> -> vector<32xbf16>
        %bitcast3A_232 = vector.bitcast %pack3A_231 : vector<32xbf16> to vector<16xi32>
        %mul3A_233 = arith.constant 128 : i32
        %mul3A_234 = arith.muli %scan3A_80, %mul3A_233 : i32
        %add3A_235 = arith.constant 80 : i32
        %add3A_236 = arith.addi %mul3A_234, %add3A_235 : i32
        %swap3A_237 = arith.index_cast %add3A_236 : i32 to index
        %swap3A_238 = tpu.vector_load %arg18[%swap3A_237] {strides = array<i32>} : memref<1024xi32, #tpu.memory_space<vmem>>, vector<16xi32>,
        tpu.vector_store %arg18[%swap3A_237], %bitcast3A_232 {strides = array<i32>} : memref<1024xi32, #tpu.memory_space<vmem>>, vector<16xi32>,
        %add3A_239 = arith.constant 1.000000e+00 : f32
        %add3A_240 = vector.broadcast %add3A_239 : f32 to vector<16xf32>
        %add3A_241 = arith.addf %add3A_240, %get3A_224 : vector<16xf32>
        %mul3A_242 = arith.mulf %get3A_226, %get3A_226 : vector<16xf32>
        %sub3A_243 = arith.subf %add3A_241, %mul3A_242 : vector<16xf32>
        %mul3A_244 = arith.mulf %exp3A_230, %exp3A_230 : vector<16xf32>
        %sub3A_245 = arith.subf %sub3A_243, %mul3A_244 : vector<16xf32>
        %add3A_246 = arith.addf %add3A_218, %sub3A_245 : vector<16xf32>
        %mul3A_247 = arith.constant 128 : i32
        %mul3A_248 = arith.muli %scan3A_80, %mul3A_247 : i32
        %add3A_249 = arith.constant 96 : i32
        %add3A_250 = arith.addi %mul3A_248, %add3A_249 : i32
        %get3A_251 = arith.index_cast %add3A_250 : i32 to index
        %get3A_252 = tpu.vector_load %arg16[%get3A_251] {strides = array<i32>} : memref<1024xf32, #tpu.memory_space<vmem>>, vector<16xf32>,
        %get3A_253 = arith.index_cast %add3A_250 : i32 to index
        %get3A_254 = tpu.vector_load %arg17[%get3A_253] {strides = array<i32>} : memref<1024xf32, #tpu.memory_space<vmem>>, vector<16xf32>,
        %mul3A_255 = arith.constant 5.000000e-01 : f32
        %mul3A_256 = vector.broadcast %mul3A_255 : f32 to vector<16xf32>
        %mul3A_257 = arith.mulf %mul3A_256, %get3A_252 : vector<16xf32>
        %exp3A_258 = math.exp %mul3A_257 : vector<16xf32>
        %pack3A_259 = tpu.pack_subelements %exp3A_258, %get3A_254 {pack_format = #tpu.pack_format<interleaved>, positions = array<i32: 0, 1>} : vector<16xf32>, vector<16xf32> -> vector<32xbf16>
        %bitcast3A_260 = vector.bitcast %pack3A_259 : vector<32xbf16> to vector<16xi32>
        %mul3A_261 = arith.constant 128 : i32
        %mul3A_262 = arith.muli %scan3A_80, %mul3A_261 : i32
        %add3A_263 = arith.constant 96 : i32
        %add3A_264 = arith.addi %mul3A_262, %add3A_263 : i32
        %swap3A_265 = arith.index_cast %add3A_264 : i32 to index
        %swap3A_266 = tpu.vector_load %arg18[%swap3A_265] {strides = array<i32>} : memref<1024xi32, #tpu.memory_space<vmem>>, vector<16xi32>,
        tpu.vector_store %arg18[%swap3A_265], %bitcast3A_260 {strides = array<i32>} : memref<1024xi32, #tpu.memory_space<vmem>>, vector<16xi32>,
        %add3A_267 = arith.constant 1.000000e+00 : f32
        %add3A_268 = vector.broadcast %add3A_267 : f32 to vector<16xf32>
        %add3A_269 = arith.addf %add3A_268, %get3A_252 : vector<16xf32>
        %mul3A_270 = arith.mulf %get3A_254, %get3A_254 : vector<16xf32>
        %sub3A_271 = arith.subf %add3A_269, %mul3A_270 : vector<16xf32>
        %mul3A_272 = arith.mulf %exp3A_258, %exp3A_258 : vector<16xf32>
        %sub3A_273 = arith.subf %sub3A_271, %mul3A_272 : vector<16xf32>
        %add3A_274 = arith.addf %add3A_246, %sub3A_273 : vector<16xf32>
        %mul3A_275 = arith.constant 128 : i32
        %mul3A_276 = arith.muli %scan3A_80, %mul3A_275 : i32
        %add3A_277 = arith.constant 112 : i32
        %add3A_278 = arith.addi %mul3A_276, %add3A_277 : i32
        %get3A_279 = arith.index_cast %add3A_278 : i32 to index
        %get3A_280 = tpu.vector_load %arg16[%get3A_279] {strides = array<i32>} : memref<1024xf32, #tpu.memory_space<vmem>>, vector<16xf32>,
        %get3A_281 = arith.index_cast %add3A_278 : i32 to index
        %get3A_282 = tpu.vector_load %arg17[%get3A_281] {strides = array<i32>} : memref<1024xf32, #tpu.memory_space<vmem>>, vector<16xf32>,
        %mul3A_283 = arith.constant 5.000000e-01 : f32
        %mul3A_284 = vector.broadcast %mul3A_283 : f32 to vector<16xf32>
        %mul3A_285 = arith.mulf %mul3A_284, %get3A_280 : vector<16xf32>
        %exp3A_286 = math.exp %mul3A_285 : vector<16xf32>
        %pack3A_287 = tpu.pack_subelements %exp3A_286, %get3A_282 {pack_format = #tpu.pack_format<interleaved>, positions = array<i32: 0, 1>} : vector<16xf32>, vector<16xf32> -> vector<32xbf16>
        %bitcast3A_288 = vector.bitcast %pack3A_287 : vector<32xbf16> to vector<16xi32>
        %mul3A_289 = arith.constant 128 : i32
        %mul3A_290 = arith.muli %scan3A_80, %mul3A_289 : i32
        %add3A_291 = arith.constant 112 : i32
        %add3A_292 = arith.addi %mul3A_290, %add3A_291 : i32
        %swap3A_293 = arith.index_cast %add3A_292 : i32 to index
        %swap3A_294 = tpu.vector_load %arg18[%swap3A_293] {strides = array<i32>} : memref<1024xi32, #tpu.memory_space<vmem>>, vector<16xi32>,
        tpu.vector_store %arg18[%swap3A_293], %bitcast3A_288 {strides = array<i32>} : memref<1024xi32, #tpu.memory_space<vmem>>, vector<16xi32>,
        %add3A_295 = arith.constant 1.000000e+00 : f32
        %add3A_296 = vector.broadcast %add3A_295 : f32 to vector<16xf32>
        %add3A_297 = arith.addf %add3A_296, %get3A_280 : vector<16xf32>
        %mul3A_298 = arith.mulf %get3A_282, %get3A_282 : vector<16xf32>
        %sub3A_299 = arith.subf %add3A_297, %mul3A_298 : vector<16xf32>
        %mul3A_300 = arith.mulf %exp3A_286, %exp3A_286 : vector<16xf32>
        %sub3A_301 = arith.subf %sub3A_299, %mul3A_300 : vector<16xf32>
        %add3A_302 = arith.addf %add3A_274, %sub3A_301 : vector<16xf32>
        %rev3A = arith.constant 15 : i32
        %rev3A_303 = vector.broadcast %rev3A : i32 to vector<16xi32>
        %rev3A_304 = tpu.iota {dimensions = array<i32: 0>} : vector<16xi32>
        %rev3A_305 = arith.subi %rev3A_303, %rev3A_304 : vector<16xi32>
        %rev3A_306 = tpu.dynamic_gather %add3A_302[%rev3A_305] in [0] : vector<16xf32>, vector<16xi32> -> vector<16xf32>
        %add3A_307 = arith.addf %add3A_302, %rev3A_306 : vector<16xf32>
        %rev3A_308 = arith.constant 15 : i32
        %rev3A_309 = vector.broadcast %rev3A_308 : i32 to vector<16xi32>
        %rev3A_310 = tpu.iota {dimensions = array<i32: 0>} : vector<16xi32>
        %rev3A_311 = arith.subi %rev3A_309, %rev3A_310 : vector<16xi32>
        %rev3A_312 = tpu.dynamic_gather %add3A_307[%rev3A_311] in [0] : vector<16xf32>, vector<16xi32> -> vector<16xf32>
        %add3A_313 = arith.addf %add3A_307, %rev3A_312 : vector<16xf32>
        %rev3A_314 = arith.constant 15 : i32
        %rev3A_315 = vector.broadcast %rev3A_314 : i32 to vector<16xi32>
        %rev3A_316 = tpu.iota {dimensions = array<i32: 0>} : vector<16xi32>
        %rev3A_317 = arith.subi %rev3A_315, %rev3A_316 : vector<16xi32>
        %rev3A_318 = tpu.dynamic_gather %add3A_313[%rev3A_317] in [0] : vector<16xf32>, vector<16xi32> -> vector<16xf32>
        %add3A_319 = arith.addf %add3A_313, %rev3A_318 : vector<16xf32>
        %rev3A_320 = arith.constant 15 : i32
        %rev3A_321 = vector.broadcast %rev3A_320 : i32 to vector<16xi32>
        %rev3A_322 = tpu.iota {dimensions = array<i32: 0>} : vector<16xi32>
        %rev3A_323 = arith.subi %rev3A_321, %rev3A_322 : vector<16xi32>
        %rev3A_324 = tpu.dynamic_gather %add3A_319[%rev3A_323] in [0] : vector<16xf32>, vector<16xi32> -> vector<16xf32>
        %add3A_325 = arith.addf %add3A_319, %rev3A_324 : vector<16xf32>
        %eq3A_326 = vector.broadcast %scan3A_80 : i32 to vector<16xi32>
        %eq3A_327 = arith.cmpi eq, %iota3A, %eq3A_326 : vector<16xi32>
        %mul3A_328 = arith.constant -5.000000e-04 : f32
        %mul3A_329 = vector.broadcast %mul3A_328 : f32 to vector<16xf32>
        %mul3A_330 = arith.mulf %add3A_325, %mul3A_329 : vector<16xf32>
        %select_n3A = arith.select %eq3A_327, %mul3A_330, %scan3A_81 : vector<16xi1>, vector<16xf32>
        scf.yield %select_n3A : vector<16xf32>
      }
      %scan3A_78 = arith.constant 4 : i32
      %swap3A = arith.constant 0 : index
      %swap3A_79 = tpu.vector_load %arg19[%swap3A] {strides = array<i32>} : memref<16xf32, #tpu.memory_space<vmem>>, vector<16xf32>,
      tpu.vector_store %arg19[%swap3A], %scan3A_77 {strides = array<i32>} : memref<16xf32, #tpu.memory_space<vmem>>, vector<16xf32>,
      "tpu.region"() ({
        %run_scoped3A = tpu.sem_alloc : memref<!tpu.dma_semaphore, #tpu.memory_space<semaphore_mem>>
        %dma_start3A_80 = arith.constant 0 : i32
        %dma_start3A_81 = tpu.memref_slice %arg18[%dma_start3A_80] : memref<1024xi32, #tpu.memory_space<vmem>> -> memref<512xi32, #tpu.memory_space<vmem>>
        %dma_start3A_82 = arith.constant 12288 : i32
        %dma_start3A_83 = tpu.memref_slice %arg8[%dma_start3A_82] : memref<16384xi32, #tpu.memory_space<vmem_shared>> -> memref<512xi32, #tpu.memory_space<vmem_shared>>
        %dma_start3A_84 = arith.constant 12288 : i32
        %dma_start3A_85 = tpu.memref_slice %arg8[%dma_start3A_84] : memref<16384xi32, #tpu.memory_space<vmem_shared>> -> memref<512xi32, #tpu.memory_space<vmem_shared>>
        %dma_start3A_86 = arith.constant 0 : i32
        %dma_start3A_87 = tpu.memref_slice %arg18[%dma_start3A_86] : memref<1024xi32, #tpu.memory_space<vmem>> -> memref<512xi32, #tpu.memory_space<vmem>>
        tpu.enqueue_dma source(%dma_start3A_87 : memref<512xi32, #tpu.memory_space<vmem>>) target(%dma_start3A_85 : memref<512xi32, #tpu.memory_space<vmem_shared>>) target_semaphore(%run_scoped3A : memref<!tpu.dma_semaphore, #tpu.memory_space<semaphore_mem>>)
        %dma_wait3A_88 = arith.constant 0 : i32
        %dma_wait3A_89 = tpu.memref_slice %arg18[%dma_wait3A_88] : memref<1024xi32, #tpu.memory_space<vmem>> -> memref<512xi32, #tpu.memory_space<vmem>>
        %dma_wait3A_90 = arith.constant 12288 : i32
        %dma_wait3A_91 = tpu.memref_slice %arg8[%dma_wait3A_90] : memref<16384xi32, #tpu.memory_space<vmem_shared>> -> memref<512xi32, #tpu.memory_space<vmem_shared>>
        %dma_wait3A_92 = arith.constant 12288 : i32
        %dma_wait3A_93 = tpu.memref_slice %arg8[%dma_wait3A_92] : memref<16384xi32, #tpu.memory_space<vmem_shared>> -> memref<512xi32, #tpu.memory_space<vmem_shared>>
        %dma_wait3A_94 = arith.constant 0 : i32
        %dma_wait3A_95 = tpu.memref_slice %arg18[%dma_wait3A_94] : memref<1024xi32, #tpu.memory_space<vmem>> -> memref<512xi32, #tpu.memory_space<vmem>>
        tpu.wait_dma2 semaphore(%run_scoped3A : memref<!tpu.dma_semaphore, #tpu.memory_space<semaphore_mem>>) src(%dma_wait3A_95 : memref<512xi32, #tpu.memory_space<vmem>>) dst(%dma_wait3A_93 : memref<512xi32, #tpu.memory_space<vmem_shared>>)
        tpu.yield
      }) : () -> ()
      "tpu.region"() ({
        %run_scoped3A = tpu.sem_alloc : memref<!tpu.dma_semaphore, #tpu.memory_space<semaphore_mem>>
        %dma_start3A_80 = arith.constant 0 : i32
        %dma_start3A_81 = tpu.memref_slice %arg19[%dma_start3A_80] : memref<16xf32, #tpu.memory_space<vmem>> -> memref<8xf32, #tpu.memory_space<vmem>>
        %dma_start3A_82 = arith.constant 96 : i32
        %dma_start3A_83 = tpu.memref_slice %arg9[%dma_start3A_82] : memref<128xf32, #tpu.memory_space<vmem_shared>> -> memref<8xf32, #tpu.memory_space<vmem_shared>>
        %dma_start3A_84 = arith.constant 96 : i32
        %dma_start3A_85 = tpu.memref_slice %arg9[%dma_start3A_84] : memref<128xf32, #tpu.memory_space<vmem_shared>> -> memref<8xf32, #tpu.memory_space<vmem_shared>>
        %dma_start3A_86 = arith.constant 0 : i32
        %dma_start3A_87 = tpu.memref_slice %arg19[%dma_start3A_86] : memref<16xf32, #tpu.memory_space<vmem>> -> memref<8xf32, #tpu.memory_space<vmem>>
        tpu.enqueue_dma source(%dma_start3A_87 : memref<8xf32, #tpu.memory_space<vmem>>) target(%dma_start3A_85 : memref<8xf32, #tpu.memory_space<vmem_shared>>) target_semaphore(%run_scoped3A : memref<!tpu.dma_semaphore, #tpu.memory_space<semaphore_mem>>)
        %dma_wait3A_88 = arith.constant 0 : i32
        %dma_wait3A_89 = tpu.memref_slice %arg19[%dma_wait3A_88] : memref<16xf32, #tpu.memory_space<vmem>> -> memref<8xf32, #tpu.memory_space<vmem>>
        %dma_wait3A_90 = arith.constant 96 : i32
        %dma_wait3A_91 = tpu.memref_slice %arg9[%dma_wait3A_90] : memref<128xf32, #tpu.memory_space<vmem_shared>> -> memref<8xf32, #tpu.memory_space<vmem_shared>>
        %dma_wait3A_92 = arith.constant 96 : i32
        %dma_wait3A_93 = tpu.memref_slice %arg9[%dma_wait3A_92] : memref<128xf32, #tpu.memory_space<vmem_shared>> -> memref<8xf32, #tpu.memory_space<vmem_shared>>
        %dma_wait3A_94 = arith.constant 0 : i32
        %dma_wait3A_95 = tpu.memref_slice %arg19[%dma_wait3A_94] : memref<16xf32, #tpu.memory_space<vmem>> -> memref<8xf32, #tpu.memory_space<vmem>>
        tpu.wait_dma2 semaphore(%run_scoped3A : memref<!tpu.dma_semaphore, #tpu.memory_space<semaphore_mem>>) src(%dma_wait3A_95 : memref<8xf32, #tpu.memory_space<vmem>>) dst(%dma_wait3A_93 : memref<8xf32, #tpu.memory_space<vmem_shared>>)
        tpu.yield
      }) : () -> ()
    } else {
    }
    %barrier3A = arith.constant 0 : index
    tpu.barrier barrier_id(%barrier3A)
    tpu.enqueue_dma source(%arg8 : memref<16384xi32, #tpu.memory_space<vmem_shared>>) target(%arg10 : memref<16384xi32, #tpu.memory_space<vmem>>) target_semaphore(%arg24 : memref<!tpu.dma_semaphore, #tpu.memory_space<semaphore_mem>>)
    tpu.enqueue_dma source(%arg9 : memref<128xf32, #tpu.memory_space<vmem_shared>>) target(%arg11 : memref<128xf32, #tpu.memory_space<vmem>>) target_semaphore(%arg24 : memref<!tpu.dma_semaphore, #tpu.memory_space<semaphore_mem>>)
    %dma_wait3A = tpu.memref_slice %arg2[%mul3A_2] : memref<16384xi32, #tpu.memory_space<hbm>> -> memref<512xi32, #tpu.memory_space<hbm>>
    %dma_wait3A_18 = tpu.memref_slice %arg2[%mul3A_2] : memref<16384xi32, #tpu.memory_space<hbm>> -> memref<512xi32, #tpu.memory_space<hbm>>
    tpu.wait_dma2 semaphore(%arg24 : memref<!tpu.dma_semaphore, #tpu.memory_space<semaphore_mem>>) src(%dma_wait3A_18 : memref<512xi32, #tpu.memory_space<hbm>>) dst(%arg12 : memref<512xi32, #tpu.memory_space<vmem>>)
    tpu.wait_dma2 semaphore(%arg24 : memref<!tpu.dma_semaphore, #tpu.memory_space<semaphore_mem>>) src(%arg8 : memref<16384xi32, #tpu.memory_space<vmem_shared>>) dst(%arg10 : memref<16384xi32, #tpu.memory_space<vmem>>)
    tpu.wait_dma2 semaphore(%arg24 : memref<!tpu.dma_semaphore, #tpu.memory_space<semaphore_mem>>) src(%arg9 : memref<128xf32, #tpu.memory_space<vmem_shared>>) dst(%arg11 : memref<128xf32, #tpu.memory_space<vmem>>)
    %scan3A = arith.constant 0 : i32
    %scan3A_19 = arith.constant 0 : i32
    %scan3A_20 = arith.constant 4 : i32
    %scan3A_21 = arith.addi %scan3A_19, %scan3A_20 : i32
    %scan3A_22 = arith.constant 1 : i32
    scf.for %scan3A_40 = %scan3A_19 to %scan3A_21 step %scan3A_22  : i32 {
      %and3A = arith.constant 1 : i32
      %and3A_41 = arith.andi %scan3A_40, %and3A : i32
      %mul3A_42 = arith.constant 16384 : i32
      %mul3A_43 = arith.muli %and3A_41, %mul3A_42 : i32
      %mul3A_44 = arith.constant 128 : i32
      %mul3A_45 = arith.muli %scan3A_40, %mul3A_44 : i32
      %add3A_46 = arith.addi %mul3A_2, %mul3A_45 : i32
      %add3A_47 = arith.constant 128 : i32
      %add3A_48 = arith.addi %add3A_46, %add3A_47 : i32
      %mul3A_49 = arith.constant 128 : i32
      %mul3A_50 = arith.muli %add3A_48, %mul3A_49 : i32
      %sub3A = arith.constant 1 : i32
      %sub3A_51 = arith.subi %sub3A, %and3A_41 : i32
      %mul3A_52 = arith.constant 16384 : i32
      %mul3A_53 = arith.muli %sub3A_51, %mul3A_52 : i32
      %add3A_54 = arith.constant 1 : i32
      %add3A_55 = arith.addi %scan3A_40, %add3A_54 : i32
      %lt3A_56 = arith.constant 4 : i32
      %lt3A_57 = arith.cmpi slt, %add3A_55, %lt3A_56 : i32
      %eq3A_58 = arith.constant 0 : i32
      %eq3A_59 = arith.cmpi eq, %and3A_41, %eq3A_58 : i32
      %and3A_60 = arith.andi %lt3A_57, %eq3A_59 : i1
      %convert_element_type3A_61 = arith.extui %and3A_60 : i1 to i32
      %cond3A_62 = arith.constant 0 : i32
      %cond3A_63 = arith.cmpi ne, %convert_element_type3A_61, %cond3A_62 : i32
      scf.if %cond3A_63 {
        %dma_start3A_114 = tpu.memref_slice %arg14[%mul3A_53] : memref<32768xf32, #tpu.memory_space<vmem>> -> memref<16384xf32, #tpu.memory_space<vmem>>
        %dma_start3A_115 = tpu.memref_slice %arg3[%mul3A_50] : memref<2097152xf32, #tpu.memory_space<hbm>> -> memref<16384xf32, #tpu.memory_space<hbm>>
        %dma_start3A_116 = tpu.memref_slice %arg14[%mul3A_53] : memref<32768xf32, #tpu.memory_space<vmem>> -> memref<16384xf32, #tpu.memory_space<vmem>>
        %dma_start3A_117 = tpu.memref_slice %arg3[%mul3A_50] : memref<2097152xf32, #tpu.memory_space<hbm>> -> memref<16384xf32, #tpu.memory_space<hbm>>
        tpu.enqueue_dma source(%dma_start3A_117 : memref<16384xf32, #tpu.memory_space<hbm>>) target(%dma_start3A_116 : memref<16384xf32, #tpu.memory_space<vmem>>) target_semaphore(%arg21 : memref<!tpu.dma_semaphore, #tpu.memory_space<semaphore_mem>>)
      } else {
      }
      %add3A_64 = arith.constant 1 : i32
      %add3A_65 = arith.addi %scan3A_40, %add3A_64 : i32
      %lt3A_66 = arith.constant 4 : i32
      %lt3A_67 = arith.cmpi slt, %add3A_65, %lt3A_66 : i32
      %eq3A_68 = arith.constant 1 : i32
      %eq3A_69 = arith.cmpi eq, %and3A_41, %eq3A_68 : i32
      %and3A_70 = arith.andi %lt3A_67, %eq3A_69 : i1
      %convert_element_type3A_71 = arith.extui %and3A_70 : i1 to i32
      %cond3A_72 = arith.constant 0 : i32
      %cond3A_73 = arith.cmpi ne, %convert_element_type3A_71, %cond3A_72 : i32
      scf.if %cond3A_73 {
        %dma_start3A_114 = tpu.memref_slice %arg14[%mul3A_53] : memref<32768xf32, #tpu.memory_space<vmem>> -> memref<16384xf32, #tpu.memory_space<vmem>>
        %dma_start3A_115 = tpu.memref_slice %arg3[%mul3A_50] : memref<2097152xf32, #tpu.memory_space<hbm>> -> memref<16384xf32, #tpu.memory_space<hbm>>
        %dma_start3A_116 = tpu.memref_slice %arg14[%mul3A_53] : memref<32768xf32, #tpu.memory_space<vmem>> -> memref<16384xf32, #tpu.memory_space<vmem>>
        %dma_start3A_117 = tpu.memref_slice %arg3[%mul3A_50] : memref<2097152xf32, #tpu.memory_space<hbm>> -> memref<16384xf32, #tpu.memory_space<hbm>>
        tpu.enqueue_dma source(%dma_start3A_117 : memref<16384xf32, #tpu.memory_space<hbm>>) target(%dma_start3A_116 : memref<16384xf32, #tpu.memory_space<vmem>>) target_semaphore(%arg20 : memref<!tpu.dma_semaphore, #tpu.memory_space<semaphore_mem>>)
      } else {
      }
      %eq3A_74 = arith.constant 0 : i32
      %eq3A_75 = arith.cmpi eq, %and3A_41, %eq3A_74 : i32
      %convert_element_type3A_76 = arith.extui %eq3A_75 : i1 to i32
      %cond3A_77 = arith.constant 0 : i32
      %cond3A_78 = arith.cmpi ne, %convert_element_type3A_76, %cond3A_77 : i32
      scf.if %cond3A_78 {
        %dma_wait3A_114 = arith.constant 0 : i32
        %dma_wait3A_115 = tpu.memref_slice %arg14[%dma_wait3A_114] : memref<32768xf32, #tpu.memory_space<vmem>> -> memref<16384xf32, #tpu.memory_space<vmem>>
        %dma_wait3A_116 = arith.constant 0 : i32
        %dma_wait3A_117 = tpu.memref_slice %arg3[%dma_wait3A_116] : memref<2097152xf32, #tpu.memory_space<hbm>> -> memref<16384xf32, #tpu.memory_space<hbm>>
        %dma_wait3A_118 = arith.constant 0 : i32
        %dma_wait3A_119 = tpu.memref_slice %arg14[%dma_wait3A_118] : memref<32768xf32, #tpu.memory_space<vmem>> -> memref<16384xf32, #tpu.memory_space<vmem>>
        %dma_wait3A_120 = arith.constant 0 : i32
        %dma_wait3A_121 = tpu.memref_slice %arg3[%dma_wait3A_120] : memref<2097152xf32, #tpu.memory_space<hbm>> -> memref<16384xf32, #tpu.memory_space<hbm>>
        tpu.wait_dma2 semaphore(%arg20 : memref<!tpu.dma_semaphore, #tpu.memory_space<semaphore_mem>>) src(%dma_wait3A_121 : memref<16384xf32, #tpu.memory_space<hbm>>) dst(%dma_wait3A_119 : memref<16384xf32, #tpu.memory_space<vmem>>)
      } else {
      }
      %eq3A_79 = arith.constant 1 : i32
      %eq3A_80 = arith.cmpi eq, %and3A_41, %eq3A_79 : i32
      %convert_element_type3A_81 = arith.extui %eq3A_80 : i1 to i32
      %cond3A_82 = arith.constant 0 : i32
      %cond3A_83 = arith.cmpi ne, %convert_element_type3A_81, %cond3A_82 : i32
      scf.if %cond3A_83 {
        %dma_wait3A_114 = arith.constant 0 : i32
        %dma_wait3A_115 = tpu.memref_slice %arg14[%dma_wait3A_114] : memref<32768xf32, #tpu.memory_space<vmem>> -> memref<16384xf32, #tpu.memory_space<vmem>>
        %dma_wait3A_116 = arith.constant 0 : i32
        %dma_wait3A_117 = tpu.memref_slice %arg3[%dma_wait3A_116] : memref<2097152xf32, #tpu.memory_space<hbm>> -> memref<16384xf32, #tpu.memory_space<hbm>>
        %dma_wait3A_118 = arith.constant 0 : i32
        %dma_wait3A_119 = tpu.memref_slice %arg14[%dma_wait3A_118] : memref<32768xf32, #tpu.memory_space<vmem>> -> memref<16384xf32, #tpu.memory_space<vmem>>
        %dma_wait3A_120 = arith.constant 0 : i32
        %dma_wait3A_121 = tpu.memref_slice %arg3[%dma_wait3A_120] : memref<2097152xf32, #tpu.memory_space<hbm>> -> memref<16384xf32, #tpu.memory_space<hbm>>
        tpu.wait_dma2 semaphore(%arg21 : memref<!tpu.dma_semaphore, #tpu.memory_space<semaphore_mem>>) src(%dma_wait3A_121 : memref<16384xf32, #tpu.memory_space<hbm>>) dst(%dma_wait3A_119 : memref<16384xf32, #tpu.memory_space<vmem>>)
      } else {
      }
      %ge3A = arith.constant 2 : i32
      %ge3A_84 = arith.cmpi sge, %scan3A_40, %ge3A : i32
      %eq3A_85 = arith.constant 0 : i32
      %eq3A_86 = arith.cmpi eq, %and3A_41, %eq3A_85 : i32
      %and3A_87 = arith.andi %ge3A_84, %eq3A_86 : i1
      %convert_element_type3A_88 = arith.extui %and3A_87 : i1 to i32
      %cond3A_89 = arith.constant 0 : i32
      %cond3A_90 = arith.cmpi ne, %convert_element_type3A_88, %cond3A_89 : i32
      scf.if %cond3A_90 {
        %dma_wait3A_114 = arith.constant 0 : i32
        %dma_wait3A_115 = tpu.memref_slice %arg15[%dma_wait3A_114] : memref<32768xf32, #tpu.memory_space<vmem>> -> memref<16384xf32, #tpu.memory_space<vmem>>
        %dma_wait3A_116 = arith.constant 0 : i32
        %dma_wait3A_117 = tpu.memref_slice %arg6[%dma_wait3A_116] : memref<2097152xf32, #tpu.memory_space<hbm>> -> memref<16384xf32, #tpu.memory_space<hbm>>
        %dma_wait3A_118 = arith.constant 0 : i32
        %dma_wait3A_119 = tpu.memref_slice %arg6[%dma_wait3A_118] : memref<2097152xf32, #tpu.memory_space<hbm>> -> memref<16384xf32, #tpu.memory_space<hbm>>
        %dma_wait3A_120 = arith.constant 0 : i32
        %dma_wait3A_121 = tpu.memref_slice %arg15[%dma_wait3A_120] : memref<32768xf32, #tpu.memory_space<vmem>> -> memref<16384xf32, #tpu.memory_space<vmem>>
        tpu.wait_dma2 semaphore(%arg22 : memref<!tpu.dma_semaphore, #tpu.memory_space<semaphore_mem>>) src(%dma_wait3A_121 : memref<16384xf32, #tpu.memory_space<vmem>>) dst(%dma_wait3A_119 : memref<16384xf32, #tpu.memory_space<hbm>>)
      } else {
      }
      %ge3A_91 = arith.constant 2 : i32
      %ge3A_92 = arith.cmpi sge, %scan3A_40, %ge3A_91 : i32
      %eq3A_93 = arith.constant 1 : i32
      %eq3A_94 = arith.cmpi eq, %and3A_41, %eq3A_93 : i32
      %and3A_95 = arith.andi %ge3A_92, %eq3A_94 : i1
      %convert_element_type3A_96 = arith.extui %and3A_95 : i1 to i32
      %cond3A_97 = arith.constant 0 : i32
      %cond3A_98 = arith.cmpi ne, %convert_element_type3A_96, %cond3A_97 : i32
      scf.if %cond3A_98 {
        %dma_wait3A_114 = arith.constant 0 : i32
        %dma_wait3A_115 = tpu.memref_slice %arg15[%dma_wait3A_114] : memref<32768xf32, #tpu.memory_space<vmem>> -> memref<16384xf32, #tpu.memory_space<vmem>>
        %dma_wait3A_116 = arith.constant 0 : i32
        %dma_wait3A_117 = tpu.memref_slice %arg6[%dma_wait3A_116] : memref<2097152xf32, #tpu.memory_space<hbm>> -> memref<16384xf32, #tpu.memory_space<hbm>>
        %dma_wait3A_118 = arith.constant 0 : i32
        %dma_wait3A_119 = tpu.memref_slice %arg6[%dma_wait3A_118] : memref<2097152xf32, #tpu.memory_space<hbm>> -> memref<16384xf32, #tpu.memory_space<hbm>>
        %dma_wait3A_120 = arith.constant 0 : i32
        %dma_wait3A_121 = tpu.memref_slice %arg15[%dma_wait3A_120] : memref<32768xf32, #tpu.memory_space<vmem>> -> memref<16384xf32, #tpu.memory_space<vmem>>
        tpu.wait_dma2 semaphore(%arg23 : memref<!tpu.dma_semaphore, #tpu.memory_space<semaphore_mem>>) src(%dma_wait3A_121 : memref<16384xf32, #tpu.memory_space<vmem>>) dst(%dma_wait3A_119 : memref<16384xf32, #tpu.memory_space<hbm>>)
      } else {
      }
      %parallel_loop3A = arith.constant 0 : i32
      %parallel_loop3A_99 = arith.constant 8 : i32
      %parallel_loop3A_100 = arith.constant 1 : i32
      scf.for %parallel_loop3A_114 = %parallel_loop3A to %parallel_loop3A_99 step %parallel_loop3A_100  : i32 {
        %parallel_loop3A_115 = arith.constant 16 : i32
        %parallel_loop3A_116 = arith.muli %parallel_loop3A_114, %parallel_loop3A_115 : i32
        %parallel_loop3A_117 = arith.addi %mul3A_45, %parallel_loop3A_116 : i32
        %parallel_loop3A_118 = arith.index_cast %parallel_loop3A_117 : i32 to index
        %parallel_loop3A_119 = tpu.vector_load %arg12[%parallel_loop3A_118] {strides = array<i32>} : memref<512xi32, #tpu.memory_space<vmem>>, vector<16xi32>,
        %parallel_loop3A_120 = tpu.vector_load_idx %arg11[%parallel_loop3A_119] : memref<128xf32, #tpu.memory_space<vmem>>[vector<16xi32>], vector<16xf32>,
        %parallel_loop3A_121 = arith.index_cast %parallel_loop3A_117 : i32 to index
        %parallel_loop3A_122 = tpu.vector_load %arg13[%parallel_loop3A_121] {strides = array<i32>} : memref<512xf32, #tpu.memory_space<vmem>>, vector<16xf32>,
        tpu.vector_store %arg13[%parallel_loop3A_121], %parallel_loop3A_120 {strides = array<i32>} : memref<512xf32, #tpu.memory_space<vmem>>, vector<16xf32>,
        %parallel_loop3A_123 = vector.extract_strided_slice %parallel_loop3A_119 {offsets = [0], sizes = [1], strides = [1]} : vector<16xi32> to vector<1xi32>
        %parallel_loop3A_124 = vector.extract %parallel_loop3A_123[0] : i32 from vector<1xi32>
        %parallel_loop3A_125 = arith.constant 128 : i32
        %parallel_loop3A_126 = arith.muli %parallel_loop3A_124, %parallel_loop3A_125 : i32
        %parallel_loop3A_127 = arith.constant 16 : i32
        %parallel_loop3A_128 = arith.muli %parallel_loop3A_114, %parallel_loop3A_127 : i32
        %parallel_loop3A_129 = arith.constant 0 : i32
        %parallel_loop3A_130 = arith.addi %parallel_loop3A_128, %parallel_loop3A_129 : i32
        %parallel_loop3A_131 = arith.constant 128 : i32
        %parallel_loop3A_132 = arith.muli %parallel_loop3A_130, %parallel_loop3A_131 : i32
        %parallel_loop3A_133 = arith.addi %mul3A_43, %parallel_loop3A_132 : i32
        %parallel_loop3A_134 = arith.constant 0 : i32
        %parallel_loop3A_135 = arith.addi %parallel_loop3A_133, %parallel_loop3A_134 : i32
        %parallel_loop3A_136 = arith.index_cast %parallel_loop3A_135 : i32 to index
        %parallel_loop3A_137 = tpu.vector_load %arg14[%parallel_loop3A_136] {strides = array<i32>} : memref<32768xf32, #tpu.memory_space<vmem>>, vector<16xf32>,
        %parallel_loop3A_138 = arith.constant 16 : i32
        %parallel_loop3A_139 = arith.addi %parallel_loop3A_133, %parallel_loop3A_138 : i32
        %parallel_loop3A_140 = arith.index_cast %parallel_loop3A_139 : i32 to index
        %parallel_loop3A_141 = tpu.vector_load %arg14[%parallel_loop3A_140] {strides = array<i32>} : memref<32768xf32, #tpu.memory_space<vmem>>, vector<16xf32>,
        %parallel_loop3A_142 = arith.constant 32 : i32
        %parallel_loop3A_143 = arith.addi %parallel_loop3A_133, %parallel_loop3A_142 : i32
        %parallel_loop3A_144 = arith.index_cast %parallel_loop3A_143 : i32 to index
        %parallel_loop3A_145 = tpu.vector_load %arg14[%parallel_loop3A_144] {strides = array<i32>} : memref<32768xf32, #tpu.memory_space<vmem>>, vector<16xf32>,
        %parallel_loop3A_146 = arith.constant 48 : i32
        %parallel_loop3A_147 = arith.addi %parallel_loop3A_133, %parallel_loop3A_146 : i32
        %parallel_loop3A_148 = arith.index_cast %parallel_loop3A_147 : i32 to index
        %parallel_loop3A_149 = tpu.vector_load %arg14[%parallel_loop3A_148] {strides = array<i32>} : memref<32768xf32, #tpu.memory_space<vmem>>, vector<16xf32>,
        %parallel_loop3A_150 = arith.constant 64 : i32
        %parallel_loop3A_151 = arith.addi %parallel_loop3A_133, %parallel_loop3A_150 : i32
        %parallel_loop3A_152 = arith.index_cast %parallel_loop3A_151 : i32 to index
        %parallel_loop3A_153 = tpu.vector_load %arg14[%parallel_loop3A_152] {strides = array<i32>} : memref<32768xf32, #tpu.memory_space<vmem>>, vector<16xf32>,
        %parallel_loop3A_154 = arith.constant 80 : i32
        %parallel_loop3A_155 = arith.addi %parallel_loop3A_133, %parallel_loop3A_154 : i32
        %parallel_loop3A_156 = arith.index_cast %parallel_loop3A_155 : i32 to index
        %parallel_loop3A_157 = tpu.vector_load %arg14[%parallel_loop3A_156] {strides = array<i32>} : memref<32768xf32, #tpu.memory_space<vmem>>, vector<16xf32>,
        %parallel_loop3A_158 = arith.constant 96 : i32
        %parallel_loop3A_159 = arith.addi %parallel_loop3A_133, %parallel_loop3A_158 : i32
        %parallel_loop3A_160 = arith.index_cast %parallel_loop3A_159 : i32 to index
        %parallel_loop3A_161 = tpu.vector_load %arg14[%parallel_loop3A_160] {strides = array<i32>} : memref<32768xf32, #tpu.memory_space<vmem>>, vector<16xf32>,
        %parallel_loop3A_162 = arith.constant 112 : i32
        %parallel_loop3A_163 = arith.addi %parallel_loop3A_133, %parallel_loop3A_162 : i32
        %parallel_loop3A_164 = arith.index_cast %parallel_loop3A_163 : i32 to index
        %parallel_loop3A_165 = tpu.vector_load %arg14[%parallel_loop3A_164] {strides = array<i32>} : memref<32768xf32, #tpu.memory_space<vmem>>, vector<16xf32>,
        %parallel_loop3A_166 = arith.constant 0 : i32
        %parallel_loop3A_167 = arith.addi %parallel_loop3A_126, %parallel_loop3A_166 : i32
        %parallel_loop3A_168 = arith.index_cast %parallel_loop3A_167 : i32 to index
        %parallel_loop3A_169 = tpu.vector_load %arg10[%parallel_loop3A_168] {strides = array<i32>} : memref<16384xi32, #tpu.memory_space<vmem>>, vector<16xi32>,
        %parallel_loop3A_170 = arith.constant 16 : i32
        %parallel_loop3A_171 = arith.addi %parallel_loop3A_126, %parallel_loop3A_170 : i32
        %parallel_loop3A_172 = arith.index_cast %parallel_loop3A_171 : i32 to index
        %parallel_loop3A_173 = tpu.vector_load %arg10[%parallel_loop3A_172] {strides = array<i32>} : memref<16384xi32, #tpu.memory_space<vmem>>, vector<16xi32>,
        %parallel_loop3A_174 = arith.constant 32 : i32
        %parallel_loop3A_175 = arith.addi %parallel_loop3A_126, %parallel_loop3A_174 : i32
        %parallel_loop3A_176 = arith.index_cast %parallel_loop3A_175 : i32 to index
        %parallel_loop3A_177 = tpu.vector_load %arg10[%parallel_loop3A_176] {strides = array<i32>} : memref<16384xi32, #tpu.memory_space<vmem>>, vector<16xi32>,
        %parallel_loop3A_178 = arith.constant 48 : i32
        %parallel_loop3A_179 = arith.addi %parallel_loop3A_126, %parallel_loop3A_178 : i32
        %parallel_loop3A_180 = arith.index_cast %parallel_loop3A_179 : i32 to index
        %parallel_loop3A_181 = tpu.vector_load %arg10[%parallel_loop3A_180] {strides = array<i32>} : memref<16384xi32, #tpu.memory_space<vmem>>, vector<16xi32>,
        %parallel_loop3A_182 = arith.constant 64 : i32
        %parallel_loop3A_183 = arith.addi %parallel_loop3A_126, %parallel_loop3A_182 : i32
        %parallel_loop3A_184 = arith.index_cast %parallel_loop3A_183 : i32 to index
        %parallel_loop3A_185 = tpu.vector_load %arg10[%parallel_loop3A_184] {strides = array<i32>} : memref<16384xi32, #tpu.memory_space<vmem>>, vector<16xi32>,
        %parallel_loop3A_186 = arith.constant 80 : i32
        %parallel_loop3A_187 = arith.addi %parallel_loop3A_126, %parallel_loop3A_186 : i32
        %parallel_loop3A_188 = arith.index_cast %parallel_loop3A_187 : i32 to index
        %parallel_loop3A_189 = tpu.vector_load %arg10[%parallel_loop3A_188] {strides = array<i32>} : memref<16384xi32, #tpu.memory_space<vmem>>, vector<16xi32>,
        %parallel_loop3A_190 = arith.constant 96 : i32
        %parallel_loop3A_191 = arith.addi %parallel_loop3A_126, %parallel_loop3A_190 : i32
        %parallel_loop3A_192 = arith.index_cast %parallel_loop3A_191 : i32 to index
        %parallel_loop3A_193 = tpu.vector_load %arg10[%parallel_loop3A_192] {strides = array<i32>} : memref<16384xi32, #tpu.memory_space<vmem>>, vector<16xi32>,
        %parallel_loop3A_194 = arith.constant 112 : i32
        %parallel_loop3A_195 = arith.addi %parallel_loop3A_126, %parallel_loop3A_194 : i32
        %parallel_loop3A_196 = arith.index_cast %parallel_loop3A_195 : i32 to index
        %parallel_loop3A_197 = tpu.vector_load %arg10[%parallel_loop3A_196] {strides = array<i32>} : memref<16384xi32, #tpu.memory_space<vmem>>, vector<16xi32>,
        %parallel_loop3A_198 = vector.bitcast %parallel_loop3A_169 : vector<16xi32> to vector<32xbf16>
        %parallel_loop3A_199 = tpu.unpack_subelements %parallel_loop3A_198, 0 {pack_format = #tpu.pack_format<interleaved>} : vector<32xbf16> -> vector<16xf32>
        %parallel_loop3A_200 = tpu.unpack_subelements %parallel_loop3A_198, 1 {pack_format = #tpu.pack_format<interleaved>} : vector<32xbf16> -> vector<16xf32>
        %parallel_loop3A_201 = arith.mulf %parallel_loop3A_137, %parallel_loop3A_199 : vector<16xf32>
        %parallel_loop3A_202 = arith.addf %parallel_loop3A_201, %parallel_loop3A_200 : vector<16xf32>
        %parallel_loop3A_203 = arith.constant 0 : i32
        %parallel_loop3A_204 = arith.addi %parallel_loop3A_133, %parallel_loop3A_203 : i32
        %parallel_loop3A_205 = arith.index_cast %parallel_loop3A_204 : i32 to index
        %parallel_loop3A_206 = tpu.vector_load %arg15[%parallel_loop3A_205] {strides = array<i32>} : memref<32768xf32, #tpu.memory_space<vmem>>, vector<16xf32>,
        tpu.vector_store %arg15[%parallel_loop3A_205], %parallel_loop3A_202 {strides = array<i32>} : memref<32768xf32, #tpu.memory_space<vmem>>, vector<16xf32>,
        %parallel_loop3A_207 = vector.bitcast %parallel_loop3A_173 : vector<16xi32> to vector<32xbf16>
        %parallel_loop3A_208 = tpu.unpack_subelements %parallel_loop3A_207, 0 {pack_format = #tpu.pack_format<interleaved>} : vector<32xbf16> -> vector<16xf32>
        %parallel_loop3A_209 = tpu.unpack_subelements %parallel_loop3A_207, 1 {pack_format = #tpu.pack_format<interleaved>} : vector<32xbf16> -> vector<16xf32>
        %parallel_loop3A_210 = arith.mulf %parallel_loop3A_141, %parallel_loop3A_208 : vector<16xf32>
        %parallel_loop3A_211 = arith.addf %parallel_loop3A_210, %parallel_loop3A_209 : vector<16xf32>
        %parallel_loop3A_212 = arith.constant 16 : i32
        %parallel_loop3A_213 = arith.addi %parallel_loop3A_133, %parallel_loop3A_212 : i32
        %parallel_loop3A_214 = arith.index_cast %parallel_loop3A_213 : i32 to index
        %parallel_loop3A_215 = tpu.vector_load %arg15[%parallel_loop3A_214] {strides = array<i32>} : memref<32768xf32, #tpu.memory_space<vmem>>, vector<16xf32>,
        tpu.vector_store %arg15[%parallel_loop3A_214], %parallel_loop3A_211 {strides = array<i32>} : memref<32768xf32, #tpu.memory_space<vmem>>, vector<16xf32>,
        %parallel_loop3A_216 = vector.bitcast %parallel_loop3A_177 : vector<16xi32> to vector<32xbf16>
        %parallel_loop3A_217 = tpu.unpack_subelements %parallel_loop3A_216, 0 {pack_format = #tpu.pack_format<interleaved>} : vector<32xbf16> -> vector<16xf32>
        %parallel_loop3A_218 = tpu.unpack_subelements %parallel_loop3A_216, 1 {pack_format = #tpu.pack_format<interleaved>} : vector<32xbf16> -> vector<16xf32>
        %parallel_loop3A_219 = arith.mulf %parallel_loop3A_145, %parallel_loop3A_217 : vector<16xf32>
        %parallel_loop3A_220 = arith.addf %parallel_loop3A_219, %parallel_loop3A_218 : vector<16xf32>
        %parallel_loop3A_221 = arith.constant 32 : i32
        %parallel_loop3A_222 = arith.addi %parallel_loop3A_133, %parallel_loop3A_221 : i32
        %parallel_loop3A_223 = arith.index_cast %parallel_loop3A_222 : i32 to index
        %parallel_loop3A_224 = tpu.vector_load %arg15[%parallel_loop3A_223] {strides = array<i32>} : memref<32768xf32, #tpu.memory_space<vmem>>, vector<16xf32>,
        tpu.vector_store %arg15[%parallel_loop3A_223], %parallel_loop3A_220 {strides = array<i32>} : memref<32768xf32, #tpu.memory_space<vmem>>, vector<16xf32>,
        %parallel_loop3A_225 = vector.bitcast %parallel_loop3A_181 : vector<16xi32> to vector<32xbf16>
        %parallel_loop3A_226 = tpu.unpack_subelements %parallel_loop3A_225, 0 {pack_format = #tpu.pack_format<interleaved>} : vector<32xbf16> -> vector<16xf32>
        %parallel_loop3A_227 = tpu.unpack_subelements %parallel_loop3A_225, 1 {pack_format = #tpu.pack_format<interleaved>} : vector<32xbf16> -> vector<16xf32>
        %parallel_loop3A_228 = arith.mulf %parallel_loop3A_149, %parallel_loop3A_226 : vector<16xf32>
        %parallel_loop3A_229 = arith.addf %parallel_loop3A_228, %parallel_loop3A_227 : vector<16xf32>
        %parallel_loop3A_230 = arith.constant 48 : i32
        %parallel_loop3A_231 = arith.addi %parallel_loop3A_133, %parallel_loop3A_230 : i32
        %parallel_loop3A_232 = arith.index_cast %parallel_loop3A_231 : i32 to index
        %parallel_loop3A_233 = tpu.vector_load %arg15[%parallel_loop3A_232] {strides = array<i32>} : memref<32768xf32, #tpu.memory_space<vmem>>, vector<16xf32>,
        tpu.vector_store %arg15[%parallel_loop3A_232], %parallel_loop3A_229 {strides = array<i32>} : memref<32768xf32, #tpu.memory_space<vmem>>, vector<16xf32>,
        %parallel_loop3A_234 = vector.bitcast %parallel_loop3A_185 : vector<16xi32> to vector<32xbf16>
        %parallel_loop3A_235 = tpu.unpack_subelements %parallel_loop3A_234, 0 {pack_format = #tpu.pack_format<interleaved>} : vector<32xbf16> -> vector<16xf32>
        %parallel_loop3A_236 = tpu.unpack_subelements %parallel_loop3A_234, 1 {pack_format = #tpu.pack_format<interleaved>} : vector<32xbf16> -> vector<16xf32>
        %parallel_loop3A_237 = arith.mulf %parallel_loop3A_153, %parallel_loop3A_235 : vector<16xf32>
        %parallel_loop3A_238 = arith.addf %parallel_loop3A_237, %parallel_loop3A_236 : vector<16xf32>
        %parallel_loop3A_239 = arith.constant 64 : i32
        %parallel_loop3A_240 = arith.addi %parallel_loop3A_133, %parallel_loop3A_239 : i32
        %parallel_loop3A_241 = arith.index_cast %parallel_loop3A_240 : i32 to index
        %parallel_loop3A_242 = tpu.vector_load %arg15[%parallel_loop3A_241] {strides = array<i32>} : memref<32768xf32, #tpu.memory_space<vmem>>, vector<16xf32>,
        tpu.vector_store %arg15[%parallel_loop3A_241], %parallel_loop3A_238 {strides = array<i32>} : memref<32768xf32, #tpu.memory_space<vmem>>, vector<16xf32>,
        %parallel_loop3A_243 = vector.bitcast %parallel_loop3A_189 : vector<16xi32> to vector<32xbf16>
        %parallel_loop3A_244 = tpu.unpack_subelements %parallel_loop3A_243, 0 {pack_format = #tpu.pack_format<interleaved>} : vector<32xbf16> -> vector<16xf32>
        %parallel_loop3A_245 = tpu.unpack_subelements %parallel_loop3A_243, 1 {pack_format = #tpu.pack_format<interleaved>} : vector<32xbf16> -> vector<16xf32>
        %parallel_loop3A_246 = arith.mulf %parallel_loop3A_157, %parallel_loop3A_244 : vector<16xf32>
        %parallel_loop3A_247 = arith.addf %parallel_loop3A_246, %parallel_loop3A_245 : vector<16xf32>
        %parallel_loop3A_248 = arith.constant 80 : i32
        %parallel_loop3A_249 = arith.addi %parallel_loop3A_133, %parallel_loop3A_248 : i32
        %parallel_loop3A_250 = arith.index_cast %parallel_loop3A_249 : i32 to index
        %parallel_loop3A_251 = tpu.vector_load %arg15[%parallel_loop3A_250] {strides = array<i32>} : memref<32768xf32, #tpu.memory_space<vmem>>, vector<16xf32>,
        tpu.vector_store %arg15[%parallel_loop3A_250], %parallel_loop3A_247 {strides = array<i32>} : memref<32768xf32, #tpu.memory_space<vmem>>, vector<16xf32>,
        %parallel_loop3A_252 = vector.bitcast %parallel_loop3A_193 : vector<16xi32> to vector<32xbf16>
        %parallel_loop3A_253 = tpu.unpack_subelements %parallel_loop3A_252, 0 {pack_format = #tpu.pack_format<interleaved>} : vector<32xbf16> -> vector<16xf32>
        %parallel_loop3A_254 = tpu.unpack_subelements %parallel_loop3A_252, 1 {pack_format = #tpu.pack_format<interleaved>} : vector<32xbf16> -> vector<16xf32>
        %parallel_loop3A_255 = arith.mulf %parallel_loop3A_161, %parallel_loop3A_253 : vector<16xf32>
        %parallel_loop3A_256 = arith.addf %parallel_loop3A_255, %parallel_loop3A_254 : vector<16xf32>
        %parallel_loop3A_257 = arith.constant 96 : i32
        %parallel_loop3A_258 = arith.addi %parallel_loop3A_133, %parallel_loop3A_257 : i32
        %parallel_loop3A_259 = arith.index_cast %parallel_loop3A_258 : i32 to index
        %parallel_loop3A_260 = tpu.vector_load %arg15[%parallel_loop3A_259] {strides = array<i32>} : memref<32768xf32, #tpu.memory_space<vmem>>, vector<16xf32>,
        tpu.vector_store %arg15[%parallel_loop3A_259], %parallel_loop3A_256 {strides = array<i32>} : memref<32768xf32, #tpu.memory_space<vmem>>, vector<16xf32>,
        %parallel_loop3A_261 = vector.bitcast %parallel_loop3A_197 : vector<16xi32> to vector<32xbf16>
        %parallel_loop3A_262 = tpu.unpack_subelements %parallel_loop3A_261, 0 {pack_format = #tpu.pack_format<interleaved>} : vector<32xbf16> -> vector<16xf32>
        %parallel_loop3A_263 = tpu.unpack_subelements %parallel_loop3A_261, 1 {pack_format = #tpu.pack_format<interleaved>} : vector<32xbf16> -> vector<16xf32>
        %parallel_loop3A_264 = arith.mulf %parallel_loop3A_165, %parallel_loop3A_262 : vector<16xf32>
        %parallel_loop3A_265 = arith.addf %parallel_loop3A_264, %parallel_loop3A_263 : vector<16xf32>
        %parallel_loop3A_266 = arith.constant 112 : i32
        %parallel_loop3A_267 = arith.addi %parallel_loop3A_133, %parallel_loop3A_266 : i32
        %parallel_loop3A_268 = arith.index_cast %parallel_loop3A_267 : i32 to index
        %parallel_loop3A_269 = tpu.vector_load %arg15[%parallel_loop3A_268] {strides = array<i32>} : memref<32768xf32, #tpu.memory_space<vmem>>, vector<16xf32>,
        tpu.vector_store %arg15[%parallel_loop3A_268], %parallel_loop3A_265 {strides = array<i32>} : memref<32768xf32, #tpu.memory_space<vmem>>, vector<16xf32>,
        %parallel_loop3A_270 = vector.extract_strided_slice %parallel_loop3A_119 {offsets = [1], sizes = [1], strides = [1]} : vector<16xi32> to vector<1xi32>
        %parallel_loop3A_271 = vector.extract %parallel_loop3A_270[0] : i32 from vector<1xi32>
        %parallel_loop3A_272 = arith.constant 128 : i32
        %parallel_loop3A_273 = arith.muli %parallel_loop3A_271, %parallel_loop3A_272 : i32
        %parallel_loop3A_274 = arith.constant 16 : i32
        %parallel_loop3A_275 = arith.muli %parallel_loop3A_114, %parallel_loop3A_274 : i32
        %parallel_loop3A_276 = arith.constant 1 : i32
        %parallel_loop3A_277 = arith.addi %parallel_loop3A_275, %parallel_loop3A_276 : i32
        %parallel_loop3A_278 = arith.constant 128 : i32
        %parallel_loop3A_279 = arith.muli %parallel_loop3A_277, %parallel_loop3A_278 : i32
        %parallel_loop3A_280 = arith.addi %mul3A_43, %parallel_loop3A_279 : i32
        %parallel_loop3A_281 = arith.constant 0 : i32
        %parallel_loop3A_282 = arith.addi %parallel_loop3A_280, %parallel_loop3A_281 : i32
        %parallel_loop3A_283 = arith.index_cast %parallel_loop3A_282 : i32 to index
        %parallel_loop3A_284 = tpu.vector_load %arg14[%parallel_loop3A_283] {strides = array<i32>} : memref<32768xf32, #tpu.memory_space<vmem>>, vector<16xf32>,
        %parallel_loop3A_285 = arith.constant 16 : i32
        %parallel_loop3A_286 = arith.addi %parallel_loop3A_280, %parallel_loop3A_285 : i32
        %parallel_loop3A_287 = arith.index_cast %parallel_loop3A_286 : i32 to index
        %parallel_loop3A_288 = tpu.vector_load %arg14[%parallel_loop3A_287] {strides = array<i32>} : memref<32768xf32, #tpu.memory_space<vmem>>, vector<16xf32>,
        %parallel_loop3A_289 = arith.constant 32 : i32
        %parallel_loop3A_290 = arith.addi %parallel_loop3A_280, %parallel_loop3A_289 : i32
        %parallel_loop3A_291 = arith.index_cast %parallel_loop3A_290 : i32 to index
        %parallel_loop3A_292 = tpu.vector_load %arg14[%parallel_loop3A_291] {strides = array<i32>} : memref<32768xf32, #tpu.memory_space<vmem>>, vector<16xf32>,
        %parallel_loop3A_293 = arith.constant 48 : i32
        %parallel_loop3A_294 = arith.addi %parallel_loop3A_280, %parallel_loop3A_293 : i32
        %parallel_loop3A_295 = arith.index_cast %parallel_loop3A_294 : i32 to index
        %parallel_loop3A_296 = tpu.vector_load %arg14[%parallel_loop3A_295] {strides = array<i32>} : memref<32768xf32, #tpu.memory_space<vmem>>, vector<16xf32>,
        %parallel_loop3A_297 = arith.constant 64 : i32
        %parallel_loop3A_298 = arith.addi %parallel_loop3A_280, %parallel_loop3A_297 : i32
        %parallel_loop3A_299 = arith.index_cast %parallel_loop3A_298 : i32 to index
        %parallel_loop3A_300 = tpu.vector_load %arg14[%parallel_loop3A_299] {strides = array<i32>} : memref<32768xf32, #tpu.memory_space<vmem>>, vector<16xf32>,
        %parallel_loop3A_301 = arith.constant 80 : i32
        %parallel_loop3A_302 = arith.addi %parallel_loop3A_280, %parallel_loop3A_301 : i32
        %parallel_loop3A_303 = arith.index_cast %parallel_loop3A_302 : i32 to index
        %parallel_loop3A_304 = tpu.vector_load %arg14[%parallel_loop3A_303] {strides = array<i32>} : memref<32768xf32, #tpu.memory_space<vmem>>, vector<16xf32>,
        %parallel_loop3A_305 = arith.constant 96 : i32
        %parallel_loop3A_306 = arith.addi %parallel_loop3A_280, %parallel_loop3A_305 : i32
        %parallel_loop3A_307 = arith.index_cast %parallel_loop3A_306 : i32 to index
        %parallel_loop3A_308 = tpu.vector_load %arg14[%parallel_loop3A_307] {strides = array<i32>} : memref<32768xf32, #tpu.memory_space<vmem>>, vector<16xf32>,
        %parallel_loop3A_309 = arith.constant 112 : i32
        %parallel_loop3A_310 = arith.addi %parallel_loop3A_280, %parallel_loop3A_309 : i32
        %parallel_loop3A_311 = arith.index_cast %parallel_loop3A_310 : i32 to index
        %parallel_loop3A_312 = tpu.vector_load %arg14[%parallel_loop3A_311] {strides = array<i32>} : memref<32768xf32, #tpu.memory_space<vmem>>, vector<16xf32>,
        %parallel_loop3A_313 = arith.constant 0 : i32
        %parallel_loop3A_314 = arith.addi %parallel_loop3A_273, %parallel_loop3A_313 : i32
        %parallel_loop3A_315 = arith.index_cast %parallel_loop3A_314 : i32 to index
        %parallel_loop3A_316 = tpu.vector_load %arg10[%parallel_loop3A_315] {strides = array<i32>} : memref<16384xi32, #tpu.memory_space<vmem>>, vector<16xi32>,
        %parallel_loop3A_317 = arith.constant 16 : i32
        %parallel_loop3A_318 = arith.addi %parallel_loop3A_273, %parallel_loop3A_317 : i32
        %parallel_loop3A_319 = arith.index_cast %parallel_loop3A_318 : i32 to index
        %parallel_loop3A_320 = tpu.vector_load %arg10[%parallel_loop3A_319] {strides = array<i32>} : memref<16384xi32, #tpu.memory_space<vmem>>, vector<16xi32>,
        %parallel_loop3A_321 = arith.constant 32 : i32
        %parallel_loop3A_322 = arith.addi %parallel_loop3A_273, %parallel_loop3A_321 : i32
        %parallel_loop3A_323 = arith.index_cast %parallel_loop3A_322 : i32 to index
        %parallel_loop3A_324 = tpu.vector_load %arg10[%parallel_loop3A_323] {strides = array<i32>} : memref<16384xi32, #tpu.memory_space<vmem>>, vector<16xi32>,
        %parallel_loop3A_325 = arith.constant 48 : i32
        %parallel_loop3A_326 = arith.addi %parallel_loop3A_273, %parallel_loop3A_325 : i32
        %parallel_loop3A_327 = arith.index_cast %parallel_loop3A_326 : i32 to index
        %parallel_loop3A_328 = tpu.vector_load %arg10[%parallel_loop3A_327] {strides = array<i32>} : memref<16384xi32, #tpu.memory_space<vmem>>, vector<16xi32>,
        %parallel_loop3A_329 = arith.constant 64 : i32
        %parallel_loop3A_330 = arith.addi %parallel_loop3A_273, %parallel_loop3A_329 : i32
        %parallel_loop3A_331 = arith.index_cast %parallel_loop3A_330 : i32 to index
        %parallel_loop3A_332 = tpu.vector_load %arg10[%parallel_loop3A_331] {strides = array<i32>} : memref<16384xi32, #tpu.memory_space<vmem>>, vector<16xi32>,
        %parallel_loop3A_333 = arith.constant 80 : i32
        %parallel_loop3A_334 = arith.addi %parallel_loop3A_273, %parallel_loop3A_333 : i32
        %parallel_loop3A_335 = arith.index_cast %parallel_loop3A_334 : i32 to index
        %parallel_loop3A_336 = tpu.vector_load %arg10[%parallel_loop3A_335] {strides = array<i32>} : memref<16384xi32, #tpu.memory_space<vmem>>, vector<16xi32>,
        %parallel_loop3A_337 = arith.constant 96 : i32
        %parallel_loop3A_338 = arith.addi %parallel_loop3A_273, %parallel_loop3A_337 : i32
        %parallel_loop3A_339 = arith.index_cast %parallel_loop3A_338 : i32 to index
        %parallel_loop3A_340 = tpu.vector_load %arg10[%parallel_loop3A_339] {strides = array<i32>} : memref<16384xi32, #tpu.memory_space<vmem>>, vector<16xi32>,
        %parallel_loop3A_341 = arith.constant 112 : i32
        %parallel_loop3A_342 = arith.addi %parallel_loop3A_273, %parallel_loop3A_341 : i32
        %parallel_loop3A_343 = arith.index_cast %parallel_loop3A_342 : i32 to index
        %parallel_loop3A_344 = tpu.vector_load %arg10[%parallel_loop3A_343] {strides = array<i32>} : memref<16384xi32, #tpu.memory_space<vmem>>, vector<16xi32>,
        %parallel_loop3A_345 = vector.bitcast %parallel_loop3A_316 : vector<16xi32> to vector<32xbf16>
        %parallel_loop3A_346 = tpu.unpack_subelements %parallel_loop3A_345, 0 {pack_format = #tpu.pack_format<interleaved>} : vector<32xbf16> -> vector<16xf32>
        %parallel_loop3A_347 = tpu.unpack_subelements %parallel_loop3A_345, 1 {pack_format = #tpu.pack_format<interleaved>} : vector<32xbf16> -> vector<16xf32>
        %parallel_loop3A_348 = arith.mulf %parallel_loop3A_284, %parallel_loop3A_346 : vector<16xf32>
        %parallel_loop3A_349 = arith.addf %parallel_loop3A_348, %parallel_loop3A_347 : vector<16xf32>
        %parallel_loop3A_350 = arith.constant 0 : i32
        %parallel_loop3A_351 = arith.addi %parallel_loop3A_280, %parallel_loop3A_350 : i32
        %parallel_loop3A_352 = arith.index_cast %parallel_loop3A_351 : i32 to index
        %parallel_loop3A_353 = tpu.vector_load %arg15[%parallel_loop3A_352] {strides = array<i32>} : memref<32768xf32, #tpu.memory_space<vmem>>, vector<16xf32>,
        tpu.vector_store %arg15[%parallel_loop3A_352], %parallel_loop3A_349 {strides = array<i32>} : memref<32768xf32, #tpu.memory_space<vmem>>, vector<16xf32>,
        %parallel_loop3A_354 = vector.bitcast %parallel_loop3A_320 : vector<16xi32> to vector<32xbf16>
        %parallel_loop3A_355 = tpu.unpack_subelements %parallel_loop3A_354, 0 {pack_format = #tpu.pack_format<interleaved>} : vector<32xbf16> -> vector<16xf32>
        %parallel_loop3A_356 = tpu.unpack_subelements %parallel_loop3A_354, 1 {pack_format = #tpu.pack_format<interleaved>} : vector<32xbf16> -> vector<16xf32>
        %parallel_loop3A_357 = arith.mulf %parallel_loop3A_288, %parallel_loop3A_355 : vector<16xf32>
        %parallel_loop3A_358 = arith.addf %parallel_loop3A_357, %parallel_loop3A_356 : vector<16xf32>
        %parallel_loop3A_359 = arith.constant 16 : i32
        %parallel_loop3A_360 = arith.addi %parallel_loop3A_280, %parallel_loop3A_359 : i32
        %parallel_loop3A_361 = arith.index_cast %parallel_loop3A_360 : i32 to index
        %parallel_loop3A_362 = tpu.vector_load %arg15[%parallel_loop3A_361] {strides = array<i32>} : memref<32768xf32, #tpu.memory_space<vmem>>, vector<16xf32>,
        tpu.vector_store %arg15[%parallel_loop3A_361], %parallel_loop3A_358 {strides = array<i32>} : memref<32768xf32, #tpu.memory_space<vmem>>, vector<16xf32>,
        %parallel_loop3A_363 = vector.bitcast %parallel_loop3A_324 : vector<16xi32> to vector<32xbf16>
        %parallel_loop3A_364 = tpu.unpack_subelements %parallel_loop3A_363, 0 {pack_format = #tpu.pack_format<interleaved>} : vector<32xbf16> -> vector<16xf32>
        %parallel_loop3A_365 = tpu.unpack_subelements %parallel_loop3A_363, 1 {pack_format = #tpu.pack_format<interleaved>} : vector<32xbf16> -> vector<16xf32>
        %parallel_loop3A_366 = arith.mulf %parallel_loop3A_292, %parallel_loop3A_364 : vector<16xf32>
        %parallel_loop3A_367 = arith.addf %parallel_loop3A_366, %parallel_loop3A_365 : vector<16xf32>
        %parallel_loop3A_368 = arith.constant 32 : i32
        %parallel_loop3A_369 = arith.addi %parallel_loop3A_280, %parallel_loop3A_368 : i32
        %parallel_loop3A_370 = arith.index_cast %parallel_loop3A_369 : i32 to index
        %parallel_loop3A_371 = tpu.vector_load %arg15[%parallel_loop3A_370] {strides = array<i32>} : memref<32768xf32, #tpu.memory_space<vmem>>, vector<16xf32>,
        tpu.vector_store %arg15[%parallel_loop3A_370], %parallel_loop3A_367 {strides = array<i32>} : memref<32768xf32, #tpu.memory_space<vmem>>, vector<16xf32>,
        %parallel_loop3A_372 = vector.bitcast %parallel_loop3A_328 : vector<16xi32> to vector<32xbf16>
        %parallel_loop3A_373 = tpu.unpack_subelements %parallel_loop3A_372, 0 {pack_format = #tpu.pack_format<interleaved>} : vector<32xbf16> -> vector<16xf32>
        %parallel_loop3A_374 = tpu.unpack_subelements %parallel_loop3A_372, 1 {pack_format = #tpu.pack_format<interleaved>} : vector<32xbf16> -> vector<16xf32>
        %parallel_loop3A_375 = arith.mulf %parallel_loop3A_296, %parallel_loop3A_373 : vector<16xf32>
        %parallel_loop3A_376 = arith.addf %parallel_loop3A_375, %parallel_loop3A_374 : vector<16xf32>
        %parallel_loop3A_377 = arith.constant 48 : i32
        %parallel_loop3A_378 = arith.addi %parallel_loop3A_280, %parallel_loop3A_377 : i32
        %parallel_loop3A_379 = arith.index_cast %parallel_loop3A_378 : i32 to index
        %parallel_loop3A_380 = tpu.vector_load %arg15[%parallel_loop3A_379] {strides = array<i32>} : memref<32768xf32, #tpu.memory_space<vmem>>, vector<16xf32>,
        tpu.vector_store %arg15[%parallel_loop3A_379], %parallel_loop3A_376 {strides = array<i32>} : memref<32768xf32, #tpu.memory_space<vmem>>, vector<16xf32>,
        %parallel_loop3A_381 = vector.bitcast %parallel_loop3A_332 : vector<16xi32> to vector<32xbf16>
        %parallel_loop3A_382 = tpu.unpack_subelements %parallel_loop3A_381, 0 {pack_format = #tpu.pack_format<interleaved>} : vector<32xbf16> -> vector<16xf32>
        %parallel_loop3A_383 = tpu.unpack_subelements %parallel_loop3A_381, 1 {pack_format = #tpu.pack_format<interleaved>} : vector<32xbf16> -> vector<16xf32>
        %parallel_loop3A_384 = arith.mulf %parallel_loop3A_300, %parallel_loop3A_382 : vector<16xf32>
        %parallel_loop3A_385 = arith.addf %parallel_loop3A_384, %parallel_loop3A_383 : vector<16xf32>
        %parallel_loop3A_386 = arith.constant 64 : i32
        %parallel_loop3A_387 = arith.addi %parallel_loop3A_280, %parallel_loop3A_386 : i32
        %parallel_loop3A_388 = arith.index_cast %parallel_loop3A_387 : i32 to index
        %parallel_loop3A_389 = tpu.vector_load %arg15[%parallel_loop3A_388] {strides = array<i32>} : memref<32768xf32, #tpu.memory_space<vmem>>, vector<16xf32>,
        tpu.vector_store %arg15[%parallel_loop3A_388], %parallel_loop3A_385 {strides = array<i32>} : memref<32768xf32, #tpu.memory_space<vmem>>, vector<16xf32>,
        %parallel_loop3A_390 = vector.bitcast %parallel_loop3A_336 : vector<16xi32> to vector<32xbf16>
        %parallel_loop3A_391 = tpu.unpack_subelements %parallel_loop3A_390, 0 {pack_format = #tpu.pack_format<interleaved>} : vector<32xbf16> -> vector<16xf32>
        %parallel_loop3A_392 = tpu.unpack_subelements %parallel_loop3A_390, 1 {pack_format = #tpu.pack_format<interleaved>} : vector<32xbf16> -> vector<16xf32>
        %parallel_loop3A_393 = arith.mulf %parallel_loop3A_304, %parallel_loop3A_391 : vector<16xf32>
        %parallel_loop3A_394 = arith.addf %parallel_loop3A_393, %parallel_loop3A_392 : vector<16xf32>
        %parallel_loop3A_395 = arith.constant 80 : i32
        %parallel_loop3A_396 = arith.addi %parallel_loop3A_280, %parallel_loop3A_395 : i32
        %parallel_loop3A_397 = arith.index_cast %parallel_loop3A_396 : i32 to index
        %parallel_loop3A_398 = tpu.vector_load %arg15[%parallel_loop3A_397] {strides = array<i32>} : memref<32768xf32, #tpu.memory_space<vmem>>, vector<16xf32>,
        tpu.vector_store %arg15[%parallel_loop3A_397], %parallel_loop3A_394 {strides = array<i32>} : memref<32768xf32, #tpu.memory_space<vmem>>, vector<16xf32>,
        %parallel_loop3A_399 = vector.bitcast %parallel_loop3A_340 : vector<16xi32> to vector<32xbf16>
        %parallel_loop3A_400 = tpu.unpack_subelements %parallel_loop3A_399, 0 {pack_format = #tpu.pack_format<interleaved>} : vector<32xbf16> -> vector<16xf32>
        %parallel_loop3A_401 = tpu.unpack_subelements %parallel_loop3A_399, 1 {pack_format = #tpu.pack_format<interleaved>} : vector<32xbf16> -> vector<16xf32>
        %parallel_loop3A_402 = arith.mulf %parallel_loop3A_308, %parallel_loop3A_400 : vector<16xf32>
        %parallel_loop3A_403 = arith.addf %parallel_loop3A_402, %parallel_loop3A_401 : vector<16xf32>
        %parallel_loop3A_404 = arith.constant 96 : i32
        %parallel_loop3A_405 = arith.addi %parallel_loop3A_280, %parallel_loop3A_404 : i32
        %parallel_loop3A_406 = arith.index_cast %parallel_loop3A_405 : i32 to index
        %parallel_loop3A_407 = tpu.vector_load %arg15[%parallel_loop3A_406] {strides = array<i32>} : memref<32768xf32, #tpu.memory_space<vmem>>, vector<16xf32>,
        tpu.vector_store %arg15[%parallel_loop3A_406], %parallel_loop3A_403 {strides = array<i32>} : memref<32768xf32, #tpu.memory_space<vmem>>, vector<16xf32>,
        %parallel_loop3A_408 = vector.bitcast %parallel_loop3A_344 : vector<16xi32> to vector<32xbf16>
        %parallel_loop3A_409 = tpu.unpack_subelements %parallel_loop3A_408, 0 {pack_format = #tpu.pack_format<interleaved>} : vector<32xbf16> -> vector<16xf32>
        %parallel_loop3A_410 = tpu.unpack_subelements %parallel_loop3A_408, 1 {pack_format = #tpu.pack_format<interleaved>} : vector<32xbf16> -> vector<16xf32>
        %parallel_loop3A_411 = arith.mulf %parallel_loop3A_312, %parallel_loop3A_409 : vector<16xf32>
        %parallel_loop3A_412 = arith.addf %parallel_loop3A_411, %parallel_loop3A_410 : vector<16xf32>
        %parallel_loop3A_413 = arith.constant 112 : i32
        %parallel_loop3A_414 = arith.addi %parallel_loop3A_280, %parallel_loop3A_413 : i32
        %parallel_loop3A_415 = arith.index_cast %parallel_loop3A_414 : i32 to index
        %parallel_loop3A_416 = tpu.vector_load %arg15[%parallel_loop3A_415] {strides = array<i32>} : memref<32768xf32, #tpu.memory_space<vmem>>, vector<16xf32>,
        tpu.vector_store %arg15[%parallel_loop3A_415], %parallel_loop3A_412 {strides = array<i32>} : memref<32768xf32, #tpu.memory_space<vmem>>, vector<16xf32>,
        %parallel_loop3A_417 = vector.extract_strided_slice %parallel_loop3A_119 {offsets = [2], sizes = [1], strides = [1]} : vector<16xi32> to vector<1xi32>
        %parallel_loop3A_418 = vector.extract %parallel_loop3A_417[0] : i32 from vector<1xi32>
        %parallel_loop3A_419 = arith.constant 128 : i32
        %parallel_loop3A_420 = arith.muli %parallel_loop3A_418, %parallel_loop3A_419 : i32
        %parallel_loop3A_421 = arith.constant 16 : i32
        %parallel_loop3A_422 = arith.muli %parallel_loop3A_114, %parallel_loop3A_421 : i32
        %parallel_loop3A_423 = arith.constant 2 : i32
        %parallel_loop3A_424 = arith.addi %parallel_loop3A_422, %parallel_loop3A_423 : i32
        %parallel_loop3A_425 = arith.constant 128 : i32
        %parallel_loop3A_426 = arith.muli %parallel_loop3A_424, %parallel_loop3A_425 : i32
        %parallel_loop3A_427 = arith.addi %mul3A_43, %parallel_loop3A_426 : i32
        %parallel_loop3A_428 = arith.constant 0 : i32
        %parallel_loop3A_429 = arith.addi %parallel_loop3A_427, %parallel_loop3A_428 : i32
        %parallel_loop3A_430 = arith.index_cast %parallel_loop3A_429 : i32 to index
        %parallel_loop3A_431 = tpu.vector_load %arg14[%parallel_loop3A_430] {strides = array<i32>} : memref<32768xf32, #tpu.memory_space<vmem>>, vector<16xf32>,
        %parallel_loop3A_432 = arith.constant 16 : i32
        %parallel_loop3A_433 = arith.addi %parallel_loop3A_427, %parallel_loop3A_432 : i32
        %parallel_loop3A_434 = arith.index_cast %parallel_loop3A_433 : i32 to index
        %parallel_loop3A_435 = tpu.vector_load %arg14[%parallel_loop3A_434] {strides = array<i32>} : memref<32768xf32, #tpu.memory_space<vmem>>, vector<16xf32>,
        %parallel_loop3A_436 = arith.constant 32 : i32
        %parallel_loop3A_437 = arith.addi %parallel_loop3A_427, %parallel_loop3A_436 : i32
        %parallel_loop3A_438 = arith.index_cast %parallel_loop3A_437 : i32 to index
        %parallel_loop3A_439 = tpu.vector_load %arg14[%parallel_loop3A_438] {strides = array<i32>} : memref<32768xf32, #tpu.memory_space<vmem>>, vector<16xf32>,
        %parallel_loop3A_440 = arith.constant 48 : i32
        %parallel_loop3A_441 = arith.addi %parallel_loop3A_427, %parallel_loop3A_440 : i32
        %parallel_loop3A_442 = arith.index_cast %parallel_loop3A_441 : i32 to index
        %parallel_loop3A_443 = tpu.vector_load %arg14[%parallel_loop3A_442] {strides = array<i32>} : memref<32768xf32, #tpu.memory_space<vmem>>, vector<16xf32>,
        %parallel_loop3A_444 = arith.constant 64 : i32
        %parallel_loop3A_445 = arith.addi %parallel_loop3A_427, %parallel_loop3A_444 : i32
        %parallel_loop3A_446 = arith.index_cast %parallel_loop3A_445 : i32 to index
        %parallel_loop3A_447 = tpu.vector_load %arg14[%parallel_loop3A_446] {strides = array<i32>} : memref<32768xf32, #tpu.memory_space<vmem>>, vector<16xf32>,
        %parallel_loop3A_448 = arith.constant 80 : i32
        %parallel_loop3A_449 = arith.addi %parallel_loop3A_427, %parallel_loop3A_448 : i32
        %parallel_loop3A_450 = arith.index_cast %parallel_loop3A_449 : i32 to index
        %parallel_loop3A_451 = tpu.vector_load %arg14[%parallel_loop3A_450] {strides = array<i32>} : memref<32768xf32, #tpu.memory_space<vmem>>, vector<16xf32>,
        %parallel_loop3A_452 = arith.constant 96 : i32
        %parallel_loop3A_453 = arith.addi %parallel_loop3A_427, %parallel_loop3A_452 : i32
        %parallel_loop3A_454 = arith.index_cast %parallel_loop3A_453 : i32 to index
        %parallel_loop3A_455 = tpu.vector_load %arg14[%parallel_loop3A_454] {strides = array<i32>} : memref<32768xf32, #tpu.memory_space<vmem>>, vector<16xf32>,
        %parallel_loop3A_456 = arith.constant 112 : i32
        %parallel_loop3A_457 = arith.addi %parallel_loop3A_427, %parallel_loop3A_456 : i32
        %parallel_loop3A_458 = arith.index_cast %parallel_loop3A_457 : i32 to index
        %parallel_loop3A_459 = tpu.vector_load %arg14[%parallel_loop3A_458] {strides = array<i32>} : memref<32768xf32, #tpu.memory_space<vmem>>, vector<16xf32>,
        %parallel_loop3A_460 = arith.constant 0 : i32
        %parallel_loop3A_461 = arith.addi %parallel_loop3A_420, %parallel_loop3A_460 : i32
        %parallel_loop3A_462 = arith.index_cast %parallel_loop3A_461 : i32 to index
        %parallel_loop3A_463 = tpu.vector_load %arg10[%parallel_loop3A_462] {strides = array<i32>} : memref<16384xi32, #tpu.memory_space<vmem>>, vector<16xi32>,
        %parallel_loop3A_464 = arith.constant 16 : i32
        %parallel_loop3A_465 = arith.addi %parallel_loop3A_420, %parallel_loop3A_464 : i32
        %parallel_loop3A_466 = arith.index_cast %parallel_loop3A_465 : i32 to index
        %parallel_loop3A_467 = tpu.vector_load %arg10[%parallel_loop3A_466] {strides = array<i32>} : memref<16384xi32, #tpu.memory_space<vmem>>, vector<16xi32>,
        %parallel_loop3A_468 = arith.constant 32 : i32
        %parallel_loop3A_469 = arith.addi %parallel_loop3A_420, %parallel_loop3A_468 : i32
        %parallel_loop3A_470 = arith.index_cast %parallel_loop3A_469 : i32 to index
        %parallel_loop3A_471 = tpu.vector_load %arg10[%parallel_loop3A_470] {strides = array<i32>} : memref<16384xi32, #tpu.memory_space<vmem>>, vector<16xi32>,
        %parallel_loop3A_472 = arith.constant 48 : i32
        %parallel_loop3A_473 = arith.addi %parallel_loop3A_420, %parallel_loop3A_472 : i32
        %parallel_loop3A_474 = arith.index_cast %parallel_loop3A_473 : i32 to index
        %parallel_loop3A_475 = tpu.vector_load %arg10[%parallel_loop3A_474] {strides = array<i32>} : memref<16384xi32, #tpu.memory_space<vmem>>, vector<16xi32>,
        %parallel_loop3A_476 = arith.constant 64 : i32
        %parallel_loop3A_477 = arith.addi %parallel_loop3A_420, %parallel_loop3A_476 : i32
        %parallel_loop3A_478 = arith.index_cast %parallel_loop3A_477 : i32 to index
        %parallel_loop3A_479 = tpu.vector_load %arg10[%parallel_loop3A_478] {strides = array<i32>} : memref<16384xi32, #tpu.memory_space<vmem>>, vector<16xi32>,
        %parallel_loop3A_480 = arith.constant 80 : i32
        %parallel_loop3A_481 = arith.addi %parallel_loop3A_420, %parallel_loop3A_480 : i32
        %parallel_loop3A_482 = arith.index_cast %parallel_loop3A_481 : i32 to index
        %parallel_loop3A_483 = tpu.vector_load %arg10[%parallel_loop3A_482] {strides = array<i32>} : memref<16384xi32, #tpu.memory_space<vmem>>, vector<16xi32>,
        %parallel_loop3A_484 = arith.constant 96 : i32
        %parallel_loop3A_485 = arith.addi %parallel_loop3A_420, %parallel_loop3A_484 : i32
        %parallel_loop3A_486 = arith.index_cast %parallel_loop3A_485 : i32 to index
        %parallel_loop3A_487 = tpu.vector_load %arg10[%parallel_loop3A_486] {strides = array<i32>} : memref<16384xi32, #tpu.memory_space<vmem>>, vector<16xi32>,
        %parallel_loop3A_488 = arith.constant 112 : i32
        %parallel_loop3A_489 = arith.addi %parallel_loop3A_420, %parallel_loop3A_488 : i32
        %parallel_loop3A_490 = arith.index_cast %parallel_loop3A_489 : i32 to index
        %parallel_loop3A_491 = tpu.vector_load %arg10[%parallel_loop3A_490] {strides = array<i32>} : memref<16384xi32, #tpu.memory_space<vmem>>, vector<16xi32>,
        %parallel_loop3A_492 = vector.bitcast %parallel_loop3A_463 : vector<16xi32> to vector<32xbf16>
        %parallel_loop3A_493 = tpu.unpack_subelements %parallel_loop3A_492, 0 {pack_format = #tpu.pack_format<interleaved>} : vector<32xbf16> -> vector<16xf32>
        %parallel_loop3A_494 = tpu.unpack_subelements %parallel_loop3A_492, 1 {pack_format = #tpu.pack_format<interleaved>} : vector<32xbf16> -> vector<16xf32>
        %parallel_loop3A_495 = arith.mulf %parallel_loop3A_431, %parallel_loop3A_493 : vector<16xf32>
        %parallel_loop3A_496 = arith.addf %parallel_loop3A_495, %parallel_loop3A_494 : vector<16xf32>
        %parallel_loop3A_497 = arith.constant 0 : i32
        %parallel_loop3A_498 = arith.addi %parallel_loop3A_427, %parallel_loop3A_497 : i32
        %parallel_loop3A_499 = arith.index_cast %parallel_loop3A_498 : i32 to index
        %parallel_loop3A_500 = tpu.vector_load %arg15[%parallel_loop3A_499] {strides = array<i32>} : memref<32768xf32, #tpu.memory_space<vmem>>, vector<16xf32>,
        tpu.vector_store %arg15[%parallel_loop3A_499], %parallel_loop3A_496 {strides = array<i32>} : memref<32768xf32, #tpu.memory_space<vmem>>, vector<16xf32>,
        %parallel_loop3A_501 = vector.bitcast %parallel_loop3A_467 : vector<16xi32> to vector<32xbf16>
        %parallel_loop3A_502 = tpu.unpack_subelements %parallel_loop3A_501, 0 {pack_format = #tpu.pack_format<interleaved>} : vector<32xbf16> -> vector<16xf32>
        %parallel_loop3A_503 = tpu.unpack_subelements %parallel_loop3A_501, 1 {pack_format = #tpu.pack_format<interleaved>} : vector<32xbf16> -> vector<16xf32>
        %parallel_loop3A_504 = arith.mulf %parallel_loop3A_435, %parallel_loop3A_502 : vector<16xf32>
        %parallel_loop3A_505 = arith.addf %parallel_loop3A_504, %parallel_loop3A_503 : vector<16xf32>
        %parallel_loop3A_506 = arith.constant 16 : i32
        %parallel_loop3A_507 = arith.addi %parallel_loop3A_427, %parallel_loop3A_506 : i32
        %parallel_loop3A_508 = arith.index_cast %parallel_loop3A_507 : i32 to index
        %parallel_loop3A_509 = tpu.vector_load %arg15[%parallel_loop3A_508] {strides = array<i32>} : memref<32768xf32, #tpu.memory_space<vmem>>, vector<16xf32>,
        tpu.vector_store %arg15[%parallel_loop3A_508], %parallel_loop3A_505 {strides = array<i32>} : memref<32768xf32, #tpu.memory_space<vmem>>, vector<16xf32>,
        %parallel_loop3A_510 = vector.bitcast %parallel_loop3A_471 : vector<16xi32> to vector<32xbf16>
        %parallel_loop3A_511 = tpu.unpack_subelements %parallel_loop3A_510, 0 {pack_format = #tpu.pack_format<interleaved>} : vector<32xbf16> -> vector<16xf32>
        %parallel_loop3A_512 = tpu.unpack_subelements %parallel_loop3A_510, 1 {pack_format = #tpu.pack_format<interleaved>} : vector<32xbf16> -> vector<16xf32>
        %parallel_loop3A_513 = arith.mulf %parallel_loop3A_439, %parallel_loop3A_511 : vector<16xf32>
        %parallel_loop3A_514 = arith.addf %parallel_loop3A_513, %parallel_loop3A_512 : vector<16xf32>
        %parallel_loop3A_515 = arith.constant 32 : i32
        %parallel_loop3A_516 = arith.addi %parallel_loop3A_427, %parallel_loop3A_515 : i32
        %parallel_loop3A_517 = arith.index_cast %parallel_loop3A_516 : i32 to index
        %parallel_loop3A_518 = tpu.vector_load %arg15[%parallel_loop3A_517] {strides = array<i32>} : memref<32768xf32, #tpu.memory_space<vmem>>, vector<16xf32>,
        tpu.vector_store %arg15[%parallel_loop3A_517], %parallel_loop3A_514 {strides = array<i32>} : memref<32768xf32, #tpu.memory_space<vmem>>, vector<16xf32>,
        %parallel_loop3A_519 = vector.bitcast %parallel_loop3A_475 : vector<16xi32> to vector<32xbf16>
        %parallel_loop3A_520 = tpu.unpack_subelements %parallel_loop3A_519, 0 {pack_format = #tpu.pack_format<interleaved>} : vector<32xbf16> -> vector<16xf32>
        %parallel_loop3A_521 = tpu.unpack_subelements %parallel_loop3A_519, 1 {pack_format = #tpu.pack_format<interleaved>} : vector<32xbf16> -> vector<16xf32>
        %parallel_loop3A_522 = arith.mulf %parallel_loop3A_443, %parallel_loop3A_520 : vector<16xf32>
        %parallel_loop3A_523 = arith.addf %parallel_loop3A_522, %parallel_loop3A_521 : vector<16xf32>
        %parallel_loop3A_524 = arith.constant 48 : i32
        %parallel_loop3A_525 = arith.addi %parallel_loop3A_427, %parallel_loop3A_524 : i32
        %parallel_loop3A_526 = arith.index_cast %parallel_loop3A_525 : i32 to index
        %parallel_loop3A_527 = tpu.vector_load %arg15[%parallel_loop3A_526] {strides = array<i32>} : memref<32768xf32, #tpu.memory_space<vmem>>, vector<16xf32>,
        tpu.vector_store %arg15[%parallel_loop3A_526], %parallel_loop3A_523 {strides = array<i32>} : memref<32768xf32, #tpu.memory_space<vmem>>, vector<16xf32>,
        %parallel_loop3A_528 = vector.bitcast %parallel_loop3A_479 : vector<16xi32> to vector<32xbf16>
        %parallel_loop3A_529 = tpu.unpack_subelements %parallel_loop3A_528, 0 {pack_format = #tpu.pack_format<interleaved>} : vector<32xbf16> -> vector<16xf32>
        %parallel_loop3A_530 = tpu.unpack_subelements %parallel_loop3A_528, 1 {pack_format = #tpu.pack_format<interleaved>} : vector<32xbf16> -> vector<16xf32>
        %parallel_loop3A_531 = arith.mulf %parallel_loop3A_447, %parallel_loop3A_529 : vector<16xf32>
        %parallel_loop3A_532 = arith.addf %parallel_loop3A_531, %parallel_loop3A_530 : vector<16xf32>
        %parallel_loop3A_533 = arith.constant 64 : i32
        %parallel_loop3A_534 = arith.addi %parallel_loop3A_427, %parallel_loop3A_533 : i32
        %parallel_loop3A_535 = arith.index_cast %parallel_loop3A_534 : i32 to index
        %parallel_loop3A_536 = tpu.vector_load %arg15[%parallel_loop3A_535] {strides = array<i32>} : memref<32768xf32, #tpu.memory_space<vmem>>, vector<16xf32>,
        tpu.vector_store %arg15[%parallel_loop3A_535], %parallel_loop3A_532 {strides = array<i32>} : memref<32768xf32, #tpu.memory_space<vmem>>, vector<16xf32>,
        %parallel_loop3A_537 = vector.bitcast %parallel_loop3A_483 : vector<16xi32> to vector<32xbf16>
        %parallel_loop3A_538 = tpu.unpack_subelements %parallel_loop3A_537, 0 {pack_format = #tpu.pack_format<interleaved>} : vector<32xbf16> -> vector<16xf32>
        %parallel_loop3A_539 = tpu.unpack_subelements %parallel_loop3A_537, 1 {pack_format = #tpu.pack_format<interleaved>} : vector<32xbf16> -> vector<16xf32>
        %parallel_loop3A_540 = arith.mulf %parallel_loop3A_451, %parallel_loop3A_538 : vector<16xf32>
        %parallel_loop3A_541 = arith.addf %parallel_loop3A_540, %parallel_loop3A_539 : vector<16xf32>
        %parallel_loop3A_542 = arith.constant 80 : i32
        %parallel_loop3A_543 = arith.addi %parallel_loop3A_427, %parallel_loop3A_542 : i32
        %parallel_loop3A_544 = arith.index_cast %parallel_loop3A_543 : i32 to index
        %parallel_loop3A_545 = tpu.vector_load %arg15[%parallel_loop3A_544] {strides = array<i32>} : memref<32768xf32, #tpu.memory_space<vmem>>, vector<16xf32>,
        tpu.vector_store %arg15[%parallel_loop3A_544], %parallel_loop3A_541 {strides = array<i32>} : memref<32768xf32, #tpu.memory_space<vmem>>, vector<16xf32>,
        %parallel_loop3A_546 = vector.bitcast %parallel_loop3A_487 : vector<16xi32> to vector<32xbf16>
        %parallel_loop3A_547 = tpu.unpack_subelements %parallel_loop3A_546, 0 {pack_format = #tpu.pack_format<interleaved>} : vector<32xbf16> -> vector<16xf32>
        %parallel_loop3A_548 = tpu.unpack_subelements %parallel_loop3A_546, 1 {pack_format = #tpu.pack_format<interleaved>} : vector<32xbf16> -> vector<16xf32>
        %parallel_loop3A_549 = arith.mulf %parallel_loop3A_455, %parallel_loop3A_547 : vector<16xf32>
        %parallel_loop3A_550 = arith.addf %parallel_loop3A_549, %parallel_loop3A_548 : vector<16xf32>
        %parallel_loop3A_551 = arith.constant 96 : i32
        %parallel_loop3A_552 = arith.addi %parallel_loop3A_427, %parallel_loop3A_551 : i32
        %parallel_loop3A_553 = arith.index_cast %parallel_loop3A_552 : i32 to index
        %parallel_loop3A_554 = tpu.vector_load %arg15[%parallel_loop3A_553] {strides = array<i32>} : memref<32768xf32, #tpu.memory_space<vmem>>, vector<16xf32>,
        tpu.vector_store %arg15[%parallel_loop3A_553], %parallel_loop3A_550 {strides = array<i32>} : memref<32768xf32, #tpu.memory_space<vmem>>, vector<16xf32>,
        %parallel_loop3A_555 = vector.bitcast %parallel_loop3A_491 : vector<16xi32> to vector<32xbf16>
        %parallel_loop3A_556 = tpu.unpack_subelements %parallel_loop3A_555, 0 {pack_format = #tpu.pack_format<interleaved>} : vector<32xbf16> -> vector<16xf32>
        %parallel_loop3A_557 = tpu.unpack_subelements %parallel_loop3A_555, 1 {pack_format = #tpu.pack_format<interleaved>} : vector<32xbf16> -> vector<16xf32>
        %parallel_loop3A_558 = arith.mulf %parallel_loop3A_459, %parallel_loop3A_556 : vector<16xf32>
        %parallel_loop3A_559 = arith.addf %parallel_loop3A_558, %parallel_loop3A_557 : vector<16xf32>
        %parallel_loop3A_560 = arith.constant 112 : i32
        %parallel_loop3A_561 = arith.addi %parallel_loop3A_427, %parallel_loop3A_560 : i32
        %parallel_loop3A_562 = arith.index_cast %parallel_loop3A_561 : i32 to index
        %parallel_loop3A_563 = tpu.vector_load %arg15[%parallel_loop3A_562] {strides = array<i32>} : memref<32768xf32, #tpu.memory_space<vmem>>, vector<16xf32>,
        tpu.vector_store %arg15[%parallel_loop3A_562], %parallel_loop3A_559 {strides = array<i32>} : memref<32768xf32, #tpu.memory_space<vmem>>, vector<16xf32>,
        %parallel_loop3A_564 = vector.extract_strided_slice %parallel_loop3A_119 {offsets = [3], sizes = [1], strides = [1]} : vector<16xi32> to vector<1xi32>
        %parallel_loop3A_565 = vector.extract %parallel_loop3A_564[0] : i32 from vector<1xi32>
        %parallel_loop3A_566 = arith.constant 128 : i32
        %parallel_loop3A_567 = arith.muli %parallel_loop3A_565, %parallel_loop3A_566 : i32
        %parallel_loop3A_568 = arith.constant 16 : i32
        %parallel_loop3A_569 = arith.muli %parallel_loop3A_114, %parallel_loop3A_568 : i32
        %parallel_loop3A_570 = arith.constant 3 : i32
        %parallel_loop3A_571 = arith.addi %parallel_loop3A_569, %parallel_loop3A_570 : i32
        %parallel_loop3A_572 = arith.constant 128 : i32
        %parallel_loop3A_573 = arith.muli %parallel_loop3A_571, %parallel_loop3A_572 : i32
        %parallel_loop3A_574 = arith.addi %mul3A_43, %parallel_loop3A_573 : i32
        %parallel_loop3A_575 = arith.constant 0 : i32
        %parallel_loop3A_576 = arith.addi %parallel_loop3A_574, %parallel_loop3A_575 : i32
        %parallel_loop3A_577 = arith.index_cast %parallel_loop3A_576 : i32 to index
        %parallel_loop3A_578 = tpu.vector_load %arg14[%parallel_loop3A_577] {strides = array<i32>} : memref<32768xf32, #tpu.memory_space<vmem>>, vector<16xf32>,
        %parallel_loop3A_579 = arith.constant 16 : i32
        %parallel_loop3A_580 = arith.addi %parallel_loop3A_574, %parallel_loop3A_579 : i32
        %parallel_loop3A_581 = arith.index_cast %parallel_loop3A_580 : i32 to index
        %parallel_loop3A_582 = tpu.vector_load %arg14[%parallel_loop3A_581] {strides = array<i32>} : memref<32768xf32, #tpu.memory_space<vmem>>, vector<16xf32>,
        %parallel_loop3A_583 = arith.constant 32 : i32
        %parallel_loop3A_584 = arith.addi %parallel_loop3A_574, %parallel_loop3A_583 : i32
        %parallel_loop3A_585 = arith.index_cast %parallel_loop3A_584 : i32 to index
        %parallel_loop3A_586 = tpu.vector_load %arg14[%parallel_loop3A_585] {strides = array<i32>} : memref<32768xf32, #tpu.memory_space<vmem>>, vector<16xf32>,
        %parallel_loop3A_587 = arith.constant 48 : i32
        %parallel_loop3A_588 = arith.addi %parallel_loop3A_574, %parallel_loop3A_587 : i32
        %parallel_loop3A_589 = arith.index_cast %parallel_loop3A_588 : i32 to index
        %parallel_loop3A_590 = tpu.vector_load %arg14[%parallel_loop3A_589] {strides = array<i32>} : memref<32768xf32, #tpu.memory_space<vmem>>, vector<16xf32>,
        %parallel_loop3A_591 = arith.constant 64 : i32
        %parallel_loop3A_592 = arith.addi %parallel_loop3A_574, %parallel_loop3A_591 : i32
        %parallel_loop3A_593 = arith.index_cast %parallel_loop3A_592 : i32 to index
        %parallel_loop3A_594 = tpu.vector_load %arg14[%parallel_loop3A_593] {strides = array<i32>} : memref<32768xf32, #tpu.memory_space<vmem>>, vector<16xf32>,
        %parallel_loop3A_595 = arith.constant 80 : i32
        %parallel_loop3A_596 = arith.addi %parallel_loop3A_574, %parallel_loop3A_595 : i32
        %parallel_loop3A_597 = arith.index_cast %parallel_loop3A_596 : i32 to index
        %parallel_loop3A_598 = tpu.vector_load %arg14[%parallel_loop3A_597] {strides = array<i32>} : memref<32768xf32, #tpu.memory_space<vmem>>, vector<16xf32>,
        %parallel_loop3A_599 = arith.constant 96 : i32
        %parallel_loop3A_600 = arith.addi %parallel_loop3A_574, %parallel_loop3A_599 : i32
        %parallel_loop3A_601 = arith.index_cast %parallel_loop3A_600 : i32 to index
        %parallel_loop3A_602 = tpu.vector_load %arg14[%parallel_loop3A_601] {strides = array<i32>} : memref<32768xf32, #tpu.memory_space<vmem>>, vector<16xf32>,
        %parallel_loop3A_603 = arith.constant 112 : i32
        %parallel_loop3A_604 = arith.addi %parallel_loop3A_574, %parallel_loop3A_603 : i32
        %parallel_loop3A_605 = arith.index_cast %parallel_loop3A_604 : i32 to index
        %parallel_loop3A_606 = tpu.vector_load %arg14[%parallel_loop3A_605] {strides = array<i32>} : memref<32768xf32, #tpu.memory_space<vmem>>, vector<16xf32>,
        %parallel_loop3A_607 = arith.constant 0 : i32
        %parallel_loop3A_608 = arith.addi %parallel_loop3A_567, %parallel_loop3A_607 : i32
        %parallel_loop3A_609 = arith.index_cast %parallel_loop3A_608 : i32 to index
        %parallel_loop3A_610 = tpu.vector_load %arg10[%parallel_loop3A_609] {strides = array<i32>} : memref<16384xi32, #tpu.memory_space<vmem>>, vector<16xi32>,
        %parallel_loop3A_611 = arith.constant 16 : i32
        %parallel_loop3A_612 = arith.addi %parallel_loop3A_567, %parallel_loop3A_611 : i32
        %parallel_loop3A_613 = arith.index_cast %parallel_loop3A_612 : i32 to index
        %parallel_loop3A_614 = tpu.vector_load %arg10[%parallel_loop3A_613] {strides = array<i32>} : memref<16384xi32, #tpu.memory_space<vmem>>, vector<16xi32>,
        %parallel_loop3A_615 = arith.constant 32 : i32
        %parallel_loop3A_616 = arith.addi %parallel_loop3A_567, %parallel_loop3A_615 : i32
        %parallel_loop3A_617 = arith.index_cast %parallel_loop3A_616 : i32 to index
        %parallel_loop3A_618 = tpu.vector_load %arg10[%parallel_loop3A_617] {strides = array<i32>} : memref<16384xi32, #tpu.memory_space<vmem>>, vector<16xi32>,
        %parallel_loop3A_619 = arith.constant 48 : i32
        %parallel_loop3A_620 = arith.addi %parallel_loop3A_567, %parallel_loop3A_619 : i32
        %parallel_loop3A_621 = arith.index_cast %parallel_loop3A_620 : i32 to index
        %parallel_loop3A_622 = tpu.vector_load %arg10[%parallel_loop3A_621] {strides = array<i32>} : memref<16384xi32, #tpu.memory_space<vmem>>, vector<16xi32>,
        %parallel_loop3A_623 = arith.constant 64 : i32
        %parallel_loop3A_624 = arith.addi %parallel_loop3A_567, %parallel_loop3A_623 : i32
        %parallel_loop3A_625 = arith.index_cast %parallel_loop3A_624 : i32 to index
        %parallel_loop3A_626 = tpu.vector_load %arg10[%parallel_loop3A_625] {strides = array<i32>} : memref<16384xi32, #tpu.memory_space<vmem>>, vector<16xi32>,
        %parallel_loop3A_627 = arith.constant 80 : i32
        %parallel_loop3A_628 = arith.addi %parallel_loop3A_567, %parallel_loop3A_627 : i32
        %parallel_loop3A_629 = arith.index_cast %parallel_loop3A_628 : i32 to index
        %parallel_loop3A_630 = tpu.vector_load %arg10[%parallel_loop3A_629] {strides = array<i32>} : memref<16384xi32, #tpu.memory_space<vmem>>, vector<16xi32>,
        %parallel_loop3A_631 = arith.constant 96 : i32
        %parallel_loop3A_632 = arith.addi %parallel_loop3A_567, %parallel_loop3A_631 : i32
        %parallel_loop3A_633 = arith.index_cast %parallel_loop3A_632 : i32 to index
        %parallel_loop3A_634 = tpu.vector_load %arg10[%parallel_loop3A_633] {strides = array<i32>} : memref<16384xi32, #tpu.memory_space<vmem>>, vector<16xi32>,
        %parallel_loop3A_635 = arith.constant 112 : i32
        %parallel_loop3A_636 = arith.addi %parallel_loop3A_567, %parallel_loop3A_635 : i32
        %parallel_loop3A_637 = arith.index_cast %parallel_loop3A_636 : i32 to index
        %parallel_loop3A_638 = tpu.vector_load %arg10[%parallel_loop3A_637] {strides = array<i32>} : memref<16384xi32, #tpu.memory_space<vmem>>, vector<16xi32>,
        %parallel_loop3A_639 = vector.bitcast %parallel_loop3A_610 : vector<16xi32> to vector<32xbf16>
        %parallel_loop3A_640 = tpu.unpack_subelements %parallel_loop3A_639, 0 {pack_format = #tpu.pack_format<interleaved>} : vector<32xbf16> -> vector<16xf32>
        %parallel_loop3A_641 = tpu.unpack_subelements %parallel_loop3A_639, 1 {pack_format = #tpu.pack_format<interleaved>} : vector<32xbf16> -> vector<16xf32>
        %parallel_loop3A_642 = arith.mulf %parallel_loop3A_578, %parallel_loop3A_640 : vector<16xf32>
        %parallel_loop3A_643 = arith.addf %parallel_loop3A_642, %parallel_loop3A_641 : vector<16xf32>
        %parallel_loop3A_644 = arith.constant 0 : i32
        %parallel_loop3A_645 = arith.addi %parallel_loop3A_574, %parallel_loop3A_644 : i32
        %parallel_loop3A_646 = arith.index_cast %parallel_loop3A_645 : i32 to index
        %parallel_loop3A_647 = tpu.vector_load %arg15[%parallel_loop3A_646] {strides = array<i32>} : memref<32768xf32, #tpu.memory_space<vmem>>, vector<16xf32>,
        tpu.vector_store %arg15[%parallel_loop3A_646], %parallel_loop3A_643 {strides = array<i32>} : memref<32768xf32, #tpu.memory_space<vmem>>, vector<16xf32>,
        %parallel_loop3A_648 = vector.bitcast %parallel_loop3A_614 : vector<16xi32> to vector<32xbf16>
        %parallel_loop3A_649 = tpu.unpack_subelements %parallel_loop3A_648, 0 {pack_format = #tpu.pack_format<interleaved>} : vector<32xbf16> -> vector<16xf32>
        %parallel_loop3A_650 = tpu.unpack_subelements %parallel_loop3A_648, 1 {pack_format = #tpu.pack_format<interleaved>} : vector<32xbf16> -> vector<16xf32>
        %parallel_loop3A_651 = arith.mulf %parallel_loop3A_582, %parallel_loop3A_649 : vector<16xf32>
        %parallel_loop3A_652 = arith.addf %parallel_loop3A_651, %parallel_loop3A_650 : vector<16xf32>
        %parallel_loop3A_653 = arith.constant 16 : i32
        %parallel_loop3A_654 = arith.addi %parallel_loop3A_574, %parallel_loop3A_653 : i32
        %parallel_loop3A_655 = arith.index_cast %parallel_loop3A_654 : i32 to index
        %parallel_loop3A_656 = tpu.vector_load %arg15[%parallel_loop3A_655] {strides = array<i32>} : memref<32768xf32, #tpu.memory_space<vmem>>, vector<16xf32>,
        tpu.vector_store %arg15[%parallel_loop3A_655], %parallel_loop3A_652 {strides = array<i32>} : memref<32768xf32, #tpu.memory_space<vmem>>, vector<16xf32>,
        %parallel_loop3A_657 = vector.bitcast %parallel_loop3A_618 : vector<16xi32> to vector<32xbf16>
        %parallel_loop3A_658 = tpu.unpack_subelements %parallel_loop3A_657, 0 {pack_format = #tpu.pack_format<interleaved>} : vector<32xbf16> -> vector<16xf32>
        %parallel_loop3A_659 = tpu.unpack_subelements %parallel_loop3A_657, 1 {pack_format = #tpu.pack_format<interleaved>} : vector<32xbf16> -> vector<16xf32>
        %parallel_loop3A_660 = arith.mulf %parallel_loop3A_586, %parallel_loop3A_658 : vector<16xf32>
        %parallel_loop3A_661 = arith.addf %parallel_loop3A_660, %parallel_loop3A_659 : vector<16xf32>
        %parallel_loop3A_662 = arith.constant 32 : i32
        %parallel_loop3A_663 = arith.addi %parallel_loop3A_574, %parallel_loop3A_662 : i32
        %parallel_loop3A_664 = arith.index_cast %parallel_loop3A_663 : i32 to index
        %parallel_loop3A_665 = tpu.vector_load %arg15[%parallel_loop3A_664] {strides = array<i32>} : memref<32768xf32, #tpu.memory_space<vmem>>, vector<16xf32>,
        tpu.vector_store %arg15[%parallel_loop3A_664], %parallel_loop3A_661 {strides = array<i32>} : memref<32768xf32, #tpu.memory_space<vmem>>, vector<16xf32>,
        %parallel_loop3A_666 = vector.bitcast %parallel_loop3A_622 : vector<16xi32> to vector<32xbf16>
        %parallel_loop3A_667 = tpu.unpack_subelements %parallel_loop3A_666, 0 {pack_format = #tpu.pack_format<interleaved>} : vector<32xbf16> -> vector<16xf32>
        %parallel_loop3A_668 = tpu.unpack_subelements %parallel_loop3A_666, 1 {pack_format = #tpu.pack_format<interleaved>} : vector<32xbf16> -> vector<16xf32>
        %parallel_loop3A_669 = arith.mulf %parallel_loop3A_590, %parallel_loop3A_667 : vector<16xf32>
        %parallel_loop3A_670 = arith.addf %parallel_loop3A_669, %parallel_loop3A_668 : vector<16xf32>
        %parallel_loop3A_671 = arith.constant 48 : i32
        %parallel_loop3A_672 = arith.addi %parallel_loop3A_574, %parallel_loop3A_671 : i32
        %parallel_loop3A_673 = arith.index_cast %parallel_loop3A_672 : i32 to index
        %parallel_loop3A_674 = tpu.vector_load %arg15[%parallel_loop3A_673] {strides = array<i32>} : memref<32768xf32, #tpu.memory_space<vmem>>, vector<16xf32>,
        tpu.vector_store %arg15[%parallel_loop3A_673], %parallel_loop3A_670 {strides = array<i32>} : memref<32768xf32, #tpu.memory_space<vmem>>, vector<16xf32>,
        %parallel_loop3A_675 = vector.bitcast %parallel_loop3A_626 : vector<16xi32> to vector<32xbf16>
        %parallel_loop3A_676 = tpu.unpack_subelements %parallel_loop3A_675, 0 {pack_format = #tpu.pack_format<interleaved>} : vector<32xbf16> -> vector<16xf32>
        %parallel_loop3A_677 = tpu.unpack_subelements %parallel_loop3A_675, 1 {pack_format = #tpu.pack_format<interleaved>} : vector<32xbf16> -> vector<16xf32>
        %parallel_loop3A_678 = arith.mulf %parallel_loop3A_594, %parallel_loop3A_676 : vector<16xf32>
        %parallel_loop3A_679 = arith.addf %parallel_loop3A_678, %parallel_loop3A_677 : vector<16xf32>
        %parallel_loop3A_680 = arith.constant 64 : i32
        %parallel_loop3A_681 = arith.addi %parallel_loop3A_574, %parallel_loop3A_680 : i32
        %parallel_loop3A_682 = arith.index_cast %parallel_loop3A_681 : i32 to index
        %parallel_loop3A_683 = tpu.vector_load %arg15[%parallel_loop3A_682] {strides = array<i32>} : memref<32768xf32, #tpu.memory_space<vmem>>, vector<16xf32>,
        tpu.vector_store %arg15[%parallel_loop3A_682], %parallel_loop3A_679 {strides = array<i32>} : memref<32768xf32, #tpu.memory_space<vmem>>, vector<16xf32>,
        %parallel_loop3A_684 = vector.bitcast %parallel_loop3A_630 : vector<16xi32> to vector<32xbf16>
        %parallel_loop3A_685 = tpu.unpack_subelements %parallel_loop3A_684, 0 {pack_format = #tpu.pack_format<interleaved>} : vector<32xbf16> -> vector<16xf32>
        %parallel_loop3A_686 = tpu.unpack_subelements %parallel_loop3A_684, 1 {pack_format = #tpu.pack_format<interleaved>} : vector<32xbf16> -> vector<16xf32>
        %parallel_loop3A_687 = arith.mulf %parallel_loop3A_598, %parallel_loop3A_685 : vector<16xf32>
        %parallel_loop3A_688 = arith.addf %parallel_loop3A_687, %parallel_loop3A_686 : vector<16xf32>
        %parallel_loop3A_689 = arith.constant 80 : i32
        %parallel_loop3A_690 = arith.addi %parallel_loop3A_574, %parallel_loop3A_689 : i32
        %parallel_loop3A_691 = arith.index_cast %parallel_loop3A_690 : i32 to index
        %parallel_loop3A_692 = tpu.vector_load %arg15[%parallel_loop3A_691] {strides = array<i32>} : memref<32768xf32, #tpu.memory_space<vmem>>, vector<16xf32>,
        tpu.vector_store %arg15[%parallel_loop3A_691], %parallel_loop3A_688 {strides = array<i32>} : memref<32768xf32, #tpu.memory_space<vmem>>, vector<16xf32>,
        %parallel_loop3A_693 = vector.bitcast %parallel_loop3A_634 : vector<16xi32> to vector<32xbf16>
        %parallel_loop3A_694 = tpu.unpack_subelements %parallel_loop3A_693, 0 {pack_format = #tpu.pack_format<interleaved>} : vector<32xbf16> -> vector<16xf32>
        %parallel_loop3A_695 = tpu.unpack_subelements %parallel_loop3A_693, 1 {pack_format = #tpu.pack_format<interleaved>} : vector<32xbf16> -> vector<16xf32>
        %parallel_loop3A_696 = arith.mulf %parallel_loop3A_602, %parallel_loop3A_694 : vector<16xf32>
        %parallel_loop3A_697 = arith.addf %parallel_loop3A_696, %parallel_loop3A_695 : vector<16xf32>
        %parallel_loop3A_698 = arith.constant 96 : i32
        %parallel_loop3A_699 = arith.addi %parallel_loop3A_574, %parallel_loop3A_698 : i32
        %parallel_loop3A_700 = arith.index_cast %parallel_loop3A_699 : i32 to index
        %parallel_loop3A_701 = tpu.vector_load %arg15[%parallel_loop3A_700] {strides = array<i32>} : memref<32768xf32, #tpu.memory_space<vmem>>, vector<16xf32>,
        tpu.vector_store %arg15[%parallel_loop3A_700], %parallel_loop3A_697 {strides = array<i32>} : memref<32768xf32, #tpu.memory_space<vmem>>, vector<16xf32>,
        %parallel_loop3A_702 = vector.bitcast %parallel_loop3A_638 : vector<16xi32> to vector<32xbf16>
        %parallel_loop3A_703 = tpu.unpack_subelements %parallel_loop3A_702, 0 {pack_format = #tpu.pack_format<interleaved>} : vector<32xbf16> -> vector<16xf32>
        %parallel_loop3A_704 = tpu.unpack_subelements %parallel_loop3A_702, 1 {pack_format = #tpu.pack_format<interleaved>} : vector<32xbf16> -> vector<16xf32>
        %parallel_loop3A_705 = arith.mulf %parallel_loop3A_606, %parallel_loop3A_703 : vector<16xf32>
        %parallel_loop3A_706 = arith.addf %parallel_loop3A_705, %parallel_loop3A_704 : vector<16xf32>
        %parallel_loop3A_707 = arith.constant 112 : i32
        %parallel_loop3A_708 = arith.addi %parallel_loop3A_574, %parallel_loop3A_707 : i32
        %parallel_loop3A_709 = arith.index_cast %parallel_loop3A_708 : i32 to index
        %parallel_loop3A_710 = tpu.vector_load %arg15[%parallel_loop3A_709] {strides = array<i32>} : memref<32768xf32, #tpu.memory_space<vmem>>, vector<16xf32>,
        tpu.vector_store %arg15[%parallel_loop3A_709], %parallel_loop3A_706 {strides = array<i32>} : memref<32768xf32, #tpu.memory_space<vmem>>, vector<16xf32>,
        %parallel_loop3A_711 = vector.extract_strided_slice %parallel_loop3A_119 {offsets = [4], sizes = [1], strides = [1]} : vector<16xi32> to vector<1xi32>
        %parallel_loop3A_712 = vector.extract %parallel_loop3A_711[0] : i32 from vector<1xi32>
        %parallel_loop3A_713 = arith.constant 128 : i32
        %parallel_loop3A_714 = arith.muli %parallel_loop3A_712, %parallel_loop3A_713 : i32
        %parallel_loop3A_715 = arith.constant 16 : i32
        %parallel_loop3A_716 = arith.muli %parallel_loop3A_114, %parallel_loop3A_715 : i32
        %parallel_loop3A_717 = arith.constant 4 : i32
        %parallel_loop3A_718 = arith.addi %parallel_loop3A_716, %parallel_loop3A_717 : i32
        %parallel_loop3A_719 = arith.constant 128 : i32
        %parallel_loop3A_720 = arith.muli %parallel_loop3A_718, %parallel_loop3A_719 : i32
        %parallel_loop3A_721 = arith.addi %mul3A_43, %parallel_loop3A_720 : i32
        %parallel_loop3A_722 = arith.constant 0 : i32
        %parallel_loop3A_723 = arith.addi %parallel_loop3A_721, %parallel_loop3A_722 : i32
        %parallel_loop3A_724 = arith.index_cast %parallel_loop3A_723 : i32 to index
        %parallel_loop3A_725 = tpu.vector_load %arg14[%parallel_loop3A_724] {strides = array<i32>} : memref<32768xf32, #tpu.memory_space<vmem>>, vector<16xf32>,
        %parallel_loop3A_726 = arith.constant 16 : i32
        %parallel_loop3A_727 = arith.addi %parallel_loop3A_721, %parallel_loop3A_726 : i32
        %parallel_loop3A_728 = arith.index_cast %parallel_loop3A_727 : i32 to index
        %parallel_loop3A_729 = tpu.vector_load %arg14[%parallel_loop3A_728] {strides = array<i32>} : memref<32768xf32, #tpu.memory_space<vmem>>, vector<16xf32>,
        %parallel_loop3A_730 = arith.constant 32 : i32
        %parallel_loop3A_731 = arith.addi %parallel_loop3A_721, %parallel_loop3A_730 : i32
        %parallel_loop3A_732 = arith.index_cast %parallel_loop3A_731 : i32 to index
        %parallel_loop3A_733 = tpu.vector_load %arg14[%parallel_loop3A_732] {strides = array<i32>} : memref<32768xf32, #tpu.memory_space<vmem>>, vector<16xf32>,
        %parallel_loop3A_734 = arith.constant 48 : i32
        %parallel_loop3A_735 = arith.addi %parallel_loop3A_721, %parallel_loop3A_734 : i32
        %parallel_loop3A_736 = arith.index_cast %parallel_loop3A_735 : i32 to index
        %parallel_loop3A_737 = tpu.vector_load %arg14[%parallel_loop3A_736] {strides = array<i32>} : memref<32768xf32, #tpu.memory_space<vmem>>, vector<16xf32>,
        %parallel_loop3A_738 = arith.constant 64 : i32
        %parallel_loop3A_739 = arith.addi %parallel_loop3A_721, %parallel_loop3A_738 : i32
        %parallel_loop3A_740 = arith.index_cast %parallel_loop3A_739 : i32 to index
        %parallel_loop3A_741 = tpu.vector_load %arg14[%parallel_loop3A_740] {strides = array<i32>} : memref<32768xf32, #tpu.memory_space<vmem>>, vector<16xf32>,
        %parallel_loop3A_742 = arith.constant 80 : i32
        %parallel_loop3A_743 = arith.addi %parallel_loop3A_721, %parallel_loop3A_742 : i32
        %parallel_loop3A_744 = arith.index_cast %parallel_loop3A_743 : i32 to index
        %parallel_loop3A_745 = tpu.vector_load %arg14[%parallel_loop3A_744] {strides = array<i32>} : memref<32768xf32, #tpu.memory_space<vmem>>, vector<16xf32>,
        %parallel_loop3A_746 = arith.constant 96 : i32
        %parallel_loop3A_747 = arith.addi %parallel_loop3A_721, %parallel_loop3A_746 : i32
        %parallel_loop3A_748 = arith.index_cast %parallel_loop3A_747 : i32 to index
        %parallel_loop3A_749 = tpu.vector_load %arg14[%parallel_loop3A_748] {strides = array<i32>} : memref<32768xf32, #tpu.memory_space<vmem>>, vector<16xf32>,
        %parallel_loop3A_750 = arith.constant 112 : i32
        %parallel_loop3A_751 = arith.addi %parallel_loop3A_721, %parallel_loop3A_750 : i32
        %parallel_loop3A_752 = arith.index_cast %parallel_loop3A_751 : i32 to index
        %parallel_loop3A_753 = tpu.vector_load %arg14[%parallel_loop3A_752] {strides = array<i32>} : memref<32768xf32, #tpu.memory_space<vmem>>, vector<16xf32>,
        %parallel_loop3A_754 = arith.constant 0 : i32
        %parallel_loop3A_755 = arith.addi %parallel_loop3A_714, %parallel_loop3A_754 : i32
        %parallel_loop3A_756 = arith.index_cast %parallel_loop3A_755 : i32 to index
        %parallel_loop3A_757 = tpu.vector_load %arg10[%parallel_loop3A_756] {strides = array<i32>} : memref<16384xi32, #tpu.memory_space<vmem>>, vector<16xi32>,
        %parallel_loop3A_758 = arith.constant 16 : i32
        %parallel_loop3A_759 = arith.addi %parallel_loop3A_714, %parallel_loop3A_758 : i32
        %parallel_loop3A_760 = arith.index_cast %parallel_loop3A_759 : i32 to index
        %parallel_loop3A_761 = tpu.vector_load %arg10[%parallel_loop3A_760] {strides = array<i32>} : memref<16384xi32, #tpu.memory_space<vmem>>, vector<16xi32>,
        %parallel_loop3A_762 = arith.constant 32 : i32
        %parallel_loop3A_763 = arith.addi %parallel_loop3A_714, %parallel_loop3A_762 : i32
        %parallel_loop3A_764 = arith.index_cast %parallel_loop3A_763 : i32 to index
        %parallel_loop3A_765 = tpu.vector_load %arg10[%parallel_loop3A_764] {strides = array<i32>} : memref<16384xi32, #tpu.memory_space<vmem>>, vector<16xi32>,
        %parallel_loop3A_766 = arith.constant 48 : i32
        %parallel_loop3A_767 = arith.addi %parallel_loop3A_714, %parallel_loop3A_766 : i32
        %parallel_loop3A_768 = arith.index_cast %parallel_loop3A_767 : i32 to index
        %parallel_loop3A_769 = tpu.vector_load %arg10[%parallel_loop3A_768] {strides = array<i32>} : memref<16384xi32, #tpu.memory_space<vmem>>, vector<16xi32>,
        %parallel_loop3A_770 = arith.constant 64 : i32
        %parallel_loop3A_771 = arith.addi %parallel_loop3A_714, %parallel_loop3A_770 : i32
        %parallel_loop3A_772 = arith.index_cast %parallel_loop3A_771 : i32 to index
        %parallel_loop3A_773 = tpu.vector_load %arg10[%parallel_loop3A_772] {strides = array<i32>} : memref<16384xi32, #tpu.memory_space<vmem>>, vector<16xi32>,
        %parallel_loop3A_774 = arith.constant 80 : i32
        %parallel_loop3A_775 = arith.addi %parallel_loop3A_714, %parallel_loop3A_774 : i32
        %parallel_loop3A_776 = arith.index_cast %parallel_loop3A_775 : i32 to index
        %parallel_loop3A_777 = tpu.vector_load %arg10[%parallel_loop3A_776] {strides = array<i32>} : memref<16384xi32, #tpu.memory_space<vmem>>, vector<16xi32>,
        %parallel_loop3A_778 = arith.constant 96 : i32
        %parallel_loop3A_779 = arith.addi %parallel_loop3A_714, %parallel_loop3A_778 : i32
        %parallel_loop3A_780 = arith.index_cast %parallel_loop3A_779 : i32 to index
        %parallel_loop3A_781 = tpu.vector_load %arg10[%parallel_loop3A_780] {strides = array<i32>} : memref<16384xi32, #tpu.memory_space<vmem>>, vector<16xi32>,
        %parallel_loop3A_782 = arith.constant 112 : i32
        %parallel_loop3A_783 = arith.addi %parallel_loop3A_714, %parallel_loop3A_782 : i32
        %parallel_loop3A_784 = arith.index_cast %parallel_loop3A_783 : i32 to index
        %parallel_loop3A_785 = tpu.vector_load %arg10[%parallel_loop3A_784] {strides = array<i32>} : memref<16384xi32, #tpu.memory_space<vmem>>, vector<16xi32>,
        %parallel_loop3A_786 = vector.bitcast %parallel_loop3A_757 : vector<16xi32> to vector<32xbf16>
        %parallel_loop3A_787 = tpu.unpack_subelements %parallel_loop3A_786, 0 {pack_format = #tpu.pack_format<interleaved>} : vector<32xbf16> -> vector<16xf32>
        %parallel_loop3A_788 = tpu.unpack_subelements %parallel_loop3A_786, 1 {pack_format = #tpu.pack_format<interleaved>} : vector<32xbf16> -> vector<16xf32>
        %parallel_loop3A_789 = arith.mulf %parallel_loop3A_725, %parallel_loop3A_787 : vector<16xf32>
        %parallel_loop3A_790 = arith.addf %parallel_loop3A_789, %parallel_loop3A_788 : vector<16xf32>
        %parallel_loop3A_791 = arith.constant 0 : i32
        %parallel_loop3A_792 = arith.addi %parallel_loop3A_721, %parallel_loop3A_791 : i32
        %parallel_loop3A_793 = arith.index_cast %parallel_loop3A_792 : i32 to index
        %parallel_loop3A_794 = tpu.vector_load %arg15[%parallel_loop3A_793] {strides = array<i32>} : memref<32768xf32, #tpu.memory_space<vmem>>, vector<16xf32>,
        tpu.vector_store %arg15[%parallel_loop3A_793], %parallel_loop3A_790 {strides = array<i32>} : memref<32768xf32, #tpu.memory_space<vmem>>, vector<16xf32>,
        %parallel_loop3A_795 = vector.bitcast %parallel_loop3A_761 : vector<16xi32> to vector<32xbf16>
        %parallel_loop3A_796 = tpu.unpack_subelements %parallel_loop3A_795, 0 {pack_format = #tpu.pack_format<interleaved>} : vector<32xbf16> -> vector<16xf32>
        %parallel_loop3A_797 = tpu.unpack_subelements %parallel_loop3A_795, 1 {pack_format = #tpu.pack_format<interleaved>} : vector<32xbf16> -> vector<16xf32>
        %parallel_loop3A_798 = arith.mulf %parallel_loop3A_729, %parallel_loop3A_796 : vector<16xf32>
        %parallel_loop3A_799 = arith.addf %parallel_loop3A_798, %parallel_loop3A_797 : vector<16xf32>
        %parallel_loop3A_800 = arith.constant 16 : i32
        %parallel_loop3A_801 = arith.addi %parallel_loop3A_721, %parallel_loop3A_800 : i32
        %parallel_loop3A_802 = arith.index_cast %parallel_loop3A_801 : i32 to index
        %parallel_loop3A_803 = tpu.vector_load %arg15[%parallel_loop3A_802] {strides = array<i32>} : memref<32768xf32, #tpu.memory_space<vmem>>, vector<16xf32>,
        tpu.vector_store %arg15[%parallel_loop3A_802], %parallel_loop3A_799 {strides = array<i32>} : memref<32768xf32, #tpu.memory_space<vmem>>, vector<16xf32>,
        %parallel_loop3A_804 = vector.bitcast %parallel_loop3A_765 : vector<16xi32> to vector<32xbf16>
        %parallel_loop3A_805 = tpu.unpack_subelements %parallel_loop3A_804, 0 {pack_format = #tpu.pack_format<interleaved>} : vector<32xbf16> -> vector<16xf32>
        %parallel_loop3A_806 = tpu.unpack_subelements %parallel_loop3A_804, 1 {pack_format = #tpu.pack_format<interleaved>} : vector<32xbf16> -> vector<16xf32>
        %parallel_loop3A_807 = arith.mulf %parallel_loop3A_733, %parallel_loop3A_805 : vector<16xf32>
        %parallel_loop3A_808 = arith.addf %parallel_loop3A_807, %parallel_loop3A_806 : vector<16xf32>
        %parallel_loop3A_809 = arith.constant 32 : i32
        %parallel_loop3A_810 = arith.addi %parallel_loop3A_721, %parallel_loop3A_809 : i32
        %parallel_loop3A_811 = arith.index_cast %parallel_loop3A_810 : i32 to index
        %parallel_loop3A_812 = tpu.vector_load %arg15[%parallel_loop3A_811] {strides = array<i32>} : memref<32768xf32, #tpu.memory_space<vmem>>, vector<16xf32>,
        tpu.vector_store %arg15[%parallel_loop3A_811], %parallel_loop3A_808 {strides = array<i32>} : memref<32768xf32, #tpu.memory_space<vmem>>, vector<16xf32>,
        %parallel_loop3A_813 = vector.bitcast %parallel_loop3A_769 : vector<16xi32> to vector<32xbf16>
        %parallel_loop3A_814 = tpu.unpack_subelements %parallel_loop3A_813, 0 {pack_format = #tpu.pack_format<interleaved>} : vector<32xbf16> -> vector<16xf32>
        %parallel_loop3A_815 = tpu.unpack_subelements %parallel_loop3A_813, 1 {pack_format = #tpu.pack_format<interleaved>} : vector<32xbf16> -> vector<16xf32>
        %parallel_loop3A_816 = arith.mulf %parallel_loop3A_737, %parallel_loop3A_814 : vector<16xf32>
        %parallel_loop3A_817 = arith.addf %parallel_loop3A_816, %parallel_loop3A_815 : vector<16xf32>
        %parallel_loop3A_818 = arith.constant 48 : i32
        %parallel_loop3A_819 = arith.addi %parallel_loop3A_721, %parallel_loop3A_818 : i32
        %parallel_loop3A_820 = arith.index_cast %parallel_loop3A_819 : i32 to index
        %parallel_loop3A_821 = tpu.vector_load %arg15[%parallel_loop3A_820] {strides = array<i32>} : memref<32768xf32, #tpu.memory_space<vmem>>, vector<16xf32>,
        tpu.vector_store %arg15[%parallel_loop3A_820], %parallel_loop3A_817 {strides = array<i32>} : memref<32768xf32, #tpu.memory_space<vmem>>, vector<16xf32>,
        %parallel_loop3A_822 = vector.bitcast %parallel_loop3A_773 : vector<16xi32> to vector<32xbf16>
        %parallel_loop3A_823 = tpu.unpack_subelements %parallel_loop3A_822, 0 {pack_format = #tpu.pack_format<interleaved>} : vector<32xbf16> -> vector<16xf32>
        %parallel_loop3A_824 = tpu.unpack_subelements %parallel_loop3A_822, 1 {pack_format = #tpu.pack_format<interleaved>} : vector<32xbf16> -> vector<16xf32>
        %parallel_loop3A_825 = arith.mulf %parallel_loop3A_741, %parallel_loop3A_823 : vector<16xf32>
        %parallel_loop3A_826 = arith.addf %parallel_loop3A_825, %parallel_loop3A_824 : vector<16xf32>
        %parallel_loop3A_827 = arith.constant 64 : i32
        %parallel_loop3A_828 = arith.addi %parallel_loop3A_721, %parallel_loop3A_827 : i32
        %parallel_loop3A_829 = arith.index_cast %parallel_loop3A_828 : i32 to index
        %parallel_loop3A_830 = tpu.vector_load %arg15[%parallel_loop3A_829] {strides = array<i32>} : memref<32768xf32, #tpu.memory_space<vmem>>, vector<16xf32>,
        tpu.vector_store %arg15[%parallel_loop3A_829], %parallel_loop3A_826 {strides = array<i32>} : memref<32768xf32, #tpu.memory_space<vmem>>, vector<16xf32>,
        %parallel_loop3A_831 = vector.bitcast %parallel_loop3A_777 : vector<16xi32> to vector<32xbf16>
        %parallel_loop3A_832 = tpu.unpack_subelements %parallel_loop3A_831, 0 {pack_format = #tpu.pack_format<interleaved>} : vector<32xbf16> -> vector<16xf32>
        %parallel_loop3A_833 = tpu.unpack_subelements %parallel_loop3A_831, 1 {pack_format = #tpu.pack_format<interleaved>} : vector<32xbf16> -> vector<16xf32>
        %parallel_loop3A_834 = arith.mulf %parallel_loop3A_745, %parallel_loop3A_832 : vector<16xf32>
        %parallel_loop3A_835 = arith.addf %parallel_loop3A_834, %parallel_loop3A_833 : vector<16xf32>
        %parallel_loop3A_836 = arith.constant 80 : i32
        %parallel_loop3A_837 = arith.addi %parallel_loop3A_721, %parallel_loop3A_836 : i32
        %parallel_loop3A_838 = arith.index_cast %parallel_loop3A_837 : i32 to index
        %parallel_loop3A_839 = tpu.vector_load %arg15[%parallel_loop3A_838] {strides = array<i32>} : memref<32768xf32, #tpu.memory_space<vmem>>, vector<16xf32>,
        tpu.vector_store %arg15[%parallel_loop3A_838], %parallel_loop3A_835 {strides = array<i32>} : memref<32768xf32, #tpu.memory_space<vmem>>, vector<16xf32>,
        %parallel_loop3A_840 = vector.bitcast %parallel_loop3A_781 : vector<16xi32> to vector<32xbf16>
        %parallel_loop3A_841 = tpu.unpack_subelements %parallel_loop3A_840, 0 {pack_format = #tpu.pack_format<interleaved>} : vector<32xbf16> -> vector<16xf32>
        %parallel_loop3A_842 = tpu.unpack_subelements %parallel_loop3A_840, 1 {pack_format = #tpu.pack_format<interleaved>} : vector<32xbf16> -> vector<16xf32>
        %parallel_loop3A_843 = arith.mulf %parallel_loop3A_749, %parallel_loop3A_841 : vector<16xf32>
        %parallel_loop3A_844 = arith.addf %parallel_loop3A_843, %parallel_loop3A_842 : vector<16xf32>
        %parallel_loop3A_845 = arith.constant 96 : i32
        %parallel_loop3A_846 = arith.addi %parallel_loop3A_721, %parallel_loop3A_845 : i32
        %parallel_loop3A_847 = arith.index_cast %parallel_loop3A_846 : i32 to index
        %parallel_loop3A_848 = tpu.vector_load %arg15[%parallel_loop3A_847] {strides = array<i32>} : memref<32768xf32, #tpu.memory_space<vmem>>, vector<16xf32>,
        tpu.vector_store %arg15[%parallel_loop3A_847], %parallel_loop3A_844 {strides = array<i32>} : memref<32768xf32, #tpu.memory_space<vmem>>, vector<16xf32>,
        %parallel_loop3A_849 = vector.bitcast %parallel_loop3A_785 : vector<16xi32> to vector<32xbf16>
        %parallel_loop3A_850 = tpu.unpack_subelements %parallel_loop3A_849, 0 {pack_format = #tpu.pack_format<interleaved>} : vector<32xbf16> -> vector<16xf32>
        %parallel_loop3A_851 = tpu.unpack_subelements %parallel_loop3A_849, 1 {pack_format = #tpu.pack_format<interleaved>} : vector<32xbf16> -> vector<16xf32>
        %parallel_loop3A_852 = arith.mulf %parallel_loop3A_753, %parallel_loop3A_850 : vector<16xf32>
        %parallel_loop3A_853 = arith.addf %parallel_loop3A_852, %parallel_loop3A_851 : vector<16xf32>
        %parallel_loop3A_854 = arith.constant 112 : i32
        %parallel_loop3A_855 = arith.addi %parallel_loop3A_721, %parallel_loop3A_854 : i32
        %parallel_loop3A_856 = arith.index_cast %parallel_loop3A_855 : i32 to index
        %parallel_loop3A_857 = tpu.vector_load %arg15[%parallel_loop3A_856] {strides = array<i32>} : memref<32768xf32, #tpu.memory_space<vmem>>, vector<16xf32>,
        tpu.vector_store %arg15[%parallel_loop3A_856], %parallel_loop3A_853 {strides = array<i32>} : memref<32768xf32, #tpu.memory_space<vmem>>, vector<16xf32>,
        %parallel_loop3A_858 = vector.extract_strided_slice %parallel_loop3A_119 {offsets = [5], sizes = [1], strides = [1]} : vector<16xi32> to vector<1xi32>
        %parallel_loop3A_859 = vector.extract %parallel_loop3A_858[0] : i32 from vector<1xi32>
        %parallel_loop3A_860 = arith.constant 128 : i32
        %parallel_loop3A_861 = arith.muli %parallel_loop3A_859, %parallel_loop3A_860 : i32
        %parallel_loop3A_862 = arith.constant 16 : i32
        %parallel_loop3A_863 = arith.muli %parallel_loop3A_114, %parallel_loop3A_862 : i32
        %parallel_loop3A_864 = arith.constant 5 : i32
        %parallel_loop3A_865 = arith.addi %parallel_loop3A_863, %parallel_loop3A_864 : i32
        %parallel_loop3A_866 = arith.constant 128 : i32
        %parallel_loop3A_867 = arith.muli %parallel_loop3A_865, %parallel_loop3A_866 : i32
        %parallel_loop3A_868 = arith.addi %mul3A_43, %parallel_loop3A_867 : i32
        %parallel_loop3A_869 = arith.constant 0 : i32
        %parallel_loop3A_870 = arith.addi %parallel_loop3A_868, %parallel_loop3A_869 : i32
        %parallel_loop3A_871 = arith.index_cast %parallel_loop3A_870 : i32 to index
        %parallel_loop3A_872 = tpu.vector_load %arg14[%parallel_loop3A_871] {strides = array<i32>} : memref<32768xf32, #tpu.memory_space<vmem>>, vector<16xf32>,
        %parallel_loop3A_873 = arith.constant 16 : i32
        %parallel_loop3A_874 = arith.addi %parallel_loop3A_868, %parallel_loop3A_873 : i32
        %parallel_loop3A_875 = arith.index_cast %parallel_loop3A_874 : i32 to index
        %parallel_loop3A_876 = tpu.vector_load %arg14[%parallel_loop3A_875] {strides = array<i32>} : memref<32768xf32, #tpu.memory_space<vmem>>, vector<16xf32>,
        %parallel_loop3A_877 = arith.constant 32 : i32
        %parallel_loop3A_878 = arith.addi %parallel_loop3A_868, %parallel_loop3A_877 : i32
        %parallel_loop3A_879 = arith.index_cast %parallel_loop3A_878 : i32 to index
        %parallel_loop3A_880 = tpu.vector_load %arg14[%parallel_loop3A_879] {strides = array<i32>} : memref<32768xf32, #tpu.memory_space<vmem>>, vector<16xf32>,
        %parallel_loop3A_881 = arith.constant 48 : i32
        %parallel_loop3A_882 = arith.addi %parallel_loop3A_868, %parallel_loop3A_881 : i32
        %parallel_loop3A_883 = arith.index_cast %parallel_loop3A_882 : i32 to index
        %parallel_loop3A_884 = tpu.vector_load %arg14[%parallel_loop3A_883] {strides = array<i32>} : memref<32768xf32, #tpu.memory_space<vmem>>, vector<16xf32>,
        %parallel_loop3A_885 = arith.constant 64 : i32
        %parallel_loop3A_886 = arith.addi %parallel_loop3A_868, %parallel_loop3A_885 : i32
        %parallel_loop3A_887 = arith.index_cast %parallel_loop3A_886 : i32 to index
        %parallel_loop3A_888 = tpu.vector_load %arg14[%parallel_loop3A_887] {strides = array<i32>} : memref<32768xf32, #tpu.memory_space<vmem>>, vector<16xf32>,
        %parallel_loop3A_889 = arith.constant 80 : i32
        %parallel_loop3A_890 = arith.addi %parallel_loop3A_868, %parallel_loop3A_889 : i32
        %parallel_loop3A_891 = arith.index_cast %parallel_loop3A_890 : i32 to index
        %parallel_loop3A_892 = tpu.vector_load %arg14[%parallel_loop3A_891] {strides = array<i32>} : memref<32768xf32, #tpu.memory_space<vmem>>, vector<16xf32>,
        %parallel_loop3A_893 = arith.constant 96 : i32
        %parallel_loop3A_894 = arith.addi %parallel_loop3A_868, %parallel_loop3A_893 : i32
        %parallel_loop3A_895 = arith.index_cast %parallel_loop3A_894 : i32 to index
        %parallel_loop3A_896 = tpu.vector_load %arg14[%parallel_loop3A_895] {strides = array<i32>} : memref<32768xf32, #tpu.memory_space<vmem>>, vector<16xf32>,
        %parallel_loop3A_897 = arith.constant 112 : i32
        %parallel_loop3A_898 = arith.addi %parallel_loop3A_868, %parallel_loop3A_897 : i32
        %parallel_loop3A_899 = arith.index_cast %parallel_loop3A_898 : i32 to index
        %parallel_loop3A_900 = tpu.vector_load %arg14[%parallel_loop3A_899] {strides = array<i32>} : memref<32768xf32, #tpu.memory_space<vmem>>, vector<16xf32>,
        %parallel_loop3A_901 = arith.constant 0 : i32
        %parallel_loop3A_902 = arith.addi %parallel_loop3A_861, %parallel_loop3A_901 : i32
        %parallel_loop3A_903 = arith.index_cast %parallel_loop3A_902 : i32 to index
        %parallel_loop3A_904 = tpu.vector_load %arg10[%parallel_loop3A_903] {strides = array<i32>} : memref<16384xi32, #tpu.memory_space<vmem>>, vector<16xi32>,
        %parallel_loop3A_905 = arith.constant 16 : i32
        %parallel_loop3A_906 = arith.addi %parallel_loop3A_861, %parallel_loop3A_905 : i32
        %parallel_loop3A_907 = arith.index_cast %parallel_loop3A_906 : i32 to index
        %parallel_loop3A_908 = tpu.vector_load %arg10[%parallel_loop3A_907] {strides = array<i32>} : memref<16384xi32, #tpu.memory_space<vmem>>, vector<16xi32>,
        %parallel_loop3A_909 = arith.constant 32 : i32
        %parallel_loop3A_910 = arith.addi %parallel_loop3A_861, %parallel_loop3A_909 : i32
        %parallel_loop3A_911 = arith.index_cast %parallel_loop3A_910 : i32 to index
        %parallel_loop3A_912 = tpu.vector_load %arg10[%parallel_loop3A_911] {strides = array<i32>} : memref<16384xi32, #tpu.memory_space<vmem>>, vector<16xi32>,
        %parallel_loop3A_913 = arith.constant 48 : i32
        %parallel_loop3A_914 = arith.addi %parallel_loop3A_861, %parallel_loop3A_913 : i32
        %parallel_loop3A_915 = arith.index_cast %parallel_loop3A_914 : i32 to index
        %parallel_loop3A_916 = tpu.vector_load %arg10[%parallel_loop3A_915] {strides = array<i32>} : memref<16384xi32, #tpu.memory_space<vmem>>, vector<16xi32>,
        %parallel_loop3A_917 = arith.constant 64 : i32
        %parallel_loop3A_918 = arith.addi %parallel_loop3A_861, %parallel_loop3A_917 : i32
        %parallel_loop3A_919 = arith.index_cast %parallel_loop3A_918 : i32 to index
        %parallel_loop3A_920 = tpu.vector_load %arg10[%parallel_loop3A_919] {strides = array<i32>} : memref<16384xi32, #tpu.memory_space<vmem>>, vector<16xi32>,
        %parallel_loop3A_921 = arith.constant 80 : i32
        %parallel_loop3A_922 = arith.addi %parallel_loop3A_861, %parallel_loop3A_921 : i32
        %parallel_loop3A_923 = arith.index_cast %parallel_loop3A_922 : i32 to index
        %parallel_loop3A_924 = tpu.vector_load %arg10[%parallel_loop3A_923] {strides = array<i32>} : memref<16384xi32, #tpu.memory_space<vmem>>, vector<16xi32>,
        %parallel_loop3A_925 = arith.constant 96 : i32
        %parallel_loop3A_926 = arith.addi %parallel_loop3A_861, %parallel_loop3A_925 : i32
        %parallel_loop3A_927 = arith.index_cast %parallel_loop3A_926 : i32 to index
        %parallel_loop3A_928 = tpu.vector_load %arg10[%parallel_loop3A_927] {strides = array<i32>} : memref<16384xi32, #tpu.memory_space<vmem>>, vector<16xi32>,
        %parallel_loop3A_929 = arith.constant 112 : i32
        %parallel_loop3A_930 = arith.addi %parallel_loop3A_861, %parallel_loop3A_929 : i32
        %parallel_loop3A_931 = arith.index_cast %parallel_loop3A_930 : i32 to index
        %parallel_loop3A_932 = tpu.vector_load %arg10[%parallel_loop3A_931] {strides = array<i32>} : memref<16384xi32, #tpu.memory_space<vmem>>, vector<16xi32>,
        %parallel_loop3A_933 = vector.bitcast %parallel_loop3A_904 : vector<16xi32> to vector<32xbf16>
        %parallel_loop3A_934 = tpu.unpack_subelements %parallel_loop3A_933, 0 {pack_format = #tpu.pack_format<interleaved>} : vector<32xbf16> -> vector<16xf32>
        %parallel_loop3A_935 = tpu.unpack_subelements %parallel_loop3A_933, 1 {pack_format = #tpu.pack_format<interleaved>} : vector<32xbf16> -> vector<16xf32>
        %parallel_loop3A_936 = arith.mulf %parallel_loop3A_872, %parallel_loop3A_934 : vector<16xf32>
        %parallel_loop3A_937 = arith.addf %parallel_loop3A_936, %parallel_loop3A_935 : vector<16xf32>
        %parallel_loop3A_938 = arith.constant 0 : i32
        %parallel_loop3A_939 = arith.addi %parallel_loop3A_868, %parallel_loop3A_938 : i32
        %parallel_loop3A_940 = arith.index_cast %parallel_loop3A_939 : i32 to index
        %parallel_loop3A_941 = tpu.vector_load %arg15[%parallel_loop3A_940] {strides = array<i32>} : memref<32768xf32, #tpu.memory_space<vmem>>, vector<16xf32>,
        tpu.vector_store %arg15[%parallel_loop3A_940], %parallel_loop3A_937 {strides = array<i32>} : memref<32768xf32, #tpu.memory_space<vmem>>, vector<16xf32>,
        %parallel_loop3A_942 = vector.bitcast %parallel_loop3A_908 : vector<16xi32> to vector<32xbf16>
        %parallel_loop3A_943 = tpu.unpack_subelements %parallel_loop3A_942, 0 {pack_format = #tpu.pack_format<interleaved>} : vector<32xbf16> -> vector<16xf32>
        %parallel_loop3A_944 = tpu.unpack_subelements %parallel_loop3A_942, 1 {pack_format = #tpu.pack_format<interleaved>} : vector<32xbf16> -> vector<16xf32>
        %parallel_loop3A_945 = arith.mulf %parallel_loop3A_876, %parallel_loop3A_943 : vector<16xf32>
        %parallel_loop3A_946 = arith.addf %parallel_loop3A_945, %parallel_loop3A_944 : vector<16xf32>
        %parallel_loop3A_947 = arith.constant 16 : i32
        %parallel_loop3A_948 = arith.addi %parallel_loop3A_868, %parallel_loop3A_947 : i32
        %parallel_loop3A_949 = arith.index_cast %parallel_loop3A_948 : i32 to index
        %parallel_loop3A_950 = tpu.vector_load %arg15[%parallel_loop3A_949] {strides = array<i32>} : memref<32768xf32, #tpu.memory_space<vmem>>, vector<16xf32>,
        tpu.vector_store %arg15[%parallel_loop3A_949], %parallel_loop3A_946 {strides = array<i32>} : memref<32768xf32, #tpu.memory_space<vmem>>, vector<16xf32>,
        %parallel_loop3A_951 = vector.bitcast %parallel_loop3A_912 : vector<16xi32> to vector<32xbf16>
        %parallel_loop3A_952 = tpu.unpack_subelements %parallel_loop3A_951, 0 {pack_format = #tpu.pack_format<interleaved>} : vector<32xbf16> -> vector<16xf32>
        %parallel_loop3A_953 = tpu.unpack_subelements %parallel_loop3A_951, 1 {pack_format = #tpu.pack_format<interleaved>} : vector<32xbf16> -> vector<16xf32>
        %parallel_loop3A_954 = arith.mulf %parallel_loop3A_880, %parallel_loop3A_952 : vector<16xf32>
        %parallel_loop3A_955 = arith.addf %parallel_loop3A_954, %parallel_loop3A_953 : vector<16xf32>
        %parallel_loop3A_956 = arith.constant 32 : i32
        %parallel_loop3A_957 = arith.addi %parallel_loop3A_868, %parallel_loop3A_956 : i32
        %parallel_loop3A_958 = arith.index_cast %parallel_loop3A_957 : i32 to index
        %parallel_loop3A_959 = tpu.vector_load %arg15[%parallel_loop3A_958] {strides = array<i32>} : memref<32768xf32, #tpu.memory_space<vmem>>, vector<16xf32>,
        tpu.vector_store %arg15[%parallel_loop3A_958], %parallel_loop3A_955 {strides = array<i32>} : memref<32768xf32, #tpu.memory_space<vmem>>, vector<16xf32>,
        %parallel_loop3A_960 = vector.bitcast %parallel_loop3A_916 : vector<16xi32> to vector<32xbf16>
        %parallel_loop3A_961 = tpu.unpack_subelements %parallel_loop3A_960, 0 {pack_format = #tpu.pack_format<interleaved>} : vector<32xbf16> -> vector<16xf32>
        %parallel_loop3A_962 = tpu.unpack_subelements %parallel_loop3A_960, 1 {pack_format = #tpu.pack_format<interleaved>} : vector<32xbf16> -> vector<16xf32>
        %parallel_loop3A_963 = arith.mulf %parallel_loop3A_884, %parallel_loop3A_961 : vector<16xf32>
        %parallel_loop3A_964 = arith.addf %parallel_loop3A_963, %parallel_loop3A_962 : vector<16xf32>
        %parallel_loop3A_965 = arith.constant 48 : i32
        %parallel_loop3A_966 = arith.addi %parallel_loop3A_868, %parallel_loop3A_965 : i32
        %parallel_loop3A_967 = arith.index_cast %parallel_loop3A_966 : i32 to index
        %parallel_loop3A_968 = tpu.vector_load %arg15[%parallel_loop3A_967] {strides = array<i32>} : memref<32768xf32, #tpu.memory_space<vmem>>, vector<16xf32>,
        tpu.vector_store %arg15[%parallel_loop3A_967], %parallel_loop3A_964 {strides = array<i32>} : memref<32768xf32, #tpu.memory_space<vmem>>, vector<16xf32>,
        %parallel_loop3A_969 = vector.bitcast %parallel_loop3A_920 : vector<16xi32> to vector<32xbf16>
        %parallel_loop3A_970 = tpu.unpack_subelements %parallel_loop3A_969, 0 {pack_format = #tpu.pack_format<interleaved>} : vector<32xbf16> -> vector<16xf32>
        %parallel_loop3A_971 = tpu.unpack_subelements %parallel_loop3A_969, 1 {pack_format = #tpu.pack_format<interleaved>} : vector<32xbf16> -> vector<16xf32>
        %parallel_loop3A_972 = arith.mulf %parallel_loop3A_888, %parallel_loop3A_970 : vector<16xf32>
        %parallel_loop3A_973 = arith.addf %parallel_loop3A_972, %parallel_loop3A_971 : vector<16xf32>
        %parallel_loop3A_974 = arith.constant 64 : i32
        %parallel_loop3A_975 = arith.addi %parallel_loop3A_868, %parallel_loop3A_974 : i32
        %parallel_loop3A_976 = arith.index_cast %parallel_loop3A_975 : i32 to index
        %parallel_loop3A_977 = tpu.vector_load %arg15[%parallel_loop3A_976] {strides = array<i32>} : memref<32768xf32, #tpu.memory_space<vmem>>, vector<16xf32>,
        tpu.vector_store %arg15[%parallel_loop3A_976], %parallel_loop3A_973 {strides = array<i32>} : memref<32768xf32, #tpu.memory_space<vmem>>, vector<16xf32>,
        %parallel_loop3A_978 = vector.bitcast %parallel_loop3A_924 : vector<16xi32> to vector<32xbf16>
        %parallel_loop3A_979 = tpu.unpack_subelements %parallel_loop3A_978, 0 {pack_format = #tpu.pack_format<interleaved>} : vector<32xbf16> -> vector<16xf32>
        %parallel_loop3A_980 = tpu.unpack_subelements %parallel_loop3A_978, 1 {pack_format = #tpu.pack_format<interleaved>} : vector<32xbf16> -> vector<16xf32>
        %parallel_loop3A_981 = arith.mulf %parallel_loop3A_892, %parallel_loop3A_979 : vector<16xf32>
        %parallel_loop3A_982 = arith.addf %parallel_loop3A_981, %parallel_loop3A_980 : vector<16xf32>
        %parallel_loop3A_983 = arith.constant 80 : i32
        %parallel_loop3A_984 = arith.addi %parallel_loop3A_868, %parallel_loop3A_983 : i32
        %parallel_loop3A_985 = arith.index_cast %parallel_loop3A_984 : i32 to index
        %parallel_loop3A_986 = tpu.vector_load %arg15[%parallel_loop3A_985] {strides = array<i32>} : memref<32768xf32, #tpu.memory_space<vmem>>, vector<16xf32>,
        tpu.vector_store %arg15[%parallel_loop3A_985], %parallel_loop3A_982 {strides = array<i32>} : memref<32768xf32, #tpu.memory_space<vmem>>, vector<16xf32>,
        %parallel_loop3A_987 = vector.bitcast %parallel_loop3A_928 : vector<16xi32> to vector<32xbf16>
        %parallel_loop3A_988 = tpu.unpack_subelements %parallel_loop3A_987, 0 {pack_format = #tpu.pack_format<interleaved>} : vector<32xbf16> -> vector<16xf32>
        %parallel_loop3A_989 = tpu.unpack_subelements %parallel_loop3A_987, 1 {pack_format = #tpu.pack_format<interleaved>} : vector<32xbf16> -> vector<16xf32>
        %parallel_loop3A_990 = arith.mulf %parallel_loop3A_896, %parallel_loop3A_988 : vector<16xf32>
        %parallel_loop3A_991 = arith.addf %parallel_loop3A_990, %parallel_loop3A_989 : vector<16xf32>
        %parallel_loop3A_992 = arith.constant 96 : i32
        %parallel_loop3A_993 = arith.addi %parallel_loop3A_868, %parallel_loop3A_992 : i32
        %parallel_loop3A_994 = arith.index_cast %parallel_loop3A_993 : i32 to index
        %parallel_loop3A_995 = tpu.vector_load %arg15[%parallel_loop3A_994] {strides = array<i32>} : memref<32768xf32, #tpu.memory_space<vmem>>, vector<16xf32>,
        tpu.vector_store %arg15[%parallel_loop3A_994], %parallel_loop3A_991 {strides = array<i32>} : memref<32768xf32, #tpu.memory_space<vmem>>, vector<16xf32>,
        %parallel_loop3A_996 = vector.bitcast %parallel_loop3A_932 : vector<16xi32> to vector<32xbf16>
        %parallel_loop3A_997 = tpu.unpack_subelements %parallel_loop3A_996, 0 {pack_format = #tpu.pack_format<interleaved>} : vector<32xbf16> -> vector<16xf32>
        %parallel_loop3A_998 = tpu.unpack_subelements %parallel_loop3A_996, 1 {pack_format = #tpu.pack_format<interleaved>} : vector<32xbf16> -> vector<16xf32>
        %parallel_loop3A_999 = arith.mulf %parallel_loop3A_900, %parallel_loop3A_997 : vector<16xf32>
        %parallel_loop3A_1000 = arith.addf %parallel_loop3A_999, %parallel_loop3A_998 : vector<16xf32>
        %parallel_loop3A_1001 = arith.constant 112 : i32
        %parallel_loop3A_1002 = arith.addi %parallel_loop3A_868, %parallel_loop3A_1001 : i32
        %parallel_loop3A_1003 = arith.index_cast %parallel_loop3A_1002 : i32 to index
        %parallel_loop3A_1004 = tpu.vector_load %arg15[%parallel_loop3A_1003] {strides = array<i32>} : memref<32768xf32, #tpu.memory_space<vmem>>, vector<16xf32>,
        tpu.vector_store %arg15[%parallel_loop3A_1003], %parallel_loop3A_1000 {strides = array<i32>} : memref<32768xf32, #tpu.memory_space<vmem>>, vector<16xf32>,
        %parallel_loop3A_1005 = vector.extract_strided_slice %parallel_loop3A_119 {offsets = [6], sizes = [1], strides = [1]} : vector<16xi32> to vector<1xi32>
        %parallel_loop3A_1006 = vector.extract %parallel_loop3A_1005[0] : i32 from vector<1xi32>
        %parallel_loop3A_1007 = arith.constant 128 : i32
        %parallel_loop3A_1008 = arith.muli %parallel_loop3A_1006, %parallel_loop3A_1007 : i32
        %parallel_loop3A_1009 = arith.constant 16 : i32
        %parallel_loop3A_1010 = arith.muli %parallel_loop3A_114, %parallel_loop3A_1009 : i32
        %parallel_loop3A_1011 = arith.constant 6 : i32
        %parallel_loop3A_1012 = arith.addi %parallel_loop3A_1010, %parallel_loop3A_1011 : i32
        %parallel_loop3A_1013 = arith.constant 128 : i32
        %parallel_loop3A_1014 = arith.muli %parallel_loop3A_1012, %parallel_loop3A_1013 : i32
        %parallel_loop3A_1015 = arith.addi %mul3A_43, %parallel_loop3A_1014 : i32
        %parallel_loop3A_1016 = arith.constant 0 : i32
        %parallel_loop3A_1017 = arith.addi %parallel_loop3A_1015, %parallel_loop3A_1016 : i32
        %parallel_loop3A_1018 = arith.index_cast %parallel_loop3A_1017 : i32 to index
        %parallel_loop3A_1019 = tpu.vector_load %arg14[%parallel_loop3A_1018] {strides = array<i32>} : memref<32768xf32, #tpu.memory_space<vmem>>, vector<16xf32>,
        %parallel_loop3A_1020 = arith.constant 16 : i32
        %parallel_loop3A_1021 = arith.addi %parallel_loop3A_1015, %parallel_loop3A_1020 : i32
        %parallel_loop3A_1022 = arith.index_cast %parallel_loop3A_1021 : i32 to index
        %parallel_loop3A_1023 = tpu.vector_load %arg14[%parallel_loop3A_1022] {strides = array<i32>} : memref<32768xf32, #tpu.memory_space<vmem>>, vector<16xf32>,
        %parallel_loop3A_1024 = arith.constant 32 : i32
        %parallel_loop3A_1025 = arith.addi %parallel_loop3A_1015, %parallel_loop3A_1024 : i32
        %parallel_loop3A_1026 = arith.index_cast %parallel_loop3A_1025 : i32 to index
        %parallel_loop3A_1027 = tpu.vector_load %arg14[%parallel_loop3A_1026] {strides = array<i32>} : memref<32768xf32, #tpu.memory_space<vmem>>, vector<16xf32>,
        %parallel_loop3A_1028 = arith.constant 48 : i32
        %parallel_loop3A_1029 = arith.addi %parallel_loop3A_1015, %parallel_loop3A_1028 : i32
        %parallel_loop3A_1030 = arith.index_cast %parallel_loop3A_1029 : i32 to index
        %parallel_loop3A_1031 = tpu.vector_load %arg14[%parallel_loop3A_1030] {strides = array<i32>} : memref<32768xf32, #tpu.memory_space<vmem>>, vector<16xf32>,
        %parallel_loop3A_1032 = arith.constant 64 : i32
        %parallel_loop3A_1033 = arith.addi %parallel_loop3A_1015, %parallel_loop3A_1032 : i32
        %parallel_loop3A_1034 = arith.index_cast %parallel_loop3A_1033 : i32 to index
        %parallel_loop3A_1035 = tpu.vector_load %arg14[%parallel_loop3A_1034] {strides = array<i32>} : memref<32768xf32, #tpu.memory_space<vmem>>, vector<16xf32>,
        %parallel_loop3A_1036 = arith.constant 80 : i32
        %parallel_loop3A_1037 = arith.addi %parallel_loop3A_1015, %parallel_loop3A_1036 : i32
        %parallel_loop3A_1038 = arith.index_cast %parallel_loop3A_1037 : i32 to index
        %parallel_loop3A_1039 = tpu.vector_load %arg14[%parallel_loop3A_1038] {strides = array<i32>} : memref<32768xf32, #tpu.memory_space<vmem>>, vector<16xf32>,
        %parallel_loop3A_1040 = arith.constant 96 : i32
        %parallel_loop3A_1041 = arith.addi %parallel_loop3A_1015, %parallel_loop3A_1040 : i32
        %parallel_loop3A_1042 = arith.index_cast %parallel_loop3A_1041 : i32 to index
        %parallel_loop3A_1043 = tpu.vector_load %arg14[%parallel_loop3A_1042] {strides = array<i32>} : memref<32768xf32, #tpu.memory_space<vmem>>, vector<16xf32>,
        %parallel_loop3A_1044 = arith.constant 112 : i32
        %parallel_loop3A_1045 = arith.addi %parallel_loop3A_1015, %parallel_loop3A_1044 : i32
        %parallel_loop3A_1046 = arith.index_cast %parallel_loop3A_1045 : i32 to index
        %parallel_loop3A_1047 = tpu.vector_load %arg14[%parallel_loop3A_1046] {strides = array<i32>} : memref<32768xf32, #tpu.memory_space<vmem>>, vector<16xf32>,
        %parallel_loop3A_1048 = arith.constant 0 : i32
        %parallel_loop3A_1049 = arith.addi %parallel_loop3A_1008, %parallel_loop3A_1048 : i32
        %parallel_loop3A_1050 = arith.index_cast %parallel_loop3A_1049 : i32 to index
        %parallel_loop3A_1051 = tpu.vector_load %arg10[%parallel_loop3A_1050] {strides = array<i32>} : memref<16384xi32, #tpu.memory_space<vmem>>, vector<16xi32>,
        %parallel_loop3A_1052 = arith.constant 16 : i32
        %parallel_loop3A_1053 = arith.addi %parallel_loop3A_1008, %parallel_loop3A_1052 : i32
        %parallel_loop3A_1054 = arith.index_cast %parallel_loop3A_1053 : i32 to index
        %parallel_loop3A_1055 = tpu.vector_load %arg10[%parallel_loop3A_1054] {strides = array<i32>} : memref<16384xi32, #tpu.memory_space<vmem>>, vector<16xi32>,
        %parallel_loop3A_1056 = arith.constant 32 : i32
        %parallel_loop3A_1057 = arith.addi %parallel_loop3A_1008, %parallel_loop3A_1056 : i32
        %parallel_loop3A_1058 = arith.index_cast %parallel_loop3A_1057 : i32 to index
        %parallel_loop3A_1059 = tpu.vector_load %arg10[%parallel_loop3A_1058] {strides = array<i32>} : memref<16384xi32, #tpu.memory_space<vmem>>, vector<16xi32>,
        %parallel_loop3A_1060 = arith.constant 48 : i32
        %parallel_loop3A_1061 = arith.addi %parallel_loop3A_1008, %parallel_loop3A_1060 : i32
        %parallel_loop3A_1062 = arith.index_cast %parallel_loop3A_1061 : i32 to index
        %parallel_loop3A_1063 = tpu.vector_load %arg10[%parallel_loop3A_1062] {strides = array<i32>} : memref<16384xi32, #tpu.memory_space<vmem>>, vector<16xi32>,
        %parallel_loop3A_1064 = arith.constant 64 : i32
        %parallel_loop3A_1065 = arith.addi %parallel_loop3A_1008, %parallel_loop3A_1064 : i32
        %parallel_loop3A_1066 = arith.index_cast %parallel_loop3A_1065 : i32 to index
        %parallel_loop3A_1067 = tpu.vector_load %arg10[%parallel_loop3A_1066] {strides = array<i32>} : memref<16384xi32, #tpu.memory_space<vmem>>, vector<16xi32>,
        %parallel_loop3A_1068 = arith.constant 80 : i32
        %parallel_loop3A_1069 = arith.addi %parallel_loop3A_1008, %parallel_loop3A_1068 : i32
        %parallel_loop3A_1070 = arith.index_cast %parallel_loop3A_1069 : i32 to index
        %parallel_loop3A_1071 = tpu.vector_load %arg10[%parallel_loop3A_1070] {strides = array<i32>} : memref<16384xi32, #tpu.memory_space<vmem>>, vector<16xi32>,
        %parallel_loop3A_1072 = arith.constant 96 : i32
        %parallel_loop3A_1073 = arith.addi %parallel_loop3A_1008, %parallel_loop3A_1072 : i32
        %parallel_loop3A_1074 = arith.index_cast %parallel_loop3A_1073 : i32 to index
        %parallel_loop3A_1075 = tpu.vector_load %arg10[%parallel_loop3A_1074] {strides = array<i32>} : memref<16384xi32, #tpu.memory_space<vmem>>, vector<16xi32>,
        %parallel_loop3A_1076 = arith.constant 112 : i32
        %parallel_loop3A_1077 = arith.addi %parallel_loop3A_1008, %parallel_loop3A_1076 : i32
        %parallel_loop3A_1078 = arith.index_cast %parallel_loop3A_1077 : i32 to index
        %parallel_loop3A_1079 = tpu.vector_load %arg10[%parallel_loop3A_1078] {strides = array<i32>} : memref<16384xi32, #tpu.memory_space<vmem>>, vector<16xi32>,
        %parallel_loop3A_1080 = vector.bitcast %parallel_loop3A_1051 : vector<16xi32> to vector<32xbf16>
        %parallel_loop3A_1081 = tpu.unpack_subelements %parallel_loop3A_1080, 0 {pack_format = #tpu.pack_format<interleaved>} : vector<32xbf16> -> vector<16xf32>
        %parallel_loop3A_1082 = tpu.unpack_subelements %parallel_loop3A_1080, 1 {pack_format = #tpu.pack_format<interleaved>} : vector<32xbf16> -> vector<16xf32>
        %parallel_loop3A_1083 = arith.mulf %parallel_loop3A_1019, %parallel_loop3A_1081 : vector<16xf32>
        %parallel_loop3A_1084 = arith.addf %parallel_loop3A_1083, %parallel_loop3A_1082 : vector<16xf32>
        %parallel_loop3A_1085 = arith.constant 0 : i32
        %parallel_loop3A_1086 = arith.addi %parallel_loop3A_1015, %parallel_loop3A_1085 : i32
        %parallel_loop3A_1087 = arith.index_cast %parallel_loop3A_1086 : i32 to index
        %parallel_loop3A_1088 = tpu.vector_load %arg15[%parallel_loop3A_1087] {strides = array<i32>} : memref<32768xf32, #tpu.memory_space<vmem>>, vector<16xf32>,
        tpu.vector_store %arg15[%parallel_loop3A_1087], %parallel_loop3A_1084 {strides = array<i32>} : memref<32768xf32, #tpu.memory_space<vmem>>, vector<16xf32>,
        %parallel_loop3A_1089 = vector.bitcast %parallel_loop3A_1055 : vector<16xi32> to vector<32xbf16>
        %parallel_loop3A_1090 = tpu.unpack_subelements %parallel_loop3A_1089, 0 {pack_format = #tpu.pack_format<interleaved>} : vector<32xbf16> -> vector<16xf32>
        %parallel_loop3A_1091 = tpu.unpack_subelements %parallel_loop3A_1089, 1 {pack_format = #tpu.pack_format<interleaved>} : vector<32xbf16> -> vector<16xf32>
        %parallel_loop3A_1092 = arith.mulf %parallel_loop3A_1023, %parallel_loop3A_1090 : vector<16xf32>
        %parallel_loop3A_1093 = arith.addf %parallel_loop3A_1092, %parallel_loop3A_1091 : vector<16xf32>
        %parallel_loop3A_1094 = arith.constant 16 : i32
        %parallel_loop3A_1095 = arith.addi %parallel_loop3A_1015, %parallel_loop3A_1094 : i32
        %parallel_loop3A_1096 = arith.index_cast %parallel_loop3A_1095 : i32 to index
        %parallel_loop3A_1097 = tpu.vector_load %arg15[%parallel_loop3A_1096] {strides = array<i32>} : memref<32768xf32, #tpu.memory_space<vmem>>, vector<16xf32>,
        tpu.vector_store %arg15[%parallel_loop3A_1096], %parallel_loop3A_1093 {strides = array<i32>} : memref<32768xf32, #tpu.memory_space<vmem>>, vector<16xf32>,
        %parallel_loop3A_1098 = vector.bitcast %parallel_loop3A_1059 : vector<16xi32> to vector<32xbf16>
        %parallel_loop3A_1099 = tpu.unpack_subelements %parallel_loop3A_1098, 0 {pack_format = #tpu.pack_format<interleaved>} : vector<32xbf16> -> vector<16xf32>
        %parallel_loop3A_1100 = tpu.unpack_subelements %parallel_loop3A_1098, 1 {pack_format = #tpu.pack_format<interleaved>} : vector<32xbf16> -> vector<16xf32>
        %parallel_loop3A_1101 = arith.mulf %parallel_loop3A_1027, %parallel_loop3A_1099 : vector<16xf32>
        %parallel_loop3A_1102 = arith.addf %parallel_loop3A_1101, %parallel_loop3A_1100 : vector<16xf32>
        %parallel_loop3A_1103 = arith.constant 32 : i32
        %parallel_loop3A_1104 = arith.addi %parallel_loop3A_1015, %parallel_loop3A_1103 : i32
        %parallel_loop3A_1105 = arith.index_cast %parallel_loop3A_1104 : i32 to index
        %parallel_loop3A_1106 = tpu.vector_load %arg15[%parallel_loop3A_1105] {strides = array<i32>} : memref<32768xf32, #tpu.memory_space<vmem>>, vector<16xf32>,
        tpu.vector_store %arg15[%parallel_loop3A_1105], %parallel_loop3A_1102 {strides = array<i32>} : memref<32768xf32, #tpu.memory_space<vmem>>, vector<16xf32>,
        %parallel_loop3A_1107 = vector.bitcast %parallel_loop3A_1063 : vector<16xi32> to vector<32xbf16>
        %parallel_loop3A_1108 = tpu.unpack_subelements %parallel_loop3A_1107, 0 {pack_format = #tpu.pack_format<interleaved>} : vector<32xbf16> -> vector<16xf32>
        %parallel_loop3A_1109 = tpu.unpack_subelements %parallel_loop3A_1107, 1 {pack_format = #tpu.pack_format<interleaved>} : vector<32xbf16> -> vector<16xf32>
        %parallel_loop3A_1110 = arith.mulf %parallel_loop3A_1031, %parallel_loop3A_1108 : vector<16xf32>
        %parallel_loop3A_1111 = arith.addf %parallel_loop3A_1110, %parallel_loop3A_1109 : vector<16xf32>
        %parallel_loop3A_1112 = arith.constant 48 : i32
        %parallel_loop3A_1113 = arith.addi %parallel_loop3A_1015, %parallel_loop3A_1112 : i32
        %parallel_loop3A_1114 = arith.index_cast %parallel_loop3A_1113 : i32 to index
        %parallel_loop3A_1115 = tpu.vector_load %arg15[%parallel_loop3A_1114] {strides = array<i32>} : memref<32768xf32, #tpu.memory_space<vmem>>, vector<16xf32>,
        tpu.vector_store %arg15[%parallel_loop3A_1114], %parallel_loop3A_1111 {strides = array<i32>} : memref<32768xf32, #tpu.memory_space<vmem>>, vector<16xf32>,
        %parallel_loop3A_1116 = vector.bitcast %parallel_loop3A_1067 : vector<16xi32> to vector<32xbf16>
        %parallel_loop3A_1117 = tpu.unpack_subelements %parallel_loop3A_1116, 0 {pack_format = #tpu.pack_format<interleaved>} : vector<32xbf16> -> vector<16xf32>
        %parallel_loop3A_1118 = tpu.unpack_subelements %parallel_loop3A_1116, 1 {pack_format = #tpu.pack_format<interleaved>} : vector<32xbf16> -> vector<16xf32>
        %parallel_loop3A_1119 = arith.mulf %parallel_loop3A_1035, %parallel_loop3A_1117 : vector<16xf32>
        %parallel_loop3A_1120 = arith.addf %parallel_loop3A_1119, %parallel_loop3A_1118 : vector<16xf32>
        %parallel_loop3A_1121 = arith.constant 64 : i32
        %parallel_loop3A_1122 = arith.addi %parallel_loop3A_1015, %parallel_loop3A_1121 : i32
        %parallel_loop3A_1123 = arith.index_cast %parallel_loop3A_1122 : i32 to index
        %parallel_loop3A_1124 = tpu.vector_load %arg15[%parallel_loop3A_1123] {strides = array<i32>} : memref<32768xf32, #tpu.memory_space<vmem>>, vector<16xf32>,
        tpu.vector_store %arg15[%parallel_loop3A_1123], %parallel_loop3A_1120 {strides = array<i32>} : memref<32768xf32, #tpu.memory_space<vmem>>, vector<16xf32>,
        %parallel_loop3A_1125 = vector.bitcast %parallel_loop3A_1071 : vector<16xi32> to vector<32xbf16>
        %parallel_loop3A_1126 = tpu.unpack_subelements %parallel_loop3A_1125, 0 {pack_format = #tpu.pack_format<interleaved>} : vector<32xbf16> -> vector<16xf32>
        %parallel_loop3A_1127 = tpu.unpack_subelements %parallel_loop3A_1125, 1 {pack_format = #tpu.pack_format<interleaved>} : vector<32xbf16> -> vector<16xf32>
        %parallel_loop3A_1128 = arith.mulf %parallel_loop3A_1039, %parallel_loop3A_1126 : vector<16xf32>
        %parallel_loop3A_1129 = arith.addf %parallel_loop3A_1128, %parallel_loop3A_1127 : vector<16xf32>
        %parallel_loop3A_1130 = arith.constant 80 : i32
        %parallel_loop3A_1131 = arith.addi %parallel_loop3A_1015, %parallel_loop3A_1130 : i32
        %parallel_loop3A_1132 = arith.index_cast %parallel_loop3A_1131 : i32 to index
        %parallel_loop3A_1133 = tpu.vector_load %arg15[%parallel_loop3A_1132] {strides = array<i32>} : memref<32768xf32, #tpu.memory_space<vmem>>, vector<16xf32>,
        tpu.vector_store %arg15[%parallel_loop3A_1132], %parallel_loop3A_1129 {strides = array<i32>} : memref<32768xf32, #tpu.memory_space<vmem>>, vector<16xf32>,
        %parallel_loop3A_1134 = vector.bitcast %parallel_loop3A_1075 : vector<16xi32> to vector<32xbf16>
        %parallel_loop3A_1135 = tpu.unpack_subelements %parallel_loop3A_1134, 0 {pack_format = #tpu.pack_format<interleaved>} : vector<32xbf16> -> vector<16xf32>
        %parallel_loop3A_1136 = tpu.unpack_subelements %parallel_loop3A_1134, 1 {pack_format = #tpu.pack_format<interleaved>} : vector<32xbf16> -> vector<16xf32>
        %parallel_loop3A_1137 = arith.mulf %parallel_loop3A_1043, %parallel_loop3A_1135 : vector<16xf32>
        %parallel_loop3A_1138 = arith.addf %parallel_loop3A_1137, %parallel_loop3A_1136 : vector<16xf32>
        %parallel_loop3A_1139 = arith.constant 96 : i32
        %parallel_loop3A_1140 = arith.addi %parallel_loop3A_1015, %parallel_loop3A_1139 : i32
        %parallel_loop3A_1141 = arith.index_cast %parallel_loop3A_1140 : i32 to index
        %parallel_loop3A_1142 = tpu.vector_load %arg15[%parallel_loop3A_1141] {strides = array<i32>} : memref<32768xf32, #tpu.memory_space<vmem>>, vector<16xf32>,
        tpu.vector_store %arg15[%parallel_loop3A_1141], %parallel_loop3A_1138 {strides = array<i32>} : memref<32768xf32, #tpu.memory_space<vmem>>, vector<16xf32>,
        %parallel_loop3A_1143 = vector.bitcast %parallel_loop3A_1079 : vector<16xi32> to vector<32xbf16>
        %parallel_loop3A_1144 = tpu.unpack_subelements %parallel_loop3A_1143, 0 {pack_format = #tpu.pack_format<interleaved>} : vector<32xbf16> -> vector<16xf32>
        %parallel_loop3A_1145 = tpu.unpack_subelements %parallel_loop3A_1143, 1 {pack_format = #tpu.pack_format<interleaved>} : vector<32xbf16> -> vector<16xf32>
        %parallel_loop3A_1146 = arith.mulf %parallel_loop3A_1047, %parallel_loop3A_1144 : vector<16xf32>
        %parallel_loop3A_1147 = arith.addf %parallel_loop3A_1146, %parallel_loop3A_1145 : vector<16xf32>
        %parallel_loop3A_1148 = arith.constant 112 : i32
        %parallel_loop3A_1149 = arith.addi %parallel_loop3A_1015, %parallel_loop3A_1148 : i32
        %parallel_loop3A_1150 = arith.index_cast %parallel_loop3A_1149 : i32 to index
        %parallel_loop3A_1151 = tpu.vector_load %arg15[%parallel_loop3A_1150] {strides = array<i32>} : memref<32768xf32, #tpu.memory_space<vmem>>, vector<16xf32>,
        tpu.vector_store %arg15[%parallel_loop3A_1150], %parallel_loop3A_1147 {strides = array<i32>} : memref<32768xf32, #tpu.memory_space<vmem>>, vector<16xf32>,
        %parallel_loop3A_1152 = vector.extract_strided_slice %parallel_loop3A_119 {offsets = [7], sizes = [1], strides = [1]} : vector<16xi32> to vector<1xi32>
        %parallel_loop3A_1153 = vector.extract %parallel_loop3A_1152[0] : i32 from vector<1xi32>
        %parallel_loop3A_1154 = arith.constant 128 : i32
        %parallel_loop3A_1155 = arith.muli %parallel_loop3A_1153, %parallel_loop3A_1154 : i32
        %parallel_loop3A_1156 = arith.constant 16 : i32
        %parallel_loop3A_1157 = arith.muli %parallel_loop3A_114, %parallel_loop3A_1156 : i32
        %parallel_loop3A_1158 = arith.constant 7 : i32
        %parallel_loop3A_1159 = arith.addi %parallel_loop3A_1157, %parallel_loop3A_1158 : i32
        %parallel_loop3A_1160 = arith.constant 128 : i32
        %parallel_loop3A_1161 = arith.muli %parallel_loop3A_1159, %parallel_loop3A_1160 : i32
        %parallel_loop3A_1162 = arith.addi %mul3A_43, %parallel_loop3A_1161 : i32
        %parallel_loop3A_1163 = arith.constant 0 : i32
        %parallel_loop3A_1164 = arith.addi %parallel_loop3A_1162, %parallel_loop3A_1163 : i32
        %parallel_loop3A_1165 = arith.index_cast %parallel_loop3A_1164 : i32 to index
        %parallel_loop3A_1166 = tpu.vector_load %arg14[%parallel_loop3A_1165] {strides = array<i32>} : memref<32768xf32, #tpu.memory_space<vmem>>, vector<16xf32>,
        %parallel_loop3A_1167 = arith.constant 16 : i32
        %parallel_loop3A_1168 = arith.addi %parallel_loop3A_1162, %parallel_loop3A_1167 : i32
        %parallel_loop3A_1169 = arith.index_cast %parallel_loop3A_1168 : i32 to index
        %parallel_loop3A_1170 = tpu.vector_load %arg14[%parallel_loop3A_1169] {strides = array<i32>} : memref<32768xf32, #tpu.memory_space<vmem>>, vector<16xf32>,
        %parallel_loop3A_1171 = arith.constant 32 : i32
        %parallel_loop3A_1172 = arith.addi %parallel_loop3A_1162, %parallel_loop3A_1171 : i32
        %parallel_loop3A_1173 = arith.index_cast %parallel_loop3A_1172 : i32 to index
        %parallel_loop3A_1174 = tpu.vector_load %arg14[%parallel_loop3A_1173] {strides = array<i32>} : memref<32768xf32, #tpu.memory_space<vmem>>, vector<16xf32>,
        %parallel_loop3A_1175 = arith.constant 48 : i32
        %parallel_loop3A_1176 = arith.addi %parallel_loop3A_1162, %parallel_loop3A_1175 : i32
        %parallel_loop3A_1177 = arith.index_cast %parallel_loop3A_1176 : i32 to index
        %parallel_loop3A_1178 = tpu.vector_load %arg14[%parallel_loop3A_1177] {strides = array<i32>} : memref<32768xf32, #tpu.memory_space<vmem>>, vector<16xf32>,
        %parallel_loop3A_1179 = arith.constant 64 : i32
        %parallel_loop3A_1180 = arith.addi %parallel_loop3A_1162, %parallel_loop3A_1179 : i32
        %parallel_loop3A_1181 = arith.index_cast %parallel_loop3A_1180 : i32 to index
        %parallel_loop3A_1182 = tpu.vector_load %arg14[%parallel_loop3A_1181] {strides = array<i32>} : memref<32768xf32, #tpu.memory_space<vmem>>, vector<16xf32>,
        %parallel_loop3A_1183 = arith.constant 80 : i32
        %parallel_loop3A_1184 = arith.addi %parallel_loop3A_1162, %parallel_loop3A_1183 : i32
        %parallel_loop3A_1185 = arith.index_cast %parallel_loop3A_1184 : i32 to index
        %parallel_loop3A_1186 = tpu.vector_load %arg14[%parallel_loop3A_1185] {strides = array<i32>} : memref<32768xf32, #tpu.memory_space<vmem>>, vector<16xf32>,
        %parallel_loop3A_1187 = arith.constant 96 : i32
        %parallel_loop3A_1188 = arith.addi %parallel_loop3A_1162, %parallel_loop3A_1187 : i32
        %parallel_loop3A_1189 = arith.index_cast %parallel_loop3A_1188 : i32 to index
        %parallel_loop3A_1190 = tpu.vector_load %arg14[%parallel_loop3A_1189] {strides = array<i32>} : memref<32768xf32, #tpu.memory_space<vmem>>, vector<16xf32>,
        %parallel_loop3A_1191 = arith.constant 112 : i32
        %parallel_loop3A_1192 = arith.addi %parallel_loop3A_1162, %parallel_loop3A_1191 : i32
        %parallel_loop3A_1193 = arith.index_cast %parallel_loop3A_1192 : i32 to index
        %parallel_loop3A_1194 = tpu.vector_load %arg14[%parallel_loop3A_1193] {strides = array<i32>} : memref<32768xf32, #tpu.memory_space<vmem>>, vector<16xf32>,
        %parallel_loop3A_1195 = arith.constant 0 : i32
        %parallel_loop3A_1196 = arith.addi %parallel_loop3A_1155, %parallel_loop3A_1195 : i32
        %parallel_loop3A_1197 = arith.index_cast %parallel_loop3A_1196 : i32 to index
        %parallel_loop3A_1198 = tpu.vector_load %arg10[%parallel_loop3A_1197] {strides = array<i32>} : memref<16384xi32, #tpu.memory_space<vmem>>, vector<16xi32>,
        %parallel_loop3A_1199 = arith.constant 16 : i32
        %parallel_loop3A_1200 = arith.addi %parallel_loop3A_1155, %parallel_loop3A_1199 : i32
        %parallel_loop3A_1201 = arith.index_cast %parallel_loop3A_1200 : i32 to index
        %parallel_loop3A_1202 = tpu.vector_load %arg10[%parallel_loop3A_1201] {strides = array<i32>} : memref<16384xi32, #tpu.memory_space<vmem>>, vector<16xi32>,
        %parallel_loop3A_1203 = arith.constant 32 : i32
        %parallel_loop3A_1204 = arith.addi %parallel_loop3A_1155, %parallel_loop3A_1203 : i32
        %parallel_loop3A_1205 = arith.index_cast %parallel_loop3A_1204 : i32 to index
        %parallel_loop3A_1206 = tpu.vector_load %arg10[%parallel_loop3A_1205] {strides = array<i32>} : memref<16384xi32, #tpu.memory_space<vmem>>, vector<16xi32>,
        %parallel_loop3A_1207 = arith.constant 48 : i32
        %parallel_loop3A_1208 = arith.addi %parallel_loop3A_1155, %parallel_loop3A_1207 : i32
        %parallel_loop3A_1209 = arith.index_cast %parallel_loop3A_1208 : i32 to index
        %parallel_loop3A_1210 = tpu.vector_load %arg10[%parallel_loop3A_1209] {strides = array<i32>} : memref<16384xi32, #tpu.memory_space<vmem>>, vector<16xi32>,
        %parallel_loop3A_1211 = arith.constant 64 : i32
        %parallel_loop3A_1212 = arith.addi %parallel_loop3A_1155, %parallel_loop3A_1211 : i32
        %parallel_loop3A_1213 = arith.index_cast %parallel_loop3A_1212 : i32 to index
        %parallel_loop3A_1214 = tpu.vector_load %arg10[%parallel_loop3A_1213] {strides = array<i32>} : memref<16384xi32, #tpu.memory_space<vmem>>, vector<16xi32>,
        %parallel_loop3A_1215 = arith.constant 80 : i32
        %parallel_loop3A_1216 = arith.addi %parallel_loop3A_1155, %parallel_loop3A_1215 : i32
        %parallel_loop3A_1217 = arith.index_cast %parallel_loop3A_1216 : i32 to index
        %parallel_loop3A_1218 = tpu.vector_load %arg10[%parallel_loop3A_1217] {strides = array<i32>} : memref<16384xi32, #tpu.memory_space<vmem>>, vector<16xi32>,
        %parallel_loop3A_1219 = arith.constant 96 : i32
        %parallel_loop3A_1220 = arith.addi %parallel_loop3A_1155, %parallel_loop3A_1219 : i32
        %parallel_loop3A_1221 = arith.index_cast %parallel_loop3A_1220 : i32 to index
        %parallel_loop3A_1222 = tpu.vector_load %arg10[%parallel_loop3A_1221] {strides = array<i32>} : memref<16384xi32, #tpu.memory_space<vmem>>, vector<16xi32>,
        %parallel_loop3A_1223 = arith.constant 112 : i32
        %parallel_loop3A_1224 = arith.addi %parallel_loop3A_1155, %parallel_loop3A_1223 : i32
        %parallel_loop3A_1225 = arith.index_cast %parallel_loop3A_1224 : i32 to index
        %parallel_loop3A_1226 = tpu.vector_load %arg10[%parallel_loop3A_1225] {strides = array<i32>} : memref<16384xi32, #tpu.memory_space<vmem>>, vector<16xi32>,
        %parallel_loop3A_1227 = vector.bitcast %parallel_loop3A_1198 : vector<16xi32> to vector<32xbf16>
        %parallel_loop3A_1228 = tpu.unpack_subelements %parallel_loop3A_1227, 0 {pack_format = #tpu.pack_format<interleaved>} : vector<32xbf16> -> vector<16xf32>
        %parallel_loop3A_1229 = tpu.unpack_subelements %parallel_loop3A_1227, 1 {pack_format = #tpu.pack_format<interleaved>} : vector<32xbf16> -> vector<16xf32>
        %parallel_loop3A_1230 = arith.mulf %parallel_loop3A_1166, %parallel_loop3A_1228 : vector<16xf32>
        %parallel_loop3A_1231 = arith.addf %parallel_loop3A_1230, %parallel_loop3A_1229 : vector<16xf32>
        %parallel_loop3A_1232 = arith.constant 0 : i32
        %parallel_loop3A_1233 = arith.addi %parallel_loop3A_1162, %parallel_loop3A_1232 : i32
        %parallel_loop3A_1234 = arith.index_cast %parallel_loop3A_1233 : i32 to index
        %parallel_loop3A_1235 = tpu.vector_load %arg15[%parallel_loop3A_1234] {strides = array<i32>} : memref<32768xf32, #tpu.memory_space<vmem>>, vector<16xf32>,
        tpu.vector_store %arg15[%parallel_loop3A_1234], %parallel_loop3A_1231 {strides = array<i32>} : memref<32768xf32, #tpu.memory_space<vmem>>, vector<16xf32>,
        %parallel_loop3A_1236 = vector.bitcast %parallel_loop3A_1202 : vector<16xi32> to vector<32xbf16>
        %parallel_loop3A_1237 = tpu.unpack_subelements %parallel_loop3A_1236, 0 {pack_format = #tpu.pack_format<interleaved>} : vector<32xbf16> -> vector<16xf32>
        %parallel_loop3A_1238 = tpu.unpack_subelements %parallel_loop3A_1236, 1 {pack_format = #tpu.pack_format<interleaved>} : vector<32xbf16> -> vector<16xf32>
        %parallel_loop3A_1239 = arith.mulf %parallel_loop3A_1170, %parallel_loop3A_1237 : vector<16xf32>
        %parallel_loop3A_1240 = arith.addf %parallel_loop3A_1239, %parallel_loop3A_1238 : vector<16xf32>
        %parallel_loop3A_1241 = arith.constant 16 : i32
        %parallel_loop3A_1242 = arith.addi %parallel_loop3A_1162, %parallel_loop3A_1241 : i32
        %parallel_loop3A_1243 = arith.index_cast %parallel_loop3A_1242 : i32 to index
        %parallel_loop3A_1244 = tpu.vector_load %arg15[%parallel_loop3A_1243] {strides = array<i32>} : memref<32768xf32, #tpu.memory_space<vmem>>, vector<16xf32>,
        tpu.vector_store %arg15[%parallel_loop3A_1243], %parallel_loop3A_1240 {strides = array<i32>} : memref<32768xf32, #tpu.memory_space<vmem>>, vector<16xf32>,
        %parallel_loop3A_1245 = vector.bitcast %parallel_loop3A_1206 : vector<16xi32> to vector<32xbf16>
        %parallel_loop3A_1246 = tpu.unpack_subelements %parallel_loop3A_1245, 0 {pack_format = #tpu.pack_format<interleaved>} : vector<32xbf16> -> vector<16xf32>
        %parallel_loop3A_1247 = tpu.unpack_subelements %parallel_loop3A_1245, 1 {pack_format = #tpu.pack_format<interleaved>} : vector<32xbf16> -> vector<16xf32>
        %parallel_loop3A_1248 = arith.mulf %parallel_loop3A_1174, %parallel_loop3A_1246 : vector<16xf32>
        %parallel_loop3A_1249 = arith.addf %parallel_loop3A_1248, %parallel_loop3A_1247 : vector<16xf32>
        %parallel_loop3A_1250 = arith.constant 32 : i32
        %parallel_loop3A_1251 = arith.addi %parallel_loop3A_1162, %parallel_loop3A_1250 : i32
        %parallel_loop3A_1252 = arith.index_cast %parallel_loop3A_1251 : i32 to index
        %parallel_loop3A_1253 = tpu.vector_load %arg15[%parallel_loop3A_1252] {strides = array<i32>} : memref<32768xf32, #tpu.memory_space<vmem>>, vector<16xf32>,
        tpu.vector_store %arg15[%parallel_loop3A_1252], %parallel_loop3A_1249 {strides = array<i32>} : memref<32768xf32, #tpu.memory_space<vmem>>, vector<16xf32>,
        %parallel_loop3A_1254 = vector.bitcast %parallel_loop3A_1210 : vector<16xi32> to vector<32xbf16>
        %parallel_loop3A_1255 = tpu.unpack_subelements %parallel_loop3A_1254, 0 {pack_format = #tpu.pack_format<interleaved>} : vector<32xbf16> -> vector<16xf32>
        %parallel_loop3A_1256 = tpu.unpack_subelements %parallel_loop3A_1254, 1 {pack_format = #tpu.pack_format<interleaved>} : vector<32xbf16> -> vector<16xf32>
        %parallel_loop3A_1257 = arith.mulf %parallel_loop3A_1178, %parallel_loop3A_1255 : vector<16xf32>
        %parallel_loop3A_1258 = arith.addf %parallel_loop3A_1257, %parallel_loop3A_1256 : vector<16xf32>
        %parallel_loop3A_1259 = arith.constant 48 : i32
        %parallel_loop3A_1260 = arith.addi %parallel_loop3A_1162, %parallel_loop3A_1259 : i32
        %parallel_loop3A_1261 = arith.index_cast %parallel_loop3A_1260 : i32 to index
        %parallel_loop3A_1262 = tpu.vector_load %arg15[%parallel_loop3A_1261] {strides = array<i32>} : memref<32768xf32, #tpu.memory_space<vmem>>, vector<16xf32>,
        tpu.vector_store %arg15[%parallel_loop3A_1261], %parallel_loop3A_1258 {strides = array<i32>} : memref<32768xf32, #tpu.memory_space<vmem>>, vector<16xf32>,
        %parallel_loop3A_1263 = vector.bitcast %parallel_loop3A_1214 : vector<16xi32> to vector<32xbf16>
        %parallel_loop3A_1264 = tpu.unpack_subelements %parallel_loop3A_1263, 0 {pack_format = #tpu.pack_format<interleaved>} : vector<32xbf16> -> vector<16xf32>
        %parallel_loop3A_1265 = tpu.unpack_subelements %parallel_loop3A_1263, 1 {pack_format = #tpu.pack_format<interleaved>} : vector<32xbf16> -> vector<16xf32>
        %parallel_loop3A_1266 = arith.mulf %parallel_loop3A_1182, %parallel_loop3A_1264 : vector<16xf32>
        %parallel_loop3A_1267 = arith.addf %parallel_loop3A_1266, %parallel_loop3A_1265 : vector<16xf32>
        %parallel_loop3A_1268 = arith.constant 64 : i32
        %parallel_loop3A_1269 = arith.addi %parallel_loop3A_1162, %parallel_loop3A_1268 : i32
        %parallel_loop3A_1270 = arith.index_cast %parallel_loop3A_1269 : i32 to index
        %parallel_loop3A_1271 = tpu.vector_load %arg15[%parallel_loop3A_1270] {strides = array<i32>} : memref<32768xf32, #tpu.memory_space<vmem>>, vector<16xf32>,
        tpu.vector_store %arg15[%parallel_loop3A_1270], %parallel_loop3A_1267 {strides = array<i32>} : memref<32768xf32, #tpu.memory_space<vmem>>, vector<16xf32>,
        %parallel_loop3A_1272 = vector.bitcast %parallel_loop3A_1218 : vector<16xi32> to vector<32xbf16>
        %parallel_loop3A_1273 = tpu.unpack_subelements %parallel_loop3A_1272, 0 {pack_format = #tpu.pack_format<interleaved>} : vector<32xbf16> -> vector<16xf32>
        %parallel_loop3A_1274 = tpu.unpack_subelements %parallel_loop3A_1272, 1 {pack_format = #tpu.pack_format<interleaved>} : vector<32xbf16> -> vector<16xf32>
        %parallel_loop3A_1275 = arith.mulf %parallel_loop3A_1186, %parallel_loop3A_1273 : vector<16xf32>
        %parallel_loop3A_1276 = arith.addf %parallel_loop3A_1275, %parallel_loop3A_1274 : vector<16xf32>
        %parallel_loop3A_1277 = arith.constant 80 : i32
        %parallel_loop3A_1278 = arith.addi %parallel_loop3A_1162, %parallel_loop3A_1277 : i32
        %parallel_loop3A_1279 = arith.index_cast %parallel_loop3A_1278 : i32 to index
        %parallel_loop3A_1280 = tpu.vector_load %arg15[%parallel_loop3A_1279] {strides = array<i32>} : memref<32768xf32, #tpu.memory_space<vmem>>, vector<16xf32>,
        tpu.vector_store %arg15[%parallel_loop3A_1279], %parallel_loop3A_1276 {strides = array<i32>} : memref<32768xf32, #tpu.memory_space<vmem>>, vector<16xf32>,
        %parallel_loop3A_1281 = vector.bitcast %parallel_loop3A_1222 : vector<16xi32> to vector<32xbf16>
        %parallel_loop3A_1282 = tpu.unpack_subelements %parallel_loop3A_1281, 0 {pack_format = #tpu.pack_format<interleaved>} : vector<32xbf16> -> vector<16xf32>
        %parallel_loop3A_1283 = tpu.unpack_subelements %parallel_loop3A_1281, 1 {pack_format = #tpu.pack_format<interleaved>} : vector<32xbf16> -> vector<16xf32>
        %parallel_loop3A_1284 = arith.mulf %parallel_loop3A_1190, %parallel_loop3A_1282 : vector<16xf32>
        %parallel_loop3A_1285 = arith.addf %parallel_loop3A_1284, %parallel_loop3A_1283 : vector<16xf32>
        %parallel_loop3A_1286 = arith.constant 96 : i32
        %parallel_loop3A_1287 = arith.addi %parallel_loop3A_1162, %parallel_loop3A_1286 : i32
        %parallel_loop3A_1288 = arith.index_cast %parallel_loop3A_1287 : i32 to index
        %parallel_loop3A_1289 = tpu.vector_load %arg15[%parallel_loop3A_1288] {strides = array<i32>} : memref<32768xf32, #tpu.memory_space<vmem>>, vector<16xf32>,
        tpu.vector_store %arg15[%parallel_loop3A_1288], %parallel_loop3A_1285 {strides = array<i32>} : memref<32768xf32, #tpu.memory_space<vmem>>, vector<16xf32>,
        %parallel_loop3A_1290 = vector.bitcast %parallel_loop3A_1226 : vector<16xi32> to vector<32xbf16>
        %parallel_loop3A_1291 = tpu.unpack_subelements %parallel_loop3A_1290, 0 {pack_format = #tpu.pack_format<interleaved>} : vector<32xbf16> -> vector<16xf32>
        %parallel_loop3A_1292 = tpu.unpack_subelements %parallel_loop3A_1290, 1 {pack_format = #tpu.pack_format<interleaved>} : vector<32xbf16> -> vector<16xf32>
        %parallel_loop3A_1293 = arith.mulf %parallel_loop3A_1194, %parallel_loop3A_1291 : vector<16xf32>
        %parallel_loop3A_1294 = arith.addf %parallel_loop3A_1293, %parallel_loop3A_1292 : vector<16xf32>
        %parallel_loop3A_1295 = arith.constant 112 : i32
        %parallel_loop3A_1296 = arith.addi %parallel_loop3A_1162, %parallel_loop3A_1295 : i32
        %parallel_loop3A_1297 = arith.index_cast %parallel_loop3A_1296 : i32 to index
        %parallel_loop3A_1298 = tpu.vector_load %arg15[%parallel_loop3A_1297] {strides = array<i32>} : memref<32768xf32, #tpu.memory_space<vmem>>, vector<16xf32>,
        tpu.vector_store %arg15[%parallel_loop3A_1297], %parallel_loop3A_1294 {strides = array<i32>} : memref<32768xf32, #tpu.memory_space<vmem>>, vector<16xf32>,
        %parallel_loop3A_1299 = vector.extract_strided_slice %parallel_loop3A_119 {offsets = [8], sizes = [1], strides = [1]} : vector<16xi32> to vector<1xi32>
        %parallel_loop3A_1300 = vector.extract %parallel_loop3A_1299[0] : i32 from vector<1xi32>
        %parallel_loop3A_1301 = arith.constant 128 : i32
        %parallel_loop3A_1302 = arith.muli %parallel_loop3A_1300, %parallel_loop3A_1301 : i32
        %parallel_loop3A_1303 = arith.constant 16 : i32
        %parallel_loop3A_1304 = arith.muli %parallel_loop3A_114, %parallel_loop3A_1303 : i32
        %parallel_loop3A_1305 = arith.constant 8 : i32
        %parallel_loop3A_1306 = arith.addi %parallel_loop3A_1304, %parallel_loop3A_1305 : i32
        %parallel_loop3A_1307 = arith.constant 128 : i32
        %parallel_loop3A_1308 = arith.muli %parallel_loop3A_1306, %parallel_loop3A_1307 : i32
        %parallel_loop3A_1309 = arith.addi %mul3A_43, %parallel_loop3A_1308 : i32
        %parallel_loop3A_1310 = arith.constant 0 : i32
        %parallel_loop3A_1311 = arith.addi %parallel_loop3A_1309, %parallel_loop3A_1310 : i32
        %parallel_loop3A_1312 = arith.index_cast %parallel_loop3A_1311 : i32 to index
        %parallel_loop3A_1313 = tpu.vector_load %arg14[%parallel_loop3A_1312] {strides = array<i32>} : memref<32768xf32, #tpu.memory_space<vmem>>, vector<16xf32>,
        %parallel_loop3A_1314 = arith.constant 16 : i32
        %parallel_loop3A_1315 = arith.addi %parallel_loop3A_1309, %parallel_loop3A_1314 : i32
        %parallel_loop3A_1316 = arith.index_cast %parallel_loop3A_1315 : i32 to index
        %parallel_loop3A_1317 = tpu.vector_load %arg14[%parallel_loop3A_1316] {strides = array<i32>} : memref<32768xf32, #tpu.memory_space<vmem>>, vector<16xf32>,
        %parallel_loop3A_1318 = arith.constant 32 : i32
        %parallel_loop3A_1319 = arith.addi %parallel_loop3A_1309, %parallel_loop3A_1318 : i32
        %parallel_loop3A_1320 = arith.index_cast %parallel_loop3A_1319 : i32 to index
        %parallel_loop3A_1321 = tpu.vector_load %arg14[%parallel_loop3A_1320] {strides = array<i32>} : memref<32768xf32, #tpu.memory_space<vmem>>, vector<16xf32>,
        %parallel_loop3A_1322 = arith.constant 48 : i32
        %parallel_loop3A_1323 = arith.addi %parallel_loop3A_1309, %parallel_loop3A_1322 : i32
        %parallel_loop3A_1324 = arith.index_cast %parallel_loop3A_1323 : i32 to index
        %parallel_loop3A_1325 = tpu.vector_load %arg14[%parallel_loop3A_1324] {strides = array<i32>} : memref<32768xf32, #tpu.memory_space<vmem>>, vector<16xf32>,
        %parallel_loop3A_1326 = arith.constant 64 : i32
        %parallel_loop3A_1327 = arith.addi %parallel_loop3A_1309, %parallel_loop3A_1326 : i32
        %parallel_loop3A_1328 = arith.index_cast %parallel_loop3A_1327 : i32 to index
        %parallel_loop3A_1329 = tpu.vector_load %arg14[%parallel_loop3A_1328] {strides = array<i32>} : memref<32768xf32, #tpu.memory_space<vmem>>, vector<16xf32>,
        %parallel_loop3A_1330 = arith.constant 80 : i32
        %parallel_loop3A_1331 = arith.addi %parallel_loop3A_1309, %parallel_loop3A_1330 : i32
        %parallel_loop3A_1332 = arith.index_cast %parallel_loop3A_1331 : i32 to index
        %parallel_loop3A_1333 = tpu.vector_load %arg14[%parallel_loop3A_1332] {strides = array<i32>} : memref<32768xf32, #tpu.memory_space<vmem>>, vector<16xf32>,
        %parallel_loop3A_1334 = arith.constant 96 : i32
        %parallel_loop3A_1335 = arith.addi %parallel_loop3A_1309, %parallel_loop3A_1334 : i32
        %parallel_loop3A_1336 = arith.index_cast %parallel_loop3A_1335 : i32 to index
        %parallel_loop3A_1337 = tpu.vector_load %arg14[%parallel_loop3A_1336] {strides = array<i32>} : memref<32768xf32, #tpu.memory_space<vmem>>, vector<16xf32>,
        %parallel_loop3A_1338 = arith.constant 112 : i32
        %parallel_loop3A_1339 = arith.addi %parallel_loop3A_1309, %parallel_loop3A_1338 : i32
        %parallel_loop3A_1340 = arith.index_cast %parallel_loop3A_1339 : i32 to index
        %parallel_loop3A_1341 = tpu.vector_load %arg14[%parallel_loop3A_1340] {strides = array<i32>} : memref<32768xf32, #tpu.memory_space<vmem>>, vector<16xf32>,
        %parallel_loop3A_1342 = arith.constant 0 : i32
        %parallel_loop3A_1343 = arith.addi %parallel_loop3A_1302, %parallel_loop3A_1342 : i32
        %parallel_loop3A_1344 = arith.index_cast %parallel_loop3A_1343 : i32 to index
        %parallel_loop3A_1345 = tpu.vector_load %arg10[%parallel_loop3A_1344] {strides = array<i32>} : memref<16384xi32, #tpu.memory_space<vmem>>, vector<16xi32>,
        %parallel_loop3A_1346 = arith.constant 16 : i32
        %parallel_loop3A_1347 = arith.addi %parallel_loop3A_1302, %parallel_loop3A_1346 : i32
        %parallel_loop3A_1348 = arith.index_cast %parallel_loop3A_1347 : i32 to index
        %parallel_loop3A_1349 = tpu.vector_load %arg10[%parallel_loop3A_1348] {strides = array<i32>} : memref<16384xi32, #tpu.memory_space<vmem>>, vector<16xi32>,
        %parallel_loop3A_1350 = arith.constant 32 : i32
        %parallel_loop3A_1351 = arith.addi %parallel_loop3A_1302, %parallel_loop3A_1350 : i32
        %parallel_loop3A_1352 = arith.index_cast %parallel_loop3A_1351 : i32 to index
        %parallel_loop3A_1353 = tpu.vector_load %arg10[%parallel_loop3A_1352] {strides = array<i32>} : memref<16384xi32, #tpu.memory_space<vmem>>, vector<16xi32>,
        %parallel_loop3A_1354 = arith.constant 48 : i32
        %parallel_loop3A_1355 = arith.addi %parallel_loop3A_1302, %parallel_loop3A_1354 : i32
        %parallel_loop3A_1356 = arith.index_cast %parallel_loop3A_1355 : i32 to index
        %parallel_loop3A_1357 = tpu.vector_load %arg10[%parallel_loop3A_1356] {strides = array<i32>} : memref<16384xi32, #tpu.memory_space<vmem>>, vector<16xi32>,
        %parallel_loop3A_1358 = arith.constant 64 : i32
        %parallel_loop3A_1359 = arith.addi %parallel_loop3A_1302, %parallel_loop3A_1358 : i32
        %parallel_loop3A_1360 = arith.index_cast %parallel_loop3A_1359 : i32 to index
        %parallel_loop3A_1361 = tpu.vector_load %arg10[%parallel_loop3A_1360] {strides = array<i32>} : memref<16384xi32, #tpu.memory_space<vmem>>, vector<16xi32>,
        %parallel_loop3A_1362 = arith.constant 80 : i32
        %parallel_loop3A_1363 = arith.addi %parallel_loop3A_1302, %parallel_loop3A_1362 : i32
        %parallel_loop3A_1364 = arith.index_cast %parallel_loop3A_1363 : i32 to index
        %parallel_loop3A_1365 = tpu.vector_load %arg10[%parallel_loop3A_1364] {strides = array<i32>} : memref<16384xi32, #tpu.memory_space<vmem>>, vector<16xi32>,
        %parallel_loop3A_1366 = arith.constant 96 : i32
        %parallel_loop3A_1367 = arith.addi %parallel_loop3A_1302, %parallel_loop3A_1366 : i32
        %parallel_loop3A_1368 = arith.index_cast %parallel_loop3A_1367 : i32 to index
        %parallel_loop3A_1369 = tpu.vector_load %arg10[%parallel_loop3A_1368] {strides = array<i32>} : memref<16384xi32, #tpu.memory_space<vmem>>, vector<16xi32>,
        %parallel_loop3A_1370 = arith.constant 112 : i32
        %parallel_loop3A_1371 = arith.addi %parallel_loop3A_1302, %parallel_loop3A_1370 : i32
        %parallel_loop3A_1372 = arith.index_cast %parallel_loop3A_1371 : i32 to index
        %parallel_loop3A_1373 = tpu.vector_load %arg10[%parallel_loop3A_1372] {strides = array<i32>} : memref<16384xi32, #tpu.memory_space<vmem>>, vector<16xi32>,
        %parallel_loop3A_1374 = vector.bitcast %parallel_loop3A_1345 : vector<16xi32> to vector<32xbf16>
        %parallel_loop3A_1375 = tpu.unpack_subelements %parallel_loop3A_1374, 0 {pack_format = #tpu.pack_format<interleaved>} : vector<32xbf16> -> vector<16xf32>
        %parallel_loop3A_1376 = tpu.unpack_subelements %parallel_loop3A_1374, 1 {pack_format = #tpu.pack_format<interleaved>} : vector<32xbf16> -> vector<16xf32>
        %parallel_loop3A_1377 = arith.mulf %parallel_loop3A_1313, %parallel_loop3A_1375 : vector<16xf32>
        %parallel_loop3A_1378 = arith.addf %parallel_loop3A_1377, %parallel_loop3A_1376 : vector<16xf32>
        %parallel_loop3A_1379 = arith.constant 0 : i32
        %parallel_loop3A_1380 = arith.addi %parallel_loop3A_1309, %parallel_loop3A_1379 : i32
        %parallel_loop3A_1381 = arith.index_cast %parallel_loop3A_1380 : i32 to index
        %parallel_loop3A_1382 = tpu.vector_load %arg15[%parallel_loop3A_1381] {strides = array<i32>} : memref<32768xf32, #tpu.memory_space<vmem>>, vector<16xf32>,
        tpu.vector_store %arg15[%parallel_loop3A_1381], %parallel_loop3A_1378 {strides = array<i32>} : memref<32768xf32, #tpu.memory_space<vmem>>, vector<16xf32>,
        %parallel_loop3A_1383 = vector.bitcast %parallel_loop3A_1349 : vector<16xi32> to vector<32xbf16>
        %parallel_loop3A_1384 = tpu.unpack_subelements %parallel_loop3A_1383, 0 {pack_format = #tpu.pack_format<interleaved>} : vector<32xbf16> -> vector<16xf32>
        %parallel_loop3A_1385 = tpu.unpack_subelements %parallel_loop3A_1383, 1 {pack_format = #tpu.pack_format<interleaved>} : vector<32xbf16> -> vector<16xf32>
        %parallel_loop3A_1386 = arith.mulf %parallel_loop3A_1317, %parallel_loop3A_1384 : vector<16xf32>
        %parallel_loop3A_1387 = arith.addf %parallel_loop3A_1386, %parallel_loop3A_1385 : vector<16xf32>
        %parallel_loop3A_1388 = arith.constant 16 : i32
        %parallel_loop3A_1389 = arith.addi %parallel_loop3A_1309, %parallel_loop3A_1388 : i32
        %parallel_loop3A_1390 = arith.index_cast %parallel_loop3A_1389 : i32 to index
        %parallel_loop3A_1391 = tpu.vector_load %arg15[%parallel_loop3A_1390] {strides = array<i32>} : memref<32768xf32, #tpu.memory_space<vmem>>, vector<16xf32>,
        tpu.vector_store %arg15[%parallel_loop3A_1390], %parallel_loop3A_1387 {strides = array<i32>} : memref<32768xf32, #tpu.memory_space<vmem>>, vector<16xf32>,
        %parallel_loop3A_1392 = vector.bitcast %parallel_loop3A_1353 : vector<16xi32> to vector<32xbf16>
        %parallel_loop3A_1393 = tpu.unpack_subelements %parallel_loop3A_1392, 0 {pack_format = #tpu.pack_format<interleaved>} : vector<32xbf16> -> vector<16xf32>
        %parallel_loop3A_1394 = tpu.unpack_subelements %parallel_loop3A_1392, 1 {pack_format = #tpu.pack_format<interleaved>} : vector<32xbf16> -> vector<16xf32>
        %parallel_loop3A_1395 = arith.mulf %parallel_loop3A_1321, %parallel_loop3A_1393 : vector<16xf32>
        %parallel_loop3A_1396 = arith.addf %parallel_loop3A_1395, %parallel_loop3A_1394 : vector<16xf32>
        %parallel_loop3A_1397 = arith.constant 32 : i32
        %parallel_loop3A_1398 = arith.addi %parallel_loop3A_1309, %parallel_loop3A_1397 : i32
        %parallel_loop3A_1399 = arith.index_cast %parallel_loop3A_1398 : i32 to index
        %parallel_loop3A_1400 = tpu.vector_load %arg15[%parallel_loop3A_1399] {strides = array<i32>} : memref<32768xf32, #tpu.memory_space<vmem>>, vector<16xf32>,
        tpu.vector_store %arg15[%parallel_loop3A_1399], %parallel_loop3A_1396 {strides = array<i32>} : memref<32768xf32, #tpu.memory_space<vmem>>, vector<16xf32>,
        %parallel_loop3A_1401 = vector.bitcast %parallel_loop3A_1357 : vector<16xi32> to vector<32xbf16>
        %parallel_loop3A_1402 = tpu.unpack_subelements %parallel_loop3A_1401, 0 {pack_format = #tpu.pack_format<interleaved>} : vector<32xbf16> -> vector<16xf32>
        %parallel_loop3A_1403 = tpu.unpack_subelements %parallel_loop3A_1401, 1 {pack_format = #tpu.pack_format<interleaved>} : vector<32xbf16> -> vector<16xf32>
        %parallel_loop3A_1404 = arith.mulf %parallel_loop3A_1325, %parallel_loop3A_1402 : vector<16xf32>
        %parallel_loop3A_1405 = arith.addf %parallel_loop3A_1404, %parallel_loop3A_1403 : vector<16xf32>
        %parallel_loop3A_1406 = arith.constant 48 : i32
        %parallel_loop3A_1407 = arith.addi %parallel_loop3A_1309, %parallel_loop3A_1406 : i32
        %parallel_loop3A_1408 = arith.index_cast %parallel_loop3A_1407 : i32 to index
        %parallel_loop3A_1409 = tpu.vector_load %arg15[%parallel_loop3A_1408] {strides = array<i32>} : memref<32768xf32, #tpu.memory_space<vmem>>, vector<16xf32>,
        tpu.vector_store %arg15[%parallel_loop3A_1408], %parallel_loop3A_1405 {strides = array<i32>} : memref<32768xf32, #tpu.memory_space<vmem>>, vector<16xf32>,
        %parallel_loop3A_1410 = vector.bitcast %parallel_loop3A_1361 : vector<16xi32> to vector<32xbf16>
        %parallel_loop3A_1411 = tpu.unpack_subelements %parallel_loop3A_1410, 0 {pack_format = #tpu.pack_format<interleaved>} : vector<32xbf16> -> vector<16xf32>
        %parallel_loop3A_1412 = tpu.unpack_subelements %parallel_loop3A_1410, 1 {pack_format = #tpu.pack_format<interleaved>} : vector<32xbf16> -> vector<16xf32>
        %parallel_loop3A_1413 = arith.mulf %parallel_loop3A_1329, %parallel_loop3A_1411 : vector<16xf32>
        %parallel_loop3A_1414 = arith.addf %parallel_loop3A_1413, %parallel_loop3A_1412 : vector<16xf32>
        %parallel_loop3A_1415 = arith.constant 64 : i32
        %parallel_loop3A_1416 = arith.addi %parallel_loop3A_1309, %parallel_loop3A_1415 : i32
        %parallel_loop3A_1417 = arith.index_cast %parallel_loop3A_1416 : i32 to index
        %parallel_loop3A_1418 = tpu.vector_load %arg15[%parallel_loop3A_1417] {strides = array<i32>} : memref<32768xf32, #tpu.memory_space<vmem>>, vector<16xf32>,
        tpu.vector_store %arg15[%parallel_loop3A_1417], %parallel_loop3A_1414 {strides = array<i32>} : memref<32768xf32, #tpu.memory_space<vmem>>, vector<16xf32>,
        %parallel_loop3A_1419 = vector.bitcast %parallel_loop3A_1365 : vector<16xi32> to vector<32xbf16>
        %parallel_loop3A_1420 = tpu.unpack_subelements %parallel_loop3A_1419, 0 {pack_format = #tpu.pack_format<interleaved>} : vector<32xbf16> -> vector<16xf32>
        %parallel_loop3A_1421 = tpu.unpack_subelements %parallel_loop3A_1419, 1 {pack_format = #tpu.pack_format<interleaved>} : vector<32xbf16> -> vector<16xf32>
        %parallel_loop3A_1422 = arith.mulf %parallel_loop3A_1333, %parallel_loop3A_1420 : vector<16xf32>
        %parallel_loop3A_1423 = arith.addf %parallel_loop3A_1422, %parallel_loop3A_1421 : vector<16xf32>
        %parallel_loop3A_1424 = arith.constant 80 : i32
        %parallel_loop3A_1425 = arith.addi %parallel_loop3A_1309, %parallel_loop3A_1424 : i32
        %parallel_loop3A_1426 = arith.index_cast %parallel_loop3A_1425 : i32 to index
        %parallel_loop3A_1427 = tpu.vector_load %arg15[%parallel_loop3A_1426] {strides = array<i32>} : memref<32768xf32, #tpu.memory_space<vmem>>, vector<16xf32>,
        tpu.vector_store %arg15[%parallel_loop3A_1426], %parallel_loop3A_1423 {strides = array<i32>} : memref<32768xf32, #tpu.memory_space<vmem>>, vector<16xf32>,
        %parallel_loop3A_1428 = vector.bitcast %parallel_loop3A_1369 : vector<16xi32> to vector<32xbf16>
        %parallel_loop3A_1429 = tpu.unpack_subelements %parallel_loop3A_1428, 0 {pack_format = #tpu.pack_format<interleaved>} : vector<32xbf16> -> vector<16xf32>
        %parallel_loop3A_1430 = tpu.unpack_subelements %parallel_loop3A_1428, 1 {pack_format = #tpu.pack_format<interleaved>} : vector<32xbf16> -> vector<16xf32>
        %parallel_loop3A_1431 = arith.mulf %parallel_loop3A_1337, %parallel_loop3A_1429 : vector<16xf32>
        %parallel_loop3A_1432 = arith.addf %parallel_loop3A_1431, %parallel_loop3A_1430 : vector<16xf32>
        %parallel_loop3A_1433 = arith.constant 96 : i32
        %parallel_loop3A_1434 = arith.addi %parallel_loop3A_1309, %parallel_loop3A_1433 : i32
        %parallel_loop3A_1435 = arith.index_cast %parallel_loop3A_1434 : i32 to index
        %parallel_loop3A_1436 = tpu.vector_load %arg15[%parallel_loop3A_1435] {strides = array<i32>} : memref<32768xf32, #tpu.memory_space<vmem>>, vector<16xf32>,
        tpu.vector_store %arg15[%parallel_loop3A_1435], %parallel_loop3A_1432 {strides = array<i32>} : memref<32768xf32, #tpu.memory_space<vmem>>, vector<16xf32>,
        %parallel_loop3A_1437 = vector.bitcast %parallel_loop3A_1373 : vector<16xi32> to vector<32xbf16>
        %parallel_loop3A_1438 = tpu.unpack_subelements %parallel_loop3A_1437, 0 {pack_format = #tpu.pack_format<interleaved>} : vector<32xbf16> -> vector<16xf32>
        %parallel_loop3A_1439 = tpu.unpack_subelements %parallel_loop3A_1437, 1 {pack_format = #tpu.pack_format<interleaved>} : vector<32xbf16> -> vector<16xf32>
        %parallel_loop3A_1440 = arith.mulf %parallel_loop3A_1341, %parallel_loop3A_1438 : vector<16xf32>
        %parallel_loop3A_1441 = arith.addf %parallel_loop3A_1440, %parallel_loop3A_1439 : vector<16xf32>
        %parallel_loop3A_1442 = arith.constant 112 : i32
        %parallel_loop3A_1443 = arith.addi %parallel_loop3A_1309, %parallel_loop3A_1442 : i32
        %parallel_loop3A_1444 = arith.index_cast %parallel_loop3A_1443 : i32 to index
        %parallel_loop3A_1445 = tpu.vector_load %arg15[%parallel_loop3A_1444] {strides = array<i32>} : memref<32768xf32, #tpu.memory_space<vmem>>, vector<16xf32>,
        tpu.vector_store %arg15[%parallel_loop3A_1444], %parallel_loop3A_1441 {strides = array<i32>} : memref<32768xf32, #tpu.memory_space<vmem>>, vector<16xf32>,
        %parallel_loop3A_1446 = vector.extract_strided_slice %parallel_loop3A_119 {offsets = [9], sizes = [1], strides = [1]} : vector<16xi32> to vector<1xi32>
        %parallel_loop3A_1447 = vector.extract %parallel_loop3A_1446[0] : i32 from vector<1xi32>
        %parallel_loop3A_1448 = arith.constant 128 : i32
        %parallel_loop3A_1449 = arith.muli %parallel_loop3A_1447, %parallel_loop3A_1448 : i32
        %parallel_loop3A_1450 = arith.constant 16 : i32
        %parallel_loop3A_1451 = arith.muli %parallel_loop3A_114, %parallel_loop3A_1450 : i32
        %parallel_loop3A_1452 = arith.constant 9 : i32
        %parallel_loop3A_1453 = arith.addi %parallel_loop3A_1451, %parallel_loop3A_1452 : i32
        %parallel_loop3A_1454 = arith.constant 128 : i32
        %parallel_loop3A_1455 = arith.muli %parallel_loop3A_1453, %parallel_loop3A_1454 : i32
        %parallel_loop3A_1456 = arith.addi %mul3A_43, %parallel_loop3A_1455 : i32
        %parallel_loop3A_1457 = arith.constant 0 : i32
        %parallel_loop3A_1458 = arith.addi %parallel_loop3A_1456, %parallel_loop3A_1457 : i32
        %parallel_loop3A_1459 = arith.index_cast %parallel_loop3A_1458 : i32 to index
        %parallel_loop3A_1460 = tpu.vector_load %arg14[%parallel_loop3A_1459] {strides = array<i32>} : memref<32768xf32, #tpu.memory_space<vmem>>, vector<16xf32>,
        %parallel_loop3A_1461 = arith.constant 16 : i32
        %parallel_loop3A_1462 = arith.addi %parallel_loop3A_1456, %parallel_loop3A_1461 : i32
        %parallel_loop3A_1463 = arith.index_cast %parallel_loop3A_1462 : i32 to index
        %parallel_loop3A_1464 = tpu.vector_load %arg14[%parallel_loop3A_1463] {strides = array<i32>} : memref<32768xf32, #tpu.memory_space<vmem>>, vector<16xf32>,
        %parallel_loop3A_1465 = arith.constant 32 : i32
        %parallel_loop3A_1466 = arith.addi %parallel_loop3A_1456, %parallel_loop3A_1465 : i32
        %parallel_loop3A_1467 = arith.index_cast %parallel_loop3A_1466 : i32 to index
        %parallel_loop3A_1468 = tpu.vector_load %arg14[%parallel_loop3A_1467] {strides = array<i32>} : memref<32768xf32, #tpu.memory_space<vmem>>, vector<16xf32>,
        %parallel_loop3A_1469 = arith.constant 48 : i32
        %parallel_loop3A_1470 = arith.addi %parallel_loop3A_1456, %parallel_loop3A_1469 : i32
        %parallel_loop3A_1471 = arith.index_cast %parallel_loop3A_1470 : i32 to index
        %parallel_loop3A_1472 = tpu.vector_load %arg14[%parallel_loop3A_1471] {strides = array<i32>} : memref<32768xf32, #tpu.memory_space<vmem>>, vector<16xf32>,
        %parallel_loop3A_1473 = arith.constant 64 : i32
        %parallel_loop3A_1474 = arith.addi %parallel_loop3A_1456, %parallel_loop3A_1473 : i32
        %parallel_loop3A_1475 = arith.index_cast %parallel_loop3A_1474 : i32 to index
        %parallel_loop3A_1476 = tpu.vector_load %arg14[%parallel_loop3A_1475] {strides = array<i32>} : memref<32768xf32, #tpu.memory_space<vmem>>, vector<16xf32>,
        %parallel_loop3A_1477 = arith.constant 80 : i32
        %parallel_loop3A_1478 = arith.addi %parallel_loop3A_1456, %parallel_loop3A_1477 : i32
        %parallel_loop3A_1479 = arith.index_cast %parallel_loop3A_1478 : i32 to index
        %parallel_loop3A_1480 = tpu.vector_load %arg14[%parallel_loop3A_1479] {strides = array<i32>} : memref<32768xf32, #tpu.memory_space<vmem>>, vector<16xf32>,
        %parallel_loop3A_1481 = arith.constant 96 : i32
        %parallel_loop3A_1482 = arith.addi %parallel_loop3A_1456, %parallel_loop3A_1481 : i32
        %parallel_loop3A_1483 = arith.index_cast %parallel_loop3A_1482 : i32 to index
        %parallel_loop3A_1484 = tpu.vector_load %arg14[%parallel_loop3A_1483] {strides = array<i32>} : memref<32768xf32, #tpu.memory_space<vmem>>, vector<16xf32>,
        %parallel_loop3A_1485 = arith.constant 112 : i32
        %parallel_loop3A_1486 = arith.addi %parallel_loop3A_1456, %parallel_loop3A_1485 : i32
        %parallel_loop3A_1487 = arith.index_cast %parallel_loop3A_1486 : i32 to index
        %parallel_loop3A_1488 = tpu.vector_load %arg14[%parallel_loop3A_1487] {strides = array<i32>} : memref<32768xf32, #tpu.memory_space<vmem>>, vector<16xf32>,
        %parallel_loop3A_1489 = arith.constant 0 : i32
        %parallel_loop3A_1490 = arith.addi %parallel_loop3A_1449, %parallel_loop3A_1489 : i32
        %parallel_loop3A_1491 = arith.index_cast %parallel_loop3A_1490 : i32 to index
        %parallel_loop3A_1492 = tpu.vector_load %arg10[%parallel_loop3A_1491] {strides = array<i32>} : memref<16384xi32, #tpu.memory_space<vmem>>, vector<16xi32>,
        %parallel_loop3A_1493 = arith.constant 16 : i32
        %parallel_loop3A_1494 = arith.addi %parallel_loop3A_1449, %parallel_loop3A_1493 : i32
        %parallel_loop3A_1495 = arith.index_cast %parallel_loop3A_1494 : i32 to index
        %parallel_loop3A_1496 = tpu.vector_load %arg10[%parallel_loop3A_1495] {strides = array<i32>} : memref<16384xi32, #tpu.memory_space<vmem>>, vector<16xi32>,
        %parallel_loop3A_1497 = arith.constant 32 : i32
        %parallel_loop3A_1498 = arith.addi %parallel_loop3A_1449, %parallel_loop3A_1497 : i32
        %parallel_loop3A_1499 = arith.index_cast %parallel_loop3A_1498 : i32 to index
        %parallel_loop3A_1500 = tpu.vector_load %arg10[%parallel_loop3A_1499] {strides = array<i32>} : memref<16384xi32, #tpu.memory_space<vmem>>, vector<16xi32>,
        %parallel_loop3A_1501 = arith.constant 48 : i32
        %parallel_loop3A_1502 = arith.addi %parallel_loop3A_1449, %parallel_loop3A_1501 : i32
        %parallel_loop3A_1503 = arith.index_cast %parallel_loop3A_1502 : i32 to index
        %parallel_loop3A_1504 = tpu.vector_load %arg10[%parallel_loop3A_1503] {strides = array<i32>} : memref<16384xi32, #tpu.memory_space<vmem>>, vector<16xi32>,
        %parallel_loop3A_1505 = arith.constant 64 : i32
        %parallel_loop3A_1506 = arith.addi %parallel_loop3A_1449, %parallel_loop3A_1505 : i32
        %parallel_loop3A_1507 = arith.index_cast %parallel_loop3A_1506 : i32 to index
        %parallel_loop3A_1508 = tpu.vector_load %arg10[%parallel_loop3A_1507] {strides = array<i32>} : memref<16384xi32, #tpu.memory_space<vmem>>, vector<16xi32>,
        %parallel_loop3A_1509 = arith.constant 80 : i32
        %parallel_loop3A_1510 = arith.addi %parallel_loop3A_1449, %parallel_loop3A_1509 : i32
        %parallel_loop3A_1511 = arith.index_cast %parallel_loop3A_1510 : i32 to index
        %parallel_loop3A_1512 = tpu.vector_load %arg10[%parallel_loop3A_1511] {strides = array<i32>} : memref<16384xi32, #tpu.memory_space<vmem>>, vector<16xi32>,
        %parallel_loop3A_1513 = arith.constant 96 : i32
        %parallel_loop3A_1514 = arith.addi %parallel_loop3A_1449, %parallel_loop3A_1513 : i32
        %parallel_loop3A_1515 = arith.index_cast %parallel_loop3A_1514 : i32 to index
        %parallel_loop3A_1516 = tpu.vector_load %arg10[%parallel_loop3A_1515] {strides = array<i32>} : memref<16384xi32, #tpu.memory_space<vmem>>, vector<16xi32>,
        %parallel_loop3A_1517 = arith.constant 112 : i32
        %parallel_loop3A_1518 = arith.addi %parallel_loop3A_1449, %parallel_loop3A_1517 : i32
        %parallel_loop3A_1519 = arith.index_cast %parallel_loop3A_1518 : i32 to index
        %parallel_loop3A_1520 = tpu.vector_load %arg10[%parallel_loop3A_1519] {strides = array<i32>} : memref<16384xi32, #tpu.memory_space<vmem>>, vector<16xi32>,
        %parallel_loop3A_1521 = vector.bitcast %parallel_loop3A_1492 : vector<16xi32> to vector<32xbf16>
        %parallel_loop3A_1522 = tpu.unpack_subelements %parallel_loop3A_1521, 0 {pack_format = #tpu.pack_format<interleaved>} : vector<32xbf16> -> vector<16xf32>
        %parallel_loop3A_1523 = tpu.unpack_subelements %parallel_loop3A_1521, 1 {pack_format = #tpu.pack_format<interleaved>} : vector<32xbf16> -> vector<16xf32>
        %parallel_loop3A_1524 = arith.mulf %parallel_loop3A_1460, %parallel_loop3A_1522 : vector<16xf32>
        %parallel_loop3A_1525 = arith.addf %parallel_loop3A_1524, %parallel_loop3A_1523 : vector<16xf32>
        %parallel_loop3A_1526 = arith.constant 0 : i32
        %parallel_loop3A_1527 = arith.addi %parallel_loop3A_1456, %parallel_loop3A_1526 : i32
        %parallel_loop3A_1528 = arith.index_cast %parallel_loop3A_1527 : i32 to index
        %parallel_loop3A_1529 = tpu.vector_load %arg15[%parallel_loop3A_1528] {strides = array<i32>} : memref<32768xf32, #tpu.memory_space<vmem>>, vector<16xf32>,
        tpu.vector_store %arg15[%parallel_loop3A_1528], %parallel_loop3A_1525 {strides = array<i32>} : memref<32768xf32, #tpu.memory_space<vmem>>, vector<16xf32>,
        %parallel_loop3A_1530 = vector.bitcast %parallel_loop3A_1496 : vector<16xi32> to vector<32xbf16>
        %parallel_loop3A_1531 = tpu.unpack_subelements %parallel_loop3A_1530, 0 {pack_format = #tpu.pack_format<interleaved>} : vector<32xbf16> -> vector<16xf32>
        %parallel_loop3A_1532 = tpu.unpack_subelements %parallel_loop3A_1530, 1 {pack_format = #tpu.pack_format<interleaved>} : vector<32xbf16> -> vector<16xf32>
        %parallel_loop3A_1533 = arith.mulf %parallel_loop3A_1464, %parallel_loop3A_1531 : vector<16xf32>
        %parallel_loop3A_1534 = arith.addf %parallel_loop3A_1533, %parallel_loop3A_1532 : vector<16xf32>
        %parallel_loop3A_1535 = arith.constant 16 : i32
        %parallel_loop3A_1536 = arith.addi %parallel_loop3A_1456, %parallel_loop3A_1535 : i32
        %parallel_loop3A_1537 = arith.index_cast %parallel_loop3A_1536 : i32 to index
        %parallel_loop3A_1538 = tpu.vector_load %arg15[%parallel_loop3A_1537] {strides = array<i32>} : memref<32768xf32, #tpu.memory_space<vmem>>, vector<16xf32>,
        tpu.vector_store %arg15[%parallel_loop3A_1537], %parallel_loop3A_1534 {strides = array<i32>} : memref<32768xf32, #tpu.memory_space<vmem>>, vector<16xf32>,
        %parallel_loop3A_1539 = vector.bitcast %parallel_loop3A_1500 : vector<16xi32> to vector<32xbf16>
        %parallel_loop3A_1540 = tpu.unpack_subelements %parallel_loop3A_1539, 0 {pack_format = #tpu.pack_format<interleaved>} : vector<32xbf16> -> vector<16xf32>
        %parallel_loop3A_1541 = tpu.unpack_subelements %parallel_loop3A_1539, 1 {pack_format = #tpu.pack_format<interleaved>} : vector<32xbf16> -> vector<16xf32>
        %parallel_loop3A_1542 = arith.mulf %parallel_loop3A_1468, %parallel_loop3A_1540 : vector<16xf32>
        %parallel_loop3A_1543 = arith.addf %parallel_loop3A_1542, %parallel_loop3A_1541 : vector<16xf32>
        %parallel_loop3A_1544 = arith.constant 32 : i32
        %parallel_loop3A_1545 = arith.addi %parallel_loop3A_1456, %parallel_loop3A_1544 : i32
        %parallel_loop3A_1546 = arith.index_cast %parallel_loop3A_1545 : i32 to index
        %parallel_loop3A_1547 = tpu.vector_load %arg15[%parallel_loop3A_1546] {strides = array<i32>} : memref<32768xf32, #tpu.memory_space<vmem>>, vector<16xf32>,
        tpu.vector_store %arg15[%parallel_loop3A_1546], %parallel_loop3A_1543 {strides = array<i32>} : memref<32768xf32, #tpu.memory_space<vmem>>, vector<16xf32>,
        %parallel_loop3A_1548 = vector.bitcast %parallel_loop3A_1504 : vector<16xi32> to vector<32xbf16>
        %parallel_loop3A_1549 = tpu.unpack_subelements %parallel_loop3A_1548, 0 {pack_format = #tpu.pack_format<interleaved>} : vector<32xbf16> -> vector<16xf32>
        %parallel_loop3A_1550 = tpu.unpack_subelements %parallel_loop3A_1548, 1 {pack_format = #tpu.pack_format<interleaved>} : vector<32xbf16> -> vector<16xf32>
        %parallel_loop3A_1551 = arith.mulf %parallel_loop3A_1472, %parallel_loop3A_1549 : vector<16xf32>
        %parallel_loop3A_1552 = arith.addf %parallel_loop3A_1551, %parallel_loop3A_1550 : vector<16xf32>
        %parallel_loop3A_1553 = arith.constant 48 : i32
        %parallel_loop3A_1554 = arith.addi %parallel_loop3A_1456, %parallel_loop3A_1553 : i32
        %parallel_loop3A_1555 = arith.index_cast %parallel_loop3A_1554 : i32 to index
        %parallel_loop3A_1556 = tpu.vector_load %arg15[%parallel_loop3A_1555] {strides = array<i32>} : memref<32768xf32, #tpu.memory_space<vmem>>, vector<16xf32>,
        tpu.vector_store %arg15[%parallel_loop3A_1555], %parallel_loop3A_1552 {strides = array<i32>} : memref<32768xf32, #tpu.memory_space<vmem>>, vector<16xf32>,
        %parallel_loop3A_1557 = vector.bitcast %parallel_loop3A_1508 : vector<16xi32> to vector<32xbf16>
        %parallel_loop3A_1558 = tpu.unpack_subelements %parallel_loop3A_1557, 0 {pack_format = #tpu.pack_format<interleaved>} : vector<32xbf16> -> vector<16xf32>
        %parallel_loop3A_1559 = tpu.unpack_subelements %parallel_loop3A_1557, 1 {pack_format = #tpu.pack_format<interleaved>} : vector<32xbf16> -> vector<16xf32>
        %parallel_loop3A_1560 = arith.mulf %parallel_loop3A_1476, %parallel_loop3A_1558 : vector<16xf32>
        %parallel_loop3A_1561 = arith.addf %parallel_loop3A_1560, %parallel_loop3A_1559 : vector<16xf32>
        %parallel_loop3A_1562 = arith.constant 64 : i32
        %parallel_loop3A_1563 = arith.addi %parallel_loop3A_1456, %parallel_loop3A_1562 : i32
        %parallel_loop3A_1564 = arith.index_cast %parallel_loop3A_1563 : i32 to index
        %parallel_loop3A_1565 = tpu.vector_load %arg15[%parallel_loop3A_1564] {strides = array<i32>} : memref<32768xf32, #tpu.memory_space<vmem>>, vector<16xf32>,
        tpu.vector_store %arg15[%parallel_loop3A_1564], %parallel_loop3A_1561 {strides = array<i32>} : memref<32768xf32, #tpu.memory_space<vmem>>, vector<16xf32>,
        %parallel_loop3A_1566 = vector.bitcast %parallel_loop3A_1512 : vector<16xi32> to vector<32xbf16>
        %parallel_loop3A_1567 = tpu.unpack_subelements %parallel_loop3A_1566, 0 {pack_format = #tpu.pack_format<interleaved>} : vector<32xbf16> -> vector<16xf32>
        %parallel_loop3A_1568 = tpu.unpack_subelements %parallel_loop3A_1566, 1 {pack_format = #tpu.pack_format<interleaved>} : vector<32xbf16> -> vector<16xf32>
        %parallel_loop3A_1569 = arith.mulf %parallel_loop3A_1480, %parallel_loop3A_1567 : vector<16xf32>
        %parallel_loop3A_1570 = arith.addf %parallel_loop3A_1569, %parallel_loop3A_1568 : vector<16xf32>
        %parallel_loop3A_1571 = arith.constant 80 : i32
        %parallel_loop3A_1572 = arith.addi %parallel_loop3A_1456, %parallel_loop3A_1571 : i32
        %parallel_loop3A_1573 = arith.index_cast %parallel_loop3A_1572 : i32 to index
        %parallel_loop3A_1574 = tpu.vector_load %arg15[%parallel_loop3A_1573] {strides = array<i32>} : memref<32768xf32, #tpu.memory_space<vmem>>, vector<16xf32>,
        tpu.vector_store %arg15[%parallel_loop3A_1573], %parallel_loop3A_1570 {strides = array<i32>} : memref<32768xf32, #tpu.memory_space<vmem>>, vector<16xf32>,
        %parallel_loop3A_1575 = vector.bitcast %parallel_loop3A_1516 : vector<16xi32> to vector<32xbf16>
        %parallel_loop3A_1576 = tpu.unpack_subelements %parallel_loop3A_1575, 0 {pack_format = #tpu.pack_format<interleaved>} : vector<32xbf16> -> vector<16xf32>
        %parallel_loop3A_1577 = tpu.unpack_subelements %parallel_loop3A_1575, 1 {pack_format = #tpu.pack_format<interleaved>} : vector<32xbf16> -> vector<16xf32>
        %parallel_loop3A_1578 = arith.mulf %parallel_loop3A_1484, %parallel_loop3A_1576 : vector<16xf32>
        %parallel_loop3A_1579 = arith.addf %parallel_loop3A_1578, %parallel_loop3A_1577 : vector<16xf32>
        %parallel_loop3A_1580 = arith.constant 96 : i32
        %parallel_loop3A_1581 = arith.addi %parallel_loop3A_1456, %parallel_loop3A_1580 : i32
        %parallel_loop3A_1582 = arith.index_cast %parallel_loop3A_1581 : i32 to index
        %parallel_loop3A_1583 = tpu.vector_load %arg15[%parallel_loop3A_1582] {strides = array<i32>} : memref<32768xf32, #tpu.memory_space<vmem>>, vector<16xf32>,
        tpu.vector_store %arg15[%parallel_loop3A_1582], %parallel_loop3A_1579 {strides = array<i32>} : memref<32768xf32, #tpu.memory_space<vmem>>, vector<16xf32>,
        %parallel_loop3A_1584 = vector.bitcast %parallel_loop3A_1520 : vector<16xi32> to vector<32xbf16>
        %parallel_loop3A_1585 = tpu.unpack_subelements %parallel_loop3A_1584, 0 {pack_format = #tpu.pack_format<interleaved>} : vector<32xbf16> -> vector<16xf32>
        %parallel_loop3A_1586 = tpu.unpack_subelements %parallel_loop3A_1584, 1 {pack_format = #tpu.pack_format<interleaved>} : vector<32xbf16> -> vector<16xf32>
        %parallel_loop3A_1587 = arith.mulf %parallel_loop3A_1488, %parallel_loop3A_1585 : vector<16xf32>
        %parallel_loop3A_1588 = arith.addf %parallel_loop3A_1587, %parallel_loop3A_1586 : vector<16xf32>
        %parallel_loop3A_1589 = arith.constant 112 : i32
        %parallel_loop3A_1590 = arith.addi %parallel_loop3A_1456, %parallel_loop3A_1589 : i32
        %parallel_loop3A_1591 = arith.index_cast %parallel_loop3A_1590 : i32 to index
        %parallel_loop3A_1592 = tpu.vector_load %arg15[%parallel_loop3A_1591] {strides = array<i32>} : memref<32768xf32, #tpu.memory_space<vmem>>, vector<16xf32>,
        tpu.vector_store %arg15[%parallel_loop3A_1591], %parallel_loop3A_1588 {strides = array<i32>} : memref<32768xf32, #tpu.memory_space<vmem>>, vector<16xf32>,
        %parallel_loop3A_1593 = vector.extract_strided_slice %parallel_loop3A_119 {offsets = [10], sizes = [1], strides = [1]} : vector<16xi32> to vector<1xi32>
        %parallel_loop3A_1594 = vector.extract %parallel_loop3A_1593[0] : i32 from vector<1xi32>
        %parallel_loop3A_1595 = arith.constant 128 : i32
        %parallel_loop3A_1596 = arith.muli %parallel_loop3A_1594, %parallel_loop3A_1595 : i32
        %parallel_loop3A_1597 = arith.constant 16 : i32
        %parallel_loop3A_1598 = arith.muli %parallel_loop3A_114, %parallel_loop3A_1597 : i32
        %parallel_loop3A_1599 = arith.constant 10 : i32
        %parallel_loop3A_1600 = arith.addi %parallel_loop3A_1598, %parallel_loop3A_1599 : i32
        %parallel_loop3A_1601 = arith.constant 128 : i32
        %parallel_loop3A_1602 = arith.muli %parallel_loop3A_1600, %parallel_loop3A_1601 : i32
        %parallel_loop3A_1603 = arith.addi %mul3A_43, %parallel_loop3A_1602 : i32
        %parallel_loop3A_1604 = arith.constant 0 : i32
        %parallel_loop3A_1605 = arith.addi %parallel_loop3A_1603, %parallel_loop3A_1604 : i32
        %parallel_loop3A_1606 = arith.index_cast %parallel_loop3A_1605 : i32 to index
        %parallel_loop3A_1607 = tpu.vector_load %arg14[%parallel_loop3A_1606] {strides = array<i32>} : memref<32768xf32, #tpu.memory_space<vmem>>, vector<16xf32>,
        %parallel_loop3A_1608 = arith.constant 16 : i32
        %parallel_loop3A_1609 = arith.addi %parallel_loop3A_1603, %parallel_loop3A_1608 : i32
        %parallel_loop3A_1610 = arith.index_cast %parallel_loop3A_1609 : i32 to index
        %parallel_loop3A_1611 = tpu.vector_load %arg14[%parallel_loop3A_1610] {strides = array<i32>} : memref<32768xf32, #tpu.memory_space<vmem>>, vector<16xf32>,
        %parallel_loop3A_1612 = arith.constant 32 : i32
        %parallel_loop3A_1613 = arith.addi %parallel_loop3A_1603, %parallel_loop3A_1612 : i32
        %parallel_loop3A_1614 = arith.index_cast %parallel_loop3A_1613 : i32 to index
        %parallel_loop3A_1615 = tpu.vector_load %arg14[%parallel_loop3A_1614] {strides = array<i32>} : memref<32768xf32, #tpu.memory_space<vmem>>, vector<16xf32>,
        %parallel_loop3A_1616 = arith.constant 48 : i32
        %parallel_loop3A_1617 = arith.addi %parallel_loop3A_1603, %parallel_loop3A_1616 : i32
        %parallel_loop3A_1618 = arith.index_cast %parallel_loop3A_1617 : i32 to index
        %parallel_loop3A_1619 = tpu.vector_load %arg14[%parallel_loop3A_1618] {strides = array<i32>} : memref<32768xf32, #tpu.memory_space<vmem>>, vector<16xf32>,
        %parallel_loop3A_1620 = arith.constant 64 : i32
        %parallel_loop3A_1621 = arith.addi %parallel_loop3A_1603, %parallel_loop3A_1620 : i32
        %parallel_loop3A_1622 = arith.index_cast %parallel_loop3A_1621 : i32 to index
        %parallel_loop3A_1623 = tpu.vector_load %arg14[%parallel_loop3A_1622] {strides = array<i32>} : memref<32768xf32, #tpu.memory_space<vmem>>, vector<16xf32>,
        %parallel_loop3A_1624 = arith.constant 80 : i32
        %parallel_loop3A_1625 = arith.addi %parallel_loop3A_1603, %parallel_loop3A_1624 : i32
        %parallel_loop3A_1626 = arith.index_cast %parallel_loop3A_1625 : i32 to index
        %parallel_loop3A_1627 = tpu.vector_load %arg14[%parallel_loop3A_1626] {strides = array<i32>} : memref<32768xf32, #tpu.memory_space<vmem>>, vector<16xf32>,
        %parallel_loop3A_1628 = arith.constant 96 : i32
        %parallel_loop3A_1629 = arith.addi %parallel_loop3A_1603, %parallel_loop3A_1628 : i32
        %parallel_loop3A_1630 = arith.index_cast %parallel_loop3A_1629 : i32 to index
        %parallel_loop3A_1631 = tpu.vector_load %arg14[%parallel_loop3A_1630] {strides = array<i32>} : memref<32768xf32, #tpu.memory_space<vmem>>, vector<16xf32>,
        %parallel_loop3A_1632 = arith.constant 112 : i32
        %parallel_loop3A_1633 = arith.addi %parallel_loop3A_1603, %parallel_loop3A_1632 : i32
        %parallel_loop3A_1634 = arith.index_cast %parallel_loop3A_1633 : i32 to index
        %parallel_loop3A_1635 = tpu.vector_load %arg14[%parallel_loop3A_1634] {strides = array<i32>} : memref<32768xf32, #tpu.memory_space<vmem>>, vector<16xf32>,
        %parallel_loop3A_1636 = arith.constant 0 : i32
        %parallel_loop3A_1637 = arith.addi %parallel_loop3A_1596, %parallel_loop3A_1636 : i32
        %parallel_loop3A_1638 = arith.index_cast %parallel_loop3A_1637 : i32 to index
        %parallel_loop3A_1639 = tpu.vector_load %arg10[%parallel_loop3A_1638] {strides = array<i32>} : memref<16384xi32, #tpu.memory_space<vmem>>, vector<16xi32>,
        %parallel_loop3A_1640 = arith.constant 16 : i32
        %parallel_loop3A_1641 = arith.addi %parallel_loop3A_1596, %parallel_loop3A_1640 : i32
        %parallel_loop3A_1642 = arith.index_cast %parallel_loop3A_1641 : i32 to index
        %parallel_loop3A_1643 = tpu.vector_load %arg10[%parallel_loop3A_1642] {strides = array<i32>} : memref<16384xi32, #tpu.memory_space<vmem>>, vector<16xi32>,
        %parallel_loop3A_1644 = arith.constant 32 : i32
        %parallel_loop3A_1645 = arith.addi %parallel_loop3A_1596, %parallel_loop3A_1644 : i32
        %parallel_loop3A_1646 = arith.index_cast %parallel_loop3A_1645 : i32 to index
        %parallel_loop3A_1647 = tpu.vector_load %arg10[%parallel_loop3A_1646] {strides = array<i32>} : memref<16384xi32, #tpu.memory_space<vmem>>, vector<16xi32>,
        %parallel_loop3A_1648 = arith.constant 48 : i32
        %parallel_loop3A_1649 = arith.addi %parallel_loop3A_1596, %parallel_loop3A_1648 : i32
        %parallel_loop3A_1650 = arith.index_cast %parallel_loop3A_1649 : i32 to index
        %parallel_loop3A_1651 = tpu.vector_load %arg10[%parallel_loop3A_1650] {strides = array<i32>} : memref<16384xi32, #tpu.memory_space<vmem>>, vector<16xi32>,
        %parallel_loop3A_1652 = arith.constant 64 : i32
        %parallel_loop3A_1653 = arith.addi %parallel_loop3A_1596, %parallel_loop3A_1652 : i32
        %parallel_loop3A_1654 = arith.index_cast %parallel_loop3A_1653 : i32 to index
        %parallel_loop3A_1655 = tpu.vector_load %arg10[%parallel_loop3A_1654] {strides = array<i32>} : memref<16384xi32, #tpu.memory_space<vmem>>, vector<16xi32>,
        %parallel_loop3A_1656 = arith.constant 80 : i32
        %parallel_loop3A_1657 = arith.addi %parallel_loop3A_1596, %parallel_loop3A_1656 : i32
        %parallel_loop3A_1658 = arith.index_cast %parallel_loop3A_1657 : i32 to index
        %parallel_loop3A_1659 = tpu.vector_load %arg10[%parallel_loop3A_1658] {strides = array<i32>} : memref<16384xi32, #tpu.memory_space<vmem>>, vector<16xi32>,
        %parallel_loop3A_1660 = arith.constant 96 : i32
        %parallel_loop3A_1661 = arith.addi %parallel_loop3A_1596, %parallel_loop3A_1660 : i32
        %parallel_loop3A_1662 = arith.index_cast %parallel_loop3A_1661 : i32 to index
        %parallel_loop3A_1663 = tpu.vector_load %arg10[%parallel_loop3A_1662] {strides = array<i32>} : memref<16384xi32, #tpu.memory_space<vmem>>, vector<16xi32>,
        %parallel_loop3A_1664 = arith.constant 112 : i32
        %parallel_loop3A_1665 = arith.addi %parallel_loop3A_1596, %parallel_loop3A_1664 : i32
        %parallel_loop3A_1666 = arith.index_cast %parallel_loop3A_1665 : i32 to index
        %parallel_loop3A_1667 = tpu.vector_load %arg10[%parallel_loop3A_1666] {strides = array<i32>} : memref<16384xi32, #tpu.memory_space<vmem>>, vector<16xi32>,
        %parallel_loop3A_1668 = vector.bitcast %parallel_loop3A_1639 : vector<16xi32> to vector<32xbf16>
        %parallel_loop3A_1669 = tpu.unpack_subelements %parallel_loop3A_1668, 0 {pack_format = #tpu.pack_format<interleaved>} : vector<32xbf16> -> vector<16xf32>
        %parallel_loop3A_1670 = tpu.unpack_subelements %parallel_loop3A_1668, 1 {pack_format = #tpu.pack_format<interleaved>} : vector<32xbf16> -> vector<16xf32>
        %parallel_loop3A_1671 = arith.mulf %parallel_loop3A_1607, %parallel_loop3A_1669 : vector<16xf32>
        %parallel_loop3A_1672 = arith.addf %parallel_loop3A_1671, %parallel_loop3A_1670 : vector<16xf32>
        %parallel_loop3A_1673 = arith.constant 0 : i32
        %parallel_loop3A_1674 = arith.addi %parallel_loop3A_1603, %parallel_loop3A_1673 : i32
        %parallel_loop3A_1675 = arith.index_cast %parallel_loop3A_1674 : i32 to index
        %parallel_loop3A_1676 = tpu.vector_load %arg15[%parallel_loop3A_1675] {strides = array<i32>} : memref<32768xf32, #tpu.memory_space<vmem>>, vector<16xf32>,
        tpu.vector_store %arg15[%parallel_loop3A_1675], %parallel_loop3A_1672 {strides = array<i32>} : memref<32768xf32, #tpu.memory_space<vmem>>, vector<16xf32>,
        %parallel_loop3A_1677 = vector.bitcast %parallel_loop3A_1643 : vector<16xi32> to vector<32xbf16>
        %parallel_loop3A_1678 = tpu.unpack_subelements %parallel_loop3A_1677, 0 {pack_format = #tpu.pack_format<interleaved>} : vector<32xbf16> -> vector<16xf32>
        %parallel_loop3A_1679 = tpu.unpack_subelements %parallel_loop3A_1677, 1 {pack_format = #tpu.pack_format<interleaved>} : vector<32xbf16> -> vector<16xf32>
        %parallel_loop3A_1680 = arith.mulf %parallel_loop3A_1611, %parallel_loop3A_1678 : vector<16xf32>
        %parallel_loop3A_1681 = arith.addf %parallel_loop3A_1680, %parallel_loop3A_1679 : vector<16xf32>
        %parallel_loop3A_1682 = arith.constant 16 : i32
        %parallel_loop3A_1683 = arith.addi %parallel_loop3A_1603, %parallel_loop3A_1682 : i32
        %parallel_loop3A_1684 = arith.index_cast %parallel_loop3A_1683 : i32 to index
        %parallel_loop3A_1685 = tpu.vector_load %arg15[%parallel_loop3A_1684] {strides = array<i32>} : memref<32768xf32, #tpu.memory_space<vmem>>, vector<16xf32>,
        tpu.vector_store %arg15[%parallel_loop3A_1684], %parallel_loop3A_1681 {strides = array<i32>} : memref<32768xf32, #tpu.memory_space<vmem>>, vector<16xf32>,
        %parallel_loop3A_1686 = vector.bitcast %parallel_loop3A_1647 : vector<16xi32> to vector<32xbf16>
        %parallel_loop3A_1687 = tpu.unpack_subelements %parallel_loop3A_1686, 0 {pack_format = #tpu.pack_format<interleaved>} : vector<32xbf16> -> vector<16xf32>
        %parallel_loop3A_1688 = tpu.unpack_subelements %parallel_loop3A_1686, 1 {pack_format = #tpu.pack_format<interleaved>} : vector<32xbf16> -> vector<16xf32>
        %parallel_loop3A_1689 = arith.mulf %parallel_loop3A_1615, %parallel_loop3A_1687 : vector<16xf32>
        %parallel_loop3A_1690 = arith.addf %parallel_loop3A_1689, %parallel_loop3A_1688 : vector<16xf32>
        %parallel_loop3A_1691 = arith.constant 32 : i32
        %parallel_loop3A_1692 = arith.addi %parallel_loop3A_1603, %parallel_loop3A_1691 : i32
        %parallel_loop3A_1693 = arith.index_cast %parallel_loop3A_1692 : i32 to index
        %parallel_loop3A_1694 = tpu.vector_load %arg15[%parallel_loop3A_1693] {strides = array<i32>} : memref<32768xf32, #tpu.memory_space<vmem>>, vector<16xf32>,
        tpu.vector_store %arg15[%parallel_loop3A_1693], %parallel_loop3A_1690 {strides = array<i32>} : memref<32768xf32, #tpu.memory_space<vmem>>, vector<16xf32>,
        %parallel_loop3A_1695 = vector.bitcast %parallel_loop3A_1651 : vector<16xi32> to vector<32xbf16>
        %parallel_loop3A_1696 = tpu.unpack_subelements %parallel_loop3A_1695, 0 {pack_format = #tpu.pack_format<interleaved>} : vector<32xbf16> -> vector<16xf32>
        %parallel_loop3A_1697 = tpu.unpack_subelements %parallel_loop3A_1695, 1 {pack_format = #tpu.pack_format<interleaved>} : vector<32xbf16> -> vector<16xf32>
        %parallel_loop3A_1698 = arith.mulf %parallel_loop3A_1619, %parallel_loop3A_1696 : vector<16xf32>
        %parallel_loop3A_1699 = arith.addf %parallel_loop3A_1698, %parallel_loop3A_1697 : vector<16xf32>
        %parallel_loop3A_1700 = arith.constant 48 : i32
        %parallel_loop3A_1701 = arith.addi %parallel_loop3A_1603, %parallel_loop3A_1700 : i32
        %parallel_loop3A_1702 = arith.index_cast %parallel_loop3A_1701 : i32 to index
        %parallel_loop3A_1703 = tpu.vector_load %arg15[%parallel_loop3A_1702] {strides = array<i32>} : memref<32768xf32, #tpu.memory_space<vmem>>, vector<16xf32>,
        tpu.vector_store %arg15[%parallel_loop3A_1702], %parallel_loop3A_1699 {strides = array<i32>} : memref<32768xf32, #tpu.memory_space<vmem>>, vector<16xf32>,
        %parallel_loop3A_1704 = vector.bitcast %parallel_loop3A_1655 : vector<16xi32> to vector<32xbf16>
        %parallel_loop3A_1705 = tpu.unpack_subelements %parallel_loop3A_1704, 0 {pack_format = #tpu.pack_format<interleaved>} : vector<32xbf16> -> vector<16xf32>
        %parallel_loop3A_1706 = tpu.unpack_subelements %parallel_loop3A_1704, 1 {pack_format = #tpu.pack_format<interleaved>} : vector<32xbf16> -> vector<16xf32>
        %parallel_loop3A_1707 = arith.mulf %parallel_loop3A_1623, %parallel_loop3A_1705 : vector<16xf32>
        %parallel_loop3A_1708 = arith.addf %parallel_loop3A_1707, %parallel_loop3A_1706 : vector<16xf32>
        %parallel_loop3A_1709 = arith.constant 64 : i32
        %parallel_loop3A_1710 = arith.addi %parallel_loop3A_1603, %parallel_loop3A_1709 : i32
        %parallel_loop3A_1711 = arith.index_cast %parallel_loop3A_1710 : i32 to index
        %parallel_loop3A_1712 = tpu.vector_load %arg15[%parallel_loop3A_1711] {strides = array<i32>} : memref<32768xf32, #tpu.memory_space<vmem>>, vector<16xf32>,
        tpu.vector_store %arg15[%parallel_loop3A_1711], %parallel_loop3A_1708 {strides = array<i32>} : memref<32768xf32, #tpu.memory_space<vmem>>, vector<16xf32>,
        %parallel_loop3A_1713 = vector.bitcast %parallel_loop3A_1659 : vector<16xi32> to vector<32xbf16>
        %parallel_loop3A_1714 = tpu.unpack_subelements %parallel_loop3A_1713, 0 {pack_format = #tpu.pack_format<interleaved>} : vector<32xbf16> -> vector<16xf32>
        %parallel_loop3A_1715 = tpu.unpack_subelements %parallel_loop3A_1713, 1 {pack_format = #tpu.pack_format<interleaved>} : vector<32xbf16> -> vector<16xf32>
        %parallel_loop3A_1716 = arith.mulf %parallel_loop3A_1627, %parallel_loop3A_1714 : vector<16xf32>
        %parallel_loop3A_1717 = arith.addf %parallel_loop3A_1716, %parallel_loop3A_1715 : vector<16xf32>
        %parallel_loop3A_1718 = arith.constant 80 : i32
        %parallel_loop3A_1719 = arith.addi %parallel_loop3A_1603, %parallel_loop3A_1718 : i32
        %parallel_loop3A_1720 = arith.index_cast %parallel_loop3A_1719 : i32 to index
        %parallel_loop3A_1721 = tpu.vector_load %arg15[%parallel_loop3A_1720] {strides = array<i32>} : memref<32768xf32, #tpu.memory_space<vmem>>, vector<16xf32>,
        tpu.vector_store %arg15[%parallel_loop3A_1720], %parallel_loop3A_1717 {strides = array<i32>} : memref<32768xf32, #tpu.memory_space<vmem>>, vector<16xf32>,
        %parallel_loop3A_1722 = vector.bitcast %parallel_loop3A_1663 : vector<16xi32> to vector<32xbf16>
        %parallel_loop3A_1723 = tpu.unpack_subelements %parallel_loop3A_1722, 0 {pack_format = #tpu.pack_format<interleaved>} : vector<32xbf16> -> vector<16xf32>
        %parallel_loop3A_1724 = tpu.unpack_subelements %parallel_loop3A_1722, 1 {pack_format = #tpu.pack_format<interleaved>} : vector<32xbf16> -> vector<16xf32>
        %parallel_loop3A_1725 = arith.mulf %parallel_loop3A_1631, %parallel_loop3A_1723 : vector<16xf32>
        %parallel_loop3A_1726 = arith.addf %parallel_loop3A_1725, %parallel_loop3A_1724 : vector<16xf32>
        %parallel_loop3A_1727 = arith.constant 96 : i32
        %parallel_loop3A_1728 = arith.addi %parallel_loop3A_1603, %parallel_loop3A_1727 : i32
        %parallel_loop3A_1729 = arith.index_cast %parallel_loop3A_1728 : i32 to index
        %parallel_loop3A_1730 = tpu.vector_load %arg15[%parallel_loop3A_1729] {strides = array<i32>} : memref<32768xf32, #tpu.memory_space<vmem>>, vector<16xf32>,
        tpu.vector_store %arg15[%parallel_loop3A_1729], %parallel_loop3A_1726 {strides = array<i32>} : memref<32768xf32, #tpu.memory_space<vmem>>, vector<16xf32>,
        %parallel_loop3A_1731 = vector.bitcast %parallel_loop3A_1667 : vector<16xi32> to vector<32xbf16>
        %parallel_loop3A_1732 = tpu.unpack_subelements %parallel_loop3A_1731, 0 {pack_format = #tpu.pack_format<interleaved>} : vector<32xbf16> -> vector<16xf32>
        %parallel_loop3A_1733 = tpu.unpack_subelements %parallel_loop3A_1731, 1 {pack_format = #tpu.pack_format<interleaved>} : vector<32xbf16> -> vector<16xf32>
        %parallel_loop3A_1734 = arith.mulf %parallel_loop3A_1635, %parallel_loop3A_1732 : vector<16xf32>
        %parallel_loop3A_1735 = arith.addf %parallel_loop3A_1734, %parallel_loop3A_1733 : vector<16xf32>
        %parallel_loop3A_1736 = arith.constant 112 : i32
        %parallel_loop3A_1737 = arith.addi %parallel_loop3A_1603, %parallel_loop3A_1736 : i32
        %parallel_loop3A_1738 = arith.index_cast %parallel_loop3A_1737 : i32 to index
        %parallel_loop3A_1739 = tpu.vector_load %arg15[%parallel_loop3A_1738] {strides = array<i32>} : memref<32768xf32, #tpu.memory_space<vmem>>, vector<16xf32>,
        tpu.vector_store %arg15[%parallel_loop3A_1738], %parallel_loop3A_1735 {strides = array<i32>} : memref<32768xf32, #tpu.memory_space<vmem>>, vector<16xf32>,
        %parallel_loop3A_1740 = vector.extract_strided_slice %parallel_loop3A_119 {offsets = [11], sizes = [1], strides = [1]} : vector<16xi32> to vector<1xi32>
        %parallel_loop3A_1741 = vector.extract %parallel_loop3A_1740[0] : i32 from vector<1xi32>
        %parallel_loop3A_1742 = arith.constant 128 : i32
        %parallel_loop3A_1743 = arith.muli %parallel_loop3A_1741, %parallel_loop3A_1742 : i32
        %parallel_loop3A_1744 = arith.constant 16 : i32
        %parallel_loop3A_1745 = arith.muli %parallel_loop3A_114, %parallel_loop3A_1744 : i32
        %parallel_loop3A_1746 = arith.constant 11 : i32
        %parallel_loop3A_1747 = arith.addi %parallel_loop3A_1745, %parallel_loop3A_1746 : i32
        %parallel_loop3A_1748 = arith.constant 128 : i32
        %parallel_loop3A_1749 = arith.muli %parallel_loop3A_1747, %parallel_loop3A_1748 : i32
        %parallel_loop3A_1750 = arith.addi %mul3A_43, %parallel_loop3A_1749 : i32
        %parallel_loop3A_1751 = arith.constant 0 : i32
        %parallel_loop3A_1752 = arith.addi %parallel_loop3A_1750, %parallel_loop3A_1751 : i32
        %parallel_loop3A_1753 = arith.index_cast %parallel_loop3A_1752 : i32 to index
        %parallel_loop3A_1754 = tpu.vector_load %arg14[%parallel_loop3A_1753] {strides = array<i32>} : memref<32768xf32, #tpu.memory_space<vmem>>, vector<16xf32>,
        %parallel_loop3A_1755 = arith.constant 16 : i32
        %parallel_loop3A_1756 = arith.addi %parallel_loop3A_1750, %parallel_loop3A_1755 : i32
        %parallel_loop3A_1757 = arith.index_cast %parallel_loop3A_1756 : i32 to index
        %parallel_loop3A_1758 = tpu.vector_load %arg14[%parallel_loop3A_1757] {strides = array<i32>} : memref<32768xf32, #tpu.memory_space<vmem>>, vector<16xf32>,
        %parallel_loop3A_1759 = arith.constant 32 : i32
        %parallel_loop3A_1760 = arith.addi %parallel_loop3A_1750, %parallel_loop3A_1759 : i32
        %parallel_loop3A_1761 = arith.index_cast %parallel_loop3A_1760 : i32 to index
        %parallel_loop3A_1762 = tpu.vector_load %arg14[%parallel_loop3A_1761] {strides = array<i32>} : memref<32768xf32, #tpu.memory_space<vmem>>, vector<16xf32>,
        %parallel_loop3A_1763 = arith.constant 48 : i32
        %parallel_loop3A_1764 = arith.addi %parallel_loop3A_1750, %parallel_loop3A_1763 : i32
        %parallel_loop3A_1765 = arith.index_cast %parallel_loop3A_1764 : i32 to index
        %parallel_loop3A_1766 = tpu.vector_load %arg14[%parallel_loop3A_1765] {strides = array<i32>} : memref<32768xf32, #tpu.memory_space<vmem>>, vector<16xf32>,
        %parallel_loop3A_1767 = arith.constant 64 : i32
        %parallel_loop3A_1768 = arith.addi %parallel_loop3A_1750, %parallel_loop3A_1767 : i32
        %parallel_loop3A_1769 = arith.index_cast %parallel_loop3A_1768 : i32 to index
        %parallel_loop3A_1770 = tpu.vector_load %arg14[%parallel_loop3A_1769] {strides = array<i32>} : memref<32768xf32, #tpu.memory_space<vmem>>, vector<16xf32>,
        %parallel_loop3A_1771 = arith.constant 80 : i32
        %parallel_loop3A_1772 = arith.addi %parallel_loop3A_1750, %parallel_loop3A_1771 : i32
        %parallel_loop3A_1773 = arith.index_cast %parallel_loop3A_1772 : i32 to index
        %parallel_loop3A_1774 = tpu.vector_load %arg14[%parallel_loop3A_1773] {strides = array<i32>} : memref<32768xf32, #tpu.memory_space<vmem>>, vector<16xf32>,
        %parallel_loop3A_1775 = arith.constant 96 : i32
        %parallel_loop3A_1776 = arith.addi %parallel_loop3A_1750, %parallel_loop3A_1775 : i32
        %parallel_loop3A_1777 = arith.index_cast %parallel_loop3A_1776 : i32 to index
        %parallel_loop3A_1778 = tpu.vector_load %arg14[%parallel_loop3A_1777] {strides = array<i32>} : memref<32768xf32, #tpu.memory_space<vmem>>, vector<16xf32>,
        %parallel_loop3A_1779 = arith.constant 112 : i32
        %parallel_loop3A_1780 = arith.addi %parallel_loop3A_1750, %parallel_loop3A_1779 : i32
        %parallel_loop3A_1781 = arith.index_cast %parallel_loop3A_1780 : i32 to index
        %parallel_loop3A_1782 = tpu.vector_load %arg14[%parallel_loop3A_1781] {strides = array<i32>} : memref<32768xf32, #tpu.memory_space<vmem>>, vector<16xf32>,
        %parallel_loop3A_1783 = arith.constant 0 : i32
        %parallel_loop3A_1784 = arith.addi %parallel_loop3A_1743, %parallel_loop3A_1783 : i32
        %parallel_loop3A_1785 = arith.index_cast %parallel_loop3A_1784 : i32 to index
        %parallel_loop3A_1786 = tpu.vector_load %arg10[%parallel_loop3A_1785] {strides = array<i32>} : memref<16384xi32, #tpu.memory_space<vmem>>, vector<16xi32>,
        %parallel_loop3A_1787 = arith.constant 16 : i32
        %parallel_loop3A_1788 = arith.addi %parallel_loop3A_1743, %parallel_loop3A_1787 : i32
        %parallel_loop3A_1789 = arith.index_cast %parallel_loop3A_1788 : i32 to index
        %parallel_loop3A_1790 = tpu.vector_load %arg10[%parallel_loop3A_1789] {strides = array<i32>} : memref<16384xi32, #tpu.memory_space<vmem>>, vector<16xi32>,
        %parallel_loop3A_1791 = arith.constant 32 : i32
        %parallel_loop3A_1792 = arith.addi %parallel_loop3A_1743, %parallel_loop3A_1791 : i32
        %parallel_loop3A_1793 = arith.index_cast %parallel_loop3A_1792 : i32 to index
        %parallel_loop3A_1794 = tpu.vector_load %arg10[%parallel_loop3A_1793] {strides = array<i32>} : memref<16384xi32, #tpu.memory_space<vmem>>, vector<16xi32>,
        %parallel_loop3A_1795 = arith.constant 48 : i32
        %parallel_loop3A_1796 = arith.addi %parallel_loop3A_1743, %parallel_loop3A_1795 : i32
        %parallel_loop3A_1797 = arith.index_cast %parallel_loop3A_1796 : i32 to index
        %parallel_loop3A_1798 = tpu.vector_load %arg10[%parallel_loop3A_1797] {strides = array<i32>} : memref<16384xi32, #tpu.memory_space<vmem>>, vector<16xi32>,
        %parallel_loop3A_1799 = arith.constant 64 : i32
        %parallel_loop3A_1800 = arith.addi %parallel_loop3A_1743, %parallel_loop3A_1799 : i32
        %parallel_loop3A_1801 = arith.index_cast %parallel_loop3A_1800 : i32 to index
        %parallel_loop3A_1802 = tpu.vector_load %arg10[%parallel_loop3A_1801] {strides = array<i32>} : memref<16384xi32, #tpu.memory_space<vmem>>, vector<16xi32>,
        %parallel_loop3A_1803 = arith.constant 80 : i32
        %parallel_loop3A_1804 = arith.addi %parallel_loop3A_1743, %parallel_loop3A_1803 : i32
        %parallel_loop3A_1805 = arith.index_cast %parallel_loop3A_1804 : i32 to index
        %parallel_loop3A_1806 = tpu.vector_load %arg10[%parallel_loop3A_1805] {strides = array<i32>} : memref<16384xi32, #tpu.memory_space<vmem>>, vector<16xi32>,
        %parallel_loop3A_1807 = arith.constant 96 : i32
        %parallel_loop3A_1808 = arith.addi %parallel_loop3A_1743, %parallel_loop3A_1807 : i32
        %parallel_loop3A_1809 = arith.index_cast %parallel_loop3A_1808 : i32 to index
        %parallel_loop3A_1810 = tpu.vector_load %arg10[%parallel_loop3A_1809] {strides = array<i32>} : memref<16384xi32, #tpu.memory_space<vmem>>, vector<16xi32>,
        %parallel_loop3A_1811 = arith.constant 112 : i32
        %parallel_loop3A_1812 = arith.addi %parallel_loop3A_1743, %parallel_loop3A_1811 : i32
        %parallel_loop3A_1813 = arith.index_cast %parallel_loop3A_1812 : i32 to index
        %parallel_loop3A_1814 = tpu.vector_load %arg10[%parallel_loop3A_1813] {strides = array<i32>} : memref<16384xi32, #tpu.memory_space<vmem>>, vector<16xi32>,
        %parallel_loop3A_1815 = vector.bitcast %parallel_loop3A_1786 : vector<16xi32> to vector<32xbf16>
        %parallel_loop3A_1816 = tpu.unpack_subelements %parallel_loop3A_1815, 0 {pack_format = #tpu.pack_format<interleaved>} : vector<32xbf16> -> vector<16xf32>
        %parallel_loop3A_1817 = tpu.unpack_subelements %parallel_loop3A_1815, 1 {pack_format = #tpu.pack_format<interleaved>} : vector<32xbf16> -> vector<16xf32>
        %parallel_loop3A_1818 = arith.mulf %parallel_loop3A_1754, %parallel_loop3A_1816 : vector<16xf32>
        %parallel_loop3A_1819 = arith.addf %parallel_loop3A_1818, %parallel_loop3A_1817 : vector<16xf32>
        %parallel_loop3A_1820 = arith.constant 0 : i32
        %parallel_loop3A_1821 = arith.addi %parallel_loop3A_1750, %parallel_loop3A_1820 : i32
        %parallel_loop3A_1822 = arith.index_cast %parallel_loop3A_1821 : i32 to index
        %parallel_loop3A_1823 = tpu.vector_load %arg15[%parallel_loop3A_1822] {strides = array<i32>} : memref<32768xf32, #tpu.memory_space<vmem>>, vector<16xf32>,
        tpu.vector_store %arg15[%parallel_loop3A_1822], %parallel_loop3A_1819 {strides = array<i32>} : memref<32768xf32, #tpu.memory_space<vmem>>, vector<16xf32>,
        %parallel_loop3A_1824 = vector.bitcast %parallel_loop3A_1790 : vector<16xi32> to vector<32xbf16>
        %parallel_loop3A_1825 = tpu.unpack_subelements %parallel_loop3A_1824, 0 {pack_format = #tpu.pack_format<interleaved>} : vector<32xbf16> -> vector<16xf32>
        %parallel_loop3A_1826 = tpu.unpack_subelements %parallel_loop3A_1824, 1 {pack_format = #tpu.pack_format<interleaved>} : vector<32xbf16> -> vector<16xf32>
        %parallel_loop3A_1827 = arith.mulf %parallel_loop3A_1758, %parallel_loop3A_1825 : vector<16xf32>
        %parallel_loop3A_1828 = arith.addf %parallel_loop3A_1827, %parallel_loop3A_1826 : vector<16xf32>
        %parallel_loop3A_1829 = arith.constant 16 : i32
        %parallel_loop3A_1830 = arith.addi %parallel_loop3A_1750, %parallel_loop3A_1829 : i32
        %parallel_loop3A_1831 = arith.index_cast %parallel_loop3A_1830 : i32 to index
        %parallel_loop3A_1832 = tpu.vector_load %arg15[%parallel_loop3A_1831] {strides = array<i32>} : memref<32768xf32, #tpu.memory_space<vmem>>, vector<16xf32>,
        tpu.vector_store %arg15[%parallel_loop3A_1831], %parallel_loop3A_1828 {strides = array<i32>} : memref<32768xf32, #tpu.memory_space<vmem>>, vector<16xf32>,
        %parallel_loop3A_1833 = vector.bitcast %parallel_loop3A_1794 : vector<16xi32> to vector<32xbf16>
        %parallel_loop3A_1834 = tpu.unpack_subelements %parallel_loop3A_1833, 0 {pack_format = #tpu.pack_format<interleaved>} : vector<32xbf16> -> vector<16xf32>
        %parallel_loop3A_1835 = tpu.unpack_subelements %parallel_loop3A_1833, 1 {pack_format = #tpu.pack_format<interleaved>} : vector<32xbf16> -> vector<16xf32>
        %parallel_loop3A_1836 = arith.mulf %parallel_loop3A_1762, %parallel_loop3A_1834 : vector<16xf32>
        %parallel_loop3A_1837 = arith.addf %parallel_loop3A_1836, %parallel_loop3A_1835 : vector<16xf32>
        %parallel_loop3A_1838 = arith.constant 32 : i32
        %parallel_loop3A_1839 = arith.addi %parallel_loop3A_1750, %parallel_loop3A_1838 : i32
        %parallel_loop3A_1840 = arith.index_cast %parallel_loop3A_1839 : i32 to index
        %parallel_loop3A_1841 = tpu.vector_load %arg15[%parallel_loop3A_1840] {strides = array<i32>} : memref<32768xf32, #tpu.memory_space<vmem>>, vector<16xf32>,
        tpu.vector_store %arg15[%parallel_loop3A_1840], %parallel_loop3A_1837 {strides = array<i32>} : memref<32768xf32, #tpu.memory_space<vmem>>, vector<16xf32>,
        %parallel_loop3A_1842 = vector.bitcast %parallel_loop3A_1798 : vector<16xi32> to vector<32xbf16>
        %parallel_loop3A_1843 = tpu.unpack_subelements %parallel_loop3A_1842, 0 {pack_format = #tpu.pack_format<interleaved>} : vector<32xbf16> -> vector<16xf32>
        %parallel_loop3A_1844 = tpu.unpack_subelements %parallel_loop3A_1842, 1 {pack_format = #tpu.pack_format<interleaved>} : vector<32xbf16> -> vector<16xf32>
        %parallel_loop3A_1845 = arith.mulf %parallel_loop3A_1766, %parallel_loop3A_1843 : vector<16xf32>
        %parallel_loop3A_1846 = arith.addf %parallel_loop3A_1845, %parallel_loop3A_1844 : vector<16xf32>
        %parallel_loop3A_1847 = arith.constant 48 : i32
        %parallel_loop3A_1848 = arith.addi %parallel_loop3A_1750, %parallel_loop3A_1847 : i32
        %parallel_loop3A_1849 = arith.index_cast %parallel_loop3A_1848 : i32 to index
        %parallel_loop3A_1850 = tpu.vector_load %arg15[%parallel_loop3A_1849] {strides = array<i32>} : memref<32768xf32, #tpu.memory_space<vmem>>, vector<16xf32>,
        tpu.vector_store %arg15[%parallel_loop3A_1849], %parallel_loop3A_1846 {strides = array<i32>} : memref<32768xf32, #tpu.memory_space<vmem>>, vector<16xf32>,
        %parallel_loop3A_1851 = vector.bitcast %parallel_loop3A_1802 : vector<16xi32> to vector<32xbf16>
        %parallel_loop3A_1852 = tpu.unpack_subelements %parallel_loop3A_1851, 0 {pack_format = #tpu.pack_format<interleaved>} : vector<32xbf16> -> vector<16xf32>
        %parallel_loop3A_1853 = tpu.unpack_subelements %parallel_loop3A_1851, 1 {pack_format = #tpu.pack_format<interleaved>} : vector<32xbf16> -> vector<16xf32>
        %parallel_loop3A_1854 = arith.mulf %parallel_loop3A_1770, %parallel_loop3A_1852 : vector<16xf32>
        %parallel_loop3A_1855 = arith.addf %parallel_loop3A_1854, %parallel_loop3A_1853 : vector<16xf32>
        %parallel_loop3A_1856 = arith.constant 64 : i32
        %parallel_loop3A_1857 = arith.addi %parallel_loop3A_1750, %parallel_loop3A_1856 : i32
        %parallel_loop3A_1858 = arith.index_cast %parallel_loop3A_1857 : i32 to index
        %parallel_loop3A_1859 = tpu.vector_load %arg15[%parallel_loop3A_1858] {strides = array<i32>} : memref<32768xf32, #tpu.memory_space<vmem>>, vector<16xf32>,
        tpu.vector_store %arg15[%parallel_loop3A_1858], %parallel_loop3A_1855 {strides = array<i32>} : memref<32768xf32, #tpu.memory_space<vmem>>, vector<16xf32>,
        %parallel_loop3A_1860 = vector.bitcast %parallel_loop3A_1806 : vector<16xi32> to vector<32xbf16>
        %parallel_loop3A_1861 = tpu.unpack_subelements %parallel_loop3A_1860, 0 {pack_format = #tpu.pack_format<interleaved>} : vector<32xbf16> -> vector<16xf32>
        %parallel_loop3A_1862 = tpu.unpack_subelements %parallel_loop3A_1860, 1 {pack_format = #tpu.pack_format<interleaved>} : vector<32xbf16> -> vector<16xf32>
        %parallel_loop3A_1863 = arith.mulf %parallel_loop3A_1774, %parallel_loop3A_1861 : vector<16xf32>
        %parallel_loop3A_1864 = arith.addf %parallel_loop3A_1863, %parallel_loop3A_1862 : vector<16xf32>
        %parallel_loop3A_1865 = arith.constant 80 : i32
        %parallel_loop3A_1866 = arith.addi %parallel_loop3A_1750, %parallel_loop3A_1865 : i32
        %parallel_loop3A_1867 = arith.index_cast %parallel_loop3A_1866 : i32 to index
        %parallel_loop3A_1868 = tpu.vector_load %arg15[%parallel_loop3A_1867] {strides = array<i32>} : memref<32768xf32, #tpu.memory_space<vmem>>, vector<16xf32>,
        tpu.vector_store %arg15[%parallel_loop3A_1867], %parallel_loop3A_1864 {strides = array<i32>} : memref<32768xf32, #tpu.memory_space<vmem>>, vector<16xf32>,
        %parallel_loop3A_1869 = vector.bitcast %parallel_loop3A_1810 : vector<16xi32> to vector<32xbf16>
        %parallel_loop3A_1870 = tpu.unpack_subelements %parallel_loop3A_1869, 0 {pack_format = #tpu.pack_format<interleaved>} : vector<32xbf16> -> vector<16xf32>
        %parallel_loop3A_1871 = tpu.unpack_subelements %parallel_loop3A_1869, 1 {pack_format = #tpu.pack_format<interleaved>} : vector<32xbf16> -> vector<16xf32>
        %parallel_loop3A_1872 = arith.mulf %parallel_loop3A_1778, %parallel_loop3A_1870 : vector<16xf32>
        %parallel_loop3A_1873 = arith.addf %parallel_loop3A_1872, %parallel_loop3A_1871 : vector<16xf32>
        %parallel_loop3A_1874 = arith.constant 96 : i32
        %parallel_loop3A_1875 = arith.addi %parallel_loop3A_1750, %parallel_loop3A_1874 : i32
        %parallel_loop3A_1876 = arith.index_cast %parallel_loop3A_1875 : i32 to index
        %parallel_loop3A_1877 = tpu.vector_load %arg15[%parallel_loop3A_1876] {strides = array<i32>} : memref<32768xf32, #tpu.memory_space<vmem>>, vector<16xf32>,
        tpu.vector_store %arg15[%parallel_loop3A_1876], %parallel_loop3A_1873 {strides = array<i32>} : memref<32768xf32, #tpu.memory_space<vmem>>, vector<16xf32>,
        %parallel_loop3A_1878 = vector.bitcast %parallel_loop3A_1814 : vector<16xi32> to vector<32xbf16>
        %parallel_loop3A_1879 = tpu.unpack_subelements %parallel_loop3A_1878, 0 {pack_format = #tpu.pack_format<interleaved>} : vector<32xbf16> -> vector<16xf32>
        %parallel_loop3A_1880 = tpu.unpack_subelements %parallel_loop3A_1878, 1 {pack_format = #tpu.pack_format<interleaved>} : vector<32xbf16> -> vector<16xf32>
        %parallel_loop3A_1881 = arith.mulf %parallel_loop3A_1782, %parallel_loop3A_1879 : vector<16xf32>
        %parallel_loop3A_1882 = arith.addf %parallel_loop3A_1881, %parallel_loop3A_1880 : vector<16xf32>
        %parallel_loop3A_1883 = arith.constant 112 : i32
        %parallel_loop3A_1884 = arith.addi %parallel_loop3A_1750, %parallel_loop3A_1883 : i32
        %parallel_loop3A_1885 = arith.index_cast %parallel_loop3A_1884 : i32 to index
        %parallel_loop3A_1886 = tpu.vector_load %arg15[%parallel_loop3A_1885] {strides = array<i32>} : memref<32768xf32, #tpu.memory_space<vmem>>, vector<16xf32>,
        tpu.vector_store %arg15[%parallel_loop3A_1885], %parallel_loop3A_1882 {strides = array<i32>} : memref<32768xf32, #tpu.memory_space<vmem>>, vector<16xf32>,
        %parallel_loop3A_1887 = vector.extract_strided_slice %parallel_loop3A_119 {offsets = [12], sizes = [1], strides = [1]} : vector<16xi32> to vector<1xi32>
        %parallel_loop3A_1888 = vector.extract %parallel_loop3A_1887[0] : i32 from vector<1xi32>
        %parallel_loop3A_1889 = arith.constant 128 : i32
        %parallel_loop3A_1890 = arith.muli %parallel_loop3A_1888, %parallel_loop3A_1889 : i32
        %parallel_loop3A_1891 = arith.constant 16 : i32
        %parallel_loop3A_1892 = arith.muli %parallel_loop3A_114, %parallel_loop3A_1891 : i32
        %parallel_loop3A_1893 = arith.constant 12 : i32
        %parallel_loop3A_1894 = arith.addi %parallel_loop3A_1892, %parallel_loop3A_1893 : i32
        %parallel_loop3A_1895 = arith.constant 128 : i32
        %parallel_loop3A_1896 = arith.muli %parallel_loop3A_1894, %parallel_loop3A_1895 : i32
        %parallel_loop3A_1897 = arith.addi %mul3A_43, %parallel_loop3A_1896 : i32
        %parallel_loop3A_1898 = arith.constant 0 : i32
        %parallel_loop3A_1899 = arith.addi %parallel_loop3A_1897, %parallel_loop3A_1898 : i32
        %parallel_loop3A_1900 = arith.index_cast %parallel_loop3A_1899 : i32 to index
        %parallel_loop3A_1901 = tpu.vector_load %arg14[%parallel_loop3A_1900] {strides = array<i32>} : memref<32768xf32, #tpu.memory_space<vmem>>, vector<16xf32>,
        %parallel_loop3A_1902 = arith.constant 16 : i32
        %parallel_loop3A_1903 = arith.addi %parallel_loop3A_1897, %parallel_loop3A_1902 : i32
        %parallel_loop3A_1904 = arith.index_cast %parallel_loop3A_1903 : i32 to index
        %parallel_loop3A_1905 = tpu.vector_load %arg14[%parallel_loop3A_1904] {strides = array<i32>} : memref<32768xf32, #tpu.memory_space<vmem>>, vector<16xf32>,
        %parallel_loop3A_1906 = arith.constant 32 : i32
        %parallel_loop3A_1907 = arith.addi %parallel_loop3A_1897, %parallel_loop3A_1906 : i32
        %parallel_loop3A_1908 = arith.index_cast %parallel_loop3A_1907 : i32 to index
        %parallel_loop3A_1909 = tpu.vector_load %arg14[%parallel_loop3A_1908] {strides = array<i32>} : memref<32768xf32, #tpu.memory_space<vmem>>, vector<16xf32>,
        %parallel_loop3A_1910 = arith.constant 48 : i32
        %parallel_loop3A_1911 = arith.addi %parallel_loop3A_1897, %parallel_loop3A_1910 : i32
        %parallel_loop3A_1912 = arith.index_cast %parallel_loop3A_1911 : i32 to index
        %parallel_loop3A_1913 = tpu.vector_load %arg14[%parallel_loop3A_1912] {strides = array<i32>} : memref<32768xf32, #tpu.memory_space<vmem>>, vector<16xf32>,
        %parallel_loop3A_1914 = arith.constant 64 : i32
        %parallel_loop3A_1915 = arith.addi %parallel_loop3A_1897, %parallel_loop3A_1914 : i32
        %parallel_loop3A_1916 = arith.index_cast %parallel_loop3A_1915 : i32 to index
        %parallel_loop3A_1917 = tpu.vector_load %arg14[%parallel_loop3A_1916] {strides = array<i32>} : memref<32768xf32, #tpu.memory_space<vmem>>, vector<16xf32>,
        %parallel_loop3A_1918 = arith.constant 80 : i32
        %parallel_loop3A_1919 = arith.addi %parallel_loop3A_1897, %parallel_loop3A_1918 : i32
        %parallel_loop3A_1920 = arith.index_cast %parallel_loop3A_1919 : i32 to index
        %parallel_loop3A_1921 = tpu.vector_load %arg14[%parallel_loop3A_1920] {strides = array<i32>} : memref<32768xf32, #tpu.memory_space<vmem>>, vector<16xf32>,
        %parallel_loop3A_1922 = arith.constant 96 : i32
        %parallel_loop3A_1923 = arith.addi %parallel_loop3A_1897, %parallel_loop3A_1922 : i32
        %parallel_loop3A_1924 = arith.index_cast %parallel_loop3A_1923 : i32 to index
        %parallel_loop3A_1925 = tpu.vector_load %arg14[%parallel_loop3A_1924] {strides = array<i32>} : memref<32768xf32, #tpu.memory_space<vmem>>, vector<16xf32>,
        %parallel_loop3A_1926 = arith.constant 112 : i32
        %parallel_loop3A_1927 = arith.addi %parallel_loop3A_1897, %parallel_loop3A_1926 : i32
        %parallel_loop3A_1928 = arith.index_cast %parallel_loop3A_1927 : i32 to index
        %parallel_loop3A_1929 = tpu.vector_load %arg14[%parallel_loop3A_1928] {strides = array<i32>} : memref<32768xf32, #tpu.memory_space<vmem>>, vector<16xf32>,
        %parallel_loop3A_1930 = arith.constant 0 : i32
        %parallel_loop3A_1931 = arith.addi %parallel_loop3A_1890, %parallel_loop3A_1930 : i32
        %parallel_loop3A_1932 = arith.index_cast %parallel_loop3A_1931 : i32 to index
        %parallel_loop3A_1933 = tpu.vector_load %arg10[%parallel_loop3A_1932] {strides = array<i32>} : memref<16384xi32, #tpu.memory_space<vmem>>, vector<16xi32>,
        %parallel_loop3A_1934 = arith.constant 16 : i32
        %parallel_loop3A_1935 = arith.addi %parallel_loop3A_1890, %parallel_loop3A_1934 : i32
        %parallel_loop3A_1936 = arith.index_cast %parallel_loop3A_1935 : i32 to index
        %parallel_loop3A_1937 = tpu.vector_load %arg10[%parallel_loop3A_1936] {strides = array<i32>} : memref<16384xi32, #tpu.memory_space<vmem>>, vector<16xi32>,
        %parallel_loop3A_1938 = arith.constant 32 : i32
        %parallel_loop3A_1939 = arith.addi %parallel_loop3A_1890, %parallel_loop3A_1938 : i32
        %parallel_loop3A_1940 = arith.index_cast %parallel_loop3A_1939 : i32 to index
        %parallel_loop3A_1941 = tpu.vector_load %arg10[%parallel_loop3A_1940] {strides = array<i32>} : memref<16384xi32, #tpu.memory_space<vmem>>, vector<16xi32>,
        %parallel_loop3A_1942 = arith.constant 48 : i32
        %parallel_loop3A_1943 = arith.addi %parallel_loop3A_1890, %parallel_loop3A_1942 : i32
        %parallel_loop3A_1944 = arith.index_cast %parallel_loop3A_1943 : i32 to index
        %parallel_loop3A_1945 = tpu.vector_load %arg10[%parallel_loop3A_1944] {strides = array<i32>} : memref<16384xi32, #tpu.memory_space<vmem>>, vector<16xi32>,
        %parallel_loop3A_1946 = arith.constant 64 : i32
        %parallel_loop3A_1947 = arith.addi %parallel_loop3A_1890, %parallel_loop3A_1946 : i32
        %parallel_loop3A_1948 = arith.index_cast %parallel_loop3A_1947 : i32 to index
        %parallel_loop3A_1949 = tpu.vector_load %arg10[%parallel_loop3A_1948] {strides = array<i32>} : memref<16384xi32, #tpu.memory_space<vmem>>, vector<16xi32>,
        %parallel_loop3A_1950 = arith.constant 80 : i32
        %parallel_loop3A_1951 = arith.addi %parallel_loop3A_1890, %parallel_loop3A_1950 : i32
        %parallel_loop3A_1952 = arith.index_cast %parallel_loop3A_1951 : i32 to index
        %parallel_loop3A_1953 = tpu.vector_load %arg10[%parallel_loop3A_1952] {strides = array<i32>} : memref<16384xi32, #tpu.memory_space<vmem>>, vector<16xi32>,
        %parallel_loop3A_1954 = arith.constant 96 : i32
        %parallel_loop3A_1955 = arith.addi %parallel_loop3A_1890, %parallel_loop3A_1954 : i32
        %parallel_loop3A_1956 = arith.index_cast %parallel_loop3A_1955 : i32 to index
        %parallel_loop3A_1957 = tpu.vector_load %arg10[%parallel_loop3A_1956] {strides = array<i32>} : memref<16384xi32, #tpu.memory_space<vmem>>, vector<16xi32>,
        %parallel_loop3A_1958 = arith.constant 112 : i32
        %parallel_loop3A_1959 = arith.addi %parallel_loop3A_1890, %parallel_loop3A_1958 : i32
        %parallel_loop3A_1960 = arith.index_cast %parallel_loop3A_1959 : i32 to index
        %parallel_loop3A_1961 = tpu.vector_load %arg10[%parallel_loop3A_1960] {strides = array<i32>} : memref<16384xi32, #tpu.memory_space<vmem>>, vector<16xi32>,
        %parallel_loop3A_1962 = vector.bitcast %parallel_loop3A_1933 : vector<16xi32> to vector<32xbf16>
        %parallel_loop3A_1963 = tpu.unpack_subelements %parallel_loop3A_1962, 0 {pack_format = #tpu.pack_format<interleaved>} : vector<32xbf16> -> vector<16xf32>
        %parallel_loop3A_1964 = tpu.unpack_subelements %parallel_loop3A_1962, 1 {pack_format = #tpu.pack_format<interleaved>} : vector<32xbf16> -> vector<16xf32>
        %parallel_loop3A_1965 = arith.mulf %parallel_loop3A_1901, %parallel_loop3A_1963 : vector<16xf32>
        %parallel_loop3A_1966 = arith.addf %parallel_loop3A_1965, %parallel_loop3A_1964 : vector<16xf32>
        %parallel_loop3A_1967 = arith.constant 0 : i32
        %parallel_loop3A_1968 = arith.addi %parallel_loop3A_1897, %parallel_loop3A_1967 : i32
        %parallel_loop3A_1969 = arith.index_cast %parallel_loop3A_1968 : i32 to index
        %parallel_loop3A_1970 = tpu.vector_load %arg15[%parallel_loop3A_1969] {strides = array<i32>} : memref<32768xf32, #tpu.memory_space<vmem>>, vector<16xf32>,
        tpu.vector_store %arg15[%parallel_loop3A_1969], %parallel_loop3A_1966 {strides = array<i32>} : memref<32768xf32, #tpu.memory_space<vmem>>, vector<16xf32>,
        %parallel_loop3A_1971 = vector.bitcast %parallel_loop3A_1937 : vector<16xi32> to vector<32xbf16>
        %parallel_loop3A_1972 = tpu.unpack_subelements %parallel_loop3A_1971, 0 {pack_format = #tpu.pack_format<interleaved>} : vector<32xbf16> -> vector<16xf32>
        %parallel_loop3A_1973 = tpu.unpack_subelements %parallel_loop3A_1971, 1 {pack_format = #tpu.pack_format<interleaved>} : vector<32xbf16> -> vector<16xf32>
        %parallel_loop3A_1974 = arith.mulf %parallel_loop3A_1905, %parallel_loop3A_1972 : vector<16xf32>
        %parallel_loop3A_1975 = arith.addf %parallel_loop3A_1974, %parallel_loop3A_1973 : vector<16xf32>
        %parallel_loop3A_1976 = arith.constant 16 : i32
        %parallel_loop3A_1977 = arith.addi %parallel_loop3A_1897, %parallel_loop3A_1976 : i32
        %parallel_loop3A_1978 = arith.index_cast %parallel_loop3A_1977 : i32 to index
        %parallel_loop3A_1979 = tpu.vector_load %arg15[%parallel_loop3A_1978] {strides = array<i32>} : memref<32768xf32, #tpu.memory_space<vmem>>, vector<16xf32>,
        tpu.vector_store %arg15[%parallel_loop3A_1978], %parallel_loop3A_1975 {strides = array<i32>} : memref<32768xf32, #tpu.memory_space<vmem>>, vector<16xf32>,
        %parallel_loop3A_1980 = vector.bitcast %parallel_loop3A_1941 : vector<16xi32> to vector<32xbf16>
        %parallel_loop3A_1981 = tpu.unpack_subelements %parallel_loop3A_1980, 0 {pack_format = #tpu.pack_format<interleaved>} : vector<32xbf16> -> vector<16xf32>
        %parallel_loop3A_1982 = tpu.unpack_subelements %parallel_loop3A_1980, 1 {pack_format = #tpu.pack_format<interleaved>} : vector<32xbf16> -> vector<16xf32>
        %parallel_loop3A_1983 = arith.mulf %parallel_loop3A_1909, %parallel_loop3A_1981 : vector<16xf32>
        %parallel_loop3A_1984 = arith.addf %parallel_loop3A_1983, %parallel_loop3A_1982 : vector<16xf32>
        %parallel_loop3A_1985 = arith.constant 32 : i32
        %parallel_loop3A_1986 = arith.addi %parallel_loop3A_1897, %parallel_loop3A_1985 : i32
        %parallel_loop3A_1987 = arith.index_cast %parallel_loop3A_1986 : i32 to index
        %parallel_loop3A_1988 = tpu.vector_load %arg15[%parallel_loop3A_1987] {strides = array<i32>} : memref<32768xf32, #tpu.memory_space<vmem>>, vector<16xf32>,
        tpu.vector_store %arg15[%parallel_loop3A_1987], %parallel_loop3A_1984 {strides = array<i32>} : memref<32768xf32, #tpu.memory_space<vmem>>, vector<16xf32>,
        %parallel_loop3A_1989 = vector.bitcast %parallel_loop3A_1945 : vector<16xi32> to vector<32xbf16>
        %parallel_loop3A_1990 = tpu.unpack_subelements %parallel_loop3A_1989, 0 {pack_format = #tpu.pack_format<interleaved>} : vector<32xbf16> -> vector<16xf32>
        %parallel_loop3A_1991 = tpu.unpack_subelements %parallel_loop3A_1989, 1 {pack_format = #tpu.pack_format<interleaved>} : vector<32xbf16> -> vector<16xf32>
        %parallel_loop3A_1992 = arith.mulf %parallel_loop3A_1913, %parallel_loop3A_1990 : vector<16xf32>
        %parallel_loop3A_1993 = arith.addf %parallel_loop3A_1992, %parallel_loop3A_1991 : vector<16xf32>
        %parallel_loop3A_1994 = arith.constant 48 : i32
        %parallel_loop3A_1995 = arith.addi %parallel_loop3A_1897, %parallel_loop3A_1994 : i32
        %parallel_loop3A_1996 = arith.index_cast %parallel_loop3A_1995 : i32 to index
        %parallel_loop3A_1997 = tpu.vector_load %arg15[%parallel_loop3A_1996] {strides = array<i32>} : memref<32768xf32, #tpu.memory_space<vmem>>, vector<16xf32>,
        tpu.vector_store %arg15[%parallel_loop3A_1996], %parallel_loop3A_1993 {strides = array<i32>} : memref<32768xf32, #tpu.memory_space<vmem>>, vector<16xf32>,
        %parallel_loop3A_1998 = vector.bitcast %parallel_loop3A_1949 : vector<16xi32> to vector<32xbf16>
        %parallel_loop3A_1999 = tpu.unpack_subelements %parallel_loop3A_1998, 0 {pack_format = #tpu.pack_format<interleaved>} : vector<32xbf16> -> vector<16xf32>
        %parallel_loop3A_2000 = tpu.unpack_subelements %parallel_loop3A_1998, 1 {pack_format = #tpu.pack_format<interleaved>} : vector<32xbf16> -> vector<16xf32>
        %parallel_loop3A_2001 = arith.mulf %parallel_loop3A_1917, %parallel_loop3A_1999 : vector<16xf32>
        %parallel_loop3A_2002 = arith.addf %parallel_loop3A_2001, %parallel_loop3A_2000 : vector<16xf32>
        %parallel_loop3A_2003 = arith.constant 64 : i32
        %parallel_loop3A_2004 = arith.addi %parallel_loop3A_1897, %parallel_loop3A_2003 : i32
        %parallel_loop3A_2005 = arith.index_cast %parallel_loop3A_2004 : i32 to index
        %parallel_loop3A_2006 = tpu.vector_load %arg15[%parallel_loop3A_2005] {strides = array<i32>} : memref<32768xf32, #tpu.memory_space<vmem>>, vector<16xf32>,
        tpu.vector_store %arg15[%parallel_loop3A_2005], %parallel_loop3A_2002 {strides = array<i32>} : memref<32768xf32, #tpu.memory_space<vmem>>, vector<16xf32>,
        %parallel_loop3A_2007 = vector.bitcast %parallel_loop3A_1953 : vector<16xi32> to vector<32xbf16>
        %parallel_loop3A_2008 = tpu.unpack_subelements %parallel_loop3A_2007, 0 {pack_format = #tpu.pack_format<interleaved>} : vector<32xbf16> -> vector<16xf32>
        %parallel_loop3A_2009 = tpu.unpack_subelements %parallel_loop3A_2007, 1 {pack_format = #tpu.pack_format<interleaved>} : vector<32xbf16> -> vector<16xf32>
        %parallel_loop3A_2010 = arith.mulf %parallel_loop3A_1921, %parallel_loop3A_2008 : vector<16xf32>
        %parallel_loop3A_2011 = arith.addf %parallel_loop3A_2010, %parallel_loop3A_2009 : vector<16xf32>
        %parallel_loop3A_2012 = arith.constant 80 : i32
        %parallel_loop3A_2013 = arith.addi %parallel_loop3A_1897, %parallel_loop3A_2012 : i32
        %parallel_loop3A_2014 = arith.index_cast %parallel_loop3A_2013 : i32 to index
        %parallel_loop3A_2015 = tpu.vector_load %arg15[%parallel_loop3A_2014] {strides = array<i32>} : memref<32768xf32, #tpu.memory_space<vmem>>, vector<16xf32>,
        tpu.vector_store %arg15[%parallel_loop3A_2014], %parallel_loop3A_2011 {strides = array<i32>} : memref<32768xf32, #tpu.memory_space<vmem>>, vector<16xf32>,
        %parallel_loop3A_2016 = vector.bitcast %parallel_loop3A_1957 : vector<16xi32> to vector<32xbf16>
        %parallel_loop3A_2017 = tpu.unpack_subelements %parallel_loop3A_2016, 0 {pack_format = #tpu.pack_format<interleaved>} : vector<32xbf16> -> vector<16xf32>
        %parallel_loop3A_2018 = tpu.unpack_subelements %parallel_loop3A_2016, 1 {pack_format = #tpu.pack_format<interleaved>} : vector<32xbf16> -> vector<16xf32>
        %parallel_loop3A_2019 = arith.mulf %parallel_loop3A_1925, %parallel_loop3A_2017 : vector<16xf32>
        %parallel_loop3A_2020 = arith.addf %parallel_loop3A_2019, %parallel_loop3A_2018 : vector<16xf32>
        %parallel_loop3A_2021 = arith.constant 96 : i32
        %parallel_loop3A_2022 = arith.addi %parallel_loop3A_1897, %parallel_loop3A_2021 : i32
        %parallel_loop3A_2023 = arith.index_cast %parallel_loop3A_2022 : i32 to index
        %parallel_loop3A_2024 = tpu.vector_load %arg15[%parallel_loop3A_2023] {strides = array<i32>} : memref<32768xf32, #tpu.memory_space<vmem>>, vector<16xf32>,
        tpu.vector_store %arg15[%parallel_loop3A_2023], %parallel_loop3A_2020 {strides = array<i32>} : memref<32768xf32, #tpu.memory_space<vmem>>, vector<16xf32>,
        %parallel_loop3A_2025 = vector.bitcast %parallel_loop3A_1961 : vector<16xi32> to vector<32xbf16>
        %parallel_loop3A_2026 = tpu.unpack_subelements %parallel_loop3A_2025, 0 {pack_format = #tpu.pack_format<interleaved>} : vector<32xbf16> -> vector<16xf32>
        %parallel_loop3A_2027 = tpu.unpack_subelements %parallel_loop3A_2025, 1 {pack_format = #tpu.pack_format<interleaved>} : vector<32xbf16> -> vector<16xf32>
        %parallel_loop3A_2028 = arith.mulf %parallel_loop3A_1929, %parallel_loop3A_2026 : vector<16xf32>
        %parallel_loop3A_2029 = arith.addf %parallel_loop3A_2028, %parallel_loop3A_2027 : vector<16xf32>
        %parallel_loop3A_2030 = arith.constant 112 : i32
        %parallel_loop3A_2031 = arith.addi %parallel_loop3A_1897, %parallel_loop3A_2030 : i32
        %parallel_loop3A_2032 = arith.index_cast %parallel_loop3A_2031 : i32 to index
        %parallel_loop3A_2033 = tpu.vector_load %arg15[%parallel_loop3A_2032] {strides = array<i32>} : memref<32768xf32, #tpu.memory_space<vmem>>, vector<16xf32>,
        tpu.vector_store %arg15[%parallel_loop3A_2032], %parallel_loop3A_2029 {strides = array<i32>} : memref<32768xf32, #tpu.memory_space<vmem>>, vector<16xf32>,
        %parallel_loop3A_2034 = vector.extract_strided_slice %parallel_loop3A_119 {offsets = [13], sizes = [1], strides = [1]} : vector<16xi32> to vector<1xi32>
        %parallel_loop3A_2035 = vector.extract %parallel_loop3A_2034[0] : i32 from vector<1xi32>
        %parallel_loop3A_2036 = arith.constant 128 : i32
        %parallel_loop3A_2037 = arith.muli %parallel_loop3A_2035, %parallel_loop3A_2036 : i32
        %parallel_loop3A_2038 = arith.constant 16 : i32
        %parallel_loop3A_2039 = arith.muli %parallel_loop3A_114, %parallel_loop3A_2038 : i32
        %parallel_loop3A_2040 = arith.constant 13 : i32
        %parallel_loop3A_2041 = arith.addi %parallel_loop3A_2039, %parallel_loop3A_2040 : i32
        %parallel_loop3A_2042 = arith.constant 128 : i32
        %parallel_loop3A_2043 = arith.muli %parallel_loop3A_2041, %parallel_loop3A_2042 : i32
        %parallel_loop3A_2044 = arith.addi %mul3A_43, %parallel_loop3A_2043 : i32
        %parallel_loop3A_2045 = arith.constant 0 : i32
        %parallel_loop3A_2046 = arith.addi %parallel_loop3A_2044, %parallel_loop3A_2045 : i32
        %parallel_loop3A_2047 = arith.index_cast %parallel_loop3A_2046 : i32 to index
        %parallel_loop3A_2048 = tpu.vector_load %arg14[%parallel_loop3A_2047] {strides = array<i32>} : memref<32768xf32, #tpu.memory_space<vmem>>, vector<16xf32>,
        %parallel_loop3A_2049 = arith.constant 16 : i32
        %parallel_loop3A_2050 = arith.addi %parallel_loop3A_2044, %parallel_loop3A_2049 : i32
        %parallel_loop3A_2051 = arith.index_cast %parallel_loop3A_2050 : i32 to index
        %parallel_loop3A_2052 = tpu.vector_load %arg14[%parallel_loop3A_2051] {strides = array<i32>} : memref<32768xf32, #tpu.memory_space<vmem>>, vector<16xf32>,
        %parallel_loop3A_2053 = arith.constant 32 : i32
        %parallel_loop3A_2054 = arith.addi %parallel_loop3A_2044, %parallel_loop3A_2053 : i32
        %parallel_loop3A_2055 = arith.index_cast %parallel_loop3A_2054 : i32 to index
        %parallel_loop3A_2056 = tpu.vector_load %arg14[%parallel_loop3A_2055] {strides = array<i32>} : memref<32768xf32, #tpu.memory_space<vmem>>, vector<16xf32>,
        %parallel_loop3A_2057 = arith.constant 48 : i32
        %parallel_loop3A_2058 = arith.addi %parallel_loop3A_2044, %parallel_loop3A_2057 : i32
        %parallel_loop3A_2059 = arith.index_cast %parallel_loop3A_2058 : i32 to index
        %parallel_loop3A_2060 = tpu.vector_load %arg14[%parallel_loop3A_2059] {strides = array<i32>} : memref<32768xf32, #tpu.memory_space<vmem>>, vector<16xf32>,
        %parallel_loop3A_2061 = arith.constant 64 : i32
        %parallel_loop3A_2062 = arith.addi %parallel_loop3A_2044, %parallel_loop3A_2061 : i32
        %parallel_loop3A_2063 = arith.index_cast %parallel_loop3A_2062 : i32 to index
        %parallel_loop3A_2064 = tpu.vector_load %arg14[%parallel_loop3A_2063] {strides = array<i32>} : memref<32768xf32, #tpu.memory_space<vmem>>, vector<16xf32>,
        %parallel_loop3A_2065 = arith.constant 80 : i32
        %parallel_loop3A_2066 = arith.addi %parallel_loop3A_2044, %parallel_loop3A_2065 : i32
        %parallel_loop3A_2067 = arith.index_cast %parallel_loop3A_2066 : i32 to index
        %parallel_loop3A_2068 = tpu.vector_load %arg14[%parallel_loop3A_2067] {strides = array<i32>} : memref<32768xf32, #tpu.memory_space<vmem>>, vector<16xf32>,
        %parallel_loop3A_2069 = arith.constant 96 : i32
        %parallel_loop3A_2070 = arith.addi %parallel_loop3A_2044, %parallel_loop3A_2069 : i32
        %parallel_loop3A_2071 = arith.index_cast %parallel_loop3A_2070 : i32 to index
        %parallel_loop3A_2072 = tpu.vector_load %arg14[%parallel_loop3A_2071] {strides = array<i32>} : memref<32768xf32, #tpu.memory_space<vmem>>, vector<16xf32>,
        %parallel_loop3A_2073 = arith.constant 112 : i32
        %parallel_loop3A_2074 = arith.addi %parallel_loop3A_2044, %parallel_loop3A_2073 : i32
        %parallel_loop3A_2075 = arith.index_cast %parallel_loop3A_2074 : i32 to index
        %parallel_loop3A_2076 = tpu.vector_load %arg14[%parallel_loop3A_2075] {strides = array<i32>} : memref<32768xf32, #tpu.memory_space<vmem>>, vector<16xf32>,
        %parallel_loop3A_2077 = arith.constant 0 : i32
        %parallel_loop3A_2078 = arith.addi %parallel_loop3A_2037, %parallel_loop3A_2077 : i32
        %parallel_loop3A_2079 = arith.index_cast %parallel_loop3A_2078 : i32 to index
        %parallel_loop3A_2080 = tpu.vector_load %arg10[%parallel_loop3A_2079] {strides = array<i32>} : memref<16384xi32, #tpu.memory_space<vmem>>, vector<16xi32>,
        %parallel_loop3A_2081 = arith.constant 16 : i32
        %parallel_loop3A_2082 = arith.addi %parallel_loop3A_2037, %parallel_loop3A_2081 : i32
        %parallel_loop3A_2083 = arith.index_cast %parallel_loop3A_2082 : i32 to index
        %parallel_loop3A_2084 = tpu.vector_load %arg10[%parallel_loop3A_2083] {strides = array<i32>} : memref<16384xi32, #tpu.memory_space<vmem>>, vector<16xi32>,
        %parallel_loop3A_2085 = arith.constant 32 : i32
        %parallel_loop3A_2086 = arith.addi %parallel_loop3A_2037, %parallel_loop3A_2085 : i32
        %parallel_loop3A_2087 = arith.index_cast %parallel_loop3A_2086 : i32 to index
        %parallel_loop3A_2088 = tpu.vector_load %arg10[%parallel_loop3A_2087] {strides = array<i32>} : memref<16384xi32, #tpu.memory_space<vmem>>, vector<16xi32>,
        %parallel_loop3A_2089 = arith.constant 48 : i32
        %parallel_loop3A_2090 = arith.addi %parallel_loop3A_2037, %parallel_loop3A_2089 : i32
        %parallel_loop3A_2091 = arith.index_cast %parallel_loop3A_2090 : i32 to index
        %parallel_loop3A_2092 = tpu.vector_load %arg10[%parallel_loop3A_2091] {strides = array<i32>} : memref<16384xi32, #tpu.memory_space<vmem>>, vector<16xi32>,
        %parallel_loop3A_2093 = arith.constant 64 : i32
        %parallel_loop3A_2094 = arith.addi %parallel_loop3A_2037, %parallel_loop3A_2093 : i32
        %parallel_loop3A_2095 = arith.index_cast %parallel_loop3A_2094 : i32 to index
        %parallel_loop3A_2096 = tpu.vector_load %arg10[%parallel_loop3A_2095] {strides = array<i32>} : memref<16384xi32, #tpu.memory_space<vmem>>, vector<16xi32>,
        %parallel_loop3A_2097 = arith.constant 80 : i32
        %parallel_loop3A_2098 = arith.addi %parallel_loop3A_2037, %parallel_loop3A_2097 : i32
        %parallel_loop3A_2099 = arith.index_cast %parallel_loop3A_2098 : i32 to index
        %parallel_loop3A_2100 = tpu.vector_load %arg10[%parallel_loop3A_2099] {strides = array<i32>} : memref<16384xi32, #tpu.memory_space<vmem>>, vector<16xi32>,
        %parallel_loop3A_2101 = arith.constant 96 : i32
        %parallel_loop3A_2102 = arith.addi %parallel_loop3A_2037, %parallel_loop3A_2101 : i32
        %parallel_loop3A_2103 = arith.index_cast %parallel_loop3A_2102 : i32 to index
        %parallel_loop3A_2104 = tpu.vector_load %arg10[%parallel_loop3A_2103] {strides = array<i32>} : memref<16384xi32, #tpu.memory_space<vmem>>, vector<16xi32>,
        %parallel_loop3A_2105 = arith.constant 112 : i32
        %parallel_loop3A_2106 = arith.addi %parallel_loop3A_2037, %parallel_loop3A_2105 : i32
        %parallel_loop3A_2107 = arith.index_cast %parallel_loop3A_2106 : i32 to index
        %parallel_loop3A_2108 = tpu.vector_load %arg10[%parallel_loop3A_2107] {strides = array<i32>} : memref<16384xi32, #tpu.memory_space<vmem>>, vector<16xi32>,
        %parallel_loop3A_2109 = vector.bitcast %parallel_loop3A_2080 : vector<16xi32> to vector<32xbf16>
        %parallel_loop3A_2110 = tpu.unpack_subelements %parallel_loop3A_2109, 0 {pack_format = #tpu.pack_format<interleaved>} : vector<32xbf16> -> vector<16xf32>
        %parallel_loop3A_2111 = tpu.unpack_subelements %parallel_loop3A_2109, 1 {pack_format = #tpu.pack_format<interleaved>} : vector<32xbf16> -> vector<16xf32>
        %parallel_loop3A_2112 = arith.mulf %parallel_loop3A_2048, %parallel_loop3A_2110 : vector<16xf32>
        %parallel_loop3A_2113 = arith.addf %parallel_loop3A_2112, %parallel_loop3A_2111 : vector<16xf32>
        %parallel_loop3A_2114 = arith.constant 0 : i32
        %parallel_loop3A_2115 = arith.addi %parallel_loop3A_2044, %parallel_loop3A_2114 : i32
        %parallel_loop3A_2116 = arith.index_cast %parallel_loop3A_2115 : i32 to index
        %parallel_loop3A_2117 = tpu.vector_load %arg15[%parallel_loop3A_2116] {strides = array<i32>} : memref<32768xf32, #tpu.memory_space<vmem>>, vector<16xf32>,
        tpu.vector_store %arg15[%parallel_loop3A_2116], %parallel_loop3A_2113 {strides = array<i32>} : memref<32768xf32, #tpu.memory_space<vmem>>, vector<16xf32>,
        %parallel_loop3A_2118 = vector.bitcast %parallel_loop3A_2084 : vector<16xi32> to vector<32xbf16>
        %parallel_loop3A_2119 = tpu.unpack_subelements %parallel_loop3A_2118, 0 {pack_format = #tpu.pack_format<interleaved>} : vector<32xbf16> -> vector<16xf32>
        %parallel_loop3A_2120 = tpu.unpack_subelements %parallel_loop3A_2118, 1 {pack_format = #tpu.pack_format<interleaved>} : vector<32xbf16> -> vector<16xf32>
        %parallel_loop3A_2121 = arith.mulf %parallel_loop3A_2052, %parallel_loop3A_2119 : vector<16xf32>
        %parallel_loop3A_2122 = arith.addf %parallel_loop3A_2121, %parallel_loop3A_2120 : vector<16xf32>
        %parallel_loop3A_2123 = arith.constant 16 : i32
        %parallel_loop3A_2124 = arith.addi %parallel_loop3A_2044, %parallel_loop3A_2123 : i32
        %parallel_loop3A_2125 = arith.index_cast %parallel_loop3A_2124 : i32 to index
        %parallel_loop3A_2126 = tpu.vector_load %arg15[%parallel_loop3A_2125] {strides = array<i32>} : memref<32768xf32, #tpu.memory_space<vmem>>, vector<16xf32>,
        tpu.vector_store %arg15[%parallel_loop3A_2125], %parallel_loop3A_2122 {strides = array<i32>} : memref<32768xf32, #tpu.memory_space<vmem>>, vector<16xf32>,
        %parallel_loop3A_2127 = vector.bitcast %parallel_loop3A_2088 : vector<16xi32> to vector<32xbf16>
        %parallel_loop3A_2128 = tpu.unpack_subelements %parallel_loop3A_2127, 0 {pack_format = #tpu.pack_format<interleaved>} : vector<32xbf16> -> vector<16xf32>
        %parallel_loop3A_2129 = tpu.unpack_subelements %parallel_loop3A_2127, 1 {pack_format = #tpu.pack_format<interleaved>} : vector<32xbf16> -> vector<16xf32>
        %parallel_loop3A_2130 = arith.mulf %parallel_loop3A_2056, %parallel_loop3A_2128 : vector<16xf32>
        %parallel_loop3A_2131 = arith.addf %parallel_loop3A_2130, %parallel_loop3A_2129 : vector<16xf32>
        %parallel_loop3A_2132 = arith.constant 32 : i32
        %parallel_loop3A_2133 = arith.addi %parallel_loop3A_2044, %parallel_loop3A_2132 : i32
        %parallel_loop3A_2134 = arith.index_cast %parallel_loop3A_2133 : i32 to index
        %parallel_loop3A_2135 = tpu.vector_load %arg15[%parallel_loop3A_2134] {strides = array<i32>} : memref<32768xf32, #tpu.memory_space<vmem>>, vector<16xf32>,
        tpu.vector_store %arg15[%parallel_loop3A_2134], %parallel_loop3A_2131 {strides = array<i32>} : memref<32768xf32, #tpu.memory_space<vmem>>, vector<16xf32>,
        %parallel_loop3A_2136 = vector.bitcast %parallel_loop3A_2092 : vector<16xi32> to vector<32xbf16>
        %parallel_loop3A_2137 = tpu.unpack_subelements %parallel_loop3A_2136, 0 {pack_format = #tpu.pack_format<interleaved>} : vector<32xbf16> -> vector<16xf32>
        %parallel_loop3A_2138 = tpu.unpack_subelements %parallel_loop3A_2136, 1 {pack_format = #tpu.pack_format<interleaved>} : vector<32xbf16> -> vector<16xf32>
        %parallel_loop3A_2139 = arith.mulf %parallel_loop3A_2060, %parallel_loop3A_2137 : vector<16xf32>
        %parallel_loop3A_2140 = arith.addf %parallel_loop3A_2139, %parallel_loop3A_2138 : vector<16xf32>
        %parallel_loop3A_2141 = arith.constant 48 : i32
        %parallel_loop3A_2142 = arith.addi %parallel_loop3A_2044, %parallel_loop3A_2141 : i32
        %parallel_loop3A_2143 = arith.index_cast %parallel_loop3A_2142 : i32 to index
        %parallel_loop3A_2144 = tpu.vector_load %arg15[%parallel_loop3A_2143] {strides = array<i32>} : memref<32768xf32, #tpu.memory_space<vmem>>, vector<16xf32>,
        tpu.vector_store %arg15[%parallel_loop3A_2143], %parallel_loop3A_2140 {strides = array<i32>} : memref<32768xf32, #tpu.memory_space<vmem>>, vector<16xf32>,
        %parallel_loop3A_2145 = vector.bitcast %parallel_loop3A_2096 : vector<16xi32> to vector<32xbf16>
        %parallel_loop3A_2146 = tpu.unpack_subelements %parallel_loop3A_2145, 0 {pack_format = #tpu.pack_format<interleaved>} : vector<32xbf16> -> vector<16xf32>
        %parallel_loop3A_2147 = tpu.unpack_subelements %parallel_loop3A_2145, 1 {pack_format = #tpu.pack_format<interleaved>} : vector<32xbf16> -> vector<16xf32>
        %parallel_loop3A_2148 = arith.mulf %parallel_loop3A_2064, %parallel_loop3A_2146 : vector<16xf32>
        %parallel_loop3A_2149 = arith.addf %parallel_loop3A_2148, %parallel_loop3A_2147 : vector<16xf32>
        %parallel_loop3A_2150 = arith.constant 64 : i32
        %parallel_loop3A_2151 = arith.addi %parallel_loop3A_2044, %parallel_loop3A_2150 : i32
        %parallel_loop3A_2152 = arith.index_cast %parallel_loop3A_2151 : i32 to index
        %parallel_loop3A_2153 = tpu.vector_load %arg15[%parallel_loop3A_2152] {strides = array<i32>} : memref<32768xf32, #tpu.memory_space<vmem>>, vector<16xf32>,
        tpu.vector_store %arg15[%parallel_loop3A_2152], %parallel_loop3A_2149 {strides = array<i32>} : memref<32768xf32, #tpu.memory_space<vmem>>, vector<16xf32>,
        %parallel_loop3A_2154 = vector.bitcast %parallel_loop3A_2100 : vector<16xi32> to vector<32xbf16>
        %parallel_loop3A_2155 = tpu.unpack_subelements %parallel_loop3A_2154, 0 {pack_format = #tpu.pack_format<interleaved>} : vector<32xbf16> -> vector<16xf32>
        %parallel_loop3A_2156 = tpu.unpack_subelements %parallel_loop3A_2154, 1 {pack_format = #tpu.pack_format<interleaved>} : vector<32xbf16> -> vector<16xf32>
        %parallel_loop3A_2157 = arith.mulf %parallel_loop3A_2068, %parallel_loop3A_2155 : vector<16xf32>
        %parallel_loop3A_2158 = arith.addf %parallel_loop3A_2157, %parallel_loop3A_2156 : vector<16xf32>
        %parallel_loop3A_2159 = arith.constant 80 : i32
        %parallel_loop3A_2160 = arith.addi %parallel_loop3A_2044, %parallel_loop3A_2159 : i32
        %parallel_loop3A_2161 = arith.index_cast %parallel_loop3A_2160 : i32 to index
        %parallel_loop3A_2162 = tpu.vector_load %arg15[%parallel_loop3A_2161] {strides = array<i32>} : memref<32768xf32, #tpu.memory_space<vmem>>, vector<16xf32>,
        tpu.vector_store %arg15[%parallel_loop3A_2161], %parallel_loop3A_2158 {strides = array<i32>} : memref<32768xf32, #tpu.memory_space<vmem>>, vector<16xf32>,
        %parallel_loop3A_2163 = vector.bitcast %parallel_loop3A_2104 : vector<16xi32> to vector<32xbf16>
        %parallel_loop3A_2164 = tpu.unpack_subelements %parallel_loop3A_2163, 0 {pack_format = #tpu.pack_format<interleaved>} : vector<32xbf16> -> vector<16xf32>
        %parallel_loop3A_2165 = tpu.unpack_subelements %parallel_loop3A_2163, 1 {pack_format = #tpu.pack_format<interleaved>} : vector<32xbf16> -> vector<16xf32>
        %parallel_loop3A_2166 = arith.mulf %parallel_loop3A_2072, %parallel_loop3A_2164 : vector<16xf32>
        %parallel_loop3A_2167 = arith.addf %parallel_loop3A_2166, %parallel_loop3A_2165 : vector<16xf32>
        %parallel_loop3A_2168 = arith.constant 96 : i32
        %parallel_loop3A_2169 = arith.addi %parallel_loop3A_2044, %parallel_loop3A_2168 : i32
        %parallel_loop3A_2170 = arith.index_cast %parallel_loop3A_2169 : i32 to index
        %parallel_loop3A_2171 = tpu.vector_load %arg15[%parallel_loop3A_2170] {strides = array<i32>} : memref<32768xf32, #tpu.memory_space<vmem>>, vector<16xf32>,
        tpu.vector_store %arg15[%parallel_loop3A_2170], %parallel_loop3A_2167 {strides = array<i32>} : memref<32768xf32, #tpu.memory_space<vmem>>, vector<16xf32>,
        %parallel_loop3A_2172 = vector.bitcast %parallel_loop3A_2108 : vector<16xi32> to vector<32xbf16>
        %parallel_loop3A_2173 = tpu.unpack_subelements %parallel_loop3A_2172, 0 {pack_format = #tpu.pack_format<interleaved>} : vector<32xbf16> -> vector<16xf32>
        %parallel_loop3A_2174 = tpu.unpack_subelements %parallel_loop3A_2172, 1 {pack_format = #tpu.pack_format<interleaved>} : vector<32xbf16> -> vector<16xf32>
        %parallel_loop3A_2175 = arith.mulf %parallel_loop3A_2076, %parallel_loop3A_2173 : vector<16xf32>
        %parallel_loop3A_2176 = arith.addf %parallel_loop3A_2175, %parallel_loop3A_2174 : vector<16xf32>
        %parallel_loop3A_2177 = arith.constant 112 : i32
        %parallel_loop3A_2178 = arith.addi %parallel_loop3A_2044, %parallel_loop3A_2177 : i32
        %parallel_loop3A_2179 = arith.index_cast %parallel_loop3A_2178 : i32 to index
        %parallel_loop3A_2180 = tpu.vector_load %arg15[%parallel_loop3A_2179] {strides = array<i32>} : memref<32768xf32, #tpu.memory_space<vmem>>, vector<16xf32>,
        tpu.vector_store %arg15[%parallel_loop3A_2179], %parallel_loop3A_2176 {strides = array<i32>} : memref<32768xf32, #tpu.memory_space<vmem>>, vector<16xf32>,
        %parallel_loop3A_2181 = vector.extract_strided_slice %parallel_loop3A_119 {offsets = [14], sizes = [1], strides = [1]} : vector<16xi32> to vector<1xi32>
        %parallel_loop3A_2182 = vector.extract %parallel_loop3A_2181[0] : i32 from vector<1xi32>
        %parallel_loop3A_2183 = arith.constant 128 : i32
        %parallel_loop3A_2184 = arith.muli %parallel_loop3A_2182, %parallel_loop3A_2183 : i32
        %parallel_loop3A_2185 = arith.constant 16 : i32
        %parallel_loop3A_2186 = arith.muli %parallel_loop3A_114, %parallel_loop3A_2185 : i32
        %parallel_loop3A_2187 = arith.constant 14 : i32
        %parallel_loop3A_2188 = arith.addi %parallel_loop3A_2186, %parallel_loop3A_2187 : i32
        %parallel_loop3A_2189 = arith.constant 128 : i32
        %parallel_loop3A_2190 = arith.muli %parallel_loop3A_2188, %parallel_loop3A_2189 : i32
        %parallel_loop3A_2191 = arith.addi %mul3A_43, %parallel_loop3A_2190 : i32
        %parallel_loop3A_2192 = arith.constant 0 : i32
        %parallel_loop3A_2193 = arith.addi %parallel_loop3A_2191, %parallel_loop3A_2192 : i32
        %parallel_loop3A_2194 = arith.index_cast %parallel_loop3A_2193 : i32 to index
        %parallel_loop3A_2195 = tpu.vector_load %arg14[%parallel_loop3A_2194] {strides = array<i32>} : memref<32768xf32, #tpu.memory_space<vmem>>, vector<16xf32>,
        %parallel_loop3A_2196 = arith.constant 16 : i32
        %parallel_loop3A_2197 = arith.addi %parallel_loop3A_2191, %parallel_loop3A_2196 : i32
        %parallel_loop3A_2198 = arith.index_cast %parallel_loop3A_2197 : i32 to index
        %parallel_loop3A_2199 = tpu.vector_load %arg14[%parallel_loop3A_2198] {strides = array<i32>} : memref<32768xf32, #tpu.memory_space<vmem>>, vector<16xf32>,
        %parallel_loop3A_2200 = arith.constant 32 : i32
        %parallel_loop3A_2201 = arith.addi %parallel_loop3A_2191, %parallel_loop3A_2200 : i32
        %parallel_loop3A_2202 = arith.index_cast %parallel_loop3A_2201 : i32 to index
        %parallel_loop3A_2203 = tpu.vector_load %arg14[%parallel_loop3A_2202] {strides = array<i32>} : memref<32768xf32, #tpu.memory_space<vmem>>, vector<16xf32>,
        %parallel_loop3A_2204 = arith.constant 48 : i32
        %parallel_loop3A_2205 = arith.addi %parallel_loop3A_2191, %parallel_loop3A_2204 : i32
        %parallel_loop3A_2206 = arith.index_cast %parallel_loop3A_2205 : i32 to index
        %parallel_loop3A_2207 = tpu.vector_load %arg14[%parallel_loop3A_2206] {strides = array<i32>} : memref<32768xf32, #tpu.memory_space<vmem>>, vector<16xf32>,
        %parallel_loop3A_2208 = arith.constant 64 : i32
        %parallel_loop3A_2209 = arith.addi %parallel_loop3A_2191, %parallel_loop3A_2208 : i32
        %parallel_loop3A_2210 = arith.index_cast %parallel_loop3A_2209 : i32 to index
        %parallel_loop3A_2211 = tpu.vector_load %arg14[%parallel_loop3A_2210] {strides = array<i32>} : memref<32768xf32, #tpu.memory_space<vmem>>, vector<16xf32>,
        %parallel_loop3A_2212 = arith.constant 80 : i32
        %parallel_loop3A_2213 = arith.addi %parallel_loop3A_2191, %parallel_loop3A_2212 : i32
        %parallel_loop3A_2214 = arith.index_cast %parallel_loop3A_2213 : i32 to index
        %parallel_loop3A_2215 = tpu.vector_load %arg14[%parallel_loop3A_2214] {strides = array<i32>} : memref<32768xf32, #tpu.memory_space<vmem>>, vector<16xf32>,
        %parallel_loop3A_2216 = arith.constant 96 : i32
        %parallel_loop3A_2217 = arith.addi %parallel_loop3A_2191, %parallel_loop3A_2216 : i32
        %parallel_loop3A_2218 = arith.index_cast %parallel_loop3A_2217 : i32 to index
        %parallel_loop3A_2219 = tpu.vector_load %arg14[%parallel_loop3A_2218] {strides = array<i32>} : memref<32768xf32, #tpu.memory_space<vmem>>, vector<16xf32>,
        %parallel_loop3A_2220 = arith.constant 112 : i32
        %parallel_loop3A_2221 = arith.addi %parallel_loop3A_2191, %parallel_loop3A_2220 : i32
        %parallel_loop3A_2222 = arith.index_cast %parallel_loop3A_2221 : i32 to index
        %parallel_loop3A_2223 = tpu.vector_load %arg14[%parallel_loop3A_2222] {strides = array<i32>} : memref<32768xf32, #tpu.memory_space<vmem>>, vector<16xf32>,
        %parallel_loop3A_2224 = arith.constant 0 : i32
        %parallel_loop3A_2225 = arith.addi %parallel_loop3A_2184, %parallel_loop3A_2224 : i32
        %parallel_loop3A_2226 = arith.index_cast %parallel_loop3A_2225 : i32 to index
        %parallel_loop3A_2227 = tpu.vector_load %arg10[%parallel_loop3A_2226] {strides = array<i32>} : memref<16384xi32, #tpu.memory_space<vmem>>, vector<16xi32>,
        %parallel_loop3A_2228 = arith.constant 16 : i32
        %parallel_loop3A_2229 = arith.addi %parallel_loop3A_2184, %parallel_loop3A_2228 : i32
        %parallel_loop3A_2230 = arith.index_cast %parallel_loop3A_2229 : i32 to index
        %parallel_loop3A_2231 = tpu.vector_load %arg10[%parallel_loop3A_2230] {strides = array<i32>} : memref<16384xi32, #tpu.memory_space<vmem>>, vector<16xi32>,
        %parallel_loop3A_2232 = arith.constant 32 : i32
        %parallel_loop3A_2233 = arith.addi %parallel_loop3A_2184, %parallel_loop3A_2232 : i32
        %parallel_loop3A_2234 = arith.index_cast %parallel_loop3A_2233 : i32 to index
        %parallel_loop3A_2235 = tpu.vector_load %arg10[%parallel_loop3A_2234] {strides = array<i32>} : memref<16384xi32, #tpu.memory_space<vmem>>, vector<16xi32>,
        %parallel_loop3A_2236 = arith.constant 48 : i32
        %parallel_loop3A_2237 = arith.addi %parallel_loop3A_2184, %parallel_loop3A_2236 : i32
        %parallel_loop3A_2238 = arith.index_cast %parallel_loop3A_2237 : i32 to index
        %parallel_loop3A_2239 = tpu.vector_load %arg10[%parallel_loop3A_2238] {strides = array<i32>} : memref<16384xi32, #tpu.memory_space<vmem>>, vector<16xi32>,
        %parallel_loop3A_2240 = arith.constant 64 : i32
        %parallel_loop3A_2241 = arith.addi %parallel_loop3A_2184, %parallel_loop3A_2240 : i32
        %parallel_loop3A_2242 = arith.index_cast %parallel_loop3A_2241 : i32 to index
        %parallel_loop3A_2243 = tpu.vector_load %arg10[%parallel_loop3A_2242] {strides = array<i32>} : memref<16384xi32, #tpu.memory_space<vmem>>, vector<16xi32>,
        %parallel_loop3A_2244 = arith.constant 80 : i32
        %parallel_loop3A_2245 = arith.addi %parallel_loop3A_2184, %parallel_loop3A_2244 : i32
        %parallel_loop3A_2246 = arith.index_cast %parallel_loop3A_2245 : i32 to index
        %parallel_loop3A_2247 = tpu.vector_load %arg10[%parallel_loop3A_2246] {strides = array<i32>} : memref<16384xi32, #tpu.memory_space<vmem>>, vector<16xi32>,
        %parallel_loop3A_2248 = arith.constant 96 : i32
        %parallel_loop3A_2249 = arith.addi %parallel_loop3A_2184, %parallel_loop3A_2248 : i32
        %parallel_loop3A_2250 = arith.index_cast %parallel_loop3A_2249 : i32 to index
        %parallel_loop3A_2251 = tpu.vector_load %arg10[%parallel_loop3A_2250] {strides = array<i32>} : memref<16384xi32, #tpu.memory_space<vmem>>, vector<16xi32>,
        %parallel_loop3A_2252 = arith.constant 112 : i32
        %parallel_loop3A_2253 = arith.addi %parallel_loop3A_2184, %parallel_loop3A_2252 : i32
        %parallel_loop3A_2254 = arith.index_cast %parallel_loop3A_2253 : i32 to index
        %parallel_loop3A_2255 = tpu.vector_load %arg10[%parallel_loop3A_2254] {strides = array<i32>} : memref<16384xi32, #tpu.memory_space<vmem>>, vector<16xi32>,
        %parallel_loop3A_2256 = vector.bitcast %parallel_loop3A_2227 : vector<16xi32> to vector<32xbf16>
        %parallel_loop3A_2257 = tpu.unpack_subelements %parallel_loop3A_2256, 0 {pack_format = #tpu.pack_format<interleaved>} : vector<32xbf16> -> vector<16xf32>
        %parallel_loop3A_2258 = tpu.unpack_subelements %parallel_loop3A_2256, 1 {pack_format = #tpu.pack_format<interleaved>} : vector<32xbf16> -> vector<16xf32>
        %parallel_loop3A_2259 = arith.mulf %parallel_loop3A_2195, %parallel_loop3A_2257 : vector<16xf32>
        %parallel_loop3A_2260 = arith.addf %parallel_loop3A_2259, %parallel_loop3A_2258 : vector<16xf32>
        %parallel_loop3A_2261 = arith.constant 0 : i32
        %parallel_loop3A_2262 = arith.addi %parallel_loop3A_2191, %parallel_loop3A_2261 : i32
        %parallel_loop3A_2263 = arith.index_cast %parallel_loop3A_2262 : i32 to index
        %parallel_loop3A_2264 = tpu.vector_load %arg15[%parallel_loop3A_2263] {strides = array<i32>} : memref<32768xf32, #tpu.memory_space<vmem>>, vector<16xf32>,
        tpu.vector_store %arg15[%parallel_loop3A_2263], %parallel_loop3A_2260 {strides = array<i32>} : memref<32768xf32, #tpu.memory_space<vmem>>, vector<16xf32>,
        %parallel_loop3A_2265 = vector.bitcast %parallel_loop3A_2231 : vector<16xi32> to vector<32xbf16>
        %parallel_loop3A_2266 = tpu.unpack_subelements %parallel_loop3A_2265, 0 {pack_format = #tpu.pack_format<interleaved>} : vector<32xbf16> -> vector<16xf32>
        %parallel_loop3A_2267 = tpu.unpack_subelements %parallel_loop3A_2265, 1 {pack_format = #tpu.pack_format<interleaved>} : vector<32xbf16> -> vector<16xf32>
        %parallel_loop3A_2268 = arith.mulf %parallel_loop3A_2199, %parallel_loop3A_2266 : vector<16xf32>
        %parallel_loop3A_2269 = arith.addf %parallel_loop3A_2268, %parallel_loop3A_2267 : vector<16xf32>
        %parallel_loop3A_2270 = arith.constant 16 : i32
        %parallel_loop3A_2271 = arith.addi %parallel_loop3A_2191, %parallel_loop3A_2270 : i32
        %parallel_loop3A_2272 = arith.index_cast %parallel_loop3A_2271 : i32 to index
        %parallel_loop3A_2273 = tpu.vector_load %arg15[%parallel_loop3A_2272] {strides = array<i32>} : memref<32768xf32, #tpu.memory_space<vmem>>, vector<16xf32>,
        tpu.vector_store %arg15[%parallel_loop3A_2272], %parallel_loop3A_2269 {strides = array<i32>} : memref<32768xf32, #tpu.memory_space<vmem>>, vector<16xf32>,
        %parallel_loop3A_2274 = vector.bitcast %parallel_loop3A_2235 : vector<16xi32> to vector<32xbf16>
        %parallel_loop3A_2275 = tpu.unpack_subelements %parallel_loop3A_2274, 0 {pack_format = #tpu.pack_format<interleaved>} : vector<32xbf16> -> vector<16xf32>
        %parallel_loop3A_2276 = tpu.unpack_subelements %parallel_loop3A_2274, 1 {pack_format = #tpu.pack_format<interleaved>} : vector<32xbf16> -> vector<16xf32>
        %parallel_loop3A_2277 = arith.mulf %parallel_loop3A_2203, %parallel_loop3A_2275 : vector<16xf32>
        %parallel_loop3A_2278 = arith.addf %parallel_loop3A_2277, %parallel_loop3A_2276 : vector<16xf32>
        %parallel_loop3A_2279 = arith.constant 32 : i32
        %parallel_loop3A_2280 = arith.addi %parallel_loop3A_2191, %parallel_loop3A_2279 : i32
        %parallel_loop3A_2281 = arith.index_cast %parallel_loop3A_2280 : i32 to index
        %parallel_loop3A_2282 = tpu.vector_load %arg15[%parallel_loop3A_2281] {strides = array<i32>} : memref<32768xf32, #tpu.memory_space<vmem>>, vector<16xf32>,
        tpu.vector_store %arg15[%parallel_loop3A_2281], %parallel_loop3A_2278 {strides = array<i32>} : memref<32768xf32, #tpu.memory_space<vmem>>, vector<16xf32>,
        %parallel_loop3A_2283 = vector.bitcast %parallel_loop3A_2239 : vector<16xi32> to vector<32xbf16>
        %parallel_loop3A_2284 = tpu.unpack_subelements %parallel_loop3A_2283, 0 {pack_format = #tpu.pack_format<interleaved>} : vector<32xbf16> -> vector<16xf32>
        %parallel_loop3A_2285 = tpu.unpack_subelements %parallel_loop3A_2283, 1 {pack_format = #tpu.pack_format<interleaved>} : vector<32xbf16> -> vector<16xf32>
        %parallel_loop3A_2286 = arith.mulf %parallel_loop3A_2207, %parallel_loop3A_2284 : vector<16xf32>
        %parallel_loop3A_2287 = arith.addf %parallel_loop3A_2286, %parallel_loop3A_2285 : vector<16xf32>
        %parallel_loop3A_2288 = arith.constant 48 : i32
        %parallel_loop3A_2289 = arith.addi %parallel_loop3A_2191, %parallel_loop3A_2288 : i32
        %parallel_loop3A_2290 = arith.index_cast %parallel_loop3A_2289 : i32 to index
        %parallel_loop3A_2291 = tpu.vector_load %arg15[%parallel_loop3A_2290] {strides = array<i32>} : memref<32768xf32, #tpu.memory_space<vmem>>, vector<16xf32>,
        tpu.vector_store %arg15[%parallel_loop3A_2290], %parallel_loop3A_2287 {strides = array<i32>} : memref<32768xf32, #tpu.memory_space<vmem>>, vector<16xf32>,
        %parallel_loop3A_2292 = vector.bitcast %parallel_loop3A_2243 : vector<16xi32> to vector<32xbf16>
        %parallel_loop3A_2293 = tpu.unpack_subelements %parallel_loop3A_2292, 0 {pack_format = #tpu.pack_format<interleaved>} : vector<32xbf16> -> vector<16xf32>
        %parallel_loop3A_2294 = tpu.unpack_subelements %parallel_loop3A_2292, 1 {pack_format = #tpu.pack_format<interleaved>} : vector<32xbf16> -> vector<16xf32>
        %parallel_loop3A_2295 = arith.mulf %parallel_loop3A_2211, %parallel_loop3A_2293 : vector<16xf32>
        %parallel_loop3A_2296 = arith.addf %parallel_loop3A_2295, %parallel_loop3A_2294 : vector<16xf32>
        %parallel_loop3A_2297 = arith.constant 64 : i32
        %parallel_loop3A_2298 = arith.addi %parallel_loop3A_2191, %parallel_loop3A_2297 : i32
        %parallel_loop3A_2299 = arith.index_cast %parallel_loop3A_2298 : i32 to index
        %parallel_loop3A_2300 = tpu.vector_load %arg15[%parallel_loop3A_2299] {strides = array<i32>} : memref<32768xf32, #tpu.memory_space<vmem>>, vector<16xf32>,
        tpu.vector_store %arg15[%parallel_loop3A_2299], %parallel_loop3A_2296 {strides = array<i32>} : memref<32768xf32, #tpu.memory_space<vmem>>, vector<16xf32>,
        %parallel_loop3A_2301 = vector.bitcast %parallel_loop3A_2247 : vector<16xi32> to vector<32xbf16>
        %parallel_loop3A_2302 = tpu.unpack_subelements %parallel_loop3A_2301, 0 {pack_format = #tpu.pack_format<interleaved>} : vector<32xbf16> -> vector<16xf32>
        %parallel_loop3A_2303 = tpu.unpack_subelements %parallel_loop3A_2301, 1 {pack_format = #tpu.pack_format<interleaved>} : vector<32xbf16> -> vector<16xf32>
        %parallel_loop3A_2304 = arith.mulf %parallel_loop3A_2215, %parallel_loop3A_2302 : vector<16xf32>
        %parallel_loop3A_2305 = arith.addf %parallel_loop3A_2304, %parallel_loop3A_2303 : vector<16xf32>
        %parallel_loop3A_2306 = arith.constant 80 : i32
        %parallel_loop3A_2307 = arith.addi %parallel_loop3A_2191, %parallel_loop3A_2306 : i32
        %parallel_loop3A_2308 = arith.index_cast %parallel_loop3A_2307 : i32 to index
        %parallel_loop3A_2309 = tpu.vector_load %arg15[%parallel_loop3A_2308] {strides = array<i32>} : memref<32768xf32, #tpu.memory_space<vmem>>, vector<16xf32>,
        tpu.vector_store %arg15[%parallel_loop3A_2308], %parallel_loop3A_2305 {strides = array<i32>} : memref<32768xf32, #tpu.memory_space<vmem>>, vector<16xf32>,
        %parallel_loop3A_2310 = vector.bitcast %parallel_loop3A_2251 : vector<16xi32> to vector<32xbf16>
        %parallel_loop3A_2311 = tpu.unpack_subelements %parallel_loop3A_2310, 0 {pack_format = #tpu.pack_format<interleaved>} : vector<32xbf16> -> vector<16xf32>
        %parallel_loop3A_2312 = tpu.unpack_subelements %parallel_loop3A_2310, 1 {pack_format = #tpu.pack_format<interleaved>} : vector<32xbf16> -> vector<16xf32>
        %parallel_loop3A_2313 = arith.mulf %parallel_loop3A_2219, %parallel_loop3A_2311 : vector<16xf32>
        %parallel_loop3A_2314 = arith.addf %parallel_loop3A_2313, %parallel_loop3A_2312 : vector<16xf32>
        %parallel_loop3A_2315 = arith.constant 96 : i32
        %parallel_loop3A_2316 = arith.addi %parallel_loop3A_2191, %parallel_loop3A_2315 : i32
        %parallel_loop3A_2317 = arith.index_cast %parallel_loop3A_2316 : i32 to index
        %parallel_loop3A_2318 = tpu.vector_load %arg15[%parallel_loop3A_2317] {strides = array<i32>} : memref<32768xf32, #tpu.memory_space<vmem>>, vector<16xf32>,
        tpu.vector_store %arg15[%parallel_loop3A_2317], %parallel_loop3A_2314 {strides = array<i32>} : memref<32768xf32, #tpu.memory_space<vmem>>, vector<16xf32>,
        %parallel_loop3A_2319 = vector.bitcast %parallel_loop3A_2255 : vector<16xi32> to vector<32xbf16>
        %parallel_loop3A_2320 = tpu.unpack_subelements %parallel_loop3A_2319, 0 {pack_format = #tpu.pack_format<interleaved>} : vector<32xbf16> -> vector<16xf32>
        %parallel_loop3A_2321 = tpu.unpack_subelements %parallel_loop3A_2319, 1 {pack_format = #tpu.pack_format<interleaved>} : vector<32xbf16> -> vector<16xf32>
        %parallel_loop3A_2322 = arith.mulf %parallel_loop3A_2223, %parallel_loop3A_2320 : vector<16xf32>
        %parallel_loop3A_2323 = arith.addf %parallel_loop3A_2322, %parallel_loop3A_2321 : vector<16xf32>
        %parallel_loop3A_2324 = arith.constant 112 : i32
        %parallel_loop3A_2325 = arith.addi %parallel_loop3A_2191, %parallel_loop3A_2324 : i32
        %parallel_loop3A_2326 = arith.index_cast %parallel_loop3A_2325 : i32 to index
        %parallel_loop3A_2327 = tpu.vector_load %arg15[%parallel_loop3A_2326] {strides = array<i32>} : memref<32768xf32, #tpu.memory_space<vmem>>, vector<16xf32>,
        tpu.vector_store %arg15[%parallel_loop3A_2326], %parallel_loop3A_2323 {strides = array<i32>} : memref<32768xf32, #tpu.memory_space<vmem>>, vector<16xf32>,
        %parallel_loop3A_2328 = vector.extract_strided_slice %parallel_loop3A_119 {offsets = [15], sizes = [1], strides = [1]} : vector<16xi32> to vector<1xi32>
        %parallel_loop3A_2329 = vector.extract %parallel_loop3A_2328[0] : i32 from vector<1xi32>
        %parallel_loop3A_2330 = arith.constant 128 : i32
        %parallel_loop3A_2331 = arith.muli %parallel_loop3A_2329, %parallel_loop3A_2330 : i32
        %parallel_loop3A_2332 = arith.constant 16 : i32
        %parallel_loop3A_2333 = arith.muli %parallel_loop3A_114, %parallel_loop3A_2332 : i32
        %parallel_loop3A_2334 = arith.constant 15 : i32
        %parallel_loop3A_2335 = arith.addi %parallel_loop3A_2333, %parallel_loop3A_2334 : i32
        %parallel_loop3A_2336 = arith.constant 128 : i32
        %parallel_loop3A_2337 = arith.muli %parallel_loop3A_2335, %parallel_loop3A_2336 : i32
        %parallel_loop3A_2338 = arith.addi %mul3A_43, %parallel_loop3A_2337 : i32
        %parallel_loop3A_2339 = arith.constant 0 : i32
        %parallel_loop3A_2340 = arith.addi %parallel_loop3A_2338, %parallel_loop3A_2339 : i32
        %parallel_loop3A_2341 = arith.index_cast %parallel_loop3A_2340 : i32 to index
        %parallel_loop3A_2342 = tpu.vector_load %arg14[%parallel_loop3A_2341] {strides = array<i32>} : memref<32768xf32, #tpu.memory_space<vmem>>, vector<16xf32>,
        %parallel_loop3A_2343 = arith.constant 16 : i32
        %parallel_loop3A_2344 = arith.addi %parallel_loop3A_2338, %parallel_loop3A_2343 : i32
        %parallel_loop3A_2345 = arith.index_cast %parallel_loop3A_2344 : i32 to index
        %parallel_loop3A_2346 = tpu.vector_load %arg14[%parallel_loop3A_2345] {strides = array<i32>} : memref<32768xf32, #tpu.memory_space<vmem>>, vector<16xf32>,
        %parallel_loop3A_2347 = arith.constant 32 : i32
        %parallel_loop3A_2348 = arith.addi %parallel_loop3A_2338, %parallel_loop3A_2347 : i32
        %parallel_loop3A_2349 = arith.index_cast %parallel_loop3A_2348 : i32 to index
        %parallel_loop3A_2350 = tpu.vector_load %arg14[%parallel_loop3A_2349] {strides = array<i32>} : memref<32768xf32, #tpu.memory_space<vmem>>, vector<16xf32>,
        %parallel_loop3A_2351 = arith.constant 48 : i32
        %parallel_loop3A_2352 = arith.addi %parallel_loop3A_2338, %parallel_loop3A_2351 : i32
        %parallel_loop3A_2353 = arith.index_cast %parallel_loop3A_2352 : i32 to index
        %parallel_loop3A_2354 = tpu.vector_load %arg14[%parallel_loop3A_2353] {strides = array<i32>} : memref<32768xf32, #tpu.memory_space<vmem>>, vector<16xf32>,
        %parallel_loop3A_2355 = arith.constant 64 : i32
        %parallel_loop3A_2356 = arith.addi %parallel_loop3A_2338, %parallel_loop3A_2355 : i32
        %parallel_loop3A_2357 = arith.index_cast %parallel_loop3A_2356 : i32 to index
        %parallel_loop3A_2358 = tpu.vector_load %arg14[%parallel_loop3A_2357] {strides = array<i32>} : memref<32768xf32, #tpu.memory_space<vmem>>, vector<16xf32>,
        %parallel_loop3A_2359 = arith.constant 80 : i32
        %parallel_loop3A_2360 = arith.addi %parallel_loop3A_2338, %parallel_loop3A_2359 : i32
        %parallel_loop3A_2361 = arith.index_cast %parallel_loop3A_2360 : i32 to index
        %parallel_loop3A_2362 = tpu.vector_load %arg14[%parallel_loop3A_2361] {strides = array<i32>} : memref<32768xf32, #tpu.memory_space<vmem>>, vector<16xf32>,
        %parallel_loop3A_2363 = arith.constant 96 : i32
        %parallel_loop3A_2364 = arith.addi %parallel_loop3A_2338, %parallel_loop3A_2363 : i32
        %parallel_loop3A_2365 = arith.index_cast %parallel_loop3A_2364 : i32 to index
        %parallel_loop3A_2366 = tpu.vector_load %arg14[%parallel_loop3A_2365] {strides = array<i32>} : memref<32768xf32, #tpu.memory_space<vmem>>, vector<16xf32>,
        %parallel_loop3A_2367 = arith.constant 112 : i32
        %parallel_loop3A_2368 = arith.addi %parallel_loop3A_2338, %parallel_loop3A_2367 : i32
        %parallel_loop3A_2369 = arith.index_cast %parallel_loop3A_2368 : i32 to index
        %parallel_loop3A_2370 = tpu.vector_load %arg14[%parallel_loop3A_2369] {strides = array<i32>} : memref<32768xf32, #tpu.memory_space<vmem>>, vector<16xf32>,
        %parallel_loop3A_2371 = arith.constant 0 : i32
        %parallel_loop3A_2372 = arith.addi %parallel_loop3A_2331, %parallel_loop3A_2371 : i32
        %parallel_loop3A_2373 = arith.index_cast %parallel_loop3A_2372 : i32 to index
        %parallel_loop3A_2374 = tpu.vector_load %arg10[%parallel_loop3A_2373] {strides = array<i32>} : memref<16384xi32, #tpu.memory_space<vmem>>, vector<16xi32>,
        %parallel_loop3A_2375 = arith.constant 16 : i32
        %parallel_loop3A_2376 = arith.addi %parallel_loop3A_2331, %parallel_loop3A_2375 : i32
        %parallel_loop3A_2377 = arith.index_cast %parallel_loop3A_2376 : i32 to index
        %parallel_loop3A_2378 = tpu.vector_load %arg10[%parallel_loop3A_2377] {strides = array<i32>} : memref<16384xi32, #tpu.memory_space<vmem>>, vector<16xi32>,
        %parallel_loop3A_2379 = arith.constant 32 : i32
        %parallel_loop3A_2380 = arith.addi %parallel_loop3A_2331, %parallel_loop3A_2379 : i32
        %parallel_loop3A_2381 = arith.index_cast %parallel_loop3A_2380 : i32 to index
        %parallel_loop3A_2382 = tpu.vector_load %arg10[%parallel_loop3A_2381] {strides = array<i32>} : memref<16384xi32, #tpu.memory_space<vmem>>, vector<16xi32>,
        %parallel_loop3A_2383 = arith.constant 48 : i32
        %parallel_loop3A_2384 = arith.addi %parallel_loop3A_2331, %parallel_loop3A_2383 : i32
        %parallel_loop3A_2385 = arith.index_cast %parallel_loop3A_2384 : i32 to index
        %parallel_loop3A_2386 = tpu.vector_load %arg10[%parallel_loop3A_2385] {strides = array<i32>} : memref<16384xi32, #tpu.memory_space<vmem>>, vector<16xi32>,
        %parallel_loop3A_2387 = arith.constant 64 : i32
        %parallel_loop3A_2388 = arith.addi %parallel_loop3A_2331, %parallel_loop3A_2387 : i32
        %parallel_loop3A_2389 = arith.index_cast %parallel_loop3A_2388 : i32 to index
        %parallel_loop3A_2390 = tpu.vector_load %arg10[%parallel_loop3A_2389] {strides = array<i32>} : memref<16384xi32, #tpu.memory_space<vmem>>, vector<16xi32>,
        %parallel_loop3A_2391 = arith.constant 80 : i32
        %parallel_loop3A_2392 = arith.addi %parallel_loop3A_2331, %parallel_loop3A_2391 : i32
        %parallel_loop3A_2393 = arith.index_cast %parallel_loop3A_2392 : i32 to index
        %parallel_loop3A_2394 = tpu.vector_load %arg10[%parallel_loop3A_2393] {strides = array<i32>} : memref<16384xi32, #tpu.memory_space<vmem>>, vector<16xi32>,
        %parallel_loop3A_2395 = arith.constant 96 : i32
        %parallel_loop3A_2396 = arith.addi %parallel_loop3A_2331, %parallel_loop3A_2395 : i32
        %parallel_loop3A_2397 = arith.index_cast %parallel_loop3A_2396 : i32 to index
        %parallel_loop3A_2398 = tpu.vector_load %arg10[%parallel_loop3A_2397] {strides = array<i32>} : memref<16384xi32, #tpu.memory_space<vmem>>, vector<16xi32>,
        %parallel_loop3A_2399 = arith.constant 112 : i32
        %parallel_loop3A_2400 = arith.addi %parallel_loop3A_2331, %parallel_loop3A_2399 : i32
        %parallel_loop3A_2401 = arith.index_cast %parallel_loop3A_2400 : i32 to index
        %parallel_loop3A_2402 = tpu.vector_load %arg10[%parallel_loop3A_2401] {strides = array<i32>} : memref<16384xi32, #tpu.memory_space<vmem>>, vector<16xi32>,
        %parallel_loop3A_2403 = vector.bitcast %parallel_loop3A_2374 : vector<16xi32> to vector<32xbf16>
        %parallel_loop3A_2404 = tpu.unpack_subelements %parallel_loop3A_2403, 0 {pack_format = #tpu.pack_format<interleaved>} : vector<32xbf16> -> vector<16xf32>
        %parallel_loop3A_2405 = tpu.unpack_subelements %parallel_loop3A_2403, 1 {pack_format = #tpu.pack_format<interleaved>} : vector<32xbf16> -> vector<16xf32>
        %parallel_loop3A_2406 = arith.mulf %parallel_loop3A_2342, %parallel_loop3A_2404 : vector<16xf32>
        %parallel_loop3A_2407 = arith.addf %parallel_loop3A_2406, %parallel_loop3A_2405 : vector<16xf32>
        %parallel_loop3A_2408 = arith.constant 0 : i32
        %parallel_loop3A_2409 = arith.addi %parallel_loop3A_2338, %parallel_loop3A_2408 : i32
        %parallel_loop3A_2410 = arith.index_cast %parallel_loop3A_2409 : i32 to index
        %parallel_loop3A_2411 = tpu.vector_load %arg15[%parallel_loop3A_2410] {strides = array<i32>} : memref<32768xf32, #tpu.memory_space<vmem>>, vector<16xf32>,
        tpu.vector_store %arg15[%parallel_loop3A_2410], %parallel_loop3A_2407 {strides = array<i32>} : memref<32768xf32, #tpu.memory_space<vmem>>, vector<16xf32>,
        %parallel_loop3A_2412 = vector.bitcast %parallel_loop3A_2378 : vector<16xi32> to vector<32xbf16>
        %parallel_loop3A_2413 = tpu.unpack_subelements %parallel_loop3A_2412, 0 {pack_format = #tpu.pack_format<interleaved>} : vector<32xbf16> -> vector<16xf32>
        %parallel_loop3A_2414 = tpu.unpack_subelements %parallel_loop3A_2412, 1 {pack_format = #tpu.pack_format<interleaved>} : vector<32xbf16> -> vector<16xf32>
        %parallel_loop3A_2415 = arith.mulf %parallel_loop3A_2346, %parallel_loop3A_2413 : vector<16xf32>
        %parallel_loop3A_2416 = arith.addf %parallel_loop3A_2415, %parallel_loop3A_2414 : vector<16xf32>
        %parallel_loop3A_2417 = arith.constant 16 : i32
        %parallel_loop3A_2418 = arith.addi %parallel_loop3A_2338, %parallel_loop3A_2417 : i32
        %parallel_loop3A_2419 = arith.index_cast %parallel_loop3A_2418 : i32 to index
        %parallel_loop3A_2420 = tpu.vector_load %arg15[%parallel_loop3A_2419] {strides = array<i32>} : memref<32768xf32, #tpu.memory_space<vmem>>, vector<16xf32>,
        tpu.vector_store %arg15[%parallel_loop3A_2419], %parallel_loop3A_2416 {strides = array<i32>} : memref<32768xf32, #tpu.memory_space<vmem>>, vector<16xf32>,
        %parallel_loop3A_2421 = vector.bitcast %parallel_loop3A_2382 : vector<16xi32> to vector<32xbf16>
        %parallel_loop3A_2422 = tpu.unpack_subelements %parallel_loop3A_2421, 0 {pack_format = #tpu.pack_format<interleaved>} : vector<32xbf16> -> vector<16xf32>
        %parallel_loop3A_2423 = tpu.unpack_subelements %parallel_loop3A_2421, 1 {pack_format = #tpu.pack_format<interleaved>} : vector<32xbf16> -> vector<16xf32>
        %parallel_loop3A_2424 = arith.mulf %parallel_loop3A_2350, %parallel_loop3A_2422 : vector<16xf32>
        %parallel_loop3A_2425 = arith.addf %parallel_loop3A_2424, %parallel_loop3A_2423 : vector<16xf32>
        %parallel_loop3A_2426 = arith.constant 32 : i32
        %parallel_loop3A_2427 = arith.addi %parallel_loop3A_2338, %parallel_loop3A_2426 : i32
        %parallel_loop3A_2428 = arith.index_cast %parallel_loop3A_2427 : i32 to index
        %parallel_loop3A_2429 = tpu.vector_load %arg15[%parallel_loop3A_2428] {strides = array<i32>} : memref<32768xf32, #tpu.memory_space<vmem>>, vector<16xf32>,
        tpu.vector_store %arg15[%parallel_loop3A_2428], %parallel_loop3A_2425 {strides = array<i32>} : memref<32768xf32, #tpu.memory_space<vmem>>, vector<16xf32>,
        %parallel_loop3A_2430 = vector.bitcast %parallel_loop3A_2386 : vector<16xi32> to vector<32xbf16>
        %parallel_loop3A_2431 = tpu.unpack_subelements %parallel_loop3A_2430, 0 {pack_format = #tpu.pack_format<interleaved>} : vector<32xbf16> -> vector<16xf32>
        %parallel_loop3A_2432 = tpu.unpack_subelements %parallel_loop3A_2430, 1 {pack_format = #tpu.pack_format<interleaved>} : vector<32xbf16> -> vector<16xf32>
        %parallel_loop3A_2433 = arith.mulf %parallel_loop3A_2354, %parallel_loop3A_2431 : vector<16xf32>
        %parallel_loop3A_2434 = arith.addf %parallel_loop3A_2433, %parallel_loop3A_2432 : vector<16xf32>
        %parallel_loop3A_2435 = arith.constant 48 : i32
        %parallel_loop3A_2436 = arith.addi %parallel_loop3A_2338, %parallel_loop3A_2435 : i32
        %parallel_loop3A_2437 = arith.index_cast %parallel_loop3A_2436 : i32 to index
        %parallel_loop3A_2438 = tpu.vector_load %arg15[%parallel_loop3A_2437] {strides = array<i32>} : memref<32768xf32, #tpu.memory_space<vmem>>, vector<16xf32>,
        tpu.vector_store %arg15[%parallel_loop3A_2437], %parallel_loop3A_2434 {strides = array<i32>} : memref<32768xf32, #tpu.memory_space<vmem>>, vector<16xf32>,
        %parallel_loop3A_2439 = vector.bitcast %parallel_loop3A_2390 : vector<16xi32> to vector<32xbf16>
        %parallel_loop3A_2440 = tpu.unpack_subelements %parallel_loop3A_2439, 0 {pack_format = #tpu.pack_format<interleaved>} : vector<32xbf16> -> vector<16xf32>
        %parallel_loop3A_2441 = tpu.unpack_subelements %parallel_loop3A_2439, 1 {pack_format = #tpu.pack_format<interleaved>} : vector<32xbf16> -> vector<16xf32>
        %parallel_loop3A_2442 = arith.mulf %parallel_loop3A_2358, %parallel_loop3A_2440 : vector<16xf32>
        %parallel_loop3A_2443 = arith.addf %parallel_loop3A_2442, %parallel_loop3A_2441 : vector<16xf32>
        %parallel_loop3A_2444 = arith.constant 64 : i32
        %parallel_loop3A_2445 = arith.addi %parallel_loop3A_2338, %parallel_loop3A_2444 : i32
        %parallel_loop3A_2446 = arith.index_cast %parallel_loop3A_2445 : i32 to index
        %parallel_loop3A_2447 = tpu.vector_load %arg15[%parallel_loop3A_2446] {strides = array<i32>} : memref<32768xf32, #tpu.memory_space<vmem>>, vector<16xf32>,
        tpu.vector_store %arg15[%parallel_loop3A_2446], %parallel_loop3A_2443 {strides = array<i32>} : memref<32768xf32, #tpu.memory_space<vmem>>, vector<16xf32>,
        %parallel_loop3A_2448 = vector.bitcast %parallel_loop3A_2394 : vector<16xi32> to vector<32xbf16>
        %parallel_loop3A_2449 = tpu.unpack_subelements %parallel_loop3A_2448, 0 {pack_format = #tpu.pack_format<interleaved>} : vector<32xbf16> -> vector<16xf32>
        %parallel_loop3A_2450 = tpu.unpack_subelements %parallel_loop3A_2448, 1 {pack_format = #tpu.pack_format<interleaved>} : vector<32xbf16> -> vector<16xf32>
        %parallel_loop3A_2451 = arith.mulf %parallel_loop3A_2362, %parallel_loop3A_2449 : vector<16xf32>
        %parallel_loop3A_2452 = arith.addf %parallel_loop3A_2451, %parallel_loop3A_2450 : vector<16xf32>
        %parallel_loop3A_2453 = arith.constant 80 : i32
        %parallel_loop3A_2454 = arith.addi %parallel_loop3A_2338, %parallel_loop3A_2453 : i32
        %parallel_loop3A_2455 = arith.index_cast %parallel_loop3A_2454 : i32 to index
        %parallel_loop3A_2456 = tpu.vector_load %arg15[%parallel_loop3A_2455] {strides = array<i32>} : memref<32768xf32, #tpu.memory_space<vmem>>, vector<16xf32>,
        tpu.vector_store %arg15[%parallel_loop3A_2455], %parallel_loop3A_2452 {strides = array<i32>} : memref<32768xf32, #tpu.memory_space<vmem>>, vector<16xf32>,
        %parallel_loop3A_2457 = vector.bitcast %parallel_loop3A_2398 : vector<16xi32> to vector<32xbf16>
        %parallel_loop3A_2458 = tpu.unpack_subelements %parallel_loop3A_2457, 0 {pack_format = #tpu.pack_format<interleaved>} : vector<32xbf16> -> vector<16xf32>
        %parallel_loop3A_2459 = tpu.unpack_subelements %parallel_loop3A_2457, 1 {pack_format = #tpu.pack_format<interleaved>} : vector<32xbf16> -> vector<16xf32>
        %parallel_loop3A_2460 = arith.mulf %parallel_loop3A_2366, %parallel_loop3A_2458 : vector<16xf32>
        %parallel_loop3A_2461 = arith.addf %parallel_loop3A_2460, %parallel_loop3A_2459 : vector<16xf32>
        %parallel_loop3A_2462 = arith.constant 96 : i32
        %parallel_loop3A_2463 = arith.addi %parallel_loop3A_2338, %parallel_loop3A_2462 : i32
        %parallel_loop3A_2464 = arith.index_cast %parallel_loop3A_2463 : i32 to index
        %parallel_loop3A_2465 = tpu.vector_load %arg15[%parallel_loop3A_2464] {strides = array<i32>} : memref<32768xf32, #tpu.memory_space<vmem>>, vector<16xf32>,
        tpu.vector_store %arg15[%parallel_loop3A_2464], %parallel_loop3A_2461 {strides = array<i32>} : memref<32768xf32, #tpu.memory_space<vmem>>, vector<16xf32>,
        %parallel_loop3A_2466 = vector.bitcast %parallel_loop3A_2402 : vector<16xi32> to vector<32xbf16>
        %parallel_loop3A_2467 = tpu.unpack_subelements %parallel_loop3A_2466, 0 {pack_format = #tpu.pack_format<interleaved>} : vector<32xbf16> -> vector<16xf32>
        %parallel_loop3A_2468 = tpu.unpack_subelements %parallel_loop3A_2466, 1 {pack_format = #tpu.pack_format<interleaved>} : vector<32xbf16> -> vector<16xf32>
        %parallel_loop3A_2469 = arith.mulf %parallel_loop3A_2370, %parallel_loop3A_2467 : vector<16xf32>
        %parallel_loop3A_2470 = arith.addf %parallel_loop3A_2469, %parallel_loop3A_2468 : vector<16xf32>
        %parallel_loop3A_2471 = arith.constant 112 : i32
        %parallel_loop3A_2472 = arith.addi %parallel_loop3A_2338, %parallel_loop3A_2471 : i32
        %parallel_loop3A_2473 = arith.index_cast %parallel_loop3A_2472 : i32 to index
        %parallel_loop3A_2474 = tpu.vector_load %arg15[%parallel_loop3A_2473] {strides = array<i32>} : memref<32768xf32, #tpu.memory_space<vmem>>, vector<16xf32>,
        tpu.vector_store %arg15[%parallel_loop3A_2473], %parallel_loop3A_2470 {strides = array<i32>} : memref<32768xf32, #tpu.memory_space<vmem>>, vector<16xf32>,
      } {sc.loop_unroll_factor = 1 : i64, sc.parallel_access}
      %add3A_101 = arith.addi %mul3A_2, %mul3A_45 : i32
      %mul3A_102 = arith.constant 128 : i32
      %mul3A_103 = arith.muli %add3A_101, %mul3A_102 : i32
      %eq3A_104 = arith.constant 0 : i32
      %eq3A_105 = arith.cmpi eq, %and3A_41, %eq3A_104 : i32
      %convert_element_type3A_106 = arith.extui %eq3A_105 : i1 to i32
      %cond3A_107 = arith.constant 0 : i32
      %cond3A_108 = arith.cmpi ne, %convert_element_type3A_106, %cond3A_107 : i32
      scf.if %cond3A_108 {
        %dma_start3A_114 = tpu.memref_slice %arg15[%mul3A_43] : memref<32768xf32, #tpu.memory_space<vmem>> -> memref<16384xf32, #tpu.memory_space<vmem>>
        %dma_start3A_115 = tpu.memref_slice %arg6[%mul3A_103] : memref<2097152xf32, #tpu.memory_space<hbm>> -> memref<16384xf32, #tpu.memory_space<hbm>>
        %dma_start3A_116 = tpu.memref_slice %arg6[%mul3A_103] : memref<2097152xf32, #tpu.memory_space<hbm>> -> memref<16384xf32, #tpu.memory_space<hbm>>
        %dma_start3A_117 = tpu.memref_slice %arg15[%mul3A_43] : memref<32768xf32, #tpu.memory_space<vmem>> -> memref<16384xf32, #tpu.memory_space<vmem>>
        tpu.enqueue_dma source(%dma_start3A_117 : memref<16384xf32, #tpu.memory_space<vmem>>) target(%dma_start3A_116 : memref<16384xf32, #tpu.memory_space<hbm>>) target_semaphore(%arg22 : memref<!tpu.dma_semaphore, #tpu.memory_space<semaphore_mem>>)
      } else {
      }
      %eq3A_109 = arith.constant 1 : i32
      %eq3A_110 = arith.cmpi eq, %and3A_41, %eq3A_109 : i32
      %convert_element_type3A_111 = arith.extui %eq3A_110 : i1 to i32
      %cond3A_112 = arith.constant 0 : i32
      %cond3A_113 = arith.cmpi ne, %convert_element_type3A_111, %cond3A_112 : i32
      scf.if %cond3A_113 {
        %dma_start3A_114 = tpu.memref_slice %arg15[%mul3A_43] : memref<32768xf32, #tpu.memory_space<vmem>> -> memref<16384xf32, #tpu.memory_space<vmem>>
        %dma_start3A_115 = tpu.memref_slice %arg6[%mul3A_103] : memref<2097152xf32, #tpu.memory_space<hbm>> -> memref<16384xf32, #tpu.memory_space<hbm>>
        %dma_start3A_116 = tpu.memref_slice %arg6[%mul3A_103] : memref<2097152xf32, #tpu.memory_space<hbm>> -> memref<16384xf32, #tpu.memory_space<hbm>>
        %dma_start3A_117 = tpu.memref_slice %arg15[%mul3A_43] : memref<32768xf32, #tpu.memory_space<vmem>> -> memref<16384xf32, #tpu.memory_space<vmem>>
        tpu.enqueue_dma source(%dma_start3A_117 : memref<16384xf32, #tpu.memory_space<vmem>>) target(%dma_start3A_116 : memref<16384xf32, #tpu.memory_space<hbm>>) target_semaphore(%arg23 : memref<!tpu.dma_semaphore, #tpu.memory_space<semaphore_mem>>)
      } else {
      }
    }
    %scan3A_23 = arith.constant 4 : i32
    %dma_wait3A_24 = arith.constant 0 : i32
    %dma_wait3A_25 = tpu.memref_slice %arg15[%dma_wait3A_24] : memref<32768xf32, #tpu.memory_space<vmem>> -> memref<16384xf32, #tpu.memory_space<vmem>>
    %dma_wait3A_26 = arith.constant 0 : i32
    %dma_wait3A_27 = tpu.memref_slice %arg6[%dma_wait3A_26] : memref<2097152xf32, #tpu.memory_space<hbm>> -> memref<16384xf32, #tpu.memory_space<hbm>>
    %dma_wait3A_28 = arith.constant 0 : i32
    %dma_wait3A_29 = tpu.memref_slice %arg6[%dma_wait3A_28] : memref<2097152xf32, #tpu.memory_space<hbm>> -> memref<16384xf32, #tpu.memory_space<hbm>>
    %dma_wait3A_30 = arith.constant 0 : i32
    %dma_wait3A_31 = tpu.memref_slice %arg15[%dma_wait3A_30] : memref<32768xf32, #tpu.memory_space<vmem>> -> memref<16384xf32, #tpu.memory_space<vmem>>
    tpu.wait_dma2 semaphore(%arg22 : memref<!tpu.dma_semaphore, #tpu.memory_space<semaphore_mem>>) src(%dma_wait3A_31 : memref<16384xf32, #tpu.memory_space<vmem>>) dst(%dma_wait3A_29 : memref<16384xf32, #tpu.memory_space<hbm>>)
    %dma_wait3A_32 = arith.constant 0 : i32
    %dma_wait3A_33 = tpu.memref_slice %arg15[%dma_wait3A_32] : memref<32768xf32, #tpu.memory_space<vmem>> -> memref<16384xf32, #tpu.memory_space<vmem>>
    %dma_wait3A_34 = arith.constant 0 : i32
    %dma_wait3A_35 = tpu.memref_slice %arg6[%dma_wait3A_34] : memref<2097152xf32, #tpu.memory_space<hbm>> -> memref<16384xf32, #tpu.memory_space<hbm>>
    %dma_wait3A_36 = arith.constant 0 : i32
    %dma_wait3A_37 = tpu.memref_slice %arg6[%dma_wait3A_36] : memref<2097152xf32, #tpu.memory_space<hbm>> -> memref<16384xf32, #tpu.memory_space<hbm>>
    %dma_wait3A_38 = arith.constant 0 : i32
    %dma_wait3A_39 = tpu.memref_slice %arg15[%dma_wait3A_38] : memref<32768xf32, #tpu.memory_space<vmem>> -> memref<16384xf32, #tpu.memory_space<vmem>>
    tpu.wait_dma2 semaphore(%arg23 : memref<!tpu.dma_semaphore, #tpu.memory_space<semaphore_mem>>) src(%dma_wait3A_39 : memref<16384xf32, #tpu.memory_space<vmem>>) dst(%dma_wait3A_37 : memref<16384xf32, #tpu.memory_space<hbm>>)
    "tpu.region"() ({
      %run_scoped3A = tpu.sem_alloc : memref<!tpu.dma_semaphore, #tpu.memory_space<semaphore_mem>>
      %dma_start3A_40 = tpu.memref_slice %arg7[%mul3A_2] : memref<16384xf32, #tpu.memory_space<hbm>> -> memref<512xf32, #tpu.memory_space<hbm>>
      %dma_start3A_41 = tpu.memref_slice %arg7[%mul3A_2] : memref<16384xf32, #tpu.memory_space<hbm>> -> memref<512xf32, #tpu.memory_space<hbm>>
      tpu.enqueue_dma source(%arg13 : memref<512xf32, #tpu.memory_space<vmem>>) target(%dma_start3A_41 : memref<512xf32, #tpu.memory_space<hbm>>) target_semaphore(%run_scoped3A : memref<!tpu.dma_semaphore, #tpu.memory_space<semaphore_mem>>)
      %dma_wait3A_42 = tpu.memref_slice %arg7[%mul3A_2] : memref<16384xf32, #tpu.memory_space<hbm>> -> memref<512xf32, #tpu.memory_space<hbm>>
      %dma_wait3A_43 = tpu.memref_slice %arg7[%mul3A_2] : memref<16384xf32, #tpu.memory_space<hbm>> -> memref<512xf32, #tpu.memory_space<hbm>>
      tpu.wait_dma2 semaphore(%run_scoped3A : memref<!tpu.dma_semaphore, #tpu.memory_space<semaphore_mem>>) src(%arg13 : memref<512xf32, #tpu.memory_space<vmem>>) dst(%dma_wait3A_43 : memref<512xf32, #tpu.memory_space<hbm>>)
      tpu.yield
    }) : () -> ()
    return
  }
}

</mosaic_0001>

<sc_bundles>
// kernel: _run.3.cloned.1.call-start
scs
__scs_entry_jumppad:
0x0: {  	(pc) =	sbr.rel $0x88, $3  }
0x1: {  	(tag) =	ssettag $0x0;
	lr =	simm.s32 $0x1  }
0x2: {  	[smem:$0x3F9D] =	sst lr;
	_ =	strace $0xD0000000  }
0x3: {  	_ = 	snop  }
0x4: {  	_ = 	snop  }
0x5: {  	_ = 	snop  }
0x6: {  	_ = 	snop  }
0x7: {  	_ = 	snop  }
__scs_overlays_trampoline_lowered:
0x8: {  	[smem:$0x3FAC] =	sst s0  }
0x9: {  	[smem:$0x3FAD] =	sst s1  }
0xa: {  	[smem:$0x3FAE] =	sst s2  }
0xb: {  	[smem:$0x3FAF] =	sst s3  }
0xc: {  	[smem:$0x3FB0] =	sst s4  }
0xd: {  	[smem:$0x3FB1] =	sst s5  }
0xe: {  	[smem:$0x3FB2] =	sst s6  }
0xf: {  	[smem:$0x3FB3] =	sst s7  }
0x10: {  	[smem:$0x3FB4] =	sst s8  }
0x11: {  	[smem:$0x3FB5] =	sst s9;
	s0 =	simm.s32 @!p0 $0x0  }
0x12: {  	s1 =	sld [smem:$0x3F9B];
	s0 =	simm.s32 @p0 $0x1  }
0x13: {  	[smem:$0x3FB6] =	sst s0;
	s0 =	simm.s32 @!p1 $0x0  }
0x14: {  	s2 =	sld [smem:$0x3F9A];
	s0 =	simm.s32 @p1 $0x1  }
0x15: {  	[smem:$0x3FB7] =	sst s0;
	s0 =	simm.s32 @!p2 $0x0  }
0x16: {  	s3 =	sld [smem:$0x3FDB];
	s0 =	simm.s32 @p2 $0x1  }
0x17: {  	s4 =	simm.s32 $0x1BF5;
	[smem:$0x3FB9] =	sst s0  }
0x18: {  	s0 =	sld [smem:$0x3F9C];
	_ =	swait.ge [sflag:s4], $0x0  }
0x19: {  	s7 =	sld [smem:$0x3F9D]  }
0x1a: {  	s8 =	sadd.s32 $0xFFFFE003, lr  }
0x1b: {  	s9 =	sadd.s32 $0xFFFFFEF7, lr;
	s5 =	simm.s32 $0xFFFFFFFF;
	p2 =	slt.u32 s8, $0xFFFFF086  }
0x1c: {  	p1 =	slt.u32 s9, $0xF7A;
	s5 =	simm.s32 @!p2 $0x0  }
0x1d: {  	s5 =	simm.s32 @p1 $0x1;
	p0 =	seq.s32 s7, s2  }
0x1e: {  	s7 =	smul.u32 @!p0 $0xF7A, s2;
	p2 =	seq.s32 @!p0 s5, $0x0  }
0x1f: {  	s9 =	smul.u32 $0xF7A, s1;
	s8 =	simm.s32 @!p0 $0x1BF5;
	p2 =	por !p2, p0  }
0x20: {  	[sflag:s8] =	ssyncset.s32 @!p0 $0xFFFFF086;
	s6 =	sadd.s32 @!p0 s3, s7;
	s7 =	simm.s32 @!p0 $0x108  }
0x21: {  	s3 =	sadd.s32 s3, s9;
	s6 =	sadd.s32 @!p0 $0x88, s6;
	s7 =	simm.s32 @p2 $0x1082  }
0x22: {  	[simem:s7], [sflag:s8] =	dma.local @!p0 [hbm:s6], $0xF7A  }
0x23: {  	s9 =	sor.u32 $0xD0000000, s2;
	s6 =	simm.s32 $0x108;
	_ =	swait.ge @!p0 [sflag:s8], $0x0  }
0x24: {  	s3 =	sadd.s32 $0x88, s3;
	s6 =	simm.s32 @!p1 $0x1082;
	[sflag:s4] =	ssyncset.s32 $0xFFFFF086  }
0x25: {  	[simem:s6], [sflag:s4] =	dma.local [hbm:s3], $0xF7A  }
0x26: {  	[smem:$0x3F9D] =	sst s1;
	(tag) =	ssettag s2;
	_ =	strace s9  }
0x27: {  	s1 =	sld [smem:$0x3FAD]  }
0x28: {  	s2 =	sld [smem:$0x3FAE]  }
0x29: {  	s4 =	sld [smem:$0x3FB0]  }
0x2a: {  	p0 =	seq.s32 s5, $0x0;
	s5 =	sld [smem:$0x3FB1]  }
0x2b: {  	s6 =	sld [smem:$0x3FB2]  }
0x2c: {  	s7 =	sld [smem:$0x3FB3]  }
0x2d: {  	s3 =	simm.s32 $0x108;
	s8 =	sld [smem:$0x3FB4]  }
0x2e: {  	s3 =	simm.s32 @!p0 $0x1082;
	s9 =	sld [smem:$0x3FB5]  }
0x2f: {  	lr =	sadd.s32 s0, s3;
	s0 =	sld [smem:$0x3FAC]  }
0x30: {  	s3 =	sld [smem:$0x3FAF]  }
0x31: {  	[smem:$0x3FB8] =	sst s10  }
0x32: {  	s10 =	sld [smem:$0x3FB6];
	_ =	sdelay $0x3  }
0x33: {  	p0 =	seq.s32 s10, $0x1;
	s10 =	sld [smem:$0x3FB8];
	_ =	sdelay $0x3  }
0x34: {  	[smem:$0x3FB8] =	sst s10  }
0x35: {  	s10 =	sld [smem:$0x3FB7];
	_ =	sdelay $0x3  }
0x36: {  	p1 =	seq.s32 s10, $0x1;
	s10 =	sld [smem:$0x3FB8];
	_ =	sdelay $0x3  }
0x37: {  	[smem:$0x3FB8] =	sst s10  }
0x38: {  	s10 =	sld [smem:$0x3FB9]  }
0x39: {  	_ = 	snop;
	(pc) =	sbr.ind lr, $3  }
0x3a: {  	_ = 	snop  }
0x3b: {  	_ = 	snop  }
0x3c: {  	p2 =	seq.s32 s10, $0x1;
	s10 =	sld [smem:$0x3FB8]  }
0x3d: {  	_ =	shalt  }
0x3e: {  	_ =	shalt  }
0x3f: {  	_ =	shalt  }
0x40: {  	_ =	shalt  }
0x41: {  	_ =	shalt  }
0x42: {  	_ =	shalt  }
0x43: {  	_ =	shalt  }
0x44: {  	_ =	shalt  }
0x45: {  	_ =	shalt  }
0x46: {  	_ =	shalt  }
0x47: {  	_ =	shalt  }
0x48: {  	_ =	shalt  }
0x49: {  	_ =	shalt  }
0x4a: {  	_ =	shalt  }
0x4b: {  	_ =	shalt  }
0x4c: {  	_ =	shalt  }
0x4d: {  	_ =	shalt  }
0x4e: {  	_ =	shalt  }
0x4f: {  	_ =	shalt  }
0x50: {  	_ =	shalt  }
0x51: {  	_ =	shalt  }
0x52: {  	_ =	shalt  }
0x53: {  	_ =	shalt  }
0x54: {  	_ =	shalt  }
0x55: {  	_ =	shalt  }
0x56: {  	_ =	shalt  }
0x57: {  	_ =	shalt  }
0x58: {  	_ =	shalt  }
0x59: {  	_ =	shalt  }
0x5a: {  	_ =	shalt  }
0x5b: {  	_ =	shalt  }
0x5c: {  	_ =	shalt  }
0x5d: {  	_ =	shalt  }
0x5e: {  	_ =	shalt  }
0x5f: {  	_ =	shalt  }
0x60: {  	_ =	shalt  }
0x61: {  	_ =	shalt  }
0x62: {  	_ =	shalt  }
0x63: {  	_ =	shalt  }
0x64: {  	_ =	shalt  }
0x65: {  	_ =	shalt  }
0x66: {  	_ =	shalt  }
0x67: {  	_ =	shalt  }
0x68: {  	_ =	shalt  }
0x69: {  	_ =	shalt  }
0x6a: {  	_ =	shalt  }
0x6b: {  	_ =	shalt  }
0x6c: {  	_ =	shalt  }
0x6d: {  	_ =	shalt  }
0x6e: {  	_ =	shalt  }
0x6f: {  	_ =	shalt  }
0x70: {  	_ =	shalt  }
0x71: {  	_ =	shalt  }
0x72: {  	_ =	shalt  }
0x73: {  	_ =	shalt  }
0x74: {  	_ =	shalt  }
0x75: {  	_ =	shalt  }
0x76: {  	_ =	shalt  }
0x77: {  	_ =	shalt  }
0x78: {  	_ =	shalt  }
0x79: {  	_ =	shalt  }
0x7a: {  	_ =	shalt  }
0x7b: {  	_ =	shalt  }
0x7c: {  	_ =	shalt  }
0x7d: {  	_ =	shalt  }
0x7e: {  	_ =	shalt  }
0x7f: {  	_ =	shalt  }
0x80: {  	_ =	shalt  }
0x81: {  	_ =	shalt  }
0x82: {  	_ =	shalt  }
0x83: {  	_ =	shalt  }
0x84: {  	_ =	shalt  }
0x85: {  	_ =	shalt  }
0x86: {  	_ =	shalt  }
0x87: {  	_ =	shalt  }
.Lfunc_end0:
.L_simem_size_0:
called_computation_lowered:
.L_overlay_start_0:
0x88: {  	s2 =	sld [smem:$0x3FD9]  }
0x89: {  	s3 =	sld [smem:$0x3FFE];
	_ =	sdelay $0x1  }
0x8a: {  	s1 =	srdreg.scid  }
0x8b: {  	s0 =	sand.u32 $0x1, s1  }
0x8c: {  	s15 =	sshll.u32 s0, $0xA;
	s2 =	sadd.s32 s3, s2  }
0x8d: {  	s2 =	sadd.s32 s2, s15  }
0x8e: {  	[smem:$0x3FC4] =	sst s2  }
0x8f: {  	_ = 	snop  }
0x90: {  	s2 =	sld [smem:$0x3FC9]  }
0x91: {  	s16 =	sld [smem:$0x3FD0]  }
0x92: {  	s4 =	sld [smem:$0x3FC8]  }
0x93: {  	s5 =	sld [smem:$0x3FC7]  }
0x94: {  	s7 =	simm.s32 $0xA;
	s8 =	simm.s32 $0x10;
	s6 =	sld [smem:$0x3FC6]  }
0x95: {  	[smem:s8], [sflag:s7] =	dma.local [hbm:s16], $0x1  }
0x96: {  	_ =	swait.eq [sflag:s7], $0x1  }
0x97: {  	[sflag:s7] =	ssyncset.done $0x0  }
0x98: {  	s17 =	sld [smem:$0x10];
	[sflag:s7] =	ssyncadd.s32 $0xFFFFFFFF  }
0x99: {  	s18 =	sld [smem:$0x11];
	(tm) =	ssettm $0x1  }
0x9a: {  	s19 =	sld [smem:$0x3FFB];
	_ =	sdelay $0x3  }
0x9b: {  	_ =	strace s19  }
0x9c: {  	s8 =	sld [smem:$0x3FFC];
	_ =	sdelay $0x3  }
0x9d: {  	_ =	strace s8  }
0x9e: {  	s8 =	sld [smem:$0x3FFD];
	_ =	sdelay $0x3  }
0x9f: {  	_ =	strace s8  }
0xa0: {  	_ =	strace $0x8FFFFFFF  }
0xa1: {  	s20 =	sld [smem:$0x3FDB];
	_ =	sdelay $0x1  }
0xa2: {  	s9 =	simm.s32 $_scs_section_size  }
0xa3: {  	s10 =	simm.s32 $_size__tile_overlayer_lowered;
	s11 =	simm.s32 $_tile_overlayer_lowered  }
0xa4: {  	s23 =	simm.s32 $0x1BFF;
	s22 =	sshll.u32 s11, $0x1;
	s8 =	sadd.s32 s9, s20  }
0xa5: {  	s12 =	simm.s32 $0x0;
	s21 =	sshll.u32 s10, $0x1;
	s10 =	sadd.s32 s22, s8  }
0xa6: {  	[timem:s12], [sflag:s23] =	dma.local [hbm:s10], s21  }
0xa7: {  	_ =	swait.ge [sflag:s23], s21  }
0xa8: {  	s9 =	ssub.s32 $0x0, s21;
	[sflag:s23] =	ssyncset.done $0x0  }
0xa9: {  	[sflag:s23] =	ssyncadd.s32 s9;
	_ =	sdelay $0x1  }
0xaa: {  	s24 =	simm.s32 $0x1B8B  }
0xab: {  	_ =	swait.ge [sflag:s24], $0x1  }
0xac: {  	[sflag:s24] =	ssyncset.done $0x0  }
0xad: {  	s25 =	simm.s32 $0x1B8E;
	[sflag:s24] =	ssyncadd.s32 $0xFFFFFFFF  }
0xae: {  	s26 =	simm.s32 $execute0_lowered;
	[smem:$0x3FD2] =	sst s25  }
0xaf: {  	s9 =	sshll.u32 s26, $0x1;
	_ =	strace $0x80000046;
	[dreg:$0x1] =	wrdreg $0xFFFFFFFF  }
0xb0: {  	s28 =	simm.s32 $_size_execute0_lowered;
	s8 =	sadd.s32 s8, s9;
	[dreg:$0x0] =	wrdreg $0x0  }
0xb1: {  	s9 =	sshll.u32 s28, $0x1;
	[dreg:$0x2] =	wrdreg s8  }
0xb2: {  	[dreg:$0x3] =	wrdreg s9  }
0xb3: {  	[dreg:$0x4] =	wrdreg $0xC0  }
0xb4: {  	_ =	task [dreg:s12], $0x5FFFF  }
0xb5: {  	[dreg:$0x1] =	wrdreg $0xFFFFFFFF  }
0xb6: {  	[dreg:$0x0] =	wrdreg $0x60  }
0xb7: {  	[dreg:$0x2] =	wrdreg s2  }
0xb8: {  	[dreg:$0x3] =	wrdreg s4  }
0xb9: {  	[dreg:$0x4] =	wrdreg s5  }
0xba: {  	[dreg:$0x5] =	wrdreg s6  }
0xbb: {  	[dreg:$0x6] =	wrdreg s17  }
0xbc: {  	[dreg:$0x7] =	wrdreg s18  }
0xbd: {  	[dreg:$0x8] =	wrdreg $0x0  }
0xbe: {  	[dreg:$0x9] =	wrdreg $0x4000  }
0xbf: {  	[dreg:$0xa] =	wrdreg $0x9  }
0xc0: {  	_ =	task.clear_ibuf [dreg:s12], $0xBFFFF;
	_ =	strace $0x90000046  }
0xc1: {  	s29 =	simm.s32 $0x9;
	_ =	strace $0x80000048  }
0xc2: {  	_ =	swait.ge [sflag:s29], $0x1  }
0xc3: {  	[sflag:s29] =	ssyncadd.s32 $0xFFFFFFFF  }
0xc4: {  	_ =	strace $0x90000048  }
0xc5: {  	_ =	sfence  }
0xc6: {  	s30 =	sld [smem:$0x0];
	_ =	sdelay $0x2  }
0xc7: {  	s31 =	sshll.u32 s1, $0xD;
	s1 =	sshrl.u32 s1, $0x2  }
0xc8: {  	s3 =	sand.u32 $0x4000, s31;
	s1 =	sadd.s32 s1, s30  }
0xc9: {  	s0 =	sor.u32 s3, s0;
	s1 =	sshll.u32 s1, $0x11  }
0xca: {  	s0 =	sor.u32 s1, s0  }
0xcb: {  	s0 =	sadd.s32 $0x8F2B, s0  }
0xcc: {  	[sflag:s0] =	ssyncadd.remote.s32 $0x1  }
0xcd: {  	_ =	sfence.sel $0xFFFF  }
0xce: {  	[dreg:$0x0] =	wrdreg $0xFFFFFFFF;
	(pc) =	sbr.abs _section_cstart, $3  }
0xcf: {  	[dreg:$0x1] =	wrdreg $0xFFFFFFFF  }
0xd0: {  	_ =	task.clear_ibuf [dreg:s12], $0x2FFFF;
	_ =	strace $0x9FFFFFFF  }
0xd1: {  	(tm) =	ssettm $0x7FFFFFFF  }
tec
execute0_lowered:
.L_overlay_start_1:
0x0: {  	(tag) =	ssettag $0x1  }
0x1: {  	s1 =	rddreg [dreg:$0x0]  }
0x2: {  	s0 =	rddreg [dreg:$0x1]  }
0x3: {  	s3 =	rddreg [dreg:$0x2]  }
0x4: {  	s14 =	rddreg [dreg:$0x3]  }
0x5: {  	s2 =	rddreg [dreg:$0x4]  }
0x6: {  	s15 =	rddreg [dreg:$0x5]  }
0x7: {  	s4 =	rddreg [dreg:$0x6]  }
0x8: {  	s5 =	rddreg [dreg:$0x7];
	s6 =	srdreg.scid  }
0x9: {  	s20 =	stileid.u32;
	s28 =	simm.s32 $0x6;
	s30 =	simm.s32 $0x408  }
0xa: {  	s31 =	simm.s32 $0x4408;
	s7 =	sand.u32 $0x1, s6;
	s6 =	simm.s32 $0x0  }
0xb: {  	s9 =	sshll.u32 s20, $0x1;
	s11 =	sshll.u32 s20, $0x7;
	s23 =	sshll.u32 s20, $0xA  }
0xc: {  	s13 =	sshll.u32 s20, $0x3;
	s24 =	sadd.s32 $0x600, s14;
	s25 =	sadd.s32 $0x600, s3  }
0xd: {  	s26 =	sadd.s32 $0x3000, s4;
	s29 =	sadd.s32 $0x60, s5;
	p0 =	sgt.u32 s20, $0xB  }
0xe: {  	p1 =	sne.s32 s20, $0xC;
	s8 =	ssub.s32 $0x2, s7;
	[smem:$0x7FF] =	sst s6  }
0xf: {  	s9 =	sor.u32 s7, s9;
	_ =	strace $0x80000047;
	[dreg:$0x9] =	wrdreg s24  }
0x10: {  	s12 =	sadd.s32 s23, s4;
	s13 =	sadd.s32 s13, s5;
	[dreg:$0xa] =	wrdreg s25  }
0x11: {  	s10 =	sshrl.u32 s8, $0x1;
	s7 =	sshll.u32 s9, $0x9;
	[dreg:$0xb] =	wrdreg s26  }
0x12: {  	s17 =	sshll.u32 s9, $0x6;
	s9 =	sshll.u32 s9, $0xD;
	[dreg:$0xc] =	wrdreg s29  }
0x13: {  	v0 =	vlaneseq.u32;
	s24 =	simm.s32 $0x3;
	s25 =	simm.s32 $0x4;
	s16 =	ssub.s32 s8, s10  }
0x14: {  	v1 =	vmul.u32 $0xFFFFFFFF, v0;
	s8 =	sadd.s32 s1, s17;
	s9 =	sadd.s32 s0, s9;
	s10 =	sadd.s32 s14, s11  }
0x15: {  	s11 =	sadd.s32 s3, s11;
	s18 =	sadd.s32 s15, s17;
	s1 =	simm.s32 $0x5  }
0x16: {  	v1 =	vadd.s32 $0xF, v1;
	s3 =	simm.s32 $0x4688;
	s14 =	simm.s32 $0x0;
	s19 =	smax.u32 s16, $0x1  }
.LBB2_1:
.Ltmp0:
0x17: {  	(pc) =	sbr.rel @p0 .LBB2_5-.Ltmp0, $4  }
0x18: {  	s15 =	simm.s32 $0x4488  }
0x19: {  	[tilespmem:s15], [sflag:$0x5] =	stream.linear.gather [hbm4b:s8+s6], $0x200, $0x38;
	[tilespmem:$0x15508] =	vst v63  }
0x1a: {  	s29 =	simm.s32 $0x4888  }
0x1b: {  	[tilespmem:s29], [sflag:$0x1] =	stream.linear.gather [hbm4b:s9+s6], $0x4000, $0x38;
	[tilespmem:$0x15508] =	vst v63  }
0x1c: {  	s16 =	simm.s32 $0x0;
	s15 =	simm.s32 $0x14888  }
0x1d: {  	[tilespmem:s15], [sflag:$0x3] =	stream.linear.gather [hbm4b:s10+s16], $0x400, $0x38;
	[tilespmem:$0x15508] =	vst v63  }
0x1e: {  	s26 =	simm.s32 $0x14C88  }
0x1f: {  	[tilespmem:s26], [sflag:$0x4] =	stream.linear.gather [hbm4b:s11+s16], $0x400, $0x38;
	[tilespmem:$0x15508] =	vst v63  }
0x20: {  	_ =	swait.ge [sflag:s24], $0x400  }
0x21: {  	[sflag:s24] =	ssyncset.done $0x0  }
0x22: {  	[sflag:s24] =	ssyncadd.s32 $0xFFFFFC00  }
0x23: {  	_ =	swait.ge [sflag:s25], $0x400  }
0x24: {  	[sflag:s25] =	ssyncset.done $0x0  }
0x25: {  	s20 =	simm.s32 $0x148C8;
	[sflag:s25] =	ssyncadd.s32 $0xFFFFFC00  }
0x26: {  	v2 =	vld [tilespmem:s20+$0xFFFFFFC0];
	_ =	sdelay $0x4  }
0x27: {  	v3 =	vmul.f32 $5.000000000e-01, v2;
	_ =	sdelay $0x1  }
0x28: {  	v3 =	vmul.f32 $1.442695020e+00, v3;
	_ =	sdelay $0x1  }
0x29: {  	(erf) = vpow2.f32 v3;
	_ =	sdelay $0x3  }
0x2a: {  	s17 =	simm.s32 $0x14CC8  }
0x2b: {  	v3 =	vld [tilespmem:s17+$0xFFFFFFC0];
	_ =	sdelay $0x3  }
0x2c: {  	v4 =	vpop (erf)  }
0x2d: {  	s29 =	simm.s32 $0x150C8;
	v5 =	vpack.i.f32.bf16 v3, v4  }
0x2e: {  	[tilespmem:s29+$0xFFFFFFC0] =	vst v5  }
0x2f: {  	v5 =	vld [tilespmem:s20+$0xFFFFFFD0];
	_ =	sdelay $0x4  }
0x30: {  	v6 =	vmul.f32 $5.000000000e-01, v5;
	_ =	sdelay $0x1  }
0x31: {  	v6 =	vmul.f32 $1.442695020e+00, v6;
	_ =	sdelay $0x1  }
0x32: {  	(erf) = vpow2.f32 v6;
	_ =	sdelay $0x4  }
0x33: {  	v6 =	vld [tilespmem:s17+$0xFFFFFFD0];
	_ =	sdelay $0x3  }
0x34: {  	v7 =	vpop (erf)  }
0x35: {  	v8 =	vpack.i.f32.bf16 v6, v7  }
0x36: {  	[tilespmem:s29+$0xFFFFFFD0] =	vst v8  }
0x37: {  	v8 =	vld [tilespmem:s20+$0xFFFFFFE0];
	_ =	sdelay $0x4  }
0x38: {  	v9 =	vmul.f32 $5.000000000e-01, v8;
	_ =	sdelay $0x1  }
0x39: {  	v9 =	vmul.f32 $1.442695020e+00, v9;
	_ =	sdelay $0x1  }
0x3a: {  	(erf) = vpow2.f32 v9;
	_ =	sdelay $0x4  }
0x3b: {  	v50 =	vld [tilespmem:s17+$0xFFFFFFE0];
	_ =	sdelay $0x3  }
0x3c: {  	v10 =	vpop (erf)  }
0x3d: {  	v11 =	vpack.i.f32.bf16 v50, v10  }
0x3e: {  	[tilespmem:s29+$0xFFFFFFE0] =	vst v11  }
0x3f: {  	v11 =	vld [tilespmem:s20+$0xFFFFFFF0];
	_ =	sdelay $0x4  }
0x40: {  	v12 =	vmul.f32 $5.000000000e-01, v11;
	_ =	sdelay $0x1  }
0x41: {  	v12 =	vmul.f32 $1.442695020e+00, v12;
	_ =	sdelay $0x1  }
0x42: {  	(erf) = vpow2.f32 v12;
	_ =	sdelay $0x4  }
0x43: {  	v51 =	vld [tilespmem:s17+$0xFFFFFFF0];
	_ =	sdelay $0x3  }
0x44: {  	v13 =	vpop (erf)  }
0x45: {  	v14 =	vpack.i.f32.bf16 v51, v13  }
0x46: {  	[tilespmem:s29+$0xFFFFFFF0] =	vst v14  }
0x47: {  	v14 =	vld [tilespmem:s20+$0x0];
	_ =	sdelay $0x4  }
0x48: {  	v15 =	vmul.f32 $5.000000000e-01, v14;
	_ =	sdelay $0x1  }
0x49: {  	v15 =	vmul.f32 $1.442695020e+00, v15;
	_ =	sdelay $0x1  }
0x4a: {  	(erf) = vpow2.f32 v15;
	_ =	sdelay $0x4  }
0x4b: {  	v52 =	vld [tilespmem:s17+$0x0];
	_ =	sdelay $0x3  }
0x4c: {  	v16 =	vpop (erf)  }
0x4d: {  	v17 =	vpack.i.f32.bf16 v52, v16  }
0x4e: {  	[tilespmem:s29+$0x0] =	vst v17  }
0x4f: {  	v17 =	vld [tilespmem:s20+$0x10];
	_ =	sdelay $0x4  }
0x50: {  	v18 =	vmul.f32 $5.000000000e-01, v17;
	_ =	sdelay $0x1  }
0x51: {  	v18 =	vmul.f32 $1.442695020e+00, v18;
	_ =	sdelay $0x1  }
0x52: {  	(erf) = vpow2.f32 v18;
	_ =	sdelay $0x4  }
0x53: {  	v53 =	vld [tilespmem:s17+$0x10];
	_ =	sdelay $0x3  }
0x54: {  	v19 =	vpop (erf)  }
0x55: {  	v20 =	vpack.i.f32.bf16 v53, v19  }
0x56: {  	[tilespmem:s29+$0x10] =	vst v20  }
0x57: {  	v20 =	vld [tilespmem:s20+$0x20];
	_ =	sdelay $0x4  }
0x58: {  	v21 =	vmul.f32 $5.000000000e-01, v20;
	_ =	sdelay $0x1  }
0x59: {  	v21 =	vmul.f32 $1.442695020e+00, v21;
	_ =	sdelay $0x1  }
0x5a: {  	(erf) = vpow2.f32 v21;
	_ =	sdelay $0x4  }
0x5b: {  	v54 =	vld [tilespmem:s17+$0x20];
	_ =	sdelay $0x3  }
0x5c: {  	v22 =	vpop (erf)  }
0x5d: {  	v23 =	vpack.i.f32.bf16 v54, v22  }
0x5e: {  	[tilespmem:s29+$0x20] =	vst v23  }
0x5f: {  	v2 =	vadd.f32 $1.000000000e+00, v2;
	v23 =	vld [tilespmem:s20+$0x30]  }
0x60: {  	v3 =	vmul.f32 v3, v3;
	v5 =	vadd.f32 $1.000000000e+00, v5;
	v6 =	vmul.f32 v6, v6;
	_ =	sdelay $0x1  }
0x61: {  	v4 =	vmul.f32 v4, v4;
	v2 =	vsub.f32 v2, v3;
	v5 =	vsub.f32 v5, v6  }
0x62: {  	v6 =	vmul.f32 v7, v7;
	v7 =	vadd.f32 $1.000000000e+00, v8;
	v8 =	vmul.f32 v50, v50  }
0x63: {  	v2 =	vsub.f32 v2, v4;
	v57 =	vmul.f32 $5.000000000e-01, v23  }
0x64: {  	v3 =	vsub.f32 v5, v6;
	v5 =	vsub.f32 v7, v8;
	v4 =	vmul.f32 v10, v10  }
0x65: {  	v55 =	vadd.f32 $1.000000000e+00, v11;
	v56 =	vmul.f32 v51, v51;
	v7 =	vmul.f32 $1.442695020e+00, v57  }
0x66: {  	v2 =	vadd.f32 v3, v2  }
0x67: {  	v4 =	vsub.f32 v5, v4;
	v6 =	vsub.f32 v55, v56;
	(erf) = vpow2.f32 v7  }
0x68: {  	v8 =	vmul.f32 v13, v13;
	v58 =	vmul.f32 v52, v52;
	v7 =	vadd.f32 $1.000000000e+00, v14  }
0x69: {  	v2 =	vadd.f32 v4, v2;
	v3 =	vld [tilespmem:s17+$0x30]  }
0x6a: {  	v5 =	vsub.f32 v6, v8;
	v6 =	vsub.f32 v7, v58;
	v7 =	vmul.f32 v16, v16  }
0x6b: {  	v8 =	vadd.f32 $1.000000000e+00, v17;
	v59 =	vmul.f32 v53, v53;
	v60 =	vadd.f32 $1.000000000e+00, v20  }
0x6c: {  	v61 =	vmul.f32 v54, v54;
	v4 =	vsub.f32 v6, v7;
	v7 =	vmul.f32 v19, v19  }
0x6d: {  	v2 =	vadd.f32 v5, v2;
	v5 =	vmul.f32 v22, v22;
	v6 =	vsub.f32 v8, v59  }
0x6e: {  	v62 =	vadd.f32 $1.000000000e+00, v23;
	v63 =	vmul.f32 v3, v3;
	v8 =	vsub.f32 v60, v61  }
0x6f: {  	v6 =	vsub.f32 v6, v7;
	v2 =	vadd.f32 v4, v2  }
0x70: {  	v4 =	vsub.f32 v8, v5;
	v5 =	vsub.f32 v62, v63;
	v7 =	vpop (erf)  }
0x71: {  	v2 =	vadd.f32 v6, v2;
	v3 =	vpack.i.f32.bf16 v3, v7;
	v6 =	vmul.f32 v7, v7  }
0x72: {  	s22 =	simm.s32 $0x14948;
	[tilespmem:s29+$0x30] =	vst v3  }
0x73: {  	v2 =	vadd.f32 v4, v2;
	v7 =	vld [tilespmem:s22+$0xFFFFFFC0];
	v3 =	vsub.f32 v5, v6;
	_ =	sdelay $0x1  }
0x74: {  	v2 =	vadd.f32 v3, v2;
	_ =	sdelay $0x1  }
0x75: {  	v3 =	vperm.xlane v2, v1  }
0x76: {  	v4 =	vmul.f32 $5.000000000e-01, v7  }
0x77: {  	v2 =	vadd.f32 v2, v3  }
0x78: {  	v3 =	vmul.f32 $1.442695020e+00, v4  }
0x79: {  	v4 =	vperm.xlane v2, v1  }
0x7a: {  	(erf) = vpow2.f32 v3  }
0x7b: {  	v2 =	vadd.f32 v2, v4;
	_ =	sdelay $0x1  }
0x7c: {  	v3 =	vperm.xlane v2, v1  }
0x7d: {  	s17 =	simm.s32 $0x14D48  }
0x7e: {  	v4 =	vld [tilespmem:s17+$0xFFFFFFC0];
	v2 =	vadd.f32 v2, v3;
	_ =	sdelay $0x1  }
0x7f: {  	v5 =	vperm.xlane v2, v1;
	_ =	sdelay $0x1  }
0x80: {  	v3 =	vpop (erf);
	v5 =	vadd.f32 v2, v5  }
0x81: {  	s15 =	simm.s32 $0x15148;
	v7 =	vadd.f32 $1.000000000e+00, v7;
	v6 =	vpack.i.f32.bf16 v4, v3;
	v4 =	vmul.f32 v4, v4  }
0x82: {  	v8 =	vmov s16;
	[tilespmem:s15+$0xFFFFFFC0] =	vst v6;
	v5 =	vmul.f32 $-5.000000240e-04, v5  }
0x83: {  	s23 =	simm.s32 $0x2;
	s16 =	simm.s32 $0x1;
	vm0 =	veq.s32 v8, v0;
	v2 =	vimm.f32 $0.0e+00;
	v4 =	vsub.f32 v7, v4;
	v6 =	vld [tilespmem:s22+$0xFFFFFFD0]  }
.LBB2_3:
0x84: {  	p2 =	sne.s32 s23, $0x7;
	v2 =	vsel vm0, v5, v2;
	s26 =	smov.u32 s23;
	s23 =	sadd.s32 $0x1, s23  }
0x85: {  	_ =	sdelay $0x2  }
0x86: {  	v5 =	vmul.f32 $5.000000000e-01, v6;
	_ =	sdelay $0x1  }
0x87: {  	v5 =	vmul.f32 $1.442695020e+00, v5;
	_ =	sdelay $0x1  }
0x88: {  	(erf) = vpow2.f32 v5;
	_ =	sdelay $0x4  }
0x89: {  	v5 =	vld [tilespmem:s17+$0xFFFFFFD0];
	_ =	sdelay $0x3  }
0x8a: {  	v7 =	vpop (erf)  }
0x8b: {  	v6 =	vadd.f32 $1.000000000e+00, v6;
	v8 =	vpack.i.f32.bf16 v5, v7;
	v5 =	vmul.f32 v5, v5  }
0x8c: {  	[tilespmem:s15+$0xFFFFFFD0] =	vst v8  }
0x8d: {  	v5 =	vsub.f32 v6, v5;
	v6 =	vmul.f32 v7, v7;
	v7 =	vld [tilespmem:s22+$0xFFFFFFE0];
	_ =	sdelay $0x1  }
0x8e: {  	v5 =	vsub.f32 v5, v6;
	_ =	sdelay $0x2  }
0x8f: {  	v6 =	vmul.f32 $5.000000000e-01, v7;
	_ =	sdelay $0x1  }
0x90: {  	v6 =	vmul.f32 $1.442695020e+00, v6;
	_ =	sdelay $0x1  }
0x91: {  	(erf) = vpow2.f32 v6;
	_ =	sdelay $0x4  }
0x92: {  	v6 =	vld [tilespmem:s17+$0xFFFFFFE0];
	_ =	sdelay $0x3  }
0x93: {  	v8 =	vpop (erf)  }
0x94: {  	v7 =	vadd.f32 $1.000000000e+00, v7;
	v9 =	vpack.i.f32.bf16 v6, v8;
	v6 =	vmul.f32 v6, v6  }
0x95: {  	[tilespmem:s15+$0xFFFFFFE0] =	vst v9  }
0x96: {  	v6 =	vsub.f32 v7, v6;
	v7 =	vmul.f32 v8, v8;
	v8 =	vld [tilespmem:s22+$0xFFFFFFF0];
	_ =	sdelay $0x1  }
0x97: {  	v6 =	vsub.f32 v6, v7;
	_ =	sdelay $0x2  }
0x98: {  	v7 =	vmul.f32 $5.000000000e-01, v8;
	_ =	sdelay $0x1  }
0x99: {  	v7 =	vmul.f32 $1.442695020e+00, v7;
	_ =	sdelay $0x1  }
0x9a: {  	(erf) = vpow2.f32 v7;
	_ =	sdelay $0x4  }
0x9b: {  	v7 =	vld [tilespmem:s17+$0xFFFFFFF0];
	_ =	sdelay $0x3  }
0x9c: {  	v9 =	vpop (erf)  }
0x9d: {  	v8 =	vadd.f32 $1.000000000e+00, v8;
	v10 =	vpack.i.f32.bf16 v7, v9;
	v7 =	vmul.f32 v7, v7  }
0x9e: {  	[tilespmem:s15+$0xFFFFFFF0] =	vst v10  }
0x9f: {  	v7 =	vsub.f32 v8, v7;
	v8 =	vmul.f32 v9, v9;
	v9 =	vld [tilespmem:s22+$0x0];
	_ =	sdelay $0x1  }
0xa0: {  	v7 =	vsub.f32 v7, v8;
	_ =	sdelay $0x2  }
0xa1: {  	v8 =	vmul.f32 $5.000000000e-01, v9;
	_ =	sdelay $0x1  }
0xa2: {  	v8 =	vmul.f32 $1.442695020e+00, v8;
	_ =	sdelay $0x1  }
0xa3: {  	(erf) = vpow2.f32 v8;
	_ =	sdelay $0x4  }
0xa4: {  	v8 =	vld [tilespmem:s17+$0x0];
	_ =	sdelay $0x3  }
0xa5: {  	v10 =	vpop (erf)  }
0xa6: {  	v9 =	vadd.f32 $1.000000000e+00, v9;
	v11 =	vpack.i.f32.bf16 v8, v10;
	v8 =	vmul.f32 v8, v8  }
0xa7: {  	[tilespmem:s15+$0x0] =	vst v11  }
0xa8: {  	v8 =	vsub.f32 v9, v8;
	v9 =	vmul.f32 v10, v10;
	v10 =	vld [tilespmem:s22+$0x10]  }
0xa9: {  	v11 =	vld [tilespmem:s17+$0x10]  }
0xaa: {  	v8 =	vsub.f32 v8, v9;
	_ =	sdelay $0x2  }
0xab: {  	v9 =	vmul.f32 $5.000000000e-01, v10;
	_ =	sdelay $0x1  }
0xac: {  	v9 =	vmul.f32 $1.442695020e+00, v9;
	_ =	sdelay $0x1  }
0xad: {  	(erf) = vpow2.f32 v9;
	_ =	sdelay $0x7  }
0xae: {  	v9 =	vadd.f32 $1.000000000e+00, v10;
	v10 =	vmul.f32 v11, v11  }
0xaf: {  	v12 =	vpop (erf)  }
0xb0: {  	v9 =	vsub.f32 v9, v10;
	v11 =	vpack.i.f32.bf16 v11, v12;
	v10 =	vmul.f32 v12, v12  }
0xb1: {  	[tilespmem:s15+$0x10] =	vst v11  }
0xb2: {  	v9 =	vsub.f32 v9, v10;
	v10 =	vld [tilespmem:s22+$0x20]  }
0xb3: {  	v11 =	vld [tilespmem:s17+$0x20];
	_ =	sdelay $0x3  }
0xb4: {  	v12 =	vmul.f32 $5.000000000e-01, v10;
	_ =	sdelay $0x1  }
0xb5: {  	v12 =	vmul.f32 $1.442695020e+00, v12;
	_ =	sdelay $0x1  }
0xb6: {  	(erf) = vpow2.f32 v12;
	_ =	sdelay $0x7  }
0xb7: {  	v10 =	vadd.f32 $1.000000000e+00, v10;
	v12 =	vmul.f32 v11, v11  }
0xb8: {  	v13 =	vpop (erf)  }
0xb9: {  	v10 =	vsub.f32 v10, v12;
	v11 =	vpack.i.f32.bf16 v11, v13;
	v12 =	vmul.f32 v13, v13  }
0xba: {  	[tilespmem:s15+$0x20] =	vst v11  }
0xbb: {  	v10 =	vsub.f32 v10, v12;
	v11 =	vld [tilespmem:s22+$0x30]  }
0xbc: {  	v12 =	vld [tilespmem:s17+$0x30];
	_ =	sdelay $0x3  }
0xbd: {  	v13 =	vmul.f32 $5.000000000e-01, v11;
	v11 =	vadd.f32 $1.000000000e+00, v11  }
0xbe: {  	v14 =	vmul.f32 v12, v12  }
0xbf: {  	v3 =	vmul.f32 v3, v3;
	v13 =	vmul.f32 $1.442695020e+00, v13  }
0xc0: {  	v11 =	vsub.f32 v11, v14  }
0xc1: {  	v3 =	vsub.f32 v4, v3;
	(erf) = vpow2.f32 v13;
	_ =	sdelay $0x1  }
0xc2: {  	v3 =	vadd.f32 v5, v3;
	_ =	sdelay $0x1  }
0xc3: {  	v3 =	vadd.f32 v6, v3;
	_ =	sdelay $0x1  }
0xc4: {  	v3 =	vadd.f32 v7, v3;
	_ =	sdelay $0x1  }
0xc5: {  	v3 =	vadd.f32 v8, v3  }
0xc6: {  	v4 =	vpop (erf)  }
0xc7: {  	v3 =	vadd.f32 v9, v3;
	v5 =	vpack.i.f32.bf16 v12, v4;
	v4 =	vmul.f32 v4, v4  }
0xc8: {  	s22 =	sadd.s32 $0x80, s22;
	[tilespmem:s15+$0x30] =	vst v5  }
0xc9: {  	v3 =	vadd.f32 v10, v3;
	v5 =	vld [tilespmem:s22+$0xFFFFFFC0];
	v4 =	vsub.f32 v11, v4;
	_ =	sdelay $0x1  }
0xca: {  	v3 =	vadd.f32 v4, v3;
	_ =	sdelay $0x1  }
0xcb: {  	v4 =	vperm.xlane v3, v1  }
0xcc: {  	v6 =	vmul.f32 $5.000000000e-01, v5  }
0xcd: {  	v3 =	vadd.f32 v3, v4  }
0xce: {  	v4 =	vmul.f32 $1.442695020e+00, v6  }
0xcf: {  	v6 =	vperm.xlane v3, v1  }
0xd0: {  	(erf) = vpow2.f32 v4  }
0xd1: {  	v3 =	vadd.f32 v3, v6;
	_ =	sdelay $0x1  }
0xd2: {  	v4 =	vperm.xlane v3, v1  }
0xd3: {  	s17 =	sadd.s32 $0x80, s17  }
0xd4: {  	v6 =	vld [tilespmem:s17+$0xFFFFFFC0];
	v4 =	vadd.f32 v3, v4;
	_ =	sdelay $0x1  }
0xd5: {  	v7 =	vperm.xlane v4, v1  }
.Ltmp1:
0xd6: {  	(pc) =	sbr.rel @p2 .LBB2_3-.Ltmp1, $4  }
0xd7: {  	v3 =	vpop (erf);
	v4 =	vadd.f32 v4, v7  }
0xd8: {  	s15 =	sadd.s32 $0x80, s15;
	v8 =	vadd.f32 $1.000000000e+00, v5;
	v7 =	vpack.i.f32.bf16 v6, v3;
	v6 =	vmul.f32 v6, v6  }
0xd9: {  	[tilespmem:s15+$0xFFFFFFC0] =	vst v7;
	v7 =	vmov s16;
	v5 =	vmul.f32 $-5.000000240e-04, v4;
	s16 =	smov.u32 s26  }
0xda: {  	v4 =	vsub.f32 v8, v6;
	v6 =	vld [tilespmem:s22+$0xFFFFFFD0];
	vm0 =	veq.s32 v7, v0  }
0xdb: {  	_ =	sdelay $0x3  }
0xdc: {  	v7 =	vmul.f32 $5.000000000e-01, v6;
	_ =	sdelay $0x1  }
0xdd: {  	v7 =	vmul.f32 $1.442695020e+00, v7;
	_ =	sdelay $0x1  }
0xde: {  	(erf) = vpow2.f32 v7;
	_ =	sdelay $0x4  }
0xdf: {  	v31 =	vld [tilespmem:s17+$0xFFFFFFD0];
	_ =	sdelay $0x3  }
0xe0: {  	v8 =	vpop (erf)  }
0xe1: {  	v9 =	vpack.i.f32.bf16 v31, v8  }
0xe2: {  	[tilespmem:s15+$0xFFFFFFD0] =	vst v9  }
0xe3: {  	v9 =	vld [tilespmem:s22+$0xFFFFFFE0];
	_ =	sdelay $0x4  }
0xe4: {  	v10 =	vmul.f32 $5.000000000e-01, v9;
	_ =	sdelay $0x1  }
0xe5: {  	v10 =	vmul.f32 $1.442695020e+00, v10;
	_ =	sdelay $0x1  }
0xe6: {  	(erf) = vpow2.f32 v10;
	_ =	sdelay $0x4  }
0xe7: {  	v32 =	vld [tilespmem:s17+$0xFFFFFFE0];
	_ =	sdelay $0x3  }
0xe8: {  	v11 =	vpop (erf)  }
0xe9: {  	v12 =	vpack.i.f32.bf16 v32, v11  }
0xea: {  	[tilespmem:s15+$0xFFFFFFE0] =	vst v12  }
0xeb: {  	v12 =	vld [tilespmem:s22+$0xFFFFFFF0];
	_ =	sdelay $0x4  }
0xec: {  	v13 =	vmul.f32 $5.000000000e-01, v12;
	_ =	sdelay $0x1  }
0xed: {  	v13 =	vmul.f32 $1.442695020e+00, v13;
	_ =	sdelay $0x1  }
0xee: {  	(erf) = vpow2.f32 v13;
	_ =	sdelay $0x4  }
0xef: {  	v33 =	vld [tilespmem:s17+$0xFFFFFFF0];
	_ =	sdelay $0x3  }
0xf0: {  	v14 =	vpop (erf)  }
0xf1: {  	v15 =	vpack.i.f32.bf16 v33, v14  }
0xf2: {  	[tilespmem:s15+$0xFFFFFFF0] =	vst v15  }
0xf3: {  	v15 =	vld [tilespmem:s22+$0x0];
	_ =	sdelay $0x4  }
0xf4: {  	v16 =	vmul.f32 $5.000000000e-01, v15;
	_ =	sdelay $0x1  }
0xf5: {  	v16 =	vmul.f32 $1.442695020e+00, v16;
	_ =	sdelay $0x1  }
0xf6: {  	(erf) = vpow2.f32 v16;
	_ =	sdelay $0x4  }
0xf7: {  	v34 =	vld [tilespmem:s17+$0x0];
	_ =	sdelay $0x3  }
0xf8: {  	v17 =	vpop (erf)  }
0xf9: {  	v18 =	vpack.i.f32.bf16 v34, v17  }
0xfa: {  	[tilespmem:s15+$0x0] =	vst v18  }
0xfb: {  	v18 =	vld [tilespmem:s22+$0x10];
	_ =	sdelay $0x4  }
0xfc: {  	v19 =	vmul.f32 $5.000000000e-01, v18;
	_ =	sdelay $0x1  }
0xfd: {  	v19 =	vmul.f32 $1.442695020e+00, v19;
	_ =	sdelay $0x1  }
0xfe: {  	(erf) = vpow2.f32 v19;
	_ =	sdelay $0x4  }
0xff: {  	v35 =	vld [tilespmem:s17+$0x10];
	_ =	sdelay $0x3  }
0x100: {  	v20 =	vpop (erf)  }
0x101: {  	v21 =	vpack.i.f32.bf16 v35, v20  }
0x102: {  	[tilespmem:s15+$0x10] =	vst v21  }
0x103: {  	v21 =	vld [tilespmem:s22+$0x20];
	_ =	sdelay $0x4  }
0x104: {  	v22 =	vmul.f32 $5.000000000e-01, v21;
	_ =	sdelay $0x1  }
0x105: {  	v22 =	vmul.f32 $1.442695020e+00, v22;
	_ =	sdelay $0x1  }
0x106: {  	(erf) = vpow2.f32 v22;
	_ =	sdelay $0x4  }
0x107: {  	v36 =	vld [tilespmem:s17+$0x20];
	_ =	sdelay $0x3  }
0x108: {  	v23 =	vpop (erf)  }
0x109: {  	v24 =	vpack.i.f32.bf16 v36, v23  }
0x10a: {  	[tilespmem:s15+$0x20] =	vst v24  }
0x10b: {  	v24 =	vld [tilespmem:s22+$0x30];
	_ =	sdelay $0x1  }
0x10c: {  	v37 =	vadd.f32 $1.000000000e+00, v6;
	v7 =	vmul.f32 v31, v31;
	_ =	sdelay $0x1  }
0x10d: {  	v3 =	vmul.f32 v3, v3;
	v6 =	vsub.f32 v37, v7;
	v38 =	vmul.f32 v8, v8  }
0x10e: {  	v9 =	vadd.f32 $1.000000000e+00, v9;
	v10 =	vmul.f32 v32, v32;
	v39 =	vmul.f32 $5.000000000e-01, v24  }
0x10f: {  	v3 =	vsub.f32 v4, v3;
	v6 =	vsub.f32 v6, v38  }
0x110: {  	v9 =	vsub.f32 v9, v10;
	v40 =	vmul.f32 v11, v11;
	v8 =	vmul.f32 $1.442695020e+00, v39  }
0x111: {  	v41 =	vmul.f32 v33, v33;
	v12 =	vadd.f32 $1.000000000e+00, v12  }
0x112: {  	v3 =	vadd.f32 v6, v3;
	v42 =	vsub.f32 v9, v40;
	(erf) = vpow2.f32 v8  }
0x113: {  	v43 =	vsub.f32 v12, v41;
	v44 =	vmul.f32 v14, v14;
	v45 =	vadd.f32 $1.000000000e+00, v15  }
0x114: {  	v46 =	vmul.f32 v34, v34;
	v47 =	vadd.f32 $1.000000000e+00, v18;
	v48 =	vmul.f32 v35, v35  }
0x115: {  	v3 =	vadd.f32 v42, v3;
	v4 =	vsub.f32 v43, v44;
	v49 =	vld [tilespmem:s17+$0x30]  }
0x116: {  	v50 =	vmul.f32 v17, v17;
	v6 =	vsub.f32 v47, v48;
	v8 =	vsub.f32 v45, v46  }
0x117: {  	v51 =	vmul.f32 v20, v20;
	v52 =	vadd.f32 $1.000000000e+00, v21;
	v53 =	vmul.f32 v36, v36  }
0x118: {  	v3 =	vadd.f32 v4, v3;
	v7 =	vsub.f32 v8, v50  }
0x119: {  	v54 =	vsub.f32 v6, v51;
	v55 =	vsub.f32 v52, v53;
	v56 =	vmul.f32 v23, v23  }
0x11a: {  	v57 =	vadd.f32 $1.000000000e+00, v24;
	v58 =	vmul.f32 v49, v49;
	v3 =	vadd.f32 v7, v3  }
0x11b: {  	v6 =	vsub.f32 v55, v56;
	v59 =	vpop (erf)  }
0x11c: {  	v60 =	vsub.f32 v57, v58;
	v3 =	vadd.f32 v54, v3;
	v61 =	vmul.f32 v59, v59;
	_ =	sdelay $0x1  }
0x11d: {  	v3 =	vadd.f32 v6, v3;
	v4 =	vsub.f32 v60, v61;
	_ =	sdelay $0x1  }
0x11e: {  	v3 =	vadd.f32 v4, v3;
	_ =	sdelay $0x1  }
0x11f: {  	v4 =	vperm.xlane v3, v1;
	_ =	sdelay $0x1  }
0x120: {  	v3 =	vadd.f32 v3, v4;
	_ =	sdelay $0x1  }
0x121: {  	v4 =	vperm.xlane v3, v1;
	_ =	sdelay $0x1  }
0x122: {  	v3 =	vadd.f32 v3, v4;
	_ =	sdelay $0x1  }
0x123: {  	v4 =	vperm.xlane v3, v1;
	_ =	sdelay $0x1  }
0x124: {  	v3 =	vadd.f32 v3, v4;
	_ =	sdelay $0x1  }
0x125: {  	v4 =	vperm.xlane v3, v1;
	_ =	sdelay $0x1  }
0x126: {  	v3 =	vadd.f32 v3, v4;
	_ =	sdelay $0x1  }
0x127: {  	v62 =	vmov s16;
	v3 =	vmul.f32 $-5.000000240e-04, v3  }
0x128: {  	v2 =	vsel vm0, v5, v2;
	vm15 =	veq.s32 v62, v0;
	v63 =	vpack.i.f32.bf16 v49, v59  }
0x129: {  	[tilespmem:s15+$0x30] =	vst v63;
	v2 =	vsel vm15, v3, v2  }
0x12a: {  	s26 =	simm.s32 $0x15088;
	[tilespmem:$0x15488] =	vst v2  }
0x12b: {  	[spmem:s12] =	stream.linear.scatter [tilespmem:s26], [sflag:$0x6], $0x400, $0x38;
	[tilespmem:$0x15508] =	vst v63  }
.Ltmp2:
0x12c: {  	_ = 	snop;
	(pc) =	sbr.rel .LBB2_9-.Ltmp2, $4  }
0x12d: {  	_ =	swait.ge [sflag:s28], $0x400  }
0x12e: {  	[sflag:s28] =	ssyncset.done $0x0  }
0x12f: {  	s29 =	simm.s32 $0x15488;
	[sflag:s28] =	ssyncadd.s32 $0xFFFFFC00  }
0x130: {  	[spmem:s13] =	stream.linear.scatter [tilespmem:s29], [sflag:$0x6], $0x8, $0x38;
	[tilespmem:$0x15508] =	vst v63  }
.LBB2_5:
.Ltmp3:
0x131: {  	(pc) =	sbr.rel @p1 .LBB2_10-.Ltmp3, $1  }
0x132: {  	_ =	sdelay $0x3  }
0x133: {  	s16 =	simm.s32 $0x0;
	s15 =	rddreg [dreg:$0x9];
	s17 =	simm.s32 $0x14888  }
0x134: {  	[tilespmem:s17], [sflag:$0x3] =	stream.linear.gather [hbm4b:s15+s16], $0x200, $0x38;
	[tilespmem:$0x15508] =	vst v63  }
0x135: {  	s22 =	rddreg [dreg:$0xa];
	s23 =	simm.s32 $0x14C88  }
0x136: {  	[tilespmem:s23], [sflag:$0x4] =	stream.linear.gather [hbm4b:s22+s16], $0x200, $0x38;
	[tilespmem:$0x15508] =	vst v63  }
0x137: {  	_ =	swait.ge [sflag:s24], $0x200  }
0x138: {  	[sflag:s24] =	ssyncset.done $0x0  }
0x139: {  	[sflag:s24] =	ssyncadd.s32 $0xFFFFFE00  }
0x13a: {  	_ =	swait.ge [sflag:s25], $0x200  }
0x13b: {  	[sflag:s25] =	ssyncset.done $0x0  }
0x13c: {  	s20 =	simm.s32 $0x148C8;
	[sflag:s25] =	ssyncadd.s32 $0xFFFFFE00  }
0x13d: {  	v2 =	vld [tilespmem:s20+$0xFFFFFFC0];
	_ =	sdelay $0x4  }
0x13e: {  	v3 =	vmul.f32 $5.000000000e-01, v2;
	_ =	sdelay $0x1  }
0x13f: {  	v3 =	vmul.f32 $1.442695020e+00, v3;
	_ =	sdelay $0x1  }
0x140: {  	(erf) = vpow2.f32 v3;
	_ =	sdelay $0x3  }
0x141: {  	s26 =	simm.s32 $0x14CC8  }
0x142: {  	v3 =	vld [tilespmem:s26+$0xFFFFFFC0];
	_ =	sdelay $0x3  }
0x143: {  	v4 =	vpop (erf)  }
0x144: {  	s29 =	simm.s32 $0x150C8;
	v5 =	vpack.i.f32.bf16 v3, v4  }
0x145: {  	[tilespmem:s29+$0xFFFFFFC0] =	vst v5  }
0x146: {  	v5 =	vld [tilespmem:s20+$0xFFFFFFD0];
	_ =	sdelay $0x4  }
0x147: {  	v6 =	vmul.f32 $5.000000000e-01, v5;
	_ =	sdelay $0x1  }
0x148: {  	v6 =	vmul.f32 $1.442695020e+00, v6;
	_ =	sdelay $0x1  }
0x149: {  	(erf) = vpow2.f32 v6;
	_ =	sdelay $0x4  }
0x14a: {  	v6 =	vld [tilespmem:s26+$0xFFFFFFD0];
	_ =	sdelay $0x3  }
0x14b: {  	v7 =	vpop (erf)  }
0x14c: {  	v8 =	vpack.i.f32.bf16 v6, v7  }
0x14d: {  	[tilespmem:s29+$0xFFFFFFD0] =	vst v8  }
0x14e: {  	v8 =	vld [tilespmem:s20+$0xFFFFFFE0];
	_ =	sdelay $0x4  }
0x14f: {  	v9 =	vmul.f32 $5.000000000e-01, v8;
	_ =	sdelay $0x1  }
0x150: {  	v9 =	vmul.f32 $1.442695020e+00, v9;
	_ =	sdelay $0x1  }
0x151: {  	(erf) = vpow2.f32 v9;
	_ =	sdelay $0x4  }
0x152: {  	v50 =	vld [tilespmem:s26+$0xFFFFFFE0];
	_ =	sdelay $0x3  }
0x153: {  	v10 =	vpop (erf)  }
0x154: {  	v11 =	vpack.i.f32.bf16 v50, v10  }
0x155: {  	[tilespmem:s29+$0xFFFFFFE0] =	vst v11  }
0x156: {  	v11 =	vld [tilespmem:s20+$0xFFFFFFF0];
	_ =	sdelay $0x4  }
0x157: {  	v12 =	vmul.f32 $5.000000000e-01, v11;
	_ =	sdelay $0x1  }
0x158: {  	v12 =	vmul.f32 $1.442695020e+00, v12;
	_ =	sdelay $0x1  }
0x159: {  	(erf) = vpow2.f32 v12;
	_ =	sdelay $0x4  }
0x15a: {  	v51 =	vld [tilespmem:s26+$0xFFFFFFF0];
	_ =	sdelay $0x3  }
0x15b: {  	v13 =	vpop (erf)  }
0x15c: {  	v14 =	vpack.i.f32.bf16 v51, v13  }
0x15d: {  	[tilespmem:s29+$0xFFFFFFF0] =	vst v14  }
0x15e: {  	v14 =	vld [tilespmem:s20+$0x0];
	_ =	sdelay $0x4  }
0x15f: {  	v15 =	vmul.f32 $5.000000000e-01, v14;
	_ =	sdelay $0x1  }
0x160: {  	v15 =	vmul.f32 $1.442695020e+00, v15;
	_ =	sdelay $0x1  }
0x161: {  	(erf) = vpow2.f32 v15;
	_ =	sdelay $0x4  }
0x162: {  	v52 =	vld [tilespmem:s26+$0x0];
	_ =	sdelay $0x3  }
0x163: {  	v16 =	vpop (erf)  }
0x164: {  	v17 =	vpack.i.f32.bf16 v52, v16  }
0x165: {  	[tilespmem:s29+$0x0] =	vst v17  }
0x166: {  	v17 =	vld [tilespmem:s20+$0x10];
	_ =	sdelay $0x4  }
0x167: {  	v18 =	vmul.f32 $5.000000000e-01, v17;
	_ =	sdelay $0x1  }
0x168: {  	v18 =	vmul.f32 $1.442695020e+00, v18;
	_ =	sdelay $0x1  }
0x169: {  	(erf) = vpow2.f32 v18;
	_ =	sdelay $0x4  }
0x16a: {  	v53 =	vld [tilespmem:s26+$0x10];
	_ =	sdelay $0x3  }
0x16b: {  	v19 =	vpop (erf)  }
0x16c: {  	v20 =	vpack.i.f32.bf16 v53, v19  }
0x16d: {  	[tilespmem:s29+$0x10] =	vst v20  }
0x16e: {  	v20 =	vld [tilespmem:s20+$0x20];
	_ =	sdelay $0x4  }
0x16f: {  	v21 =	vmul.f32 $5.000000000e-01, v20;
	_ =	sdelay $0x1  }
0x170: {  	v21 =	vmul.f32 $1.442695020e+00, v21;
	_ =	sdelay $0x1  }
0x171: {  	(erf) = vpow2.f32 v21;
	_ =	sdelay $0x4  }
0x172: {  	v54 =	vld [tilespmem:s26+$0x20];
	_ =	sdelay $0x3  }
0x173: {  	v22 =	vpop (erf)  }
0x174: {  	v23 =	vpack.i.f32.bf16 v54, v22  }
0x175: {  	[tilespmem:s29+$0x20] =	vst v23  }
0x176: {  	v2 =	vadd.f32 $1.000000000e+00, v2;
	v23 =	vld [tilespmem:s20+$0x30]  }
0x177: {  	v3 =	vmul.f32 v3, v3;
	v5 =	vadd.f32 $1.000000000e+00, v5;
	v6 =	vmul.f32 v6, v6;
	_ =	sdelay $0x1  }
0x178: {  	v4 =	vmul.f32 v4, v4;
	v2 =	vsub.f32 v2, v3;
	v5 =	vsub.f32 v5, v6  }
0x179: {  	v6 =	vmul.f32 v7, v7;
	v7 =	vadd.f32 $1.000000000e+00, v8;
	v8 =	vmul.f32 v50, v50  }
0x17a: {  	v2 =	vsub.f32 v2, v4;
	v57 =	vmul.f32 $5.000000000e-01, v23  }
0x17b: {  	v3 =	vsub.f32 v5, v6;
	v5 =	vsub.f32 v7, v8;
	v4 =	vmul.f32 v10, v10  }
0x17c: {  	v55 =	vadd.f32 $1.000000000e+00, v11;
	v56 =	vmul.f32 v51, v51;
	v7 =	vmul.f32 $1.442695020e+00, v57  }
0x17d: {  	v2 =	vadd.f32 v3, v2  }
0x17e: {  	v4 =	vsub.f32 v5, v4;
	v6 =	vsub.f32 v55, v56;
	(erf) = vpow2.f32 v7  }
0x17f: {  	v8 =	vmul.f32 v13, v13;
	v58 =	vmul.f32 v52, v52;
	v7 =	vadd.f32 $1.000000000e+00, v14  }
0x180: {  	v2 =	vadd.f32 v4, v2;
	v3 =	vld [tilespmem:s26+$0x30]  }
0x181: {  	v5 =	vsub.f32 v6, v8;
	v6 =	vsub.f32 v7, v58;
	v7 =	vmul.f32 v16, v16  }
0x182: {  	v8 =	vadd.f32 $1.000000000e+00, v17;
	v59 =	vmul.f32 v53, v53;
	v60 =	vadd.f32 $1.000000000e+00, v20  }
0x183: {  	v61 =	vmul.f32 v54, v54;
	v4 =	vsub.f32 v6, v7;
	v7 =	vmul.f32 v19, v19  }
0x184: {  	v2 =	vadd.f32 v5, v2;
	v5 =	vmul.f32 v22, v22;
	v6 =	vsub.f32 v8, v59  }
0x185: {  	v62 =	vadd.f32 $1.000000000e+00, v23;
	v63 =	vmul.f32 v3, v3;
	v8 =	vsub.f32 v60, v61  }
0x186: {  	v6 =	vsub.f32 v6, v7;
	v2 =	vadd.f32 v4, v2  }
0x187: {  	v4 =	vsub.f32 v8, v5;
	v5 =	vsub.f32 v62, v63;
	v7 =	vpop (erf)  }
0x188: {  	v2 =	vadd.f32 v6, v2;
	v3 =	vpack.i.f32.bf16 v3, v7;
	v6 =	vmul.f32 v7, v7  }
0x189: {  	s22 =	simm.s32 $0x14948;
	[tilespmem:s29+$0x30] =	vst v3  }
0x18a: {  	v2 =	vadd.f32 v4, v2;
	v7 =	vld [tilespmem:s22+$0xFFFFFFC0];
	v3 =	vsub.f32 v5, v6;
	_ =	sdelay $0x1  }
0x18b: {  	v2 =	vadd.f32 v3, v2;
	_ =	sdelay $0x1  }
0x18c: {  	v3 =	vperm.xlane v2, v1  }
0x18d: {  	v4 =	vmul.f32 $5.000000000e-01, v7  }
0x18e: {  	v2 =	vadd.f32 v2, v3  }
0x18f: {  	v3 =	vmul.f32 $1.442695020e+00, v4  }
0x190: {  	v4 =	vperm.xlane v2, v1  }
0x191: {  	(erf) = vpow2.f32 v3  }
0x192: {  	v2 =	vadd.f32 v2, v4;
	_ =	sdelay $0x1  }
0x193: {  	v3 =	vperm.xlane v2, v1  }
0x194: {  	s17 =	simm.s32 $0x14D48  }
0x195: {  	v4 =	vld [tilespmem:s17+$0xFFFFFFC0];
	v2 =	vadd.f32 v2, v3;
	_ =	sdelay $0x1  }
0x196: {  	v5 =	vperm.xlane v2, v1;
	_ =	sdelay $0x1  }
0x197: {  	v3 =	vpop (erf);
	v5 =	vadd.f32 v2, v5  }
0x198: {  	s15 =	simm.s32 $0x15148;
	v7 =	vadd.f32 $1.000000000e+00, v7;
	v6 =	vpack.i.f32.bf16 v4, v3;
	v4 =	vmul.f32 v4, v4  }
0x199: {  	v8 =	vmov s16;
	[tilespmem:s15+$0xFFFFFFC0] =	vst v6;
	v5 =	vmul.f32 $-5.000000240e-04, v5  }
0x19a: {  	s23 =	simm.s32 $0x2;
	s16 =	simm.s32 $0x1;
	vm0 =	veq.s32 v8, v0;
	v2 =	vimm.f32 $0.0e+00;
	v4 =	vsub.f32 v7, v4;
	v6 =	vld [tilespmem:s22+$0xFFFFFFD0]  }
.LBB2_7:
0x19b: {  	p2 =	sne.s32 s23, $0x3;
	v2 =	vsel vm0, v5, v2;
	s26 =	smov.u32 s23;
	s23 =	sadd.s32 $0x1, s23  }
0x19c: {  	_ =	sdelay $0x2  }
0x19d: {  	v5 =	vmul.f32 $5.000000000e-01, v6;
	_ =	sdelay $0x1  }
0x19e: {  	v5 =	vmul.f32 $1.442695020e+00, v5;
	_ =	sdelay $0x1  }
0x19f: {  	(erf) = vpow2.f32 v5;
	_ =	sdelay $0x4  }
0x1a0: {  	v5 =	vld [tilespmem:s17+$0xFFFFFFD0];
	_ =	sdelay $0x3  }
0x1a1: {  	v7 =	vpop (erf)  }
0x1a2: {  	v6 =	vadd.f32 $1.000000000e+00, v6;
	v8 =	vpack.i.f32.bf16 v5, v7;
	v5 =	vmul.f32 v5, v5  }
0x1a3: {  	[tilespmem:s15+$0xFFFFFFD0] =	vst v8  }
0x1a4: {  	v5 =	vsub.f32 v6, v5;
	v6 =	vmul.f32 v7, v7;
	v7 =	vld [tilespmem:s22+$0xFFFFFFE0];
	_ =	sdelay $0x1  }
0x1a5: {  	v5 =	vsub.f32 v5, v6;
	_ =	sdelay $0x2  }
0x1a6: {  	v6 =	vmul.f32 $5.000000000e-01, v7;
	_ =	sdelay $0x1  }
0x1a7: {  	v6 =	vmul.f32 $1.442695020e+00, v6;
	_ =	sdelay $0x1  }
0x1a8: {  	(erf) = vpow2.f32 v6;
	_ =	sdelay $0x4  }
0x1a9: {  	v6 =	vld [tilespmem:s17+$0xFFFFFFE0];
	_ =	sdelay $0x3  }
0x1aa: {  	v8 =	vpop (erf)  }
0x1ab: {  	v7 =	vadd.f32 $1.000000000e+00, v7;
	v9 =	vpack.i.f32.bf16 v6, v8;
	v6 =	vmul.f32 v6, v6  }
0x1ac: {  	[tilespmem:s15+$0xFFFFFFE0] =	vst v9  }
0x1ad: {  	v6 =	vsub.f32 v7, v6;
	v7 =	vmul.f32 v8, v8;
	v8 =	vld [tilespmem:s22+$0xFFFFFFF0];
	_ =	sdelay $0x1  }
0x1ae: {  	v6 =	vsub.f32 v6, v7;
	_ =	sdelay $0x2  }
0x1af: {  	v7 =	vmul.f32 $5.000000000e-01, v8;
	_ =	sdelay $0x1  }
0x1b0: {  	v7 =	vmul.f32 $1.442695020e+00, v7;
	_ =	sdelay $0x1  }
0x1b1: {  	(erf) = vpow2.f32 v7;
	_ =	sdelay $0x4  }
0x1b2: {  	v7 =	vld [tilespmem:s17+$0xFFFFFFF0];
	_ =	sdelay $0x3  }
0x1b3: {  	v9 =	vpop (erf)  }
0x1b4: {  	v8 =	vadd.f32 $1.000000000e+00, v8;
	v10 =	vpack.i.f32.bf16 v7, v9;
	v7 =	vmul.f32 v7, v7  }
0x1b5: {  	[tilespmem:s15+$0xFFFFFFF0] =	vst v10  }
0x1b6: {  	v7 =	vsub.f32 v8, v7;
	v8 =	vmul.f32 v9, v9;
	v9 =	vld [tilespmem:s22+$0x0];
	_ =	sdelay $0x1  }
0x1b7: {  	v7 =	vsub.f32 v7, v8;
	_ =	sdelay $0x2  }
0x1b8: {  	v8 =	vmul.f32 $5.000000000e-01, v9;
	_ =	sdelay $0x1  }
0x1b9: {  	v8 =	vmul.f32 $1.442695020e+00, v8;
	_ =	sdelay $0x1  }
0x1ba: {  	(erf) = vpow2.f32 v8;
	_ =	sdelay $0x4  }
0x1bb: {  	v8 =	vld [tilespmem:s17+$0x0];
	_ =	sdelay $0x3  }
0x1bc: {  	v10 =	vpop (erf)  }
0x1bd: {  	v9 =	vadd.f32 $1.000000000e+00, v9;
	v11 =	vpack.i.f32.bf16 v8, v10;
	v8 =	vmul.f32 v8, v8  }
0x1be: {  	[tilespmem:s15+$0x0] =	vst v11  }
0x1bf: {  	v8 =	vsub.f32 v9, v8;
	v9 =	vmul.f32 v10, v10;
	v10 =	vld [tilespmem:s22+$0x10]  }
0x1c0: {  	v11 =	vld [tilespmem:s17+$0x10]  }
0x1c1: {  	v8 =	vsub.f32 v8, v9;
	_ =	sdelay $0x2  }
0x1c2: {  	v9 =	vmul.f32 $5.000000000e-01, v10;
	_ =	sdelay $0x1  }
0x1c3: {  	v9 =	vmul.f32 $1.442695020e+00, v9;
	_ =	sdelay $0x1  }
0x1c4: {  	(erf) = vpow2.f32 v9;
	_ =	sdelay $0x7  }
0x1c5: {  	v9 =	vadd.f32 $1.000000000e+00, v10;
	v10 =	vmul.f32 v11, v11  }
0x1c6: {  	v12 =	vpop (erf)  }
0x1c7: {  	v9 =	vsub.f32 v9, v10;
	v11 =	vpack.i.f32.bf16 v11, v12;
	v10 =	vmul.f32 v12, v12  }
0x1c8: {  	[tilespmem:s15+$0x10] =	vst v11  }
0x1c9: {  	v9 =	vsub.f32 v9, v10;
	v10 =	vld [tilespmem:s22+$0x20]  }
0x1ca: {  	v11 =	vld [tilespmem:s17+$0x20];
	_ =	sdelay $0x3  }
0x1cb: {  	v12 =	vmul.f32 $5.000000000e-01, v10;
	_ =	sdelay $0x1  }
0x1cc: {  	v12 =	vmul.f32 $1.442695020e+00, v12;
	_ =	sdelay $0x1  }
0x1cd: {  	(erf) = vpow2.f32 v12;
	_ =	sdelay $0x7  }
0x1ce: {  	v10 =	vadd.f32 $1.000000000e+00, v10;
	v12 =	vmul.f32 v11, v11  }
0x1cf: {  	v13 =	vpop (erf)  }
0x1d0: {  	v10 =	vsub.f32 v10, v12;
	v11 =	vpack.i.f32.bf16 v11, v13;
	v12 =	vmul.f32 v13, v13  }
0x1d1: {  	[tilespmem:s15+$0x20] =	vst v11  }
0x1d2: {  	v10 =	vsub.f32 v10, v12;
	v11 =	vld [tilespmem:s22+$0x30]  }
0x1d3: {  	v12 =	vld [tilespmem:s17+$0x30];
	_ =	sdelay $0x3  }
0x1d4: {  	v13 =	vmul.f32 $5.000000000e-01, v11;
	v11 =	vadd.f32 $1.000000000e+00, v11  }
0x1d5: {  	v14 =	vmul.f32 v12, v12  }
0x1d6: {  	v3 =	vmul.f32 v3, v3;
	v13 =	vmul.f32 $1.442695020e+00, v13  }
0x1d7: {  	v11 =	vsub.f32 v11, v14  }
0x1d8: {  	v3 =	vsub.f32 v4, v3;
	(erf) = vpow2.f32 v13;
	_ =	sdelay $0x1  }
0x1d9: {  	v3 =	vadd.f32 v5, v3;
	_ =	sdelay $0x1  }
0x1da: {  	v3 =	vadd.f32 v6, v3;
	_ =	sdelay $0x1  }
0x1db: {  	v3 =	vadd.f32 v7, v3;
	_ =	sdelay $0x1  }
0x1dc: {  	v3 =	vadd.f32 v8, v3  }
0x1dd: {  	v4 =	vpop (erf)  }
0x1de: {  	v3 =	vadd.f32 v9, v3;
	v5 =	vpack.i.f32.bf16 v12, v4;
	v4 =	vmul.f32 v4, v4  }
0x1df: {  	s22 =	sadd.s32 $0x80, s22;
	[tilespmem:s15+$0x30] =	vst v5  }
0x1e0: {  	v3 =	vadd.f32 v10, v3;
	v5 =	vld [tilespmem:s22+$0xFFFFFFC0];
	v4 =	vsub.f32 v11, v4;
	_ =	sdelay $0x1  }
0x1e1: {  	v3 =	vadd.f32 v4, v3;
	_ =	sdelay $0x1  }
0x1e2: {  	v4 =	vperm.xlane v3, v1  }
0x1e3: {  	v6 =	vmul.f32 $5.000000000e-01, v5  }
0x1e4: {  	v3 =	vadd.f32 v3, v4  }
0x1e5: {  	v4 =	vmul.f32 $1.442695020e+00, v6  }
0x1e6: {  	v6 =	vperm.xlane v3, v1  }
0x1e7: {  	(erf) = vpow2.f32 v4  }
0x1e8: {  	v3 =	vadd.f32 v3, v6;
	_ =	sdelay $0x1  }
0x1e9: {  	v4 =	vperm.xlane v3, v1  }
0x1ea: {  	s17 =	sadd.s32 $0x80, s17  }
0x1eb: {  	v6 =	vld [tilespmem:s17+$0xFFFFFFC0];
	v4 =	vadd.f32 v3, v4;
	_ =	sdelay $0x1  }
0x1ec: {  	v7 =	vperm.xlane v4, v1  }
.Ltmp4:
0x1ed: {  	(pc) =	sbr.rel @p2 .LBB2_7-.Ltmp4, $4  }
0x1ee: {  	v3 =	vpop (erf);
	v4 =	vadd.f32 v4, v7  }
0x1ef: {  	s15 =	sadd.s32 $0x80, s15;
	v8 =	vadd.f32 $1.000000000e+00, v5;
	v7 =	vpack.i.f32.bf16 v6, v3;
	v6 =	vmul.f32 v6, v6  }
0x1f0: {  	[tilespmem:s15+$0xFFFFFFC0] =	vst v7;
	v7 =	vmov s16;
	v5 =	vmul.f32 $-5.000000240e-04, v4;
	s16 =	smov.u32 s26  }
0x1f1: {  	v4 =	vsub.f32 v8, v6;
	v6 =	vld [tilespmem:s22+$0xFFFFFFD0];
	vm0 =	veq.s32 v7, v0  }
0x1f2: {  	_ =	sdelay $0x3  }
0x1f3: {  	v7 =	vmul.f32 $5.000000000e-01, v6;
	_ =	sdelay $0x1  }
0x1f4: {  	v7 =	vmul.f32 $1.442695020e+00, v7;
	_ =	sdelay $0x1  }
0x1f5: {  	(erf) = vpow2.f32 v7;
	_ =	sdelay $0x4  }
0x1f6: {  	v31 =	vld [tilespmem:s17+$0xFFFFFFD0];
	_ =	sdelay $0x3  }
0x1f7: {  	v8 =	vpop (erf)  }
0x1f8: {  	v9 =	vpack.i.f32.bf16 v31, v8  }
0x1f9: {  	[tilespmem:s15+$0xFFFFFFD0] =	vst v9  }
0x1fa: {  	v9 =	vld [tilespmem:s22+$0xFFFFFFE0];
	_ =	sdelay $0x4  }
0x1fb: {  	v10 =	vmul.f32 $5.000000000e-01, v9;
	_ =	sdelay $0x1  }
0x1fc: {  	v10 =	vmul.f32 $1.442695020e+00, v10;
	_ =	sdelay $0x1  }
0x1fd: {  	(erf) = vpow2.f32 v10;
	_ =	sdelay $0x4  }
0x1fe: {  	v32 =	vld [tilespmem:s17+$0xFFFFFFE0];
	_ =	sdelay $0x3  }
0x1ff: {  	v11 =	vpop (erf)  }
0x200: {  	v12 =	vpack.i.f32.bf16 v32, v11  }
0x201: {  	[tilespmem:s15+$0xFFFFFFE0] =	vst v12  }
0x202: {  	v12 =	vld [tilespmem:s22+$0xFFFFFFF0];
	_ =	sdelay $0x4  }
0x203: {  	v13 =	vmul.f32 $5.000000000e-01, v12;
	_ =	sdelay $0x1  }
0x204: {  	v13 =	vmul.f32 $1.442695020e+00, v13;
	_ =	sdelay $0x1  }
0x205: {  	(erf) = vpow2.f32 v13;
	_ =	sdelay $0x4  }
0x206: {  	v33 =	vld [tilespmem:s17+$0xFFFFFFF0];
	_ =	sdelay $0x3  }
0x207: {  	v14 =	vpop (erf)  }
0x208: {  	v15 =	vpack.i.f32.bf16 v33, v14  }
0x209: {  	[tilespmem:s15+$0xFFFFFFF0] =	vst v15  }
0x20a: {  	v15 =	vld [tilespmem:s22+$0x0];
	_ =	sdelay $0x4  }
0x20b: {  	v16 =	vmul.f32 $5.000000000e-01, v15;
	_ =	sdelay $0x1  }
0x20c: {  	v16 =	vmul.f32 $1.442695020e+00, v16;
	_ =	sdelay $0x1  }
0x20d: {  	(erf) = vpow2.f32 v16;
	_ =	sdelay $0x4  }
0x20e: {  	v34 =	vld [tilespmem:s17+$0x0];
	_ =	sdelay $0x3  }
0x20f: {  	v17 =	vpop (erf)  }
0x210: {  	v18 =	vpack.i.f32.bf16 v34, v17  }
0x211: {  	[tilespmem:s15+$0x0] =	vst v18  }
0x212: {  	v18 =	vld [tilespmem:s22+$0x10];
	_ =	sdelay $0x4  }
0x213: {  	v19 =	vmul.f32 $5.000000000e-01, v18;
	_ =	sdelay $0x1  }
0x214: {  	v19 =	vmul.f32 $1.442695020e+00, v19;
	_ =	sdelay $0x1  }
0x215: {  	(erf) = vpow2.f32 v19;
	_ =	sdelay $0x4  }
0x216: {  	v35 =	vld [tilespmem:s17+$0x10];
	_ =	sdelay $0x3  }
0x217: {  	v20 =	vpop (erf)  }
0x218: {  	v21 =	vpack.i.f32.bf16 v35, v20  }
0x219: {  	[tilespmem:s15+$0x10] =	vst v21  }
0x21a: {  	v21 =	vld [tilespmem:s22+$0x20];
	_ =	sdelay $0x4  }
0x21b: {  	v22 =	vmul.f32 $5.000000000e-01, v21;
	_ =	sdelay $0x1  }
0x21c: {  	v22 =	vmul.f32 $1.442695020e+00, v22;
	_ =	sdelay $0x1  }
0x21d: {  	(erf) = vpow2.f32 v22;
	_ =	sdelay $0x4  }
0x21e: {  	v36 =	vld [tilespmem:s17+$0x20];
	_ =	sdelay $0x3  }
0x21f: {  	v23 =	vpop (erf)  }
0x220: {  	v24 =	vpack.i.f32.bf16 v36, v23  }
0x221: {  	[tilespmem:s15+$0x20] =	vst v24  }
0x222: {  	v24 =	vld [tilespmem:s22+$0x30];
	_ =	sdelay $0x1  }
0x223: {  	v37 =	vadd.f32 $1.000000000e+00, v6;
	v7 =	vmul.f32 v31, v31;
	_ =	sdelay $0x1  }
0x224: {  	v3 =	vmul.f32 v3, v3;
	v6 =	vsub.f32 v37, v7;
	v38 =	vmul.f32 v8, v8  }
0x225: {  	v9 =	vadd.f32 $1.000000000e+00, v9;
	v10 =	vmul.f32 v32, v32;
	v39 =	vmul.f32 $5.000000000e-01, v24  }
0x226: {  	v3 =	vsub.f32 v4, v3;
	v6 =	vsub.f32 v6, v38  }
0x227: {  	v9 =	vsub.f32 v9, v10;
	v40 =	vmul.f32 v11, v11;
	v8 =	vmul.f32 $1.442695020e+00, v39  }
0x228: {  	v41 =	vmul.f32 v33, v33;
	v12 =	vadd.f32 $1.000000000e+00, v12  }
0x229: {  	v3 =	vadd.f32 v6, v3;
	v42 =	vsub.f32 v9, v40;
	(erf) = vpow2.f32 v8  }
0x22a: {  	v43 =	vsub.f32 v12, v41;
	v44 =	vmul.f32 v14, v14;
	v45 =	vadd.f32 $1.000000000e+00, v15  }
0x22b: {  	v46 =	vmul.f32 v34, v34;
	v47 =	vadd.f32 $1.000000000e+00, v18;
	v48 =	vmul.f32 v35, v35  }
0x22c: {  	v3 =	vadd.f32 v42, v3;
	v4 =	vsub.f32 v43, v44;
	v49 =	vld [tilespmem:s17+$0x30]  }
0x22d: {  	v50 =	vmul.f32 v17, v17;
	v6 =	vsub.f32 v47, v48;
	v8 =	vsub.f32 v45, v46  }
0x22e: {  	v51 =	vmul.f32 v20, v20;
	v52 =	vadd.f32 $1.000000000e+00, v21;
	v53 =	vmul.f32 v36, v36  }
0x22f: {  	v3 =	vadd.f32 v4, v3;
	v7 =	vsub.f32 v8, v50  }
0x230: {  	v54 =	vsub.f32 v6, v51;
	v55 =	vsub.f32 v52, v53;
	v56 =	vmul.f32 v23, v23  }
0x231: {  	v57 =	vadd.f32 $1.000000000e+00, v24;
	v58 =	vmul.f32 v49, v49;
	v3 =	vadd.f32 v7, v3  }
0x232: {  	v6 =	vsub.f32 v55, v56;
	v59 =	vpop (erf)  }
0x233: {  	v60 =	vsub.f32 v57, v58;
	v3 =	vadd.f32 v54, v3;
	v61 =	vmul.f32 v59, v59;
	_ =	sdelay $0x1  }
0x234: {  	v3 =	vadd.f32 v6, v3;
	v4 =	vsub.f32 v60, v61;
	_ =	sdelay $0x1  }
0x235: {  	v3 =	vadd.f32 v4, v3;
	_ =	sdelay $0x1  }
0x236: {  	v4 =	vperm.xlane v3, v1;
	_ =	sdelay $0x1  }
0x237: {  	v3 =	vadd.f32 v3, v4;
	_ =	sdelay $0x1  }
0x238: {  	v4 =	vperm.xlane v3, v1;
	_ =	sdelay $0x1  }
0x239: {  	v3 =	vadd.f32 v3, v4;
	_ =	sdelay $0x1  }
0x23a: {  	v4 =	vperm.xlane v3, v1;
	_ =	sdelay $0x1  }
0x23b: {  	v3 =	vadd.f32 v3, v4;
	_ =	sdelay $0x1  }
0x23c: {  	v4 =	vperm.xlane v3, v1;
	_ =	sdelay $0x1  }
0x23d: {  	v3 =	vadd.f32 v3, v4;
	_ =	sdelay $0x1  }
0x23e: {  	v62 =	vmov s16;
	v3 =	vmul.f32 $-5.000000240e-04, v3  }
0x23f: {  	v2 =	vsel vm0, v5, v2;
	vm15 =	veq.s32 v62, v0;
	v63 =	vpack.i.f32.bf16 v49, v59  }
0x240: {  	[tilespmem:s15+$0x30] =	vst v63;
	v2 =	vsel vm15, v3, v2  }
0x241: {  	s23 =	simm.s32 $0x15088;
	s22 =	rddreg [dreg:$0xb];
	[tilespmem:$0x15488] =	vst v2  }
0x242: {  	[spmem:s22] =	stream.linear.scatter [tilespmem:s23], [sflag:$0x6], $0x200, $0x38;
	[tilespmem:$0x15508] =	vst v63  }
0x243: {  	_ =	swait.ge [sflag:s28], $0x200  }
0x244: {  	[sflag:s28] =	ssyncset.done $0x0  }
0x245: {  	s29 =	simm.s32 $0x15488;
	s26 =	rddreg [dreg:$0xc];
	[sflag:s28] =	ssyncadd.s32 $0xFFFFFE00  }
0x246: {  	[spmem:s26] =	stream.linear.scatter [tilespmem:s29], [sflag:$0x6], $0x8, $0x38;
	[tilespmem:$0x15508] =	vst v63  }
.LBB2_9:
0x247: {  	_ =	swait.ge [sflag:s28], $0x8  }
0x248: {  	[sflag:s28] =	ssyncset.done $0x0  }
0x249: {  	[sflag:s28] =	ssyncadd.s32 $0xFFFFFFF8  }
.LBB2_10:
0x24a: {  	[bflag:$0x0] =	sbarrier.arrive $0xFFFF  }
0x24b: {  	[tilespmem:s30], [sflag:$0x5] =	stream.linear.gather [spmem:s4], $0x4000, $0x38;
	[tilespmem:$0x15508] =	vst v63  }
0x24c: {  	_ = 	snop  }
0x24d: {  	[tilespmem:s31], [sflag:$0x5] =	stream.linear.gather [spmem:s5], $0x80, $0x38;
	[tilespmem:$0x15508] =	vst v63  }
0x24e: {  	_ =	swait.ge [sflag:s1], $0x200  }
0x24f: {  	[sflag:s1] =	ssyncset.done $0x0  }
0x250: {  	[sflag:s1] =	ssyncadd.s32 $0xFFFFFE00  }
0x251: {  	_ =	swait.ge [sflag:s1], $0x4000  }
0x252: {  	[sflag:s1] =	ssyncset.done $0x0  }
0x253: {  	[sflag:s1] =	ssyncadd.s32 $0xFFFFC000  }
0x254: {  	_ =	swait.ge [sflag:s1], $0x80  }
0x255: {  	[sflag:s1] =	ssyncset.done $0x0  }
0x256: {  	s22 =	simm.s32 $0x0;
	[sflag:s1] =	ssyncadd.s32 $0xFFFFFF80  }
.LBB2_11:
0x257: {  	s17 =	sshll.u32 s22, $0x7  }
0x258: {  	s15 =	sadd.s32 s7, s17  }
0x259: {  	s20 =	sand.u32 $0x1, s22;
	s16 =	sshll.u32 s15, $0x7  }
0x25a: {  	p2 =	seq.s32 s20, $0x1;
	s23 =	sadd.s32 $0x4000, s16  }
0x25b: {  	p3 =	seq.s32 s22, $0x3;
	s16 =	sshrl.u32 @!p2 s23, $0x3  }
0x25c: {  	s26 =	simm.s32 @!p2 $0x0;
	s29 =	simm.s32 @!p2 $0x8888;
	s16 =	sadd.s32 @!p2 s0, s16  }
0x25d: {  	[tilespmem:s29], [sflag:$0x2] =	stream.linear.gather @!p2 [hbm4b:s16+s26], $0x4000, $0x38;
	[tilespmem:$0x15508] =	vst v63  }
0x25e: {  	p3 =	por !p2, p3;
	s16 =	sshll.u32 s20, $0xE  }
0x25f: {  	s23 =	sshrl.u32 @!p3 s23, $0x3;
	s26 =	sxor.u32 $0x4000, s16  }
0x260: {  	s23 =	sadd.s32 @!p3 s0, s23;
	s29 =	simm.s32 @!p3 $0x0;
	s26 =	sadd.s32 @!p3 $0x4888, s26  }
0x261: {  	[tilespmem:s26], [sflag:$0x1] =	stream.linear.gather @!p3 [hbm4b:s23+s29], $0x4000, $0x38;
	[tilespmem:$0x15508] =	vst v63  }
0x262: {  	p3 =	sne.s32 s20, $0x0  }
0x263: {  	s23 =	simm.s32 @!p3 $0x1  }
0x264: {  	_ =	swait.ge @!p3 [sflag:s23], $0x4000  }
0x265: {  	[sflag:s23] =	ssyncset.done @!p3 $0x0  }
0x266: {  	p4 =	slt.u32 s22, $0x2;
	[sflag:s23] =	ssyncadd.s32 @!p3 $0xFFFFC000;
	s23 =	simm.s32 @p2 $0x2  }
0x267: {  	p5 =	sne.s32 @!p4 s20, $0x0;
	_ =	swait.ge @p2 [sflag:s23], $0x4000  }
0x268: {  	p5 =	por p5, p4;
	[sflag:s23] =	ssyncset.done @p2 $0x0  }
0x269: {  	s20 =	simm.s32 @!p5 $0x3;
	[sflag:s23] =	ssyncadd.s32 @p2 $0xFFFFC000  }
0x26a: {  	p6 =	por !p2, !p2;
	_ =	swait.ge @!p5 [sflag:s20], $0x4000  }
0x26b: {  	v10 =	vmov s17;
	p4 =	por p4, p6;
	[sflag:s20] =	ssyncset.done @!p5 $0x0  }
0x26c: {  	s17 =	simm.s32 @!p4 $0x4;
	[sflag:s20] =	ssyncadd.s32 @!p5 $0xFFFFC000  }
0x26d: {  	_ =	swait.ge @!p4 [sflag:s17], $0x4000  }
0x26e: {  	[sflag:s17] =	ssyncset.done @!p4 $0x0  }
0x26f: {  	s21 =	simm.s32 $0x0;
	[sflag:s17] =	ssyncadd.s32 @!p4 $0xFFFFC000  }
0x270: {  	v3 =	vld.idx.msk [tilespmem:v10+s21+$0x4488 ss:$0x1], $0xffff;
	_ =	sdelay $0x4  }
0x271: {  	v2 =	vshll.u32 v3, $0x9  }
0x272: {  	v2 =	vshra.s32 v2, $0x2  }
0x273: {  	(v2sf) =	vpush v2, $0x0;
	_ =	sdelay $0x5  }
0x274: {  	v3 =	vld.idx.msk [tilespmem:v3+s31+$0x0], $0xffff;
	_ =	sdelay $0x3  }
0x275: {  	s23 =	simm.s32 $0x0  }
0x276: {  	s17 =	sor.u32 s16, s23;
	[tilespmem:v10+s21+$0x4688 ss:$0x1] =	vst.idx.msk $0xffff, v3  }
0x277: {  	v3 =	vld [tilespmem:s17+$0x4888]  }
0x278: {  	v4 =	vld [tilespmem:s17+$0x4898]  }
0x279: {  	v6 =	vld [tilespmem:s17+$0x48A8]  }
0x27a: {  	v14 =	vld [tilespmem:s17+$0x48B8];
	s26 =	spop (v2sf)  }
0x27b: {  	v5 =	vld [tilespmem:s26+$0x408]  }
0x27c: {  	v7 =	vld [tilespmem:s26+$0x418]  }
0x27d: {  	v8 =	vld [tilespmem:s26+$0x428]  }
0x27e: {  	v9 =	vld [tilespmem:s26+$0x438]  }
0x27f: {  	v11 =	vld [tilespmem:s26+$0x448]  }
0x280: {  	(v2sf) =	vpush v2, $0x1;
	v12 =	vld [tilespmem:s26+$0x458]  }
0x281: {  	v16 =	vld [tilespmem:s17+$0x48C8]  }
0x282: {  	v18 =	vld [tilespmem:s17+$0x48D8];
	v15 =	vunpack.i.u.bf16.f32 v5;
	v17 =	vunpack.i.u.bf16.f32 v7  }
0x283: {  	v13 =	vld [tilespmem:s26+$0x468];
	v19 =	vunpack.i.u.bf16.f32 v8;
	v20 =	vunpack.i.u.bf16.f32 v9;
	v5 =	vunpack.i.l.bf16.f32 v5  }
0x284: {  	v21 =	vld [tilespmem:s26+$0x478];
	v22 =	vunpack.i.u.bf16.f32 v11;
	v7 =	vunpack.i.l.bf16.f32 v7;
	v3 =	vmul.f32 v5, v3  }
0x285: {  	v23 =	vunpack.i.u.bf16.f32 v12;
	v8 =	vunpack.i.l.bf16.f32 v8;
	v5 =	vld [tilespmem:s17+$0x48E8];
	v4 =	vmul.f32 v7, v4  }
0x286: {  	v9 =	vunpack.i.l.bf16.f32 v9;
	v7 =	vld [tilespmem:s17+$0x48F8];
	v6 =	vmul.f32 v8, v6;
	v3 =	vadd.f32 v3, v15  }
0x287: {  	v8 =	vunpack.i.l.bf16.f32 v11;
	v9 =	vmul.f32 v9, v14;
	v4 =	vadd.f32 v4, v17  }
0x288: {  	v11 =	vunpack.i.l.bf16.f32 v12;
	v8 =	vmul.f32 v8, v16;
	v6 =	vadd.f32 v6, v19;
	[tilespmem:s17+$0xC888] =	vst v3  }
0x289: {  	v11 =	vmul.f32 v11, v18;
	v9 =	vadd.f32 v9, v20;
	v3 =	vunpack.i.l.bf16.f32 v13;
	[tilespmem:s17+$0xC898] =	vst v4  }
0x28a: {  	v4 =	vunpack.i.l.bf16.f32 v21;
	[tilespmem:s17+$0xC8A8] =	vst v6;
	v3 =	vmul.f32 v3, v5;
	v5 =	vadd.f32 v8, v22  }
0x28b: {  	v6 =	vunpack.i.u.bf16.f32 v13;
	[tilespmem:s17+$0xC8B8] =	vst v9;
	v4 =	vmul.f32 v4, v7;
	v7 =	vadd.f32 v11, v23  }
0x28c: {  	v47 =	vld [tilespmem:s17+$0x4948];
	v3 =	vadd.f32 v3, v6;
	v6 =	vunpack.i.u.bf16.f32 v21;
	[tilespmem:s17+$0xC8C8] =	vst v5  }
0x28d: {  	v50 =	vld [tilespmem:s17+$0x4958];
	[tilespmem:s17+$0xC8D8] =	vst v7;
	v4 =	vadd.f32 v4, v6  }
0x28e: {  	v15 =	vld [tilespmem:s17+$0x4938];
	[tilespmem:s17+$0xC8E8] =	vst v3  }
0x28f: {  	s29 =	spop (v2sf);
	v3 =	vld [tilespmem:s17+$0x4908];
	[tilespmem:s17+$0xC8F8] =	vst v4  }
0x290: {  	v5 =	vld [tilespmem:s29+$0x408]  }
0x291: {  	v7 =	vld [tilespmem:s29+$0x418]  }
0x292: {  	v8 =	vld [tilespmem:s29+$0x428]  }
0x293: {  	v9 =	vld [tilespmem:s29+$0x438]  }
0x294: {  	v11 =	vld [tilespmem:s29+$0x448]  }
0x295: {  	(v2sf) =	vpush v2, $0x2;
	v4 =	vld [tilespmem:s17+$0x4918]  }
0x296: {  	v6 =	vld [tilespmem:s17+$0x4928]  }
0x297: {  	v12 =	vld [tilespmem:s29+$0x458];
	v14 =	vunpack.i.u.bf16.f32 v5;
	v48 =	vunpack.i.u.bf16.f32 v7;
	v49 =	vunpack.i.u.bf16.f32 v8  }
0x298: {  	v13 =	vld [tilespmem:s29+$0x468];
	v5 =	vunpack.i.l.bf16.f32 v5;
	v51 =	vunpack.i.u.bf16.f32 v9;
	v7 =	vunpack.i.l.bf16.f32 v7  }
0x299: {  	v52 =	vunpack.i.u.bf16.f32 v11;
	v8 =	vunpack.i.l.bf16.f32 v8;
	v3 =	vmul.f32 v5, v3;
	v5 =	vld [tilespmem:s17+$0x4968]  }
0x29a: {  	v9 =	vunpack.i.l.bf16.f32 v9;
	v11 =	vunpack.i.l.bf16.f32 v11;
	v4 =	vmul.f32 v7, v4;
	v7 =	vld [tilespmem:s29+$0x478]  }
0x29b: {  	v6 =	vmul.f32 v8, v6;
	v8 =	vld [tilespmem:s17+$0x4978];
	v9 =	vmul.f32 v9, v15;
	v3 =	vadd.f32 v3, v14  }
0x29c: {  	v11 =	vmul.f32 v11, v47;
	v4 =	vadd.f32 v4, v48  }
0x29d: {  	v14 =	vunpack.i.l.bf16.f32 v12;
	v6 =	vadd.f32 v6, v49;
	v9 =	vadd.f32 v9, v51;
	[tilespmem:s17+$0xC908] =	vst v3  }
0x29e: {  	v14 =	vmul.f32 v14, v50;
	v3 =	vunpack.i.l.bf16.f32 v13;
	[tilespmem:s17+$0xC918] =	vst v4;
	v4 =	vunpack.i.u.bf16.f32 v12  }
0x29f: {  	[tilespmem:s17+$0xC928] =	vst v6;
	v3 =	vmul.f32 v3, v5;
	v5 =	vadd.f32 v11, v52;
	v11 =	vunpack.i.l.bf16.f32 v7  }
0x2a0: {  	v6 =	vunpack.i.u.bf16.f32 v13;
	[tilespmem:s17+$0xC938] =	vst v9;
	v4 =	vadd.f32 v14, v4;
	v8 =	vmul.f32 v11, v8  }
0x2a1: {  	v3 =	vadd.f32 v3, v6;
	[tilespmem:s17+$0xC948] =	vst v5;
	v5 =	vunpack.i.u.bf16.f32 v7  }
0x2a2: {  	[tilespmem:s17+$0xC958] =	vst v4;
	v6 =	vld [tilespmem:s17+$0x49B8];
	v4 =	vadd.f32 v8, v5  }
0x2a3: {  	v7 =	vld [tilespmem:s17+$0x49C8];
	[tilespmem:s17+$0xC968] =	vst v3  }
0x2a4: {  	s21 =	spop (v2sf);
	v3 =	vld [tilespmem:s17+$0x4988];
	[tilespmem:s17+$0xC978] =	vst v4  }
0x2a5: {  	v11 =	vld [tilespmem:s21+$0x408]  }
0x2a6: {  	v4 =	vld [tilespmem:s17+$0x4998]  }
0x2a7: {  	v12 =	vld [tilespmem:s21+$0x418]  }
0x2a8: {  	v13 =	vld [tilespmem:s21+$0x428]  }
0x2a9: {  	v5 =	vld [tilespmem:s17+$0x49A8]  }
0x2aa: {  	v14 =	vld [tilespmem:s21+$0x438];
	v54 =	vunpack.i.l.bf16.f32 v11  }
0x2ab: {  	(v2sf) =	vpush v2, $0x3;
	v15 =	vld [tilespmem:s21+$0x448];
	v3 =	vmul.f32 v54, v3  }
0x2ac: {  	v8 =	vld [tilespmem:s17+$0x49D8];
	v11 =	vunpack.i.u.bf16.f32 v11;
	v56 =	vunpack.i.l.bf16.f32 v12  }
0x2ad: {  	v53 =	vld [tilespmem:s21+$0x458];
	v59 =	vunpack.i.l.bf16.f32 v13;
	v4 =	vmul.f32 v56, v4;
	v11 =	vadd.f32 v3, v11  }
0x2ae: {  	v55 =	vld [tilespmem:s21+$0x468];
	v12 =	vunpack.i.u.bf16.f32 v12;
	v5 =	vmul.f32 v59, v5  }
0x2af: {  	v57 =	vld [tilespmem:s21+$0x478];
	v12 =	vadd.f32 v4, v12;
	[tilespmem:s17+$0xC988] =	vst v11;
	v11 =	vunpack.i.u.bf16.f32 v13;
	v13 =	vunpack.i.l.bf16.f32 v14  }
0x2b0: {  	v9 =	vld [tilespmem:s17+$0x49E8];
	v6 =	vmul.f32 v13, v6;
	v11 =	vadd.f32 v5, v11;
	v13 =	vunpack.i.l.bf16.f32 v15  }
0x2b1: {  	v58 =	vld [tilespmem:s17+$0x49F8];
	[tilespmem:s17+$0xC998] =	vst v12;
	v12 =	vunpack.i.u.bf16.f32 v14;
	v13 =	vmul.f32 v13, v7  }
0x2b2: {  	v6 =	vadd.f32 v6, v12;
	[tilespmem:s17+$0xC9A8] =	vst v11;
	v11 =	vunpack.i.u.bf16.f32 v15;
	v12 =	vunpack.i.l.bf16.f32 v53  }
0x2b3: {  	v8 =	vmul.f32 v12, v8;
	v11 =	vadd.f32 v13, v11  }
0x2b4: {  	v12 =	vunpack.i.u.bf16.f32 v53;
	v13 =	vunpack.i.l.bf16.f32 v55  }
0x2b5: {  	v9 =	vmul.f32 v13, v9;
	v8 =	vadd.f32 v8, v12;
	[tilespmem:s17+$0xC9C8] =	vst v11;
	v11 =	vunpack.i.l.bf16.f32 v57  }
0x2b6: {  	v63 =	vld [tilespmem:s17+$0x4A48];
	v12 =	vunpack.i.u.bf16.f32 v55;
	v11 =	vmul.f32 v11, v58  }
0x2b7: {  	v13 =	vld [tilespmem:s17+$0x4A08];
	v9 =	vadd.f32 v9, v12;
	[tilespmem:s17+$0xC9D8] =	vst v8;
	v8 =	vunpack.i.u.bf16.f32 v57  }
0x2b8: {  	[tilespmem:s17+$0xC9B8] =	vst v6;
	v12 =	vld [tilespmem:s17+$0x4A18];
	v8 =	vadd.f32 v11, v8  }
0x2b9: {  	[tilespmem:s17+$0xC9E8] =	vst v9;
	v9 =	vld [tilespmem:s17+$0x4A28]  }
0x2ba: {  	s23 =	spop (v2sf);
	v11 =	vld [tilespmem:s17+$0x4A38];
	[tilespmem:s17+$0xC9F8] =	vst v8  }
0x2bb: {  	v8 =	vld [tilespmem:s23+$0x408]  }
0x2bc: {  	v14 =	vld [tilespmem:s23+$0x418]  }
0x2bd: {  	v15 =	vld [tilespmem:s23+$0x428]  }
0x2be: {  	v60 =	vld [tilespmem:s23+$0x438]  }
0x2bf: {  	(v2sf) =	vpush v2, $0x4;
	v61 =	vld [tilespmem:s23+$0x448]  }
0x2c0: {  	v28 =	vld [tilespmem:s17+$0x4A58];
	v30 =	vunpack.i.l.bf16.f32 v8;
	v8 =	vunpack.i.u.bf16.f32 v8  }
0x2c1: {  	v62 =	vld [tilespmem:s23+$0x458];
	v32 =	vunpack.i.u.bf16.f32 v14;
	v14 =	vunpack.i.l.bf16.f32 v14;
	v13 =	vmul.f32 v30, v13  }
0x2c2: {  	v29 =	vld [tilespmem:s17+$0x4A68];
	v12 =	vmul.f32 v14, v12;
	v14 =	vunpack.i.l.bf16.f32 v15;
	v15 =	vunpack.i.u.bf16.f32 v15  }
0x2c3: {  	v31 =	vld [tilespmem:s23+$0x468];
	v9 =	vmul.f32 v14, v9;
	v14 =	vunpack.i.l.bf16.f32 v60;
	v13 =	vadd.f32 v13, v8  }
0x2c4: {  	v24 =	vld [tilespmem:s23+$0x478];
	v12 =	vadd.f32 v12, v32;
	v11 =	vmul.f32 v14, v11;
	v14 =	vunpack.i.l.bf16.f32 v61  }
0x2c5: {  	v25 =	vld [tilespmem:s17+$0x4A78];
	v15 =	vadd.f32 v9, v15;
	v14 =	vmul.f32 v14, v63;
	[tilespmem:s17+$0xCA08] =	vst v13;
	v13 =	vunpack.i.u.bf16.f32 v60  }
0x2c6: {  	v33 =	vunpack.i.u.bf16.f32 v61;
	v34 =	vunpack.i.l.bf16.f32 v62;
	[tilespmem:s17+$0xCA18] =	vst v12;
	v11 =	vadd.f32 v11, v13  }
0x2c7: {  	v12 =	vmul.f32 v34, v28;
	[tilespmem:s17+$0xCA28] =	vst v15;
	v13 =	vadd.f32 v14, v33  }
0x2c8: {  	v14 =	vunpack.i.u.bf16.f32 v62;
	v15 =	vunpack.i.l.bf16.f32 v31;
	[tilespmem:s17+$0xCA38] =	vst v11  }
0x2c9: {  	v12 =	vadd.f32 v12, v14;
	v11 =	vmul.f32 v15, v29;
	[tilespmem:s17+$0xCA48] =	vst v13;
	v13 =	vunpack.i.l.bf16.f32 v24  }
0x2ca: {  	v40 =	vld [tilespmem:s17+$0x4AC8];
	v14 =	vunpack.i.u.bf16.f32 v31;
	v13 =	vmul.f32 v13, v25  }
0x2cb: {  	v15 =	vld [tilespmem:s17+$0x4A88];
	[tilespmem:s17+$0xCA58] =	vst v12;
	v12 =	vunpack.i.u.bf16.f32 v24;
	v11 =	vadd.f32 v11, v14  }
0x2cc: {  	v14 =	vld [tilespmem:s17+$0x4A98];
	v12 =	vadd.f32 v13, v12  }
0x2cd: {  	[tilespmem:s17+$0xCA68] =	vst v11;
	v11 =	vld [tilespmem:s17+$0x4AA8]  }
0x2ce: {  	s26 =	spop (v2sf);
	[tilespmem:s17+$0xCA78] =	vst v12;
	v12 =	vld [tilespmem:s17+$0x4AB8]  }
0x2cf: {  	v13 =	vld [tilespmem:s26+$0x408]  }
0x2d0: {  	v35 =	vld [tilespmem:s26+$0x418]  }
0x2d1: {  	v36 =	vld [tilespmem:s26+$0x428]  }
0x2d2: {  	v37 =	vld [tilespmem:s26+$0x438]  }
0x2d3: {  	(v2sf) =	vpush v2, $0x5;
	v38 =	vld [tilespmem:s26+$0x448]  }
0x2d4: {  	v41 =	vld [tilespmem:s17+$0x4AD8];
	v42 =	vunpack.i.u.bf16.f32 v13;
	v13 =	vunpack.i.l.bf16.f32 v13  }
0x2d5: {  	v39 =	vld [tilespmem:s26+$0x458];
	v43 =	vunpack.i.u.bf16.f32 v35;
	v13 =	vmul.f32 v13, v15;
	v15 =	vunpack.i.l.bf16.f32 v35  }
0x2d6: {  	v44 =	vld [tilespmem:s17+$0x4AE8];
	v45 =	vunpack.i.u.bf16.f32 v36;
	v14 =	vmul.f32 v15, v14;
	v15 =	vunpack.i.l.bf16.f32 v36  }
0x2d7: {  	v26 =	vld [tilespmem:s26+$0x468];
	v13 =	vadd.f32 v13, v42;
	v11 =	vmul.f32 v15, v11;
	v15 =	vunpack.i.l.bf16.f32 v37  }
0x2d8: {  	v46 =	vld [tilespmem:s26+$0x478];
	v14 =	vadd.f32 v14, v43;
	v12 =	vmul.f32 v15, v12;
	v15 =	vunpack.i.l.bf16.f32 v38  }
0x2d9: {  	v47 =	vld [tilespmem:s17+$0x4AF8];
	v18 =	vunpack.i.u.bf16.f32 v37;
	[tilespmem:s17+$0xCA88] =	vst v13;
	v11 =	vadd.f32 v11, v45;
	v13 =	vmul.f32 v15, v40  }
0x2da: {  	v48 =	vunpack.i.l.bf16.f32 v39;
	v15 =	vunpack.i.u.bf16.f32 v38;
	[tilespmem:s17+$0xCA98] =	vst v14;
	v12 =	vadd.f32 v12, v18  }
0x2db: {  	v14 =	vmul.f32 v48, v41;
	[tilespmem:s17+$0xCAA8] =	vst v11;
	v11 =	vadd.f32 v13, v15  }
0x2dc: {  	v54 =	vld [tilespmem:s17+$0x4B48];
	v13 =	vunpack.i.u.bf16.f32 v39;
	v15 =	vunpack.i.l.bf16.f32 v26;
	[tilespmem:s17+$0xCAB8] =	vst v12  }
0x2dd: {  	v3 =	vld [tilespmem:s17+$0x5008];
	v12 =	vmul.f32 v15, v44;
	v13 =	vadd.f32 v14, v13;
	[tilespmem:s17+$0xCAC8] =	vst v11;
	v11 =	vunpack.i.l.bf16.f32 v46  }
0x2de: {  	v4 =	vld [tilespmem:s17+$0x5018];
	v14 =	vunpack.i.u.bf16.f32 v26;
	v11 =	vmul.f32 v11, v47  }
0x2df: {  	v15 =	vld [tilespmem:s17+$0x4B08];
	v12 =	vadd.f32 v12, v14;
	[tilespmem:s17+$0xCAD8] =	vst v13;
	v13 =	vunpack.i.u.bf16.f32 v46  }
0x2e0: {  	v14 =	vld [tilespmem:s17+$0x4B18];
	v11 =	vadd.f32 v11, v13  }
0x2e1: {  	[tilespmem:s17+$0xCAE8] =	vst v12;
	v12 =	vld [tilespmem:s17+$0x4B28]  }
0x2e2: {  	s29 =	spop (v2sf);
	[tilespmem:s17+$0xCAF8] =	vst v11;
	v11 =	vld [tilespmem:s17+$0x4B38]  }
0x2e3: {  	v13 =	vld [tilespmem:s29+$0x408]  }
0x2e4: {  	v49 =	vld [tilespmem:s29+$0x418]  }
0x2e5: {  	v50 =	vld [tilespmem:s29+$0x428]  }
0x2e6: {  	v51 =	vld [tilespmem:s29+$0x438]  }
0x2e7: {  	(v2sf) =	vpush v2, $0x6;
	v52 =	vld [tilespmem:s29+$0x448]  }
0x2e8: {  	v55 =	vld [tilespmem:s17+$0x4B58];
	v56 =	vunpack.i.u.bf16.f32 v13;
	v13 =	vunpack.i.l.bf16.f32 v13  }
0x2e9: {  	v58 =	vld [tilespmem:s17+$0x4B68];
	v57 =	vunpack.i.u.bf16.f32 v49;
	v13 =	vmul.f32 v13, v15;
	v15 =	vunpack.i.l.bf16.f32 v49  }
0x2ea: {  	v53 =	vld [tilespmem:s29+$0x458];
	v59 =	vunpack.i.u.bf16.f32 v50;
	v14 =	vmul.f32 v15, v14;
	v15 =	vunpack.i.l.bf16.f32 v50  }
0x2eb: {  	v60 =	vld [tilespmem:s29+$0x468];
	v13 =	vadd.f32 v13, v56;
	v12 =	vmul.f32 v15, v12;
	v15 =	vunpack.i.l.bf16.f32 v51  }
0x2ec: {  	v61 =	vld [tilespmem:s29+$0x478];
	v14 =	vadd.f32 v14, v57;
	v11 =	vmul.f32 v15, v11;
	v15 =	vunpack.i.l.bf16.f32 v52  }
0x2ed: {  	v62 =	vld [tilespmem:s17+$0x4B78];
	v18 =	vunpack.i.u.bf16.f32 v51;
	[tilespmem:s17+$0xCB08] =	vst v13;
	v12 =	vadd.f32 v12, v59;
	v13 =	vmul.f32 v15, v54  }
0x2ee: {  	v5 =	vld [tilespmem:s17+$0x5028];
	v15 =	vunpack.i.u.bf16.f32 v52;
	[tilespmem:s17+$0xCB18] =	vst v14;
	v11 =	vadd.f32 v11, v18  }
0x2ef: {  	v7 =	vld [tilespmem:s17+$0x5038];
	v63 =	vunpack.i.l.bf16.f32 v53;
	[tilespmem:s17+$0xCB28] =	vst v12;
	v12 =	vadd.f32 v13, v15  }
0x2f0: {  	v6 =	vld [tilespmem:s17+$0x5048];
	v14 =	vmul.f32 v63, v55;
	v15 =	vunpack.i.l.bf16.f32 v60;
	[tilespmem:s17+$0xCB38] =	vst v11  }
0x2f1: {  	v8 =	vld [tilespmem:s17+$0x5058];
	v13 =	vunpack.i.u.bf16.f32 v53;
	v11 =	vmul.f32 v15, v58;
	[tilespmem:s17+$0xCB48] =	vst v12;
	v12 =	vunpack.i.l.bf16.f32 v61  }
0x2f2: {  	v9 =	vld [tilespmem:s17+$0x5068];
	v14 =	vadd.f32 v14, v13;
	v15 =	vunpack.i.u.bf16.f32 v60;
	v12 =	vmul.f32 v12, v62  }
0x2f3: {  	v13 =	vld [tilespmem:s17+$0x4B88];
	v11 =	vadd.f32 v11, v15;
	v15 =	vunpack.i.u.bf16.f32 v61  }
0x2f4: {  	[tilespmem:s17+$0xCB58] =	vst v14;
	v14 =	vld [tilespmem:s17+$0x4B98];
	v15 =	vadd.f32 v12, v15  }
0x2f5: {  	[tilespmem:s17+$0xCB68] =	vst v11;
	v12 =	vld [tilespmem:s17+$0x4BA8]  }
0x2f6: {  	s22 =	sadd.s32 $0x1, s22;
	s23 =	simm.s32 $0x1;
	s20 =	spop (v2sf);
	v11 =	vld [tilespmem:s17+$0x4BB8];
	[tilespmem:s17+$0xCB78] =	vst v15  }
.LBB2_12:
0x2f7: {  	p4 =	sne.s32 s23, $0x7;
	v15 =	vld [tilespmem:s20+$0x408]  }
0x2f8: {  	v16 =	vld [tilespmem:s20+$0x418]  }
0x2f9: {  	v17 =	vld [tilespmem:s20+$0x428]  }
0x2fa: {  	v18 =	vld [tilespmem:s20+$0x438]  }
0x2fb: {  	v19 =	vld [tilespmem:s20+$0x448]  }
0x2fc: {  	v20 =	vld [tilespmem:s20+$0x458];
	(v2sf) =	vpush v2, $0x7  }
0x2fd: {  	v21 =	vld [tilespmem:s17+$0x4BC8]  }
0x2fe: {  	v23 =	vunpack.i.u.bf16.f32 v15;
	v24 =	vunpack.i.u.bf16.f32 v16;
	v22 =	vld [tilespmem:s17+$0x4BD8]  }
0x2ff: {  	v15 =	vunpack.i.l.bf16.f32 v15;
	v26 =	vunpack.i.u.bf16.f32 v17;
	v25 =	vld [tilespmem:s17+$0x4BE8];
	v27 =	vunpack.i.u.bf16.f32 v18  }
0x300: {  	v13 =	vmul.f32 v15, v13;
	v15 =	vunpack.i.l.bf16.f32 v16;
	v28 =	vld [tilespmem:s20+$0x468];
	v16 =	vunpack.i.u.bf16.f32 v19  }
0x301: {  	v14 =	vmul.f32 v15, v14;
	v15 =	vunpack.i.l.bf16.f32 v17;
	v29 =	vld [tilespmem:s20+$0x478];
	v17 =	vunpack.i.u.bf16.f32 v20  }
0x302: {  	v13 =	vadd.f32 v13, v23;
	v12 =	vmul.f32 v15, v12;
	v15 =	vunpack.i.l.bf16.f32 v18;
	v30 =	vld [tilespmem:s17+$0x4BF8]  }
0x303: {  	v14 =	vadd.f32 v14, v24;
	v11 =	vmul.f32 v15, v11;
	v15 =	vunpack.i.l.bf16.f32 v19  }
0x304: {  	v12 =	vadd.f32 v12, v26;
	[tilespmem:s17+$0xCB88] =	vst v13;
	v13 =	vmul.f32 v15, v21;
	v15 =	vunpack.i.l.bf16.f32 v20  }
0x305: {  	v11 =	vadd.f32 v11, v27;
	[tilespmem:s17+$0xCB98] =	vst v14;
	v14 =	vmul.f32 v15, v22;
	v15 =	vunpack.i.l.bf16.f32 v28  }
0x306: {  	s26 =	sshll.u32 s23, $0x4;
	[tilespmem:s17+$0xCBA8] =	vst v12;
	v12 =	vadd.f32 v13, v16;
	v13 =	vmul.f32 v15, v25;
	v15 =	vunpack.i.l.bf16.f32 v29  }
0x307: {  	v20 =	vld.idx.msk [tilespmem:v10+s26+$0x4488 ss:$0x1], $0xffff;
	[tilespmem:s17+$0xCBB8] =	vst v11;
	v11 =	vadd.f32 v14, v17;
	v14 =	vunpack.i.u.bf16.f32 v28;
	v15 =	vmul.f32 v15, v30  }
0x308: {  	[tilespmem:s17+$0xCBC8] =	vst v12;
	v12 =	vadd.f32 v13, v14;
	v13 =	vunpack.i.u.bf16.f32 v29;
	v14 =	vld [tilespmem:s17+$0x4C08]  }
0x309: {  	[tilespmem:s17+$0xCBD8] =	vst v11;
	v11 =	vadd.f32 v15, v13;
	v13 =	vld [tilespmem:s17+$0x4C18]  }
0x30a: {  	[tilespmem:s17+$0xCBE8] =	vst v12;
	v12 =	vld [tilespmem:s17+$0x4C28]  }
0x30b: {  	[tilespmem:s17+$0xCBF8] =	vst v11;
	v11 =	vld [tilespmem:s17+$0x4C38];
	s20 =	spop (v2sf)  }
0x30c: {  	v15 =	vld [tilespmem:s20+$0x408]  }
0x30d: {  	v16 =	vld [tilespmem:s20+$0x418]  }
0x30e: {  	v17 =	vld [tilespmem:s20+$0x428]  }
0x30f: {  	v18 =	vld [tilespmem:s20+$0x438]  }
0x310: {  	v19 =	vld [tilespmem:s20+$0x448]  }
0x311: {  	v21 =	vld [tilespmem:s20+$0x458];
	(v2sf) =	vpush v2, $0x8  }
0x312: {  	v22 =	vld [tilespmem:s17+$0x4C48]  }
0x313: {  	v24 =	vunpack.i.u.bf16.f32 v15;
	v25 =	vunpack.i.u.bf16.f32 v16;
	v23 =	vld [tilespmem:s17+$0x4C58]  }
0x314: {  	v15 =	vunpack.i.l.bf16.f32 v15;
	v27 =	vunpack.i.u.bf16.f32 v17;
	v26 =	vld [tilespmem:s17+$0x4C68];
	v28 =	vunpack.i.u.bf16.f32 v18  }
0x315: {  	v14 =	vmul.f32 v15, v14;
	v15 =	vunpack.i.l.bf16.f32 v16;
	v29 =	vld [tilespmem:s20+$0x468];
	v16 =	vunpack.i.u.bf16.f32 v19  }
0x316: {  	v13 =	vmul.f32 v15, v13;
	v15 =	vunpack.i.l.bf16.f32 v17;
	v30 =	vld [tilespmem:s20+$0x478];
	v17 =	vunpack.i.u.bf16.f32 v21  }
0x317: {  	v14 =	vadd.f32 v14, v24;
	v12 =	vmul.f32 v15, v12;
	v15 =	vunpack.i.l.bf16.f32 v18;
	v31 =	vld [tilespmem:s17+$0x4C78]  }
0x318: {  	v13 =	vadd.f32 v13, v25;
	v15 =	vmul.f32 v15, v11;
	v11 =	vunpack.i.l.bf16.f32 v19;
	v24 =	vld.idx.msk [tilespmem:v20+s31+$0x0], $0xffff  }
0x319: {  	v12 =	vadd.f32 v12, v27;
	v18 =	vunpack.i.l.bf16.f32 v21;
	[tilespmem:s17+$0xCC08] =	vst v14;
	v14 =	vmul.f32 v11, v22;
	v11 =	vld [tilespmem:s17+$0x5078]  }
0x31a: {  	v15 =	vadd.f32 v15, v28;
	v18 =	vmul.f32 v18, v23;
	[tilespmem:s17+$0xCC18] =	vst v13;
	v19 =	vunpack.i.l.bf16.f32 v29;
	v13 =	vld [tilespmem:s17+$0x4F88]  }
0x31b: {  	[tilespmem:s17+$0xCC28] =	vst v12;
	v16 =	vadd.f32 v14, v16;
	v19 =	vmul.f32 v19, v26;
	v12 =	vunpack.i.l.bf16.f32 v30;
	v14 =	vld [tilespmem:s17+$0x4F98]  }
0x31c: {  	[tilespmem:s17+$0xCC38] =	vst v15;
	v15 =	vadd.f32 v18, v17;
	v17 =	vunpack.i.u.bf16.f32 v29;
	v18 =	vmul.f32 v12, v31;
	v12 =	vld [tilespmem:s17+$0x4FA8]  }
0x31d: {  	[tilespmem:s17+$0xCC48] =	vst v16;
	v16 =	vadd.f32 v19, v17;
	v17 =	vunpack.i.u.bf16.f32 v30;
	v19 =	vld [tilespmem:s17+$0x4C88]  }
0x31e: {  	[tilespmem:s17+$0xCC58] =	vst v15;
	v15 =	vadd.f32 v18, v17;
	v17 =	vld [tilespmem:s17+$0x4C98]  }
0x31f: {  	[tilespmem:s17+$0xCC68] =	vst v16;
	v16 =	vld [tilespmem:s17+$0x4CA8]  }
0x320: {  	[tilespmem:s17+$0xCC78] =	vst v15;
	v15 =	vld [tilespmem:s17+$0x4CB8];
	s20 =	spop (v2sf)  }
0x321: {  	v18 =	vld [tilespmem:s20+$0x408]  }
0x322: {  	v21 =	vld [tilespmem:s20+$0x418]  }
0x323: {  	v22 =	vld [tilespmem:s20+$0x428]  }
0x324: {  	v23 =	vld [tilespmem:s20+$0x438]  }
0x325: {  	v25 =	vld [tilespmem:s20+$0x448]  }
0x326: {  	v26 =	vld [tilespmem:s20+$0x458];
	(v2sf) =	vpush v2, $0x9  }
0x327: {  	v27 =	vld [tilespmem:s17+$0x4CC8]  }
0x328: {  	v29 =	vunpack.i.u.bf16.f32 v18;
	v30 =	vunpack.i.u.bf16.f32 v21;
	v28 =	vld [tilespmem:s17+$0x4CD8]  }
0x329: {  	v18 =	vunpack.i.l.bf16.f32 v18;
	v32 =	vunpack.i.u.bf16.f32 v22;
	v31 =	vld [tilespmem:s17+$0x4CE8];
	v33 =	vunpack.i.u.bf16.f32 v23  }
0x32a: {  	v18 =	vmul.f32 v18, v19;
	v19 =	vunpack.i.l.bf16.f32 v21;
	v34 =	vld [tilespmem:s20+$0x468];
	v21 =	vunpack.i.u.bf16.f32 v25  }
0x32b: {  	v17 =	vmul.f32 v19, v17;
	v19 =	vunpack.i.l.bf16.f32 v22;
	v35 =	vld [tilespmem:s20+$0x478];
	v22 =	vunpack.i.u.bf16.f32 v26  }
0x32c: {  	v18 =	vadd.f32 v18, v29;
	v16 =	vmul.f32 v19, v16;
	v19 =	vunpack.i.l.bf16.f32 v23;
	v36 =	vld [tilespmem:s17+$0x4CF8]  }
0x32d: {  	v17 =	vadd.f32 v17, v30;
	v19 =	vmul.f32 v19, v15;
	v23 =	vunpack.i.l.bf16.f32 v25;
	v15 =	vld [tilespmem:s17+$0x4FB8]  }
0x32e: {  	v25 =	vunpack.i.l.bf16.f32 v26;
	v23 =	vmul.f32 v23, v27;
	[tilespmem:s17+$0xCC88] =	vst v18;
	v18 =	vadd.f32 v16, v32;
	v16 =	vld [tilespmem:s17+$0x4FC8]  }
0x32f: {  	v19 =	vadd.f32 v19, v33;
	v25 =	vmul.f32 v25, v28;
	[tilespmem:s17+$0xCC98] =	vst v17;
	v26 =	vunpack.i.l.bf16.f32 v34;
	v17 =	vld [tilespmem:s17+$0x4F08]  }
0x330: {  	v21 =	vadd.f32 v23, v21;
	[tilespmem:s17+$0xCCA8] =	vst v18;
	v23 =	vmul.f32 v26, v31;
	v26 =	vunpack.i.l.bf16.f32 v35;
	v18 =	vld [tilespmem:s17+$0x4F18]  }
0x331: {  	v22 =	vadd.f32 v25, v22;
	v25 =	vunpack.i.u.bf16.f32 v34;
	[tilespmem:s17+$0xCCB8] =	vst v19;
	v26 =	vmul.f32 v26, v36;
	v19 =	vld [tilespmem:s17+$0x4E88]  }
0x332: {  	[tilespmem:s17+$0xCCC8] =	vst v21;
	v21 =	vadd.f32 v23, v25;
	v23 =	vunpack.i.u.bf16.f32 v35;
	v25 =	vld [tilespmem:s17+$0x4D08]  }
0x333: {  	[tilespmem:s17+$0xCCD8] =	vst v22;
	v22 =	vadd.f32 v26, v23;
	v23 =	vld [tilespmem:s17+$0x4D18]  }
0x334: {  	[tilespmem:s17+$0xCCE8] =	vst v21;
	v21 =	vld [tilespmem:s17+$0x4D28]  }
0x335: {  	[tilespmem:s17+$0xCCF8] =	vst v22;
	v22 =	vld [tilespmem:s17+$0x4D38];
	s20 =	spop (v2sf)  }
0x336: {  	v26 =	vld [tilespmem:s20+$0x408]  }
0x337: {  	v27 =	vld [tilespmem:s20+$0x418]  }
0x338: {  	v28 =	vld [tilespmem:s20+$0x428]  }
0x339: {  	v29 =	vld [tilespmem:s20+$0x438]  }
0x33a: {  	v30 =	vld [tilespmem:s20+$0x448]  }
0x33b: {  	v31 =	vld [tilespmem:s20+$0x458];
	(v2sf) =	vpush v2, $0xA  }
0x33c: {  	v32 =	vld [tilespmem:s17+$0x4D48]  }
0x33d: {  	v34 =	vunpack.i.u.bf16.f32 v26;
	v35 =	vunpack.i.u.bf16.f32 v27;
	v33 =	vld [tilespmem:s17+$0x4D58]  }
0x33e: {  	v26 =	vunpack.i.l.bf16.f32 v26;
	v37 =	vunpack.i.u.bf16.f32 v28;
	v36 =	vld [tilespmem:s17+$0x4D68];
	v38 =	vunpack.i.u.bf16.f32 v29  }
0x33f: {  	v25 =	vmul.f32 v26, v25;
	v26 =	vunpack.i.l.bf16.f32 v27;
	v39 =	vld [tilespmem:s20+$0x468];
	v27 =	vunpack.i.u.bf16.f32 v30  }
0x340: {  	v23 =	vmul.f32 v26, v23;
	v26 =	vunpack.i.l.bf16.f32 v28;
	v40 =	vld [tilespmem:s20+$0x478];
	v28 =	vunpack.i.u.bf16.f32 v31  }
0x341: {  	v25 =	vadd.f32 v25, v34;
	v21 =	vmul.f32 v26, v21;
	v26 =	vunpack.i.l.bf16.f32 v29;
	v41 =	vld [tilespmem:s17+$0x4D78]  }
0x342: {  	v23 =	vadd.f32 v23, v35;
	v26 =	vmul.f32 v26, v22;
	v29 =	vunpack.i.l.bf16.f32 v30;
	v22 =	vld [tilespmem:s17+$0x4E98]  }
0x343: {  	v30 =	vunpack.i.l.bf16.f32 v31;
	v29 =	vmul.f32 v29, v32;
	[tilespmem:s17+$0xCD08] =	vst v25;
	v25 =	vadd.f32 v21, v37;
	v21 =	vld [tilespmem:s17+$0x4EA8]  }
0x344: {  	v26 =	vadd.f32 v26, v38;
	v30 =	vmul.f32 v30, v33;
	[tilespmem:s17+$0xCD18] =	vst v23;
	v31 =	vunpack.i.l.bf16.f32 v39;
	v23 =	vld [tilespmem:s17+$0x4EB8]  }
0x345: {  	v27 =	vadd.f32 v29, v27;
	[tilespmem:s17+$0xCD28] =	vst v25;
	v29 =	vmul.f32 v31, v36;
	v31 =	vunpack.i.l.bf16.f32 v40;
	v25 =	vld [tilespmem:s17+$0x4E08]  }
0x346: {  	v28 =	vadd.f32 v30, v28;
	v30 =	vunpack.i.u.bf16.f32 v39;
	[tilespmem:s17+$0xCD38] =	vst v26;
	v31 =	vmul.f32 v31, v41;
	v26 =	vld [tilespmem:s17+$0x4E18]  }
0x347: {  	[tilespmem:s17+$0xCD48] =	vst v27;
	v27 =	vadd.f32 v29, v30;
	v29 =	vunpack.i.u.bf16.f32 v40;
	v30 =	vld [tilespmem:s17+$0x4D88]  }
0x348: {  	[tilespmem:s17+$0xCD58] =	vst v28;
	v28 =	vadd.f32 v31, v29;
	v29 =	vld [tilespmem:s17+$0x4D98]  }
0x349: {  	[tilespmem:s17+$0xCD68] =	vst v27;
	v27 =	vld [tilespmem:s17+$0x4DA8]  }
0x34a: {  	[tilespmem:s17+$0xCD78] =	vst v28;
	v28 =	vld [tilespmem:s17+$0x4DB8];
	s20 =	spop (v2sf)  }
0x34b: {  	v31 =	vld [tilespmem:s20+$0x408]  }
0x34c: {  	v32 =	vld [tilespmem:s20+$0x418]  }
0x34d: {  	v20 =	vshll.u32 v20, $0x9;
	v33 =	vld [tilespmem:s20+$0x428]  }
0x34e: {  	v20 =	vshra.s32 v20, $0x2;
	v34 =	vld [tilespmem:s20+$0x438]  }
0x34f: {  	(v2sf) =	vpush v20, $0x0;
	v35 =	vld [tilespmem:s20+$0x448]  }
0x350: {  	v36 =	vld [tilespmem:s20+$0x458];
	(v2sf) =	vpush v2, $0xB  }
0x351: {  	v37 =	vld [tilespmem:s17+$0x4DC8]  }
0x352: {  	v39 =	vunpack.i.u.bf16.f32 v31;
	v40 =	vunpack.i.u.bf16.f32 v32;
	v38 =	vld [tilespmem:s17+$0x4DD8]  }
0x353: {  	v31 =	vunpack.i.l.bf16.f32 v31;
	v42 =	vunpack.i.u.bf16.f32 v33;
	v41 =	vld [tilespmem:s17+$0x4DE8];
	v43 =	vunpack.i.u.bf16.f32 v34  }
0x354: {  	v30 =	vmul.f32 v31, v30;
	v31 =	vunpack.i.l.bf16.f32 v32;
	v44 =	vld [tilespmem:s20+$0x468];
	v32 =	vunpack.i.u.bf16.f32 v35  }
0x355: {  	v29 =	vmul.f32 v31, v29;
	v31 =	vunpack.i.l.bf16.f32 v33;
	v45 =	vld [tilespmem:s20+$0x478];
	v33 =	vunpack.i.u.bf16.f32 v36  }
0x356: {  	v30 =	vadd.f32 v30, v39;
	v27 =	vmul.f32 v31, v27;
	v31 =	vunpack.i.l.bf16.f32 v34;
	v46 =	vld [tilespmem:s17+$0x4DF8]  }
0x357: {  	v28 =	vmul.f32 v31, v28;
	[tilespmem:v10+s26+$0x4688 ss:$0x1] =	vst.idx.msk $0xffff, v24;
	v24 =	vadd.f32 v29, v40;
	v29 =	vunpack.i.l.bf16.f32 v35;
	v31 =	vld [tilespmem:s17+$0x4E28]  }
0x358: {  	v27 =	vadd.f32 v27, v42;
	[tilespmem:s17+$0xCD88] =	vst v30;
	v29 =	vmul.f32 v29, v37;
	v30 =	vunpack.i.l.bf16.f32 v36;
	v34 =	vld [tilespmem:s17+$0x4E38]  }
0x359: {  	[tilespmem:s17+$0xCD98] =	vst v24;
	v24 =	vadd.f32 v28, v43;
	v28 =	vmul.f32 v30, v38;
	v30 =	vunpack.i.l.bf16.f32 v44;
	v35 =	vld [tilespmem:s17+$0x4E48]  }
0x35a: {  	[tilespmem:s17+$0xCDA8] =	vst v27;
	v27 =	vadd.f32 v29, v32;
	v29 =	vmul.f32 v30, v41;
	v30 =	vunpack.i.l.bf16.f32 v45;
	v32 =	vld [tilespmem:s17+$0x4E58]  }
0x35b: {  	s20 =	sshll.u32 s23, $0xB;
	[tilespmem:s17+$0xCDB8] =	vst v24;
	v24 =	vadd.f32 v28, v33;
	v28 =	vunpack.i.u.bf16.f32 v44;
	v30 =	vmul.f32 v30, v46;
	v33 =	vld [tilespmem:s17+$0x4E68]  }
0x35c: {  	s26 =	sor.u32 s16, s20;
	[tilespmem:s17+$0xCDC8] =	vst v27;
	v27 =	vadd.f32 v29, v28;
	v28 =	vunpack.i.u.bf16.f32 v45;
	v29 =	vld [tilespmem:s17+$0x4E78]  }
0x35d: {  	v36 =	vld [tilespmem:s26+$0x4888];
	[tilespmem:s17+$0xCDD8] =	vst v24;
	v24 =	vadd.f32 v30, v28  }
0x35e: {  	v28 =	vld [tilespmem:s26+$0x4898];
	s20 =	spop (v2sf);
	[tilespmem:s17+$0xCDE8] =	vst v27  }
0x35f: {  	v27 =	vld [tilespmem:s20+$0x408];
	[tilespmem:s17+$0xCDF8] =	vst v24;
	s29 =	spop (v2sf)  }
0x360: {  	v24 =	vld [tilespmem:s29+$0x408]  }
0x361: {  	v30 =	vld [tilespmem:s29+$0x418]  }
0x362: {  	v37 =	vld [tilespmem:s29+$0x428]  }
0x363: {  	v38 =	vld [tilespmem:s29+$0x438]  }
0x364: {  	v39 =	vld [tilespmem:s29+$0x448];
	(v2sf) =	vpush v2, $0xD  }
0x365: {  	v40 =	vld [tilespmem:s29+$0x458];
	(v2sf) =	vpush v2, $0xC  }
0x366: {  	v41 =	vld [tilespmem:s26+$0x48A8];
	(v2sf) =	vpush v20, $0x1  }
0x367: {  	v43 =	vunpack.i.u.bf16.f32 v27;
	v44 =	vunpack.i.u.bf16.f32 v24;
	v45 =	vunpack.i.u.bf16.f32 v30;
	v42 =	vld [tilespmem:s20+$0x418]  }
0x368: {  	v24 =	vunpack.i.l.bf16.f32 v24;
	v47 =	vunpack.i.u.bf16.f32 v37;
	v46 =	vld [tilespmem:s20+$0x428];
	v48 =	vunpack.i.u.bf16.f32 v38  }
0x369: {  	v24 =	vmul.f32 v24, v25;
	v25 =	vunpack.i.l.bf16.f32 v30;
	v49 =	vld [tilespmem:s29+$0x468];
	v30 =	vunpack.i.u.bf16.f32 v39  }
0x36a: {  	v25 =	vmul.f32 v25, v26;
	v26 =	vunpack.i.l.bf16.f32 v37;
	v50 =	vld [tilespmem:s29+$0x478];
	v37 =	vunpack.i.u.bf16.f32 v40  }
0x36b: {  	v24 =	vadd.f32 v24, v44;
	v26 =	vmul.f32 v26, v31;
	v31 =	vunpack.i.l.bf16.f32 v38;
	v51 =	vld [tilespmem:s20+$0x438]  }
0x36c: {  	v25 =	vadd.f32 v25, v45;
	v31 =	vmul.f32 v31, v34;
	v34 =	vunpack.i.l.bf16.f32 v39;
	v38 =	vld [tilespmem:s20+$0x448]  }
0x36d: {  	v39 =	vld [tilespmem:s20+$0x458];
	[tilespmem:s17+$0xCE08] =	vst v24;
	v24 =	vadd.f32 v26, v47;
	v26 =	vmul.f32 v34, v35;
	v34 =	vunpack.i.l.bf16.f32 v40  }
0x36e: {  	v35 =	vld [tilespmem:s20+$0x468];
	[tilespmem:s17+$0xCE18] =	vst v25;
	v25 =	vadd.f32 v31, v48;
	v31 =	vmul.f32 v34, v32;
	v32 =	vunpack.i.l.bf16.f32 v49  }
0x36f: {  	v34 =	vld [tilespmem:s26+$0x48B8];
	[tilespmem:s17+$0xCE28] =	vst v24;
	v24 =	vadd.f32 v26, v30;
	v26 =	vmul.f32 v32, v33;
	v30 =	vunpack.i.l.bf16.f32 v50  }
0x370: {  	v32 =	vld [tilespmem:s26+$0x48C8];
	[tilespmem:s17+$0xCE38] =	vst v25;
	v25 =	vadd.f32 v31, v37;
	v31 =	vunpack.i.u.bf16.f32 v49;
	v29 =	vmul.f32 v30, v29  }
0x371: {  	v33 =	vunpack.i.u.bf16.f32 v42;
	v30 =	vld [tilespmem:s26+$0x48D8];
	[tilespmem:s17+$0xCE48] =	vst v24;
	v24 =	vadd.f32 v26, v31;
	v26 =	vunpack.i.u.bf16.f32 v50  }
0x372: {  	v37 =	vunpack.i.u.bf16.f32 v46;
	v40 =	vunpack.i.u.bf16.f32 v51;
	v31 =	vld [tilespmem:s20+$0x478];
	[tilespmem:s17+$0xCE58] =	vst v25;
	v25 =	vadd.f32 v29, v26  }
0x373: {  	v29 =	vunpack.i.u.bf16.f32 v38;
	v44 =	vunpack.i.u.bf16.f32 v39;
	v26 =	vld [tilespmem:s26+$0x48E8];
	v45 =	vunpack.i.u.bf16.f32 v35;
	[tilespmem:s17+$0xCE68] =	vst v24;
	s20 =	spop (v2sf)  }
0x374: {  	v27 =	vunpack.i.l.bf16.f32 v27;
	v42 =	vunpack.i.l.bf16.f32 v42;
	v46 =	vunpack.i.l.bf16.f32 v46;
	v24 =	vld [tilespmem:s26+$0x48F8];
	[tilespmem:s17+$0xCE78] =	vst v25;
	s21 =	spop (v2sf)  }
0x375: {  	v38 =	vunpack.i.l.bf16.f32 v38;
	v39 =	vunpack.i.l.bf16.f32 v39;
	v25 =	vunpack.i.l.bf16.f32 v51;
	s29 =	spop (v2sf);
	v47 =	vld [tilespmem:s21+$0x408]  }
0x376: {  	v27 =	vmul.f32 v27, v36;
	v28 =	vmul.f32 v42, v28;
	v35 =	vunpack.i.l.bf16.f32 v35;
	v36 =	vld [tilespmem:s21+$0x418]  }
0x377: {  	v41 =	vmul.f32 v46, v41;
	v25 =	vmul.f32 v25, v34;
	v34 =	vunpack.i.l.bf16.f32 v31;
	v42 =	vld [tilespmem:s21+$0x428]  }
0x378: {  	v27 =	vadd.f32 v27, v43;
	v32 =	vmul.f32 v38, v32;
	v30 =	vmul.f32 v39, v30;
	v38 =	vld [tilespmem:s21+$0x438]  }
0x379: {  	v28 =	vadd.f32 v28, v33;
	v33 =	vadd.f32 v41, v37;
	v26 =	vmul.f32 v35, v26;
	v35 =	vld [tilespmem:s21+$0x448]  }
0x37a: {  	v25 =	vadd.f32 v25, v40;
	v24 =	vmul.f32 v34, v24;
	[tilespmem:s26+$0xC888] =	vst v27;
	v27 =	vadd.f32 v32, v29;
	v29 =	vld [tilespmem:s21+$0x458]  }
0x37b: {  	v26 =	vadd.f32 v26, v45;
	[tilespmem:s26+$0xC898] =	vst v28;
	v28 =	vadd.f32 v30, v44;
	v30 =	vunpack.i.u.bf16.f32 v31;
	v31 =	vld [tilespmem:s17+$0x4EC8]  }
0x37c: {  	v32 =	vunpack.i.u.bf16.f32 v47;
	[tilespmem:s26+$0xC8A8] =	vst v33;
	v24 =	vadd.f32 v24, v30;
	v30 =	vld [tilespmem:s17+$0x4ED8];
	v33 =	vunpack.i.u.bf16.f32 v36  }
0x37d: {  	v34 =	vunpack.i.l.bf16.f32 v47;
	v37 =	vunpack.i.u.bf16.f32 v42;
	[tilespmem:s26+$0xC8B8] =	vst v25;
	v25 =	vld [tilespmem:s17+$0x4EE8];
	v39 =	vunpack.i.u.bf16.f32 v38  }
0x37e: {  	v19 =	vmul.f32 v34, v19;
	v34 =	vunpack.i.l.bf16.f32 v36;
	[tilespmem:s26+$0xC8C8] =	vst v27;
	v27 =	vld [tilespmem:s21+$0x468];
	v36 =	vunpack.i.u.bf16.f32 v35  }
0x37f: {  	v22 =	vmul.f32 v34, v22;
	v34 =	vunpack.i.l.bf16.f32 v42;
	[tilespmem:s26+$0xC8D8] =	vst v28;
	v28 =	vld [tilespmem:s21+$0x478];
	v40 =	vunpack.i.u.bf16.f32 v29  }
0x380: {  	v19 =	vadd.f32 v19, v32;
	v21 =	vmul.f32 v34, v21;
	v32 =	vunpack.i.l.bf16.f32 v38;
	[tilespmem:s26+$0xC8E8] =	vst v26;
	v26 =	vld [tilespmem:s17+$0x4EF8]  }
0x381: {  	v22 =	vadd.f32 v22, v33;
	v23 =	vmul.f32 v32, v23;
	[tilespmem:s26+$0xC8F8] =	vst v24;
	v24 =	vunpack.i.l.bf16.f32 v35;
	v32 =	vld [tilespmem:s17+$0x4F28]  }
0x382: {  	[tilespmem:s17+$0xCE88] =	vst v19;
	v19 =	vadd.f32 v21, v37;
	v21 =	vmul.f32 v24, v31;
	v24 =	vunpack.i.l.bf16.f32 v29;
	v29 =	vld [tilespmem:s17+$0x4F38]  }
0x383: {  	[tilespmem:s17+$0xCE98] =	vst v22;
	v22 =	vadd.f32 v23, v39;
	v23 =	vmul.f32 v24, v30;
	v24 =	vunpack.i.l.bf16.f32 v27;
	v30 =	vld [tilespmem:s17+$0x4F48]  }
0x384: {  	[tilespmem:s17+$0xCEA8] =	vst v19;
	v19 =	vadd.f32 v21, v36;
	v21 =	vmul.f32 v24, v25;
	v24 =	vunpack.i.l.bf16.f32 v28;
	v25 =	vld [tilespmem:s17+$0x4F58]  }
0x385: {  	[tilespmem:s17+$0xCEB8] =	vst v22;
	v22 =	vadd.f32 v23, v40;
	v23 =	vunpack.i.u.bf16.f32 v27;
	v24 =	vmul.f32 v24, v26;
	v26 =	vld [tilespmem:s17+$0x4F68]  }
0x386: {  	[tilespmem:s17+$0xCEC8] =	vst v19;
	v19 =	vadd.f32 v21, v23;
	v21 =	vunpack.i.u.bf16.f32 v28;
	v23 =	vld [tilespmem:s17+$0x4F78]  }
0x387: {  	v27 =	vld [tilespmem:s26+$0x4908];
	[tilespmem:s17+$0xCED8] =	vst v22;
	v21 =	vadd.f32 v24, v21  }
0x388: {  	v22 =	vld [tilespmem:s26+$0x4918];
	[tilespmem:s17+$0xCEE8] =	vst v19  }
0x389: {  	v19 =	vld [tilespmem:s29+$0x408];
	[tilespmem:s17+$0xCEF8] =	vst v21  }
0x38a: {  	v21 =	vld [tilespmem:s20+$0x408]  }
0x38b: {  	v24 =	vld [tilespmem:s20+$0x418]  }
0x38c: {  	v28 =	vld [tilespmem:s20+$0x428]  }
0x38d: {  	v31 =	vld [tilespmem:s20+$0x438]  }
0x38e: {  	v33 =	vld [tilespmem:s20+$0x448];
	(v2sf) =	vpush v2, $0xF  }
0x38f: {  	v34 =	vld [tilespmem:s20+$0x458];
	(v2sf) =	vpush v2, $0xE;
	v2 =	vmov v20  }
0x390: {  	v20 =	vld [tilespmem:s26+$0x4928];
	(v2sf) =	vpush v2, $0x2  }
0x391: {  	v36 =	vunpack.i.u.bf16.f32 v19;
	v37 =	vunpack.i.u.bf16.f32 v21;
	v38 =	vunpack.i.u.bf16.f32 v24;
	v35 =	vld [tilespmem:s29+$0x418]  }
0x392: {  	v21 =	vunpack.i.l.bf16.f32 v21;
	v40 =	vunpack.i.u.bf16.f32 v28;
	v39 =	vld [tilespmem:s29+$0x428];
	v41 =	vunpack.i.u.bf16.f32 v31  }
0x393: {  	v17 =	vmul.f32 v21, v17;
	v21 =	vunpack.i.l.bf16.f32 v24;
	v42 =	vld [tilespmem:s20+$0x468];
	v24 =	vunpack.i.u.bf16.f32 v33  }
0x394: {  	v18 =	vmul.f32 v21, v18;
	v21 =	vunpack.i.l.bf16.f32 v28;
	v43 =	vld [tilespmem:s20+$0x478];
	v28 =	vunpack.i.u.bf16.f32 v34  }
0x395: {  	v17 =	vadd.f32 v17, v37;
	v21 =	vmul.f32 v21, v32;
	v31 =	vunpack.i.l.bf16.f32 v31;
	v44 =	vld [tilespmem:s29+$0x438]  }
0x396: {  	v18 =	vadd.f32 v18, v38;
	v29 =	vmul.f32 v31, v29;
	v31 =	vunpack.i.l.bf16.f32 v33;
	v32 =	vld [tilespmem:s29+$0x448]  }
0x397: {  	v33 =	vld [tilespmem:s29+$0x458];
	[tilespmem:s17+$0xCF08] =	vst v17;
	v17 =	vadd.f32 v21, v40;
	v21 =	vmul.f32 v31, v30;
	v30 =	vunpack.i.l.bf16.f32 v34  }
0x398: {  	v31 =	vld [tilespmem:s29+$0x468];
	[tilespmem:s17+$0xCF18] =	vst v18;
	v18 =	vadd.f32 v29, v41;
	v25 =	vmul.f32 v30, v25;
	v29 =	vunpack.i.l.bf16.f32 v42  }
0x399: {  	v30 =	vld [tilespmem:s26+$0x4938];
	[tilespmem:s17+$0xCF28] =	vst v17;
	v17 =	vadd.f32 v21, v24;
	v21 =	vmul.f32 v29, v26;
	v24 =	vunpack.i.l.bf16.f32 v43  }
0x39a: {  	v26 =	vld [tilespmem:s26+$0x4948];
	[tilespmem:s17+$0xCF38] =	vst v18;
	v18 =	vadd.f32 v25, v28;
	v25 =	vunpack.i.u.bf16.f32 v42;
	v23 =	vmul.f32 v24, v23  }
0x39b: {  	v28 =	vunpack.i.u.bf16.f32 v35;
	v24 =	vld [tilespmem:s26+$0x4958];
	[tilespmem:s17+$0xCF48] =	vst v17;
	v17 =	vadd.f32 v21, v25;
	v21 =	vunpack.i.u.bf16.f32 v43  }
0x39c: {  	v29 =	vunpack.i.u.bf16.f32 v39;
	v34 =	vunpack.i.u.bf16.f32 v44;
	v25 =	vld [tilespmem:s29+$0x478];
	[tilespmem:s17+$0xCF58] =	vst v18;
	v18 =	vadd.f32 v23, v21  }
0x39d: {  	v23 =	vunpack.i.u.bf16.f32 v32;
	v37 =	vunpack.i.u.bf16.f32 v33;
	v21 =	vld [tilespmem:s26+$0x4968];
	v38 =	vunpack.i.u.bf16.f32 v31;
	[tilespmem:s17+$0xCF68] =	vst v17;
	s20 =	spop (v2sf)  }
0x39e: {  	v19 =	vunpack.i.l.bf16.f32 v19;
	v39 =	vunpack.i.l.bf16.f32 v39;
	v35 =	vunpack.i.l.bf16.f32 v35;
	v17 =	vld [tilespmem:s26+$0x4978];
	[tilespmem:s17+$0xCF78] =	vst v18;
	s21 =	spop (v2sf)  }
0x39f: {  	v32 =	vunpack.i.l.bf16.f32 v32;
	v33 =	vunpack.i.l.bf16.f32 v33;
	v18 =	vunpack.i.l.bf16.f32 v44;
	s29 =	spop (v2sf);
	v40 =	vld [tilespmem:s21+$0x408]  }
0x3a0: {  	v19 =	vmul.f32 v19, v27;
	v22 =	vmul.f32 v35, v22;
	v27 =	vunpack.i.l.bf16.f32 v31;
	v31 =	vld [tilespmem:s21+$0x418]  }
0x3a1: {  	v20 =	vmul.f32 v39, v20;
	v18 =	vmul.f32 v18, v30;
	v30 =	vunpack.i.l.bf16.f32 v25;
	v35 =	vld [tilespmem:s21+$0x428]  }
0x3a2: {  	v19 =	vadd.f32 v19, v36;
	v26 =	vmul.f32 v32, v26;
	v24 =	vmul.f32 v33, v24;
	v32 =	vld [tilespmem:s21+$0x438]  }
0x3a3: {  	v20 =	vadd.f32 v20, v29;
	v22 =	vadd.f32 v22, v28;
	v21 =	vmul.f32 v27, v21;
	v27 =	vld [tilespmem:s21+$0x448]  }
0x3a4: {  	v18 =	vadd.f32 v18, v34;
	v17 =	vmul.f32 v30, v17;
	[tilespmem:s26+$0xC908] =	vst v19;
	v19 =	vadd.f32 v26, v23;
	v23 =	vld [tilespmem:s21+$0x458]  }
0x3a5: {  	v21 =	vadd.f32 v21, v38;
	[tilespmem:s26+$0xC918] =	vst v22;
	v22 =	vadd.f32 v24, v37;
	v24 =	vunpack.i.u.bf16.f32 v25;
	v25 =	vld [tilespmem:s17+$0x4FD8]  }
0x3a6: {  	v26 =	vunpack.i.u.bf16.f32 v31;
	[tilespmem:s26+$0xC928] =	vst v20;
	v17 =	vadd.f32 v17, v24;
	v20 =	vld [tilespmem:s17+$0x4FE8];
	v24 =	vunpack.i.u.bf16.f32 v40  }
0x3a7: {  	v28 =	vunpack.i.l.bf16.f32 v40;
	v29 =	vunpack.i.u.bf16.f32 v35;
	[tilespmem:s26+$0xC938] =	vst v18;
	v18 =	vld [tilespmem:s17+$0x4FF8];
	v30 =	vunpack.i.u.bf16.f32 v32  }
0x3a8: {  	v13 =	vmul.f32 v28, v13;
	v28 =	vunpack.i.l.bf16.f32 v31;
	[tilespmem:s26+$0xC948] =	vst v19;
	v19 =	vld [tilespmem:s21+$0x468];
	v31 =	vunpack.i.u.bf16.f32 v27  }
0x3a9: {  	v14 =	vmul.f32 v28, v14;
	v28 =	vunpack.i.l.bf16.f32 v35;
	[tilespmem:s26+$0xC958] =	vst v22;
	v22 =	vld [tilespmem:s21+$0x478];
	v33 =	vunpack.i.u.bf16.f32 v23  }
0x3aa: {  	v13 =	vadd.f32 v13, v24;
	v12 =	vmul.f32 v28, v12;
	v24 =	vunpack.i.l.bf16.f32 v32;
	[tilespmem:s26+$0xC968] =	vst v21;
	v21 =	vld [tilespmem:s26+$0x4988]  }
0x3ab: {  	v14 =	vadd.f32 v14, v26;
	v15 =	vmul.f32 v24, v15;
	v24 =	vunpack.i.l.bf16.f32 v27;
	[tilespmem:s26+$0xC978] =	vst v17;
	v17 =	vld [tilespmem:s26+$0x4998]  }
0x3ac: {  	v12 =	vadd.f32 v12, v29;
	v26 =	vld [tilespmem:s26+$0x49A8];
	[tilespmem:s17+$0xCF88] =	vst v13;
	v13 =	vmul.f32 v24, v16;
	v16 =	vunpack.i.l.bf16.f32 v23  }
0x3ad: {  	v23 =	vld [tilespmem:s26+$0x49B8];
	[tilespmem:s17+$0xCF98] =	vst v14;
	v14 =	vadd.f32 v15, v30;
	v15 =	vmul.f32 v16, v25;
	v16 =	vunpack.i.l.bf16.f32 v19  }
0x3ae: {  	v24 =	vld [tilespmem:s26+$0x49C8];
	[tilespmem:s17+$0xCFA8] =	vst v12;
	v12 =	vadd.f32 v13, v31;
	v13 =	vmul.f32 v16, v20;
	v16 =	vunpack.i.l.bf16.f32 v22  }
0x3af: {  	v20 =	vld [tilespmem:s26+$0x49D8];
	[tilespmem:s17+$0xCFB8] =	vst v14;
	v14 =	vadd.f32 v15, v33;
	v15 =	vunpack.i.u.bf16.f32 v19;
	v16 =	vmul.f32 v16, v18  }
0x3b0: {  	v18 =	vld [tilespmem:s26+$0x49E8];
	[tilespmem:s17+$0xCFC8] =	vst v12;
	v12 =	vadd.f32 v13, v15;
	v13 =	vunpack.i.u.bf16.f32 v22  }
0x3b1: {  	v15 =	vld [tilespmem:s29+$0x408];
	[tilespmem:s17+$0xCFD8] =	vst v14;
	v13 =	vadd.f32 v16, v13  }
0x3b2: {  	v14 =	vld [tilespmem:s29+$0x418];
	[tilespmem:s17+$0xCFE8] =	vst v12  }
0x3b3: {  	v12 =	vld [tilespmem:s29+$0x428];
	[tilespmem:s17+$0xCFF8] =	vst v13  }
0x3b4: {  	v13 =	vld [tilespmem:s20+$0x478]  }
0x3b5: {  	v16 =	vld [tilespmem:s29+$0x438]  }
0x3b6: {  	v19 =	vld [tilespmem:s29+$0x448]  }
0x3b7: {  	v22 =	vld [tilespmem:s29+$0x458]  }
0x3b8: {  	v25 =	vld [tilespmem:s20+$0x408]  }
0x3b9: {  	v27 =	vld [tilespmem:s20+$0x418];
	v28 =	vunpack.i.l.bf16.f32 v13  }
0x3ba: {  	v29 =	vld [tilespmem:s20+$0x428];
	v11 =	vmul.f32 v28, v11  }
0x3bb: {  	v13 =	vunpack.i.u.bf16.f32 v13;
	(v2sf) =	vpush v2, $0x3;
	v28 =	vld [tilespmem:s20+$0x438]  }
0x3bc: {  	v30 =	vld [tilespmem:s20+$0x448];
	v11 =	vadd.f32 v11, v13  }
0x3bd: {  	v31 =	vunpack.i.u.bf16.f32 v14;
	v13 =	vunpack.i.u.bf16.f32 v15;
	v32 =	vld [tilespmem:s20+$0x458];
	v33 =	vunpack.i.l.bf16.f32 v25  }
0x3be: {  	v34 =	vunpack.i.u.bf16.f32 v12;
	v35 =	vunpack.i.u.bf16.f32 v16;
	v15 =	vunpack.i.l.bf16.f32 v15;
	v36 =	vld [tilespmem:s20+$0x468];
	[tilespmem:s17+$0xD078] =	vst v11  }
0x3bf: {  	v14 =	vunpack.i.l.bf16.f32 v14;
	v15 =	vmul.f32 v15, v21;
	v21 =	vunpack.i.u.bf16.f32 v19;
	v11 =	vld [tilespmem:s29+$0x468]  }
0x3c0: {  	v14 =	vmul.f32 v14, v17;
	v12 =	vunpack.i.l.bf16.f32 v12;
	v17 =	vunpack.i.u.bf16.f32 v22;
	v37 =	vld [tilespmem:s29+$0x478]  }
0x3c1: {  	v12 =	vmul.f32 v12, v26;
	v13 =	vadd.f32 v15, v13;
	v15 =	vunpack.i.l.bf16.f32 v16;
	v38 =	vld [tilespmem:s26+$0x49F8]  }
0x3c2: {  	v14 =	vadd.f32 v14, v31;
	v16 =	vunpack.i.l.bf16.f32 v19;
	v15 =	vmul.f32 v15, v23;
	v19 =	vld [tilespmem:s26+$0x5008]  }
0x3c3: {  	v12 =	vadd.f32 v12, v34;
	[tilespmem:s26+$0xC988] =	vst v13;
	v13 =	vmul.f32 v16, v24;
	v16 =	vunpack.i.l.bf16.f32 v22;
	v22 =	vld [tilespmem:s26+$0x5018]  }
0x3c4: {  	[tilespmem:s26+$0xC998] =	vst v14;
	v14 =	vadd.f32 v15, v35;
	v15 =	vmul.f32 v16, v20;
	v16 =	vunpack.i.l.bf16.f32 v11;
	v20 =	vld [tilespmem:s26+$0x5028]  }
0x3c5: {  	[tilespmem:s26+$0xC9A8] =	vst v12;
	v12 =	vadd.f32 v13, v21;
	v13 =	vmul.f32 v16, v18;
	v16 =	vunpack.i.l.bf16.f32 v37;
	v18 =	vld [tilespmem:s26+$0x5038]  }
0x3c6: {  	v11 =	vunpack.i.u.bf16.f32 v11;
	[tilespmem:s26+$0xC9B8] =	vst v14;
	v14 =	vadd.f32 v15, v17;
	v15 =	vmul.f32 v16, v38;
	v16 =	vld [tilespmem:s26+$0x5048]  }
0x3c7: {  	v17 =	vunpack.i.l.bf16.f32 v27;
	[tilespmem:s26+$0xC9C8] =	vst v12;
	v11 =	vadd.f32 v13, v11;
	v12 =	vunpack.i.u.bf16.f32 v37;
	v13 =	vld [tilespmem:s26+$0x4A08]  }
0x3c8: {  	v21 =	vunpack.i.l.bf16.f32 v28;
	[tilespmem:s26+$0xC9D8] =	vst v14;
	v12 =	vadd.f32 v15, v12;
	v14 =	vld [tilespmem:s26+$0x4A18];
	v15 =	vunpack.i.l.bf16.f32 v29  }
0x3c9: {  	v23 =	vunpack.i.l.bf16.f32 v30;
	v24 =	vunpack.i.l.bf16.f32 v32;
	v26 =	vunpack.i.l.bf16.f32 v36;
	[tilespmem:s26+$0xC9E8] =	vst v11;
	v11 =	vld [tilespmem:s26+$0x4A28]  }
0x3ca: {  	v25 =	vunpack.i.u.bf16.f32 v25;
	v31 =	vmul.f32 v33, v3;
	v17 =	vmul.f32 v17, v4;
	v3 =	vmovc v19;
	[tilespmem:s26+$0xC9F8] =	vst v12;
	v12 =	vld [tilespmem:s26+$0x4A38];
	s20 =	spop (v2sf)  }
0x3cb: {  	v27 =	vunpack.i.u.bf16.f32 v27;
	v21 =	vmul.f32 v21, v7;
	v4 =	vmovc v22;
	v15 =	vmul.f32 v15, v5;
	v5 =	vmovc v20;
	v19 =	vld [tilespmem:s20+$0x408]  }
0x3cc: {  	v23 =	vmul.f32 v23, v6;
	v8 =	vmul.f32 v24, v8;
	v22 =	vunpack.i.u.bf16.f32 v29;
	v7 =	vmovc v18;
	v6 =	vmovc v16;
	v20 =	vld [tilespmem:s20+$0x418]  }
0x3cd: {  	v24 =	vunpack.i.u.bf16.f32 v30;
	v9 =	vmul.f32 v26, v9;
	v18 =	vunpack.i.u.bf16.f32 v28;
	v16 =	vld [tilespmem:s20+$0x428]  }
0x3ce: {  	v25 =	vadd.f32 v31, v25;
	v29 =	vunpack.i.u.bf16.f32 v36;
	v28 =	vunpack.i.u.bf16.f32 v32;
	v26 =	vld [tilespmem:s20+$0x438]  }
0x3cf: {  	v17 =	vadd.f32 v17, v27;
	v15 =	vadd.f32 v15, v22;
	v30 =	vld [tilespmem:s20+$0x448]  }
0x3d0: {  	v18 =	vadd.f32 v21, v18;
	v22 =	vld [tilespmem:s20+$0x458];
	(v2sf) =	vpush v2, $0x4;
	[tilespmem:s17+$0xD008] =	vst v25  }
0x3d1: {  	v8 =	vadd.f32 v8, v28;
	v21 =	vld [tilespmem:s26+$0x4A48];
	[tilespmem:s17+$0xD018] =	vst v17;
	v17 =	vadd.f32 v23, v24  }
0x3d2: {  	v9 =	vadd.f32 v9, v29;
	v24 =	vunpack.i.u.bf16.f32 v19;
	v25 =	vunpack.i.u.bf16.f32 v20;
	v23 =	vld [tilespmem:s26+$0x4A58];
	[tilespmem:s17+$0xD028] =	vst v15  }
0x3d3: {  	v19 =	vunpack.i.l.bf16.f32 v19;
	v27 =	vunpack.i.u.bf16.f32 v16;
	v15 =	vld [tilespmem:s26+$0x4A68];
	v28 =	vunpack.i.u.bf16.f32 v26;
	[tilespmem:s17+$0xD038] =	vst v18  }
0x3d4: {  	v13 =	vmul.f32 v19, v13;
	v19 =	vunpack.i.l.bf16.f32 v20;
	v18 =	vld [tilespmem:s20+$0x468];
	v20 =	vunpack.i.u.bf16.f32 v30;
	[tilespmem:s17+$0xD048] =	vst v17  }
0x3d5: {  	v16 =	vunpack.i.l.bf16.f32 v16;
	v14 =	vmul.f32 v19, v14;
	v17 =	vld [tilespmem:s20+$0x478];
	v19 =	vunpack.i.u.bf16.f32 v22;
	[tilespmem:s17+$0xD058] =	vst v8  }
0x3d6: {  	v11 =	vmul.f32 v16, v11;
	v13 =	vadd.f32 v13, v24;
	v8 =	vunpack.i.l.bf16.f32 v26;
	v29 =	vld [tilespmem:s26+$0x4A78];
	[tilespmem:s17+$0xD068] =	vst v9;
	s17 =	smov.u32 s26  }
0x3d7: {  	v14 =	vadd.f32 v14, v25;
	v12 =	vmul.f32 v8, v12;
	v9 =	vunpack.i.l.bf16.f32 v30;
	v8 =	vld [tilespmem:s17+$0x5058]  }
0x3d8: {  	v11 =	vadd.f32 v11, v27;
	v16 =	vunpack.i.l.bf16.f32 v22;
	[tilespmem:s17+$0xCA08] =	vst v13;
	v13 =	vmul.f32 v9, v21;
	v9 =	vld [tilespmem:s17+$0x5068]  }
0x3d9: {  	v12 =	vadd.f32 v12, v28;
	[tilespmem:s17+$0xCA18] =	vst v14;
	v14 =	vmul.f32 v16, v23;
	v16 =	vunpack.i.l.bf16.f32 v18  }
0x3da: {  	[tilespmem:s17+$0xCA28] =	vst v11;
	v11 =	vadd.f32 v13, v20;
	v13 =	vmul.f32 v16, v15;
	v15 =	vunpack.i.l.bf16.f32 v17  }
0x3db: {  	[tilespmem:s17+$0xCA38] =	vst v12;
	v12 =	vadd.f32 v14, v19;
	v14 =	vunpack.i.u.bf16.f32 v18;
	v15 =	vmul.f32 v15, v29  }
0x3dc: {  	[tilespmem:s17+$0xCA48] =	vst v11;
	v11 =	vadd.f32 v13, v14;
	v13 =	vunpack.i.u.bf16.f32 v17;
	v14 =	vld [tilespmem:s17+$0x4A88]  }
0x3dd: {  	[tilespmem:s17+$0xCA58] =	vst v12;
	v12 =	vadd.f32 v15, v13;
	v13 =	vld [tilespmem:s17+$0x4A98]  }
0x3de: {  	[tilespmem:s17+$0xCA68] =	vst v11;
	v11 =	vld [tilespmem:s17+$0x4AA8]  }
0x3df: {  	[tilespmem:s17+$0xCA78] =	vst v12;
	v12 =	vld [tilespmem:s17+$0x4AB8];
	s20 =	spop (v2sf)  }
0x3e0: {  	v15 =	vld [tilespmem:s20+$0x408]  }
0x3e1: {  	v16 =	vld [tilespmem:s20+$0x418]  }
0x3e2: {  	v17 =	vld [tilespmem:s20+$0x428]  }
0x3e3: {  	v18 =	vld [tilespmem:s20+$0x438]  }
0x3e4: {  	v19 =	vld [tilespmem:s20+$0x448]  }
0x3e5: {  	v20 =	vld [tilespmem:s20+$0x458];
	(v2sf) =	vpush v2, $0x5  }
0x3e6: {  	v21 =	vld [tilespmem:s17+$0x4AC8]  }
0x3e7: {  	v23 =	vunpack.i.u.bf16.f32 v15;
	v24 =	vunpack.i.u.bf16.f32 v16;
	v22 =	vld [tilespmem:s17+$0x4AD8]  }
0x3e8: {  	v15 =	vunpack.i.l.bf16.f32 v15;
	v26 =	vunpack.i.u.bf16.f32 v17;
	v25 =	vld [tilespmem:s17+$0x4AE8];
	v27 =	vunpack.i.u.bf16.f32 v18  }
0x3e9: {  	v14 =	vmul.f32 v15, v14;
	v15 =	vunpack.i.l.bf16.f32 v16;
	v28 =	vld [tilespmem:s20+$0x468];
	v16 =	vunpack.i.u.bf16.f32 v19  }
0x3ea: {  	v13 =	vmul.f32 v15, v13;
	v15 =	vunpack.i.l.bf16.f32 v17;
	v29 =	vld [tilespmem:s20+$0x478];
	v17 =	vunpack.i.u.bf16.f32 v20  }
0x3eb: {  	v14 =	vadd.f32 v14, v23;
	v11 =	vmul.f32 v15, v11;
	v15 =	vunpack.i.l.bf16.f32 v18;
	v30 =	vld [tilespmem:s17+$0x4AF8]  }
0x3ec: {  	v13 =	vadd.f32 v13, v24;
	v12 =	vmul.f32 v15, v12;
	v15 =	vunpack.i.l.bf16.f32 v19  }
0x3ed: {  	v11 =	vadd.f32 v11, v26;
	[tilespmem:s17+$0xCA88] =	vst v14;
	v14 =	vmul.f32 v15, v21;
	v15 =	vunpack.i.l.bf16.f32 v20  }
0x3ee: {  	v12 =	vadd.f32 v12, v27;
	[tilespmem:s17+$0xCA98] =	vst v13;
	v13 =	vmul.f32 v15, v22;
	v15 =	vunpack.i.l.bf16.f32 v28  }
0x3ef: {  	[tilespmem:s17+$0xCAA8] =	vst v11;
	v11 =	vadd.f32 v14, v16;
	v14 =	vmul.f32 v15, v25;
	v15 =	vunpack.i.l.bf16.f32 v29  }
0x3f0: {  	[tilespmem:s17+$0xCAB8] =	vst v12;
	v12 =	vadd.f32 v13, v17;
	v13 =	vunpack.i.u.bf16.f32 v28;
	v15 =	vmul.f32 v15, v30  }
0x3f1: {  	[tilespmem:s17+$0xCAC8] =	vst v11;
	v11 =	vadd.f32 v14, v13;
	v13 =	vunpack.i.u.bf16.f32 v29;
	v14 =	vld [tilespmem:s17+$0x4B08]  }
0x3f2: {  	[tilespmem:s17+$0xCAD8] =	vst v12;
	v12 =	vadd.f32 v15, v13;
	v13 =	vld [tilespmem:s17+$0x4B18]  }
0x3f3: {  	[tilespmem:s17+$0xCAE8] =	vst v11;
	v11 =	vld [tilespmem:s17+$0x4B28]  }
0x3f4: {  	[tilespmem:s17+$0xCAF8] =	vst v12;
	v12 =	vld [tilespmem:s17+$0x4B38];
	s20 =	spop (v2sf)  }
0x3f5: {  	v15 =	vld [tilespmem:s20+$0x408]  }
0x3f6: {  	v16 =	vld [tilespmem:s20+$0x418]  }
0x3f7: {  	v17 =	vld [tilespmem:s20+$0x428]  }
0x3f8: {  	v18 =	vld [tilespmem:s20+$0x438]  }
0x3f9: {  	v19 =	vld [tilespmem:s20+$0x448]  }
0x3fa: {  	v20 =	vld [tilespmem:s20+$0x458];
	(v2sf) =	vpush v2, $0x6  }
0x3fb: {  	v21 =	vld [tilespmem:s17+$0x4B48]  }
0x3fc: {  	v23 =	vunpack.i.u.bf16.f32 v15;
	v24 =	vunpack.i.u.bf16.f32 v16;
	v22 =	vld [tilespmem:s17+$0x4B58]  }
0x3fd: {  	v15 =	vunpack.i.l.bf16.f32 v15;
	v26 =	vunpack.i.u.bf16.f32 v17;
	v25 =	vld [tilespmem:s17+$0x4B68];
	v27 =	vunpack.i.u.bf16.f32 v18  }
0x3fe: {  	v14 =	vmul.f32 v15, v14;
	v15 =	vunpack.i.l.bf16.f32 v16;
	v28 =	vld [tilespmem:s20+$0x468];
	v16 =	vunpack.i.u.bf16.f32 v19  }
0x3ff: {  	v13 =	vmul.f32 v15, v13;
	v15 =	vunpack.i.l.bf16.f32 v17;
	v29 =	vld [tilespmem:s20+$0x478];
	v17 =	vunpack.i.u.bf16.f32 v20  }
0x400: {  	v14 =	vadd.f32 v14, v23;
	v11 =	vmul.f32 v15, v11;
	v15 =	vunpack.i.l.bf16.f32 v18;
	v30 =	vld [tilespmem:s17+$0x4B78]  }
0x401: {  	v13 =	vadd.f32 v13, v24;
	v12 =	vmul.f32 v15, v12;
	v15 =	vunpack.i.l.bf16.f32 v19  }
0x402: {  	v11 =	vadd.f32 v11, v26;
	[tilespmem:s17+$0xCB08] =	vst v14;
	v14 =	vmul.f32 v15, v21;
	v15 =	vunpack.i.l.bf16.f32 v20  }
0x403: {  	v12 =	vadd.f32 v12, v27;
	[tilespmem:s17+$0xCB18] =	vst v13;
	v13 =	vmul.f32 v15, v22;
	v15 =	vunpack.i.l.bf16.f32 v28  }
0x404: {  	[tilespmem:s17+$0xCB28] =	vst v11;
	v11 =	vadd.f32 v14, v16;
	v14 =	vmul.f32 v15, v25;
	v15 =	vunpack.i.l.bf16.f32 v29  }
.Ltmp5:
0x405: {  	[tilespmem:s17+$0xCB38] =	vst v12;
	v12 =	vadd.f32 v13, v17;
	v13 =	vunpack.i.u.bf16.f32 v28;
	v15 =	vmul.f32 v15, v30;
	(pc) =	sbr.rel @p4 .LBB2_12-.Ltmp5, $4  }
0x406: {  	[tilespmem:s17+$0xCB48] =	vst v11;
	v11 =	vadd.f32 v14, v13;
	v14 =	vunpack.i.u.bf16.f32 v29;
	v13 =	vld [tilespmem:s17+$0x4B88]  }
0x407: {  	[tilespmem:s17+$0xCB58] =	vst v12;
	v15 =	vadd.f32 v15, v14;
	v14 =	vld [tilespmem:s17+$0x4B98]  }
0x408: {  	[tilespmem:s17+$0xCB68] =	vst v11;
	v12 =	vld [tilespmem:s17+$0x4BA8]  }
0x409: {  	s23 =	sadd.s32 $0x1, s23;
	[tilespmem:s17+$0xCB78] =	vst v15;
	v11 =	vld [tilespmem:s17+$0x4BB8];
	s20 =	spop (v2sf)  }
0x40a: {  	v10 =	vld [tilespmem:s20+$0x408]  }
0x40b: {  	v15 =	vld [tilespmem:s20+$0x418]  }
0x40c: {  	v16 =	vld [tilespmem:s20+$0x428]  }
0x40d: {  	v17 =	vld [tilespmem:s20+$0x438]  }
0x40e: {  	v18 =	vld [tilespmem:s20+$0x448]  }
0x40f: {  	v19 =	vld [tilespmem:s20+$0x458];
	(v2sf) =	vpush v2, $0x7  }
0x410: {  	v20 =	vld [tilespmem:s17+$0x4BC8]  }
0x411: {  	v21 =	vld [tilespmem:s17+$0x4BD8];
	v22 =	vunpack.i.u.bf16.f32 v10;
	v10 =	vunpack.i.l.bf16.f32 v10  }
0x412: {  	v24 =	vld [tilespmem:s17+$0x4BE8];
	v23 =	vunpack.i.u.bf16.f32 v15;
	v43 =	vunpack.i.l.bf16.f32 v15;
	v44 =	vunpack.i.u.bf16.f32 v16  }
0x413: {  	v25 =	vld [tilespmem:s20+$0x468];
	v45 =	vunpack.i.l.bf16.f32 v16;
	v47 =	vunpack.i.l.bf16.f32 v17;
	v10 =	vmul.f32 v10, v13  }
0x414: {  	v46 =	vld [tilespmem:s20+$0x478];
	v49 =	vunpack.i.l.bf16.f32 v18;
	v17 =	vunpack.i.u.bf16.f32 v17;
	v13 =	vmul.f32 v43, v14  }
0x415: {  	v48 =	vld [tilespmem:s17+$0x4BF8];
	v52 =	vunpack.i.u.bf16.f32 v18;
	v12 =	vmul.f32 v45, v12;
	v10 =	vadd.f32 v10, v22  }
0x416: {  	v53 =	vunpack.i.l.bf16.f32 v19;
	v11 =	vmul.f32 v47, v11;
	v13 =	vadd.f32 v13, v23  }
0x417: {  	v56 =	vunpack.i.u.bf16.f32 v19;
	v51 =	vmul.f32 v49, v20;
	v50 =	vadd.f32 v12, v44;
	[tilespmem:s17+$0xCB88] =	vst v10  }
0x418: {  	v57 =	vunpack.i.l.bf16.f32 v25;
	v54 =	vmul.f32 v53, v21;
	v11 =	vadd.f32 v11, v17;
	[tilespmem:s17+$0xCB98] =	vst v13  }
0x419: {  	v59 =	vunpack.i.l.bf16.f32 v46;
	v58 =	vmul.f32 v57, v24;
	v55 =	vadd.f32 v51, v52;
	[tilespmem:s17+$0xCBA8] =	vst v50  }
0x41a: {  	v61 =	vld [tilespmem:s17+$0x4C08];
	v60 =	vunpack.i.u.bf16.f32 v25;
	v12 =	vadd.f32 v54, v56;
	[tilespmem:s17+$0xCBB8] =	vst v11;
	v10 =	vmul.f32 v59, v48  }
0x41b: {  	v63 =	vld [tilespmem:s17+$0x4C18];
	v62 =	vunpack.i.u.bf16.f32 v46;
	[tilespmem:s17+$0xCBC8] =	vst v55;
	v11 =	vadd.f32 v58, v60  }
0x41c: {  	v28 =	vld [tilespmem:s17+$0x4C28];
	[tilespmem:s17+$0xCBD8] =	vst v12;
	v10 =	vadd.f32 v10, v62  }
0x41d: {  	v29 =	vld [tilespmem:s17+$0x4C38];
	[tilespmem:s17+$0xCBE8] =	vst v11  }
0x41e: {  	v35 =	vld [tilespmem:s17+$0x4C48];
	[tilespmem:s17+$0xCBF8] =	vst v10;
	s21 =	spop (v2sf)  }
0x41f: {  	v10 =	vld [tilespmem:s21+$0x408]  }
0x420: {  	v30 =	vld [tilespmem:s21+$0x418]  }
0x421: {  	v31 =	vld [tilespmem:s21+$0x428]  }
0x422: {  	v32 =	vld [tilespmem:s21+$0x438]  }
0x423: {  	(v2sf) =	vpush v2, $0x8;
	v33 =	vld [tilespmem:s21+$0x448]  }
0x424: {  	v36 =	vld [tilespmem:s17+$0x4C58]  }
0x425: {  	v34 =	vld [tilespmem:s21+$0x458];
	v37 =	vunpack.i.l.bf16.f32 v10;
	v10 =	vunpack.i.u.bf16.f32 v10  }
0x426: {  	v38 =	vld [tilespmem:s17+$0x4C68];
	v40 =	vunpack.i.l.bf16.f32 v30;
	v42 =	vunpack.i.u.bf16.f32 v30;
	v43 =	vunpack.i.l.bf16.f32 v31  }
0x427: {  	v39 =	vld [tilespmem:s21+$0x468];
	v45 =	vunpack.i.u.bf16.f32 v31;
	v46 =	vunpack.i.l.bf16.f32 v32;
	v14 =	vmul.f32 v37, v61  }
0x428: {  	v41 =	vld [tilespmem:s21+$0x478];
	v47 =	vunpack.i.u.bf16.f32 v32;
	v48 =	vunpack.i.l.bf16.f32 v33;
	v11 =	vmul.f32 v43, v28  }
0x429: {  	v44 =	vld [tilespmem:s17+$0x4C78];
	v49 =	vunpack.i.u.bf16.f32 v33;
	v13 =	vmul.f32 v40, v63;
	v10 =	vadd.f32 v14, v10  }
0x42a: {  	v50 =	vunpack.i.l.bf16.f32 v34;
	v15 =	vmul.f32 v48, v35;
	v14 =	vadd.f32 v11, v45  }
0x42b: {  	v51 =	vunpack.i.u.bf16.f32 v34;
	v12 =	vmul.f32 v46, v29;
	v13 =	vadd.f32 v13, v42;
	[tilespmem:s17+$0xCC08] =	vst v10  }
0x42c: {  	v52 =	vunpack.i.l.bf16.f32 v39;
	v16 =	vmul.f32 v50, v36;
	[tilespmem:s17+$0xCC28] =	vst v14;
	v14 =	vadd.f32 v15, v49  }
0x42d: {  	v53 =	vunpack.i.l.bf16.f32 v41;
	v17 =	vmul.f32 v52, v38;
	[tilespmem:s17+$0xCC18] =	vst v13;
	v13 =	vadd.f32 v12, v47  }
0x42e: {  	v26 =	vld [tilespmem:s17+$0x4CE8];
	v54 =	vunpack.i.u.bf16.f32 v39;
	v15 =	vadd.f32 v16, v51;
	[tilespmem:s17+$0xCC48] =	vst v14;
	v14 =	vmul.f32 v53, v44  }
0x42f: {  	v57 =	vld [tilespmem:s17+$0x4C98];
	v56 =	vunpack.i.u.bf16.f32 v41;
	v16 =	vadd.f32 v17, v54;
	[tilespmem:s17+$0xCC38] =	vst v13  }
0x430: {  	v55 =	vld [tilespmem:s17+$0x4C88];
	[tilespmem:s17+$0xCC58] =	vst v15;
	v14 =	vadd.f32 v14, v56  }
0x431: {  	v58 =	vld [tilespmem:s17+$0x4CA8];
	[tilespmem:s17+$0xCC68] =	vst v16  }
0x432: {  	v59 =	vld [tilespmem:s17+$0x4CB8];
	s23 =	spop (v2sf);
	[tilespmem:s17+$0xCC78] =	vst v14  }
0x433: {  	v14 =	vld [tilespmem:s23+$0x408]  }
0x434: {  	v60 =	vld [tilespmem:s23+$0x418]  }
0x435: {  	v61 =	vld [tilespmem:s23+$0x428]  }
0x436: {  	v62 =	vld [tilespmem:s23+$0x438]  }
0x437: {  	(v2sf) =	vpush v2, $0x9;
	v63 =	vld [tilespmem:s23+$0x448]  }
0x438: {  	v34 =	vld [tilespmem:s17+$0x4CC8]  }
0x439: {  	v33 =	vld [tilespmem:s23+$0x458];
	v27 =	vunpack.i.l.bf16.f32 v14;
	v14 =	vunpack.i.u.bf16.f32 v14  }
0x43a: {  	v35 =	vld [tilespmem:s17+$0x4CD8];
	v36 =	vunpack.i.l.bf16.f32 v60;
	v19 =	vunpack.i.u.bf16.f32 v60;
	v30 =	vunpack.i.l.bf16.f32 v61  }
0x43b: {  	v28 =	vld [tilespmem:s23+$0x468];
	v38 =	vunpack.i.u.bf16.f32 v61;
	v39 =	vunpack.i.l.bf16.f32 v62;
	v18 =	vmul.f32 v27, v55  }
0x43c: {  	v29 =	vld [tilespmem:s23+$0x478];
	v40 =	vunpack.i.u.bf16.f32 v62;
	v41 =	vunpack.i.l.bf16.f32 v63;
	v17 =	vmul.f32 v36, v57  }
0x43d: {  	v37 =	vld [tilespmem:s17+$0x4CF8];
	v42 =	vunpack.i.u.bf16.f32 v63;
	v20 =	vmul.f32 v41, v34;
	v18 =	vadd.f32 v18, v14  }
0x43e: {  	v43 =	vunpack.i.l.bf16.f32 v33;
	v17 =	vadd.f32 v17, v19;
	v19 =	vmul.f32 v39, v59  }
0x43f: {  	v44 =	vunpack.i.u.bf16.f32 v33;
	v30 =	vmul.f32 v30, v58;
	v20 =	vadd.f32 v20, v42;
	[tilespmem:s17+$0xCC88] =	vst v18  }
0x440: {  	v45 =	vunpack.i.l.bf16.f32 v28;
	v21 =	vmul.f32 v43, v35;
	[tilespmem:s17+$0xCC98] =	vst v17;
	v19 =	vadd.f32 v19, v40  }
0x441: {  	v31 =	vld [tilespmem:s17+$0x4D68];
	v46 =	vunpack.i.l.bf16.f32 v29;
	v22 =	vmul.f32 v45, v26;
	v18 =	vadd.f32 v30, v38;
	[tilespmem:s17+$0xCCC8] =	vst v20  }
0x442: {  	v48 =	vld [tilespmem:s17+$0x4D08];
	v47 =	vunpack.i.u.bf16.f32 v28;
	v20 =	vmul.f32 v46, v37;
	[tilespmem:s17+$0xCCB8] =	vst v19;
	v19 =	vadd.f32 v21, v44  }
0x443: {  	v50 =	vld [tilespmem:s17+$0x4D18];
	v49 =	vunpack.i.u.bf16.f32 v29;
	[tilespmem:s17+$0xCCA8] =	vst v18;
	v21 =	vadd.f32 v22, v47  }
0x444: {  	v52 =	vld [tilespmem:s17+$0x4D38];
	[tilespmem:s17+$0xCCD8] =	vst v19;
	v19 =	vadd.f32 v20, v49  }
0x445: {  	v51 =	vld [tilespmem:s17+$0x4D28];
	[tilespmem:s17+$0xCCE8] =	vst v21  }
0x446: {  	s26 =	spop (v2sf);
	v58 =	vld [tilespmem:s17+$0x4D48];
	[tilespmem:s17+$0xCCF8] =	vst v19  }
0x447: {  	v19 =	vld [tilespmem:s26+$0x408]  }
0x448: {  	v53 =	vld [tilespmem:s26+$0x418]  }
0x449: {  	v54 =	vld [tilespmem:s26+$0x428]  }
0x44a: {  	(v2sf) =	vpush v2, $0xA;
	v55 =	vld [tilespmem:s26+$0x438]  }
0x44b: {  	v56 =	vld [tilespmem:s26+$0x448]  }
0x44c: {  	v59 =	vld [tilespmem:s17+$0x4D58];
	v32 =	vunpack.i.l.bf16.f32 v19;
	v19 =	vunpack.i.u.bf16.f32 v19  }
0x44d: {  	v57 =	vld [tilespmem:s26+$0x458];
	v60 =	vunpack.i.l.bf16.f32 v53;
	v24 =	vunpack.i.u.bf16.f32 v53;
	v23 =	vmul.f32 v32, v48  }
0x44e: {  	v33 =	vld [tilespmem:s26+$0x468];
	v35 =	vunpack.i.l.bf16.f32 v54;
	v62 =	vunpack.i.u.bf16.f32 v54;
	v22 =	vmul.f32 v60, v50  }
0x44f: {  	v34 =	vld [tilespmem:s26+$0x478];
	v63 =	vunpack.i.l.bf16.f32 v55;
	v35 =	vmul.f32 v35, v51;
	v23 =	vadd.f32 v23, v19  }
0x450: {  	v61 =	vld [tilespmem:s17+$0x4D78];
	v37 =	vunpack.i.l.bf16.f32 v56;
	v22 =	vadd.f32 v22, v24;
	v24 =	vmul.f32 v63, v52  }
0x451: {  	v36 =	vunpack.i.u.bf16.f32 v55;
	v25 =	vmul.f32 v37, v58;
	[tilespmem:s17+$0xCD08] =	vst v23;
	v23 =	vadd.f32 v35, v62  }
0x452: {  	v38 =	vunpack.i.u.bf16.f32 v56;
	v39 =	vunpack.i.l.bf16.f32 v57;
	[tilespmem:s17+$0xCD18] =	vst v22;
	v22 =	vadd.f32 v24, v36  }
0x453: {  	v41 =	vunpack.i.l.bf16.f32 v33;
	v24 =	vmul.f32 v39, v59;
	[tilespmem:s17+$0xCD28] =	vst v23;
	v23 =	vadd.f32 v25, v38  }
0x454: {  	v40 =	vunpack.i.u.bf16.f32 v57;
	v42 =	vunpack.i.l.bf16.f32 v34;
	[tilespmem:s17+$0xCD38] =	vst v22;
	v25 =	vmul.f32 v41, v31  }
0x455: {  	v46 =	vld [tilespmem:s17+$0x4D98];
	v43 =	vunpack.i.u.bf16.f32 v33;
	v22 =	vadd.f32 v24, v40;
	[tilespmem:s17+$0xCD48] =	vst v23;
	v23 =	vmul.f32 v42, v61  }
0x456: {  	v44 =	vld [tilespmem:s17+$0x4D88];
	v45 =	vunpack.i.u.bf16.f32 v34;
	v24 =	vadd.f32 v25, v43  }
0x457: {  	v47 =	vld [tilespmem:s17+$0x4DA8];
	[tilespmem:s17+$0xCD58] =	vst v22;
	v22 =	vadd.f32 v23, v45  }
0x458: {  	v48 =	vld [tilespmem:s17+$0x4DB8];
	[tilespmem:s17+$0xCD68] =	vst v24  }
0x459: {  	s29 =	spop (v2sf);
	v36 =	vld [tilespmem:s17+$0x4DE8];
	[tilespmem:s17+$0xCD78] =	vst v22  }
0x45a: {  	v24 =	vld [tilespmem:s29+$0x408]  }
0x45b: {  	v49 =	vld [tilespmem:s29+$0x418]  }
0x45c: {  	v50 =	vld [tilespmem:s29+$0x428]  }
0x45d: {  	v51 =	vld [tilespmem:s29+$0x438]  }
0x45e: {  	(v2sf) =	vpush v2, $0xB;
	v52 =	vld [tilespmem:s29+$0x448]  }
0x45f: {  	v53 =	vld [tilespmem:s29+$0x458]  }
0x460: {  	v38 =	vld [tilespmem:s29+$0x468];
	v37 =	vunpack.i.l.bf16.f32 v24;
	v24 =	vunpack.i.u.bf16.f32 v24  }
0x461: {  	v39 =	vld [tilespmem:s29+$0x478];
	v56 =	vunpack.i.l.bf16.f32 v49;
	v58 =	vunpack.i.u.bf16.f32 v49;
	v59 =	vunpack.i.l.bf16.f32 v50  }
0x462: {  	v57 =	vld [tilespmem:s17+$0x4DF8];
	v60 =	vunpack.i.u.bf16.f32 v50;
	v61 =	vunpack.i.l.bf16.f32 v51;
	v28 =	vmul.f32 v37, v44  }
0x463: {  	v54 =	vld [tilespmem:s17+$0x4DC8];
	v62 =	vunpack.i.u.bf16.f32 v51;
	v63 =	vunpack.i.l.bf16.f32 v52;
	v25 =	vmul.f32 v56, v46  }
0x464: {  	v55 =	vld [tilespmem:s17+$0x4DD8];
	v42 =	vunpack.i.l.bf16.f32 v53;
	v23 =	vmul.f32 v59, v47;
	v24 =	vadd.f32 v28, v24  }
0x465: {  	v43 =	vunpack.i.l.bf16.f32 v38;
	v22 =	vmul.f32 v61, v48;
	v25 =	vadd.f32 v25, v58  }
0x466: {  	v45 =	vmul.f32 v43, v36;
	v46 =	vunpack.i.l.bf16.f32 v39;
	v23 =	vadd.f32 v23, v60;
	[tilespmem:s17+$0xCD88] =	vst v24  }
0x467: {  	v48 =	vunpack.i.u.bf16.f32 v38;
	v31 =	vmul.f32 v46, v57;
	v22 =	vadd.f32 v22, v62;
	[tilespmem:s17+$0xCD98] =	vst v25  }
0x468: {  	v50 =	vunpack.i.u.bf16.f32 v39;
	v49 =	vadd.f32 v45, v48;
	v25 =	vmul.f32 v63, v54;
	[tilespmem:s17+$0xCDA8] =	vst v23  }
0x469: {  	v41 =	vunpack.i.u.bf16.f32 v52;
	v52 =	vadd.f32 v31, v50;
	v24 =	vmul.f32 v42, v55;
	[tilespmem:s17+$0xCDB8] =	vst v22  }
0x46a: {  	v29 =	vld [tilespmem:s17+$0x4E38];
	v44 =	vunpack.i.u.bf16.f32 v53;
	[tilespmem:s17+$0xCDE8] =	vst v49;
	v23 =	vadd.f32 v25, v41  }
0x46b: {  	v26 =	vld [tilespmem:s17+$0x4E08];
	[tilespmem:s17+$0xCDF8] =	vst v52;
	v22 =	vadd.f32 v24, v44  }
0x46c: {  	v27 =	vld [tilespmem:s17+$0x4E18];
	[tilespmem:s17+$0xCDC8] =	vst v23  }
0x46d: {  	v30 =	vld [tilespmem:s17+$0x4E58];
	s21 =	spop (v2sf);
	[tilespmem:s17+$0xCDD8] =	vst v22  }
0x46e: {  	v22 =	vld [tilespmem:s21+$0x408]  }
0x46f: {  	v23 =	vld [tilespmem:s21+$0x418]  }
0x470: {  	v53 =	vld [tilespmem:s21+$0x428]  }
0x471: {  	v54 =	vld [tilespmem:s21+$0x438]  }
0x472: {  	(v2sf) =	vpush v2, $0xD;
	v55 =	vld [tilespmem:s21+$0x448]  }
0x473: {  	(v2sf) =	vpush v2, $0xC;
	v56 =	vld [tilespmem:s21+$0x458]  }
0x474: {  	v40 =	vld [tilespmem:s17+$0x4E28]  }
0x475: {  	v51 =	vld [tilespmem:s17+$0x4E78];
	v57 =	vunpack.i.u.bf16.f32 v22;
	v58 =	vunpack.i.u.bf16.f32 v23  }
0x476: {  	v28 =	vld [tilespmem:s17+$0x4E48];
	v22 =	vunpack.i.l.bf16.f32 v22;
	v59 =	vunpack.i.u.bf16.f32 v53;
	v60 =	vunpack.i.u.bf16.f32 v54  }
0x477: {  	v41 =	vld [tilespmem:s21+$0x478];
	v23 =	vunpack.i.l.bf16.f32 v23;
	v62 =	vunpack.i.u.bf16.f32 v55;
	v22 =	vmul.f32 v22, v26  }
0x478: {  	v61 =	vld [tilespmem:s21+$0x468];
	v24 =	vunpack.i.l.bf16.f32 v53;
	v63 =	vunpack.i.u.bf16.f32 v56;
	v23 =	vmul.f32 v23, v27  }
0x479: {  	v47 =	vld [tilespmem:s17+$0x4E68];
	v31 =	vunpack.i.l.bf16.f32 v54;
	v24 =	vmul.f32 v24, v40;
	v22 =	vadd.f32 v22, v57  }
0x47a: {  	v33 =	vunpack.i.l.bf16.f32 v55;
	v29 =	vmul.f32 v31, v29;
	v23 =	vadd.f32 v23, v58  }
0x47b: {  	v11 =	vld [tilespmem:s17+$0x4F88];
	v37 =	vunpack.i.l.bf16.f32 v56;
	v36 =	vmul.f32 v33, v28;
	v35 =	vadd.f32 v24, v59;
	[tilespmem:s17+$0xCE08] =	vst v22  }
0x47c: {  	v10 =	vld [tilespmem:s17+$0x5078];
	v44 =	vunpack.i.l.bf16.f32 v41;
	v28 =	vmul.f32 v37, v30;
	v38 =	vadd.f32 v29, v60;
	[tilespmem:s17+$0xCE18] =	vst v23  }
0x47d: {  	v12 =	vld [tilespmem:s17+$0x4F98];
	v40 =	vunpack.i.l.bf16.f32 v61;
	v25 =	vmul.f32 v44, v51;
	v42 =	vadd.f32 v36, v62;
	[tilespmem:s17+$0xCE28] =	vst v35  }
0x47e: {  	v18 =	vld [tilespmem:s17+$0x4E88];
	v48 =	vunpack.i.u.bf16.f32 v41;
	v43 =	vmul.f32 v40, v47;
	v45 =	vadd.f32 v28, v63;
	[tilespmem:s17+$0xCE38] =	vst v38  }
0x47f: {  	v20 =	vld [tilespmem:s17+$0x4EA8];
	v46 =	vunpack.i.u.bf16.f32 v61;
	v49 =	vadd.f32 v25, v48;
	[tilespmem:s17+$0xCE48] =	vst v42  }
0x480: {  	v21 =	vld [tilespmem:s17+$0x4EB8];
	v47 =	vadd.f32 v43, v46;
	[tilespmem:s17+$0xCE58] =	vst v45  }
0x481: {  	v19 =	vld [tilespmem:s17+$0x4E98];
	s23 =	spop (v2sf);
	[tilespmem:s17+$0xCE78] =	vst v49  }
0x482: {  	s21 =	spop (v2sf);
	v56 =	vld [tilespmem:s17+$0x4EE8];
	[tilespmem:s17+$0xCE68] =	vst v47  }
0x483: {  	v22 =	vld [tilespmem:s21+$0x408]  }
0x484: {  	v23 =	vld [tilespmem:s21+$0x418]  }
0x485: {  	v50 =	vld [tilespmem:s21+$0x428]  }
0x486: {  	v51 =	vld [tilespmem:s21+$0x438]  }
0x487: {  	v58 =	vld [tilespmem:s21+$0x468]  }
0x488: {  	v60 =	vld [tilespmem:s21+$0x478]  }
0x489: {  	v61 =	vld [tilespmem:s17+$0x4EF8];
	v57 =	vunpack.i.l.bf16.f32 v22;
	v22 =	vunpack.i.u.bf16.f32 v22  }
0x48a: {  	v54 =	vld [tilespmem:s17+$0x4EC8];
	v59 =	vunpack.i.l.bf16.f32 v23;
	v62 =	vunpack.i.u.bf16.f32 v23;
	v63 =	vunpack.i.l.bf16.f32 v50  }
0x48b: {  	v52 =	vld [tilespmem:s21+$0x448];
	v24 =	vunpack.i.u.bf16.f32 v50;
	v35 =	vunpack.i.l.bf16.f32 v51;
	v18 =	vmul.f32 v57, v18  }
0x48c: {  	v53 =	vld [tilespmem:s21+$0x458];
	v36 =	vunpack.i.u.bf16.f32 v51;
	v41 =	vunpack.i.l.bf16.f32 v58;
	v19 =	vmul.f32 v59, v19  }
0x48d: {  	v55 =	vld [tilespmem:s17+$0x4ED8];
	v44 =	vunpack.i.l.bf16.f32 v60;
	v43 =	vmul.f32 v41, v56;
	v18 =	vadd.f32 v18, v22  }
0x48e: {  	v13 =	vld [tilespmem:s17+$0x4FA8];
	v46 =	vunpack.i.u.bf16.f32 v58;
	v25 =	vmul.f32 v44, v61;
	v19 =	vadd.f32 v19, v62  }
0x48f: {  	v15 =	vld [tilespmem:s17+$0x4FC8];
	v48 =	vunpack.i.u.bf16.f32 v60;
	v20 =	vmul.f32 v63, v20;
	v47 =	vadd.f32 v43, v46;
	[tilespmem:s17+$0xCE88] =	vst v18  }
0x490: {  	v16 =	vld [tilespmem:s17+$0x4F08];
	v37 =	vunpack.i.l.bf16.f32 v52;
	v21 =	vmul.f32 v35, v21;
	v50 =	vadd.f32 v25, v48;
	[tilespmem:s17+$0xCE98] =	vst v19  }
0x491: {  	v14 =	vld [tilespmem:s17+$0x4FB8];
	v40 =	vunpack.i.l.bf16.f32 v53;
	v18 =	vadd.f32 v20, v24;
	v20 =	vmul.f32 v37, v54;
	[tilespmem:s17+$0xCEE8] =	vst v47  }
0x492: {  	v39 =	vunpack.i.u.bf16.f32 v52;
	v19 =	vadd.f32 v21, v36;
	v21 =	vmul.f32 v40, v55;
	[tilespmem:s17+$0xCEF8] =	vst v50  }
0x493: {  	v17 =	vld [tilespmem:s17+$0x4F18];
	v42 =	vunpack.i.u.bf16.f32 v53;
	[tilespmem:s17+$0xCEA8] =	vst v18;
	v18 =	vadd.f32 v20, v39  }
0x494: {  	v34 =	vld [tilespmem:s17+$0x4F28];
	[tilespmem:s17+$0xCEB8] =	vst v19;
	v19 =	vadd.f32 v21, v42  }
0x495: {  	v38 =	vld [tilespmem:s17+$0x4F48];
	[tilespmem:s17+$0xCEC8] =	vst v18  }
0x496: {  	v45 =	vld [tilespmem:s17+$0x4F68];
	[tilespmem:s17+$0xCED8] =	vst v19  }
0x497: {  	v18 =	vld [tilespmem:s23+$0x408]  }
0x498: {  	v19 =	vld [tilespmem:s23+$0x418]  }
0x499: {  	v51 =	vld [tilespmem:s23+$0x428]  }
0x49a: {  	v52 =	vld [tilespmem:s23+$0x438]  }
0x49b: {  	(v2sf) =	vpush v2, $0xF;
	v53 =	vld [tilespmem:s23+$0x448]  }
0x49c: {  	(v2sf) =	vpush v2, $0xE;
	v54 =	vld [tilespmem:s23+$0x458]  }
0x49d: {  	v23 =	vld [tilespmem:s17+$0x4F38]  }
0x49e: {  	v24 =	vld [tilespmem:s17+$0x4F58];
	v2 =	vunpack.i.u.bf16.f32 v18;
	v55 =	vunpack.i.u.bf16.f32 v19;
	v18 =	vunpack.i.l.bf16.f32 v18  }
0x49f: {  	v58 =	vld [tilespmem:s23+$0x468];
	v56 =	vunpack.i.u.bf16.f32 v51;
	v57 =	vunpack.i.u.bf16.f32 v52;
	v59 =	vunpack.i.l.bf16.f32 v19  }
0x4a0: {  	v61 =	vld [tilespmem:s23+$0x478];
	v60 =	vunpack.i.u.bf16.f32 v53;
	v62 =	vunpack.i.l.bf16.f32 v51;
	v16 =	vmul.f32 v18, v16  }
0x4a1: {  	v49 =	vld [tilespmem:s17+$0x4F78];
	v63 =	vunpack.i.u.bf16.f32 v54;
	v36 =	vunpack.i.l.bf16.f32 v52;
	v17 =	vmul.f32 v59, v17  }
0x4a2: {  	v37 =	vunpack.i.l.bf16.f32 v53;
	v18 =	vmul.f32 v36, v23;
	v2 =	vadd.f32 v16, v2  }
0x4a3: {  	v39 =	vunpack.i.l.bf16.f32 v54;
	v35 =	vmul.f32 v62, v34;
	v17 =	vadd.f32 v17, v55  }
0x4a4: {  	v42 =	vunpack.i.l.bf16.f32 v58;
	v41 =	vmul.f32 v39, v24;
	v40 =	vadd.f32 v18, v57;
	[tilespmem:s17+$0xCF08] =	vst v2  }
0x4a5: {  	v44 =	vunpack.i.l.bf16.f32 v61;
	v38 =	vmul.f32 v37, v38;
	v2 =	vadd.f32 v35, v56;
	[tilespmem:s17+$0xCF18] =	vst v17  }
0x4a6: {  	v43 =	vmul.f32 v42, v45;
	v19 =	vmul.f32 v44, v49;
	v45 =	vadd.f32 v41, v63;
	[tilespmem:s17+$0xCF38] =	vst v40  }
0x4a7: {  	v47 =	vunpack.i.u.bf16.f32 v61;
	[tilespmem:s17+$0xCF28] =	vst v2;
	v2 =	vadd.f32 v38, v60  }
0x4a8: {  	v46 =	vunpack.i.u.bf16.f32 v58;
	v16 =	vadd.f32 v19, v47;
	[tilespmem:s17+$0xCF58] =	vst v45  }
0x4a9: {  	[tilespmem:s17+$0xCF48] =	vst v2;
	v2 =	vadd.f32 v43, v46  }
0x4aa: {  	s26 =	spop (v2sf);
	[tilespmem:s17+$0xCF78] =	vst v16  }
0x4ab: {  	s29 =	spop (v2sf);
	[tilespmem:s17+$0xCF68] =	vst v2  }
0x4ac: {  	v2 =	vld [tilespmem:s29+$0x408]  }
0x4ad: {  	v16 =	vld [tilespmem:s29+$0x418]  }
0x4ae: {  	v17 =	vld [tilespmem:s29+$0x428]  }
0x4af: {  	v48 =	vld [tilespmem:s29+$0x438]  }
0x4b0: {  	v49 =	vld [tilespmem:s29+$0x448];
	_ =	sdelay $0x1  }
0x4b1: {  	v51 =	vld [tilespmem:s17+$0x4FD8]  }
0x4b2: {  	v50 =	vld [tilespmem:s29+$0x458];
	v52 =	vunpack.i.u.bf16.f32 v2;
	v53 =	vunpack.i.u.bf16.f32 v16  }
0x4b3: {  	v63 =	vld [tilespmem:s17+$0x4FF8];
	v2 =	vunpack.i.l.bf16.f32 v2;
	v55 =	vunpack.i.u.bf16.f32 v17;
	v56 =	vunpack.i.u.bf16.f32 v48  }
0x4b4: {  	v60 =	vld [tilespmem:s29+$0x478];
	v58 =	vunpack.i.l.bf16.f32 v16;
	v59 =	vunpack.i.u.bf16.f32 v49;
	v2 =	vmul.f32 v2, v11  }
0x4b5: {  	v57 =	vld [tilespmem:s29+$0x468];
	v61 =	vunpack.i.l.bf16.f32 v17;
	v31 =	vunpack.i.l.bf16.f32 v48;
	v11 =	vmul.f32 v58, v12  }
0x4b6: {  	v54 =	vld [tilespmem:s17+$0x4FE8];
	v12 =	vmul.f32 v61, v13;
	v13 =	vmul.f32 v31, v14;
	v2 =	vadd.f32 v2, v52  }
0x4b7: {  	v62 =	vunpack.i.u.bf16.f32 v50;
	v34 =	vunpack.i.l.bf16.f32 v50;
	v11 =	vadd.f32 v11, v53  }
0x4b8: {  	v32 =	vunpack.i.l.bf16.f32 v49;
	v36 =	vmul.f32 v34, v51;
	v35 =	vadd.f32 v13, v56;
	[tilespmem:s17+$0xCF88] =	vst v2  }
0x4b9: {  	v39 =	vunpack.i.l.bf16.f32 v60;
	v33 =	vmul.f32 v32, v15;
	v2 =	vadd.f32 v12, v55;
	[tilespmem:s17+$0xCF98] =	vst v11  }
0x4ba: {  	v37 =	vunpack.i.l.bf16.f32 v57;
	v14 =	vmul.f32 v39, v63;
	v40 =	vadd.f32 v36, v62;
	[tilespmem:s17+$0xCFB8] =	vst v35  }
0x4bb: {  	v42 =	vunpack.i.u.bf16.f32 v60;
	v38 =	vmul.f32 v37, v54;
	[tilespmem:s17+$0xCFA8] =	vst v2;
	v2 =	vadd.f32 v33, v59  }
0x4bc: {  	v41 =	vunpack.i.u.bf16.f32 v57;
	v43 =	vadd.f32 v14, v42;
	[tilespmem:s17+$0xCFD8] =	vst v40  }
0x4bd: {  	[tilespmem:s17+$0xCFC8] =	vst v2;
	v2 =	vadd.f32 v38, v41  }
0x4be: {  	[tilespmem:s17+$0xCFF8] =	vst v43  }
0x4bf: {  	[tilespmem:s17+$0xCFE8] =	vst v2  }
0x4c0: {  	v2 =	vld [tilespmem:s26+$0x478]  }
0x4c1: {  	v11 =	vld [tilespmem:s26+$0x408]  }
0x4c2: {  	v44 =	vld [tilespmem:s26+$0x418]  }
0x4c3: {  	v45 =	vld [tilespmem:s26+$0x428]  }
0x4c4: {  	v46 =	vld [tilespmem:s26+$0x438]  }
0x4c5: {  	v47 =	vld [tilespmem:s26+$0x448]  }
0x4c6: {  	v49 =	vld [tilespmem:s26+$0x458]  }
0x4c7: {  	v50 =	vld [tilespmem:s26+$0x468];
	_ =	sdelay $0x1  }
0x4c8: {  	v48 =	vunpack.i.l.bf16.f32 v2;
	v2 =	vunpack.i.u.bf16.f32 v2  }
0x4c9: {  	v51 =	vunpack.i.l.bf16.f32 v11;
	v52 =	vunpack.i.l.bf16.f32 v44;
	v53 =	vunpack.i.l.bf16.f32 v45  }
0x4ca: {  	v54 =	vunpack.i.l.bf16.f32 v46;
	v55 =	vunpack.i.l.bf16.f32 v47;
	v10 =	vmul.f32 v48, v10  }
0x4cb: {  	v56 =	vunpack.i.l.bf16.f32 v49;
	v57 =	vunpack.i.l.bf16.f32 v50;
	v3 =	vmul.f32 v51, v3  }
0x4cc: {  	v11 =	vunpack.i.u.bf16.f32 v11;
	v4 =	vmul.f32 v52, v4;
	v2 =	vadd.f32 v10, v2  }
0x4cd: {  	v12 =	vunpack.i.u.bf16.f32 v44;
	v5 =	vmul.f32 v53, v5;
	v3 =	vadd.f32 v3, v11  }
0x4ce: {  	v58 =	vunpack.i.u.bf16.f32 v45;
	v6 =	vmul.f32 v55, v6;
	v4 =	vadd.f32 v4, v12;
	[tilespmem:s17+$0xD078] =	vst v2  }
0x4cf: {  	v60 =	vunpack.i.u.bf16.f32 v47;
	v5 =	vadd.f32 v5, v58;
	v2 =	vmul.f32 v54, v7;
	[tilespmem:s17+$0xD008] =	vst v3  }
0x4d0: {  	v59 =	vunpack.i.u.bf16.f32 v46;
	v6 =	vadd.f32 v6, v60;
	v3 =	vmul.f32 v56, v8;
	[tilespmem:s17+$0xD018] =	vst v4  }
0x4d1: {  	v62 =	vunpack.i.u.bf16.f32 v49;
	v61 =	vmul.f32 v57, v9;
	[tilespmem:s17+$0xD028] =	vst v5;
	v2 =	vadd.f32 v2, v59  }
0x4d2: {  	v63 =	vunpack.i.u.bf16.f32 v50;
	[tilespmem:s17+$0xD048] =	vst v6;
	v3 =	vadd.f32 v3, v62  }
0x4d3: {  	s20 =	sshll.u32 @!p3 s15, $0x4;
	[tilespmem:s17+$0xD038] =	vst v2;
	v2 =	vadd.f32 v61, v63  }
0x4d4: {  	s16 =	sadd.s32 @!p3 $0xC888, s16;
	s20 =	sand.u32 @!p3 $0x1FFFF000, s20;
	[tilespmem:s17+$0xD058] =	vst v3  }
0x4d5: {  	s15 =	sshll.u32 @p2 s15, $0x4;
	[tilespmem:s17+$0xD068] =	vst v2;
	s17 =	sadd.s32 @!p3 s2, s20;
	s20 =	simm.s32 @!p3 $0x0  }
0x4d6: {  	[hbm4b:s17+s20] =	stream.linear.scatter @!p3 [tilespmem:s16], [sflag:$0x3], $0x4000, $0x38;
	[tilespmem:$0x15508] =	vst v63  }
0x4d7: {  	s15 =	sadd.s32 @p2 s2, s15;
	s16 =	simm.s32 @p2 $0x0;
	s17 =	simm.s32 @p2 $0x10888  }
0x4d8: {  	[hbm4b:s15+s16] =	stream.linear.scatter @p2 [tilespmem:s17], [sflag:$0x4], $0x4000, $0x38;
	[tilespmem:$0x15508] =	vst v63  }
0x4d9: {  	p2 =	sne.s32 s22, $0x4  }
.Ltmp6:
0x4da: {  	_ = 	snop;
	(pc) =	sbr.rel @p2 .LBB2_11-.Ltmp6, $1  }
0x4db: {  	_ =	sdelay $0x3  }
0x4dc: {  	_ =	swait.ge [sflag:s24], $0x4000  }
0x4dd: {  	[sflag:s24] =	ssyncset.done $0x0  }
0x4de: {  	[sflag:s24] =	ssyncadd.s32 $0xFFFFC000  }
0x4df: {  	s14 =	sadd.s32 $0x1, s14;
	_ =	swait.ge [sflag:s25], $0x4000  }
0x4e0: {  	p2 =	sne.s32 s14, s19;
	[sflag:s25] =	ssyncset.done $0x0  }
.Ltmp7:
0x4e1: {  	[sflag:s25] =	ssyncadd.s32 $0xFFFFC000;
	(pc) =	sbr.rel @p2 .LBB2_1-.Ltmp7, $4  }
0x4e2: {  	[hbm4b:s18+s6] =	stream.linear.scatter [tilespmem:s3], [sflag:$0x6], $0x200, $0x38;
	[tilespmem:$0x15508] =	vst v63  }
0x4e3: {  	_ =	swait.ge [sflag:s28], $0x200  }
0x4e4: {  	[sflag:s28] =	ssyncset.done $0x0  }
0x4e5: {  	[sflag:s28] =	ssyncadd.s32 $0xFFFFFE00  }
0x4e6: {  	_ =	sfence.sel $0x180000  }
0x4e7: {  	[bflag:$0x0] =	sbarrier.arrive $0xFFFF  }
0x4e8: {  	_ =	strace $0x90000047  }
0x4e9: {  	s0 =	stileid.u32;
	[bflag:$0x2] =	sbarrier.arrive $0xFFFF  }
0x4ea: {  	p0 =	sne.s32 s0, $0x0;
	s0 =	rddreg [dreg:$0x8]  }
0x4eb: {  	s0 =	sadd.s32 @!p0 $0x100000, s0  }
0x4ec: {  	[sflag:s0] =	ssyncadd.tile.s32 @!p0 $0x1;
	_ =	shalt  }
.Lfunc_end2:
_tile_overlayer_lowered:
.L_overlay_start_2:
0x4ed: {  	(tag) =	ssettag $0x2  }
0x4ee: {  	s0 =	rddreg [dreg:$0x0];
	s2 =	stileid.u32  }
0x4ef: {  	s1 =	rddreg [dreg:$0x1];
	p0 =	sne.s32 s2, $0x0  }
0x4f0: {  	s3 =	rddreg [dreg:$0x2];
	[bflag:$0x3] =	sbarrier.arrive $0xFFFF;
	s2 =	simm.s32 @!p0 $0x1C06  }
0x4f1: {  	[timem:s3], [sflag:s2] =	dma.local @!p0 [hbm:s0], s1  }
0x4f2: {  	s0 =	simm.s32 @!p0 $0x6  }
0x4f3: {  	_ =	swait.ge @!p0 [sflag:s0], s1  }
0x4f4: {  	s1 =	ssub.s32 @!p0 $0x0, s1;
	[sflag:s0] =	ssyncset.done @!p0 $0x0  }
0x4f5: {  	[sflag:s0] =	ssyncadd.s32 @!p0 s1  }
0x4f6: {  	[bflag:$0x3] =	sbarrier.arrive $0xFFFF  }
0x4f7: {  	_ =	shalt  }

</sc_bundles>
